<compile_context>
chip_gen: v7x
topology: tpu7x:2x2x1
jax: 0.10.2.dev20260603
libtpu: 0.0.44.dev20260713+nightly
codegen_flags: <defaults>
</compile_context>

<pallas_src>
import functools

import jax
import jax.numpy as jnp
from jax import lax
from jax.experimental import pallas as pl
from jax.experimental.pallas import tpu as pltpu
from jax.experimental.pallas import tpu_sc as plsc

_N_NODES = 10000
_N_EDGES = 320000
_DE = 16
_G = 128
_NG = _N_EDGES // _G
_NW = 32
_GPT = _NG // _NW
_CH = 6
_E_CH = _CH * _G
_CPT = _GPT // _CH
_NPAIR = _CPT // 2
_RPT = _N_NODES // 16


def _sc_scatter(ea_t, idx3):
    mesh = plsc.VectorSubcoreMesh(core_axis_name="c", subcore_axis_name="s")
    i32 = jnp.int32

    @functools.partial(
        pl.kernel,
        out_type=[
            jax.ShapeDtypeStruct((2, _N_NODES, _DE), jnp.float32),
            jax.ShapeDtypeStruct((_N_EDGES,), jnp.float32),
        ],
        mesh=mesh,
        compiler_params=pltpu.CompilerParams(use_tc_tiling_on_sc=False,
                                             needs_layout_passes=False),
        scratch_types=[
            pltpu.VMEM_SHARED((_N_NODES, _DE), jnp.float32),
            pltpu.VMEM((_DE, _E_CH), jnp.float32),
            pltpu.VMEM((_DE, _E_CH), jnp.float32),
            pltpu.VMEM((_CH, 1, _G), jnp.int32),
            pltpu.VMEM((_CH, 1, _G), jnp.int32),
            pltpu.VMEM((_E_CH, _DE), jnp.float32),
            pltpu.VMEM((_E_CH, _DE), jnp.float32),
            pltpu.VMEM((_E_CH,), jnp.float32),
            pltpu.VMEM((_E_CH,), jnp.float32),
            pltpu.SemaphoreType.DMA,
            pltpu.SemaphoreType.DMA,
            pltpu.SemaphoreType.DMA,
            pltpu.SemaphoreType.DMA,
            pltpu.SemaphoreType.DMA,
            pltpu.SemaphoreType.DMA,
        ],
    )
    def k(ea_hbm, ei_hbm, part_hbm, out2_hbm, acc,
          cols_a, cols_b, idx_a, idx_b, rows_a, rows_b,
          o2_a, o2_b, sem_la, sem_lb, sem_sa, sem_sb, sem_oa, sem_ob):
        c = lax.axis_index("c").astype(i32)
        s = lax.axis_index("s").astype(i32)
        wid = s * i32(2) + c
        g0 = wid * i32(_GPT)

        zf = jnp.zeros((16,), jnp.float32)

        def zblk(r, carry):
            rows_a[r, :] = zf
            return carry

        lax.fori_loop(i32(0), i32(_RPT), zblk, i32(0))
        pltpu.sync_copy(rows_a.at[pl.ds(0, _RPT)],
                        acc.at[pl.ds(s * i32(_RPT), _RPT)])
        plsc.subcore_barrier()

        lane = lax.iota(jnp.int32, 16)
        rots = [jnp.bitwise_and(lane + i32(kk), i32(15)) for kk in range(16)]

        def _start_loads(g, colsb, idxb, sem):
            e0 = g * i32(_G)
            pltpu.async_copy(ea_hbm.at[:, pl.ds(e0, _E_CH)], colsb, sem)
            pltpu.async_copy(ei_hbm.at[pl.ds(g, _CH), pl.ds(1, 1), :],
                             idxb, sem)

        def _wait_loads(g, colsb, idxb, sem):
            e0 = g * i32(_G)
            pltpu.make_async_copy(ea_hbm.at[:, pl.ds(e0, _E_CH)], colsb,
                                  sem).wait()
            pltpu.make_async_copy(ei_hbm.at[pl.ds(g, _CH), pl.ds(1, 1), :],
                                  idxb, sem).wait()

        def _transpose(colsb, rowsb, nblk):
            def blk(b, carry):
                b16 = b * i32(16)
                eidxs = [rots[kk] + b16 for kk in range(16)]
                xs = [plsc.load_gather(colsb, [lane, eidxs[kk]])
                      for kk in range(16)]
                for kk in range(16):
                    plsc.store_scatter(rowsb, [eidxs[kk], lane], xs[kk])
                return carry

            lax.fori_loop(i32(0), i32(nblk), blk, i32(0))

        def _copy_out2(colsb, o2b, nblk):
            def blk(b, carry):
                b16 = b * i32(16)
                o2b[pl.ds(b16, 16)] = colsb[i32(_DE - 1), pl.ds(b16, 16)]
                return carry

            lax.fori_loop(i32(0), i32(nblk), blk, i32(0))

        def _fire(g, colsb, idxb, rowsb, o2b, sem_s, sem_o):
            _transpose(colsb, rowsb, _E_CH // 16)
            _copy_out2(colsb, o2b, _E_CH // 16)
            for j in range(_CH):
                pltpu.async_copy(rowsb.at[pl.ds(j * _G, _G)],
                                 acc.at[idxb.at[i32(j), i32(0)]],
                                 sem_s, add=True)
            pltpu.async_copy(o2b, out2_hbm.at[pl.ds(g * i32(_G), _E_CH)],
                             sem_o)

        def _drain(g, rowsb, idxb, o2b, sem_s, sem_o):
            for j in range(_CH):
                pltpu.make_async_copy(rowsb.at[pl.ds(j * _G, _G)],
                                      acc.at[idxb.at[i32(j), i32(0)]],
                                      sem_s).wait()
            pltpu.make_async_copy(o2b,
                                  out2_hbm.at[pl.ds(g * i32(_G), _E_CH)],
                                  sem_o).wait()

        _start_loads(g0, cols_a, idx_a, sem_la)

        def pair_body(p, carry):
            ga = g0 + p * i32(2 * _CH)
            gb = ga + i32(_CH)
            _wait_loads(ga, cols_a, idx_a, sem_la)

            @pl.when(p > i32(0))
            def _():
                _drain(gb, rows_b, idx_b, o2_b, sem_sb, sem_ob)

            _start_loads(gb, cols_b, idx_b, sem_lb)
            _fire(ga, cols_a, idx_a, rows_a, o2_a, sem_sa, sem_oa)
            _wait_loads(gb, cols_b, idx_b, sem_lb)
            _fire(gb, cols_b, idx_b, rows_b, o2_b, sem_sb, sem_ob)
            _drain(ga, rows_a, idx_a, o2_a, sem_sa, sem_oa)
            _start_loads(ga + i32(2 * _CH), cols_a, idx_a, sem_la)
            return carry

        lax.fori_loop(i32(0), i32(_NPAIR), pair_body, i32(0))

        g12 = g0 + i32(12 * _CH)
        _wait_loads(g12, cols_a, idx_a, sem_la)
        _drain(g12, rows_b, idx_b, o2_b, sem_sb, sem_ob)
        _fire(g12, cols_a, idx_a, rows_a, o2_a, sem_sa, sem_oa)
        _drain(g12, rows_a, idx_a, o2_a, sem_sa, sem_oa)

        @pl.when(wid < i32(4))
        def _():
            gx = i32(_NW * _GPT) + wid
            ex = gx * i32(_G)
            pltpu.sync_copy(ea_hbm.at[:, pl.ds(ex, _G)],
                            cols_a.at[:, pl.ds(0, _G)])
            pltpu.sync_copy(ei_hbm.at[pl.ds(gx, 1), pl.ds(1, 1), :],
                            idx_a.at[pl.ds(0, 1)])
            _transpose(cols_a, rows_a, _G // 16)
            _copy_out2(cols_a, o2_a, _G // 16)
            pltpu.sync_copy(rows_a.at[pl.ds(0, _G)],
                            acc.at[idx_a.at[i32(0), i32(0)]], add=True)
            pltpu.sync_copy(o2_a.at[pl.ds(0, _G)],
                            out2_hbm.at[pl.ds(ex, _G)])

        plsc.subcore_barrier()
        pltpu.sync_copy(acc.at[pl.ds(s * i32(_RPT), _RPT)],
                        part_hbm.at[c].at[pl.ds(s * i32(_RPT), _RPT)])

    return k(ea_t, idx3)


def _combine(p_ref, o_ref):
    o_ref[...] = p_ref[0] + p_ref[1]


def kernel(x, edge_index, edge_attr, u, batch):
    ea_t = edge_attr.astype(jnp.float32).T
    idx3 = (lax.bitcast_convert_type(edge_index.astype(jnp.uint32), jnp.int32)
            .reshape(2, _NG, _G).transpose(1, 0, 2))
    part, out2 = _sc_scatter(ea_t, idx3)
    p = part.reshape(2, (_N_NODES * _DE) // 128, 128)
    summed16 = pl.pallas_call(
        _combine,
        out_shape=jax.ShapeDtypeStruct(((_N_NODES * _DE) // 128, 128),
                                       jnp.float32),
    )(p)
    summed = summed16.reshape(_N_NODES, _DE)[:, : _DE - 1]
    return (summed, out2)

# --- scband reference (transcript-rebuilt; emitter-appended) ---
"""Pipeline reference for scband-node-update-57629871177748 (READ-ONLY COPY).

The authoritative reference and input builder live on the scoring server;
editing this copy changes nothing except your own understanding.
"""

import jax
jax.config.update("jax_enable_x64", True)
import jax.numpy as jnp
import numpy as np

N_NODES = 10000
N_EDGES = 320000
D_FEAT = 128
D_EDGE = 16


def setup_inputs(seed: int = 0) -> dict:
    key = jax.random.key(seed)
    k1, k2, k3, k4 = jax.random.split(key, 4)
    x = jax.random.normal(k1, (N_NODES, D_FEAT), dtype=jnp.float32)
    edge_index = jax.random.randint(k2, (2, N_EDGES), 0, N_NODES, dtype=jnp.int64)
    edge_attr = jax.random.normal(k3, (N_EDGES, D_EDGE), dtype=jnp.float32)
    u = jax.random.normal(k4, (1, D_FEAT), dtype=jnp.float32)
    batch = jnp.zeros((N_NODES,), dtype=jnp.int64)
    return {"x": x, "edge_index": edge_index, "edge_attr": edge_attr, "u": u, "batch": batch}


def reference(x, edge_index, edge_attr, u, batch):
    # _, col = edge_index
    col = edge_index[1]
    # scatter(edge_attr[:, :-1], col, dim=0, reduce='sum') -> segment_sum over dst nodes
    summed = jax.ops.segment_sum(edge_attr[:, :-1], col, num_segments=N_NODES)
    return (summed, edge_attr[:, -1])

if __name__ == "__main__":
    import jax
    _d = setup_inputs()
    print(jax.jit(kernel)(*tuple(_d.values())))

</pallas_src>

<mosaic_0001>
#map = affine_map<(d0, d1) -> (0, 0)>
#map1 = affine_map<(d0, d1) -> (0, 0, 0)>
#map2 = affine_map<(d0, d1) -> (0)>
module attributes {stable_mosaic.version = 14 : i64} {
  func.func @k(%arg0: i32, %arg1: i32, %arg2: memref<16x320000xf32, #tpu.memory_space<hbm>>, %arg3: memref<2500x2x128xi32, #tpu.memory_space<hbm>>, %arg4: memref<2x10000x16xf32, #tpu.memory_space<hbm>>, %arg5: memref<320000xf32, #tpu.memory_space<hbm>>, %arg6: memref<10000x16xf32, #tpu.memory_space<vmem_shared>>, %arg7: memref<16x768xf32, #tpu.memory_space<vmem>>, %arg8: memref<16x768xf32, #tpu.memory_space<vmem>>, %arg9: memref<6x1x128xi32, #tpu.memory_space<vmem>>, %arg10: memref<6x1x128xi32, #tpu.memory_space<vmem>>, %arg11: memref<768x16xf32, #tpu.memory_space<vmem>>, %arg12: memref<768x16xf32, #tpu.memory_space<vmem>>, %arg13: memref<768xf32, #tpu.memory_space<vmem>>, %arg14: memref<768xf32, #tpu.memory_space<vmem>>, %arg15: memref<!tpu.dma_semaphore, #tpu.memory_space<semaphore_mem>>, %arg16: memref<!tpu.dma_semaphore, #tpu.memory_space<semaphore_mem>>, %arg17: memref<!tpu.dma_semaphore, #tpu.memory_space<semaphore_mem>>, %arg18: memref<!tpu.dma_semaphore, #tpu.memory_space<semaphore_mem>>, %arg19: memref<!tpu.dma_semaphore, #tpu.memory_space<semaphore_mem>>, %arg20: memref<!tpu.dma_semaphore, #tpu.memory_space<semaphore_mem>>) attributes {dimension_semantics = [#tpu.dimension_semantics<core_parallel>, #tpu.dimension_semantics<subcore_parallel>], iteration_bounds = array<i64: 2, 16>, scalar_prefetch = 0 : i64, scratch_operands = 15 : i64, tpu.core_type = #tpu.core_type<sc_vector_subcore>, window_params = [{transform_indices = #map}, {transform_indices = #map1}, {transform_indices = #map1}, {transform_indices = #map2}]} {
    %mul3A = arith.constant 2 : i32
    %mul3A_0 = arith.muli %arg1, %mul3A : i32
    %add3A = arith.addi %mul3A_0, %arg0 : i32
    %mul3A_1 = arith.constant 78 : i32
    %mul3A_2 = arith.muli %add3A, %mul3A_1 : i32
    %broadcast_in_dim3A = arith.constant 0.000000e+00 : f32
    %broadcast_in_dim3A_3 = vector.broadcast %broadcast_in_dim3A : f32 to vector<16xf32>
    %while3A = arith.constant 0 : i32
    %while3A_4 = arith.constant 0 : i32
    %while3A_5 = arith.constant 625 : i32
    %while3A_6 = arith.subi %while3A_5, %while3A_4 : i32
    %while3A_7 = arith.addi %while3A_4, %while3A_6 : i32
    %while3A_8 = arith.constant 1 : i32
    %while3A_9 = arith.divsi %while3A_6, %while3A_8 : i32
    %while3A_10 = arith.muli %while3A_9, %while3A_8 : i32
    %while3A_11 = arith.addi %while3A_4, %while3A_10 : i32
    %while3A_12 = arith.constant 1 : i32
    scf.for %while3A_385 = %while3A_4 to %while3A_11 step %while3A_12  : i32 {
      %swap3A = arith.index_cast %while3A_385 : i32 to index
      %swap3A_386 = arith.constant 0 : index
      %swap3A_387 = tpu.vector_load %arg11[%swap3A, %swap3A_386] {strides = array<i32>} : memref<768x16xf32, #tpu.memory_space<vmem>>, vector<16xf32>,
      tpu.vector_store %arg11[%swap3A, %swap3A_386], %broadcast_in_dim3A_3 {strides = array<i32>} : memref<768x16xf32, #tpu.memory_space<vmem>>, vector<16xf32>,
    }
    %while3A_13 = arith.constant 1 : i32
    scf.for %while3A_385 = %while3A_11 to %while3A_7 step %while3A_13  : i32 {
      %swap3A = arith.index_cast %while3A_385 : i32 to index
      %swap3A_386 = arith.constant 0 : index
      %swap3A_387 = tpu.vector_load %arg11[%swap3A, %swap3A_386] {strides = array<i32>} : memref<768x16xf32, #tpu.memory_space<vmem>>, vector<16xf32>,
      tpu.vector_store %arg11[%swap3A, %swap3A_386], %broadcast_in_dim3A_3 {strides = array<i32>} : memref<768x16xf32, #tpu.memory_space<vmem>>, vector<16xf32>,
    }
    %mul3A_14 = arith.constant 625 : i32
    %mul3A_15 = arith.muli %arg1, %mul3A_14 : i32
    "tpu.region"() ({
      %run_scoped3A = tpu.sem_alloc : memref<!tpu.dma_semaphore, #tpu.memory_space<semaphore_mem>>
      %dma_start3A_385 = arith.constant 0 : i32
      %dma_start3A_386 = arith.constant 0 : i32
      %dma_start3A_387 = tpu.memref_slice %arg11[%dma_start3A_385, %dma_start3A_386] : memref<768x16xf32, #tpu.memory_space<vmem>> -> memref<625x16xf32, #tpu.memory_space<vmem>>
      %dma_start3A_388 = arith.constant 0 : i32
      %dma_start3A_389 = tpu.memref_slice %arg6[%mul3A_15, %dma_start3A_388] : memref<10000x16xf32, #tpu.memory_space<vmem_shared>> -> memref<625x16xf32, #tpu.memory_space<vmem_shared>>
      %dma_start3A_390 = arith.constant 0 : i32
      %dma_start3A_391 = tpu.memref_slice %arg6[%mul3A_15, %dma_start3A_390] : memref<10000x16xf32, #tpu.memory_space<vmem_shared>> -> memref<625x16xf32, #tpu.memory_space<vmem_shared>>
      %dma_start3A_392 = arith.constant 0 : i32
      %dma_start3A_393 = arith.constant 0 : i32
      %dma_start3A_394 = tpu.memref_slice %arg11[%dma_start3A_392, %dma_start3A_393] : memref<768x16xf32, #tpu.memory_space<vmem>> -> memref<625x16xf32, #tpu.memory_space<vmem>>
      tpu.enqueue_dma source(%dma_start3A_394 : memref<625x16xf32, #tpu.memory_space<vmem>>) target(%dma_start3A_391 : memref<625x16xf32, #tpu.memory_space<vmem_shared>>) target_semaphore(%run_scoped3A : memref<!tpu.dma_semaphore, #tpu.memory_space<semaphore_mem>>)
      %dma_wait3A_395 = arith.constant 0 : i32
      %dma_wait3A_396 = arith.constant 0 : i32
      %dma_wait3A_397 = tpu.memref_slice %arg11[%dma_wait3A_395, %dma_wait3A_396] : memref<768x16xf32, #tpu.memory_space<vmem>> -> memref<625x16xf32, #tpu.memory_space<vmem>>
      %dma_wait3A_398 = arith.constant 0 : i32
      %dma_wait3A_399 = tpu.memref_slice %arg6[%mul3A_15, %dma_wait3A_398] : memref<10000x16xf32, #tpu.memory_space<vmem_shared>> -> memref<625x16xf32, #tpu.memory_space<vmem_shared>>
      %dma_wait3A_400 = arith.constant 0 : i32
      %dma_wait3A_401 = tpu.memref_slice %arg6[%mul3A_15, %dma_wait3A_400] : memref<10000x16xf32, #tpu.memory_space<vmem_shared>> -> memref<625x16xf32, #tpu.memory_space<vmem_shared>>
      %dma_wait3A_402 = arith.constant 0 : i32
      %dma_wait3A_403 = arith.constant 0 : i32
      %dma_wait3A_404 = tpu.memref_slice %arg11[%dma_wait3A_402, %dma_wait3A_403] : memref<768x16xf32, #tpu.memory_space<vmem>> -> memref<625x16xf32, #tpu.memory_space<vmem>>
      tpu.wait_dma2 semaphore(%run_scoped3A : memref<!tpu.dma_semaphore, #tpu.memory_space<semaphore_mem>>) src(%dma_wait3A_404 : memref<625x16xf32, #tpu.memory_space<vmem>>) dst(%dma_wait3A_401 : memref<625x16xf32, #tpu.memory_space<vmem_shared>>)
      tpu.yield
    }) : () -> ()
    %barrier3A = arith.constant 0 : index
    tpu.barrier barrier_id(%barrier3A)
    %iota3A = tpu.iota {dimensions = array<i32: 0>} : vector<16xi32>
    %add3A_16 = arith.constant 0 : i32
    %add3A_17 = vector.broadcast %add3A_16 : i32 to vector<16xi32>
    %add3A_18 = arith.addi %iota3A, %add3A_17 : vector<16xi32>
    %and3A = arith.constant 15 : i32
    %and3A_19 = vector.broadcast %and3A : i32 to vector<16xi32>
    %and3A_20 = arith.andi %add3A_18, %and3A_19 : vector<16xi32>
    %add3A_21 = arith.constant 1 : i32
    %add3A_22 = vector.broadcast %add3A_21 : i32 to vector<16xi32>
    %add3A_23 = arith.addi %iota3A, %add3A_22 : vector<16xi32>
    %and3A_24 = arith.constant 15 : i32
    %and3A_25 = vector.broadcast %and3A_24 : i32 to vector<16xi32>
    %and3A_26 = arith.andi %add3A_23, %and3A_25 : vector<16xi32>
    %add3A_27 = arith.constant 2 : i32
    %add3A_28 = vector.broadcast %add3A_27 : i32 to vector<16xi32>
    %add3A_29 = arith.addi %iota3A, %add3A_28 : vector<16xi32>
    %and3A_30 = arith.constant 15 : i32
    %and3A_31 = vector.broadcast %and3A_30 : i32 to vector<16xi32>
    %and3A_32 = arith.andi %add3A_29, %and3A_31 : vector<16xi32>
    %add3A_33 = arith.constant 3 : i32
    %add3A_34 = vector.broadcast %add3A_33 : i32 to vector<16xi32>
    %add3A_35 = arith.addi %iota3A, %add3A_34 : vector<16xi32>
    %and3A_36 = arith.constant 15 : i32
    %and3A_37 = vector.broadcast %and3A_36 : i32 to vector<16xi32>
    %and3A_38 = arith.andi %add3A_35, %and3A_37 : vector<16xi32>
    %add3A_39 = arith.constant 4 : i32
    %add3A_40 = vector.broadcast %add3A_39 : i32 to vector<16xi32>
    %add3A_41 = arith.addi %iota3A, %add3A_40 : vector<16xi32>
    %and3A_42 = arith.constant 15 : i32
    %and3A_43 = vector.broadcast %and3A_42 : i32 to vector<16xi32>
    %and3A_44 = arith.andi %add3A_41, %and3A_43 : vector<16xi32>
    %add3A_45 = arith.constant 5 : i32
    %add3A_46 = vector.broadcast %add3A_45 : i32 to vector<16xi32>
    %add3A_47 = arith.addi %iota3A, %add3A_46 : vector<16xi32>
    %and3A_48 = arith.constant 15 : i32
    %and3A_49 = vector.broadcast %and3A_48 : i32 to vector<16xi32>
    %and3A_50 = arith.andi %add3A_47, %and3A_49 : vector<16xi32>
    %add3A_51 = arith.constant 6 : i32
    %add3A_52 = vector.broadcast %add3A_51 : i32 to vector<16xi32>
    %add3A_53 = arith.addi %iota3A, %add3A_52 : vector<16xi32>
    %and3A_54 = arith.constant 15 : i32
    %and3A_55 = vector.broadcast %and3A_54 : i32 to vector<16xi32>
    %and3A_56 = arith.andi %add3A_53, %and3A_55 : vector<16xi32>
    %add3A_57 = arith.constant 7 : i32
    %add3A_58 = vector.broadcast %add3A_57 : i32 to vector<16xi32>
    %add3A_59 = arith.addi %iota3A, %add3A_58 : vector<16xi32>
    %and3A_60 = arith.constant 15 : i32
    %and3A_61 = vector.broadcast %and3A_60 : i32 to vector<16xi32>
    %and3A_62 = arith.andi %add3A_59, %and3A_61 : vector<16xi32>
    %add3A_63 = arith.constant 8 : i32
    %add3A_64 = vector.broadcast %add3A_63 : i32 to vector<16xi32>
    %add3A_65 = arith.addi %iota3A, %add3A_64 : vector<16xi32>
    %and3A_66 = arith.constant 15 : i32
    %and3A_67 = vector.broadcast %and3A_66 : i32 to vector<16xi32>
    %and3A_68 = arith.andi %add3A_65, %and3A_67 : vector<16xi32>
    %add3A_69 = arith.constant 9 : i32
    %add3A_70 = vector.broadcast %add3A_69 : i32 to vector<16xi32>
    %add3A_71 = arith.addi %iota3A, %add3A_70 : vector<16xi32>
    %and3A_72 = arith.constant 15 : i32
    %and3A_73 = vector.broadcast %and3A_72 : i32 to vector<16xi32>
    %and3A_74 = arith.andi %add3A_71, %and3A_73 : vector<16xi32>
    %add3A_75 = arith.constant 10 : i32
    %add3A_76 = vector.broadcast %add3A_75 : i32 to vector<16xi32>
    %add3A_77 = arith.addi %iota3A, %add3A_76 : vector<16xi32>
    %and3A_78 = arith.constant 15 : i32
    %and3A_79 = vector.broadcast %and3A_78 : i32 to vector<16xi32>
    %and3A_80 = arith.andi %add3A_77, %and3A_79 : vector<16xi32>
    %add3A_81 = arith.constant 11 : i32
    %add3A_82 = vector.broadcast %add3A_81 : i32 to vector<16xi32>
    %add3A_83 = arith.addi %iota3A, %add3A_82 : vector<16xi32>
    %and3A_84 = arith.constant 15 : i32
    %and3A_85 = vector.broadcast %and3A_84 : i32 to vector<16xi32>
    %and3A_86 = arith.andi %add3A_83, %and3A_85 : vector<16xi32>
    %add3A_87 = arith.constant 12 : i32
    %add3A_88 = vector.broadcast %add3A_87 : i32 to vector<16xi32>
    %add3A_89 = arith.addi %iota3A, %add3A_88 : vector<16xi32>
    %and3A_90 = arith.constant 15 : i32
    %and3A_91 = vector.broadcast %and3A_90 : i32 to vector<16xi32>
    %and3A_92 = arith.andi %add3A_89, %and3A_91 : vector<16xi32>
    %add3A_93 = arith.constant 13 : i32
    %add3A_94 = vector.broadcast %add3A_93 : i32 to vector<16xi32>
    %add3A_95 = arith.addi %iota3A, %add3A_94 : vector<16xi32>
    %and3A_96 = arith.constant 15 : i32
    %and3A_97 = vector.broadcast %and3A_96 : i32 to vector<16xi32>
    %and3A_98 = arith.andi %add3A_95, %and3A_97 : vector<16xi32>
    %add3A_99 = arith.constant 14 : i32
    %add3A_100 = vector.broadcast %add3A_99 : i32 to vector<16xi32>
    %add3A_101 = arith.addi %iota3A, %add3A_100 : vector<16xi32>
    %and3A_102 = arith.constant 15 : i32
    %and3A_103 = vector.broadcast %and3A_102 : i32 to vector<16xi32>
    %and3A_104 = arith.andi %add3A_101, %and3A_103 : vector<16xi32>
    %add3A_105 = arith.constant 15 : i32
    %add3A_106 = vector.broadcast %add3A_105 : i32 to vector<16xi32>
    %add3A_107 = arith.addi %iota3A, %add3A_106 : vector<16xi32>
    %and3A_108 = arith.constant 15 : i32
    %and3A_109 = vector.broadcast %and3A_108 : i32 to vector<16xi32>
    %and3A_110 = arith.andi %add3A_107, %and3A_109 : vector<16xi32>
    %mul3A_111 = arith.constant 128 : i32
    %mul3A_112 = arith.muli %mul3A_2, %mul3A_111 : i32
    %dma_start3A = arith.constant 0 : i32
    %dma_start3A_113 = tpu.memref_slice %arg2[%dma_start3A, %mul3A_112] : memref<16x320000xf32, #tpu.memory_space<hbm>> -> memref<16x768xf32, #tpu.memory_space<hbm>>
    %dma_start3A_114 = arith.constant 0 : i32
    %dma_start3A_115 = tpu.memref_slice %arg2[%dma_start3A_114, %mul3A_112] : memref<16x320000xf32, #tpu.memory_space<hbm>> -> memref<16x768xf32, #tpu.memory_space<hbm>>
    tpu.enqueue_dma source(%dma_start3A_115 : memref<16x768xf32, #tpu.memory_space<hbm>>) target(%arg7 : memref<16x768xf32, #tpu.memory_space<vmem>>) target_semaphore(%arg15 : memref<!tpu.dma_semaphore, #tpu.memory_space<semaphore_mem>>)
    %dma_start3A_116 = arith.constant 1 : i32
    %dma_start3A_117 = arith.constant 0 : i32
    %dma_start3A_118 = tpu.memref_slice %arg3[%mul3A_2, %dma_start3A_116, %dma_start3A_117] : memref<2500x2x128xi32, #tpu.memory_space<hbm>> -> memref<6x1x128xi32, #tpu.memory_space<hbm>>
    %dma_start3A_119 = arith.constant 1 : i32
    %dma_start3A_120 = arith.constant 0 : i32
    %dma_start3A_121 = tpu.memref_slice %arg3[%mul3A_2, %dma_start3A_119, %dma_start3A_120] : memref<2500x2x128xi32, #tpu.memory_space<hbm>> -> memref<6x1x128xi32, #tpu.memory_space<hbm>>
    tpu.enqueue_dma source(%dma_start3A_121 : memref<6x1x128xi32, #tpu.memory_space<hbm>>) target(%arg9 : memref<6x1x128xi32, #tpu.memory_space<vmem>>) target_semaphore(%arg15 : memref<!tpu.dma_semaphore, #tpu.memory_space<semaphore_mem>>)
    %while3A_122 = arith.constant 0 : i32
    %while3A_123 = arith.constant 0 : i32
    %while3A_124 = arith.constant 6 : i32
    %while3A_125 = arith.subi %while3A_124, %while3A_123 : i32
    %while3A_126 = arith.addi %while3A_123, %while3A_125 : i32
    %while3A_127 = arith.constant 1 : i32
    %while3A_128 = arith.divsi %while3A_125, %while3A_127 : i32
    %while3A_129 = arith.muli %while3A_128, %while3A_127 : i32
    %while3A_130 = arith.addi %while3A_123, %while3A_129 : i32
    %while3A_131 = arith.constant 1 : i32
    scf.for %while3A_385 = %while3A_123 to %while3A_130 step %while3A_131  : i32 {
      %mul3A_386 = arith.constant 12 : i32
      %mul3A_387 = arith.muli %while3A_385, %mul3A_386 : i32
      %add3A_388 = arith.addi %mul3A_2, %mul3A_387 : i32
      %add3A_389 = arith.constant 6 : i32
      %add3A_390 = arith.addi %add3A_388, %add3A_389 : i32
      %mul3A_391 = arith.constant 128 : i32
      %mul3A_392 = arith.muli %add3A_388, %mul3A_391 : i32
      %dma_wait3A_393 = arith.constant 0 : i32
      %dma_wait3A_394 = tpu.memref_slice %arg2[%dma_wait3A_393, %mul3A_392] : memref<16x320000xf32, #tpu.memory_space<hbm>> -> memref<16x768xf32, #tpu.memory_space<hbm>>
      %dma_wait3A_395 = arith.constant 0 : i32
      %dma_wait3A_396 = tpu.memref_slice %arg2[%dma_wait3A_395, %mul3A_392] : memref<16x320000xf32, #tpu.memory_space<hbm>> -> memref<16x768xf32, #tpu.memory_space<hbm>>
      tpu.wait_dma2 semaphore(%arg15 : memref<!tpu.dma_semaphore, #tpu.memory_space<semaphore_mem>>) src(%dma_wait3A_396 : memref<16x768xf32, #tpu.memory_space<hbm>>) dst(%arg7 : memref<16x768xf32, #tpu.memory_space<vmem>>)
      %dma_wait3A_397 = arith.constant 1 : i32
      %dma_wait3A_398 = arith.constant 0 : i32
      %dma_wait3A_399 = tpu.memref_slice %arg3[%add3A_388, %dma_wait3A_397, %dma_wait3A_398] : memref<2500x2x128xi32, #tpu.memory_space<hbm>> -> memref<6x1x128xi32, #tpu.memory_space<hbm>>
      %dma_wait3A_400 = arith.constant 1 : i32
      %dma_wait3A_401 = arith.constant 0 : i32
      %dma_wait3A_402 = tpu.memref_slice %arg3[%add3A_388, %dma_wait3A_400, %dma_wait3A_401] : memref<2500x2x128xi32, #tpu.memory_space<hbm>> -> memref<6x1x128xi32, #tpu.memory_space<hbm>>
      tpu.wait_dma2 semaphore(%arg15 : memref<!tpu.dma_semaphore, #tpu.memory_space<semaphore_mem>>) src(%dma_wait3A_402 : memref<6x1x128xi32, #tpu.memory_space<hbm>>) dst(%arg9 : memref<6x1x128xi32, #tpu.memory_space<vmem>>)
      %gt3A = arith.constant 0 : i32
      %gt3A_403 = arith.cmpi sgt, %while3A_385, %gt3A : i32
      %convert_element_type3A_404 = arith.extui %gt3A_403 : i1 to i32
      %cond3A_405 = arith.constant 0 : i32
      %cond3A_406 = arith.cmpi ne, %convert_element_type3A_404, %cond3A_405 : i32
      scf.if %cond3A_406 {
        %dma_wait3A_699 = arith.constant 0 : i32
        %dma_wait3A_700 = arith.constant 0 : i32
        %dma_wait3A_701 = arith.constant 0 : i32
        %dma_wait3A_702 = arith.constant 0 : i32
        %dma_wait3A_703 = tpu.memref_slice %arg12[%dma_wait3A_701, %dma_wait3A_702] : memref<768x16xf32, #tpu.memory_space<vmem>> -> memref<128x16xf32, #tpu.memory_space<vmem>>
        %dma_wait3A_704 = arith.constant 0 : i32
        %dma_wait3A_705 = tpu.memref_slice %arg10[%dma_wait3A_699, %dma_wait3A_700, %dma_wait3A_704] : memref<6x1x128xi32, #tpu.memory_space<vmem>> -> memref<1x1x128xi32, #tpu.memory_space<vmem>>
        %dma_wait3A_706 = tpu.memref_squeeze %dma_wait3A_705 : memref<1x1x128xi32, #tpu.memory_space<vmem>> -> memref<128xi32, #tpu.memory_space<vmem>>
        %dma_wait3A_707 = arith.constant 0 : i32
        %dma_wait3A_708 = arith.constant 0 : i32
        %dma_wait3A_709 = tpu.memref_slice %arg6[%dma_wait3A_707, %dma_wait3A_708] : memref<10000x16xf32, #tpu.memory_space<vmem_shared>> -> memref<10000x16xf32, #tpu.memory_space<vmem_shared>>
        tpu.wait_indirect_dma semaphore(%arg18 : memref<!tpu.dma_semaphore, #tpu.memory_space<semaphore_mem>>) src(%dma_wait3A_703 : memref<128x16xf32, #tpu.memory_space<vmem>>) dst(%dma_wait3A_709 : memref<10000x16xf32, #tpu.memory_space<vmem_shared>>)
        %dma_wait3A_710 = arith.constant 1 : i32
        %dma_wait3A_711 = arith.constant 0 : i32
        %dma_wait3A_712 = arith.constant 128 : i32
        %dma_wait3A_713 = arith.constant 0 : i32
        %dma_wait3A_714 = tpu.memref_slice %arg12[%dma_wait3A_712, %dma_wait3A_713] : memref<768x16xf32, #tpu.memory_space<vmem>> -> memref<128x16xf32, #tpu.memory_space<vmem>>
        %dma_wait3A_715 = arith.constant 0 : i32
        %dma_wait3A_716 = tpu.memref_slice %arg10[%dma_wait3A_710, %dma_wait3A_711, %dma_wait3A_715] : memref<6x1x128xi32, #tpu.memory_space<vmem>> -> memref<1x1x128xi32, #tpu.memory_space<vmem>>
        %dma_wait3A_717 = tpu.memref_squeeze %dma_wait3A_716 : memref<1x1x128xi32, #tpu.memory_space<vmem>> -> memref<128xi32, #tpu.memory_space<vmem>>
        %dma_wait3A_718 = arith.constant 0 : i32
        %dma_wait3A_719 = arith.constant 0 : i32
        %dma_wait3A_720 = tpu.memref_slice %arg6[%dma_wait3A_718, %dma_wait3A_719] : memref<10000x16xf32, #tpu.memory_space<vmem_shared>> -> memref<10000x16xf32, #tpu.memory_space<vmem_shared>>
        tpu.wait_indirect_dma semaphore(%arg18 : memref<!tpu.dma_semaphore, #tpu.memory_space<semaphore_mem>>) src(%dma_wait3A_714 : memref<128x16xf32, #tpu.memory_space<vmem>>) dst(%dma_wait3A_720 : memref<10000x16xf32, #tpu.memory_space<vmem_shared>>)
        %dma_wait3A_721 = arith.constant 2 : i32
        %dma_wait3A_722 = arith.constant 0 : i32
        %dma_wait3A_723 = arith.constant 256 : i32
        %dma_wait3A_724 = arith.constant 0 : i32
        %dma_wait3A_725 = tpu.memref_slice %arg12[%dma_wait3A_723, %dma_wait3A_724] : memref<768x16xf32, #tpu.memory_space<vmem>> -> memref<128x16xf32, #tpu.memory_space<vmem>>
        %dma_wait3A_726 = arith.constant 0 : i32
        %dma_wait3A_727 = tpu.memref_slice %arg10[%dma_wait3A_721, %dma_wait3A_722, %dma_wait3A_726] : memref<6x1x128xi32, #tpu.memory_space<vmem>> -> memref<1x1x128xi32, #tpu.memory_space<vmem>>
        %dma_wait3A_728 = tpu.memref_squeeze %dma_wait3A_727 : memref<1x1x128xi32, #tpu.memory_space<vmem>> -> memref<128xi32, #tpu.memory_space<vmem>>
        %dma_wait3A_729 = arith.constant 0 : i32
        %dma_wait3A_730 = arith.constant 0 : i32
        %dma_wait3A_731 = tpu.memref_slice %arg6[%dma_wait3A_729, %dma_wait3A_730] : memref<10000x16xf32, #tpu.memory_space<vmem_shared>> -> memref<10000x16xf32, #tpu.memory_space<vmem_shared>>
        tpu.wait_indirect_dma semaphore(%arg18 : memref<!tpu.dma_semaphore, #tpu.memory_space<semaphore_mem>>) src(%dma_wait3A_725 : memref<128x16xf32, #tpu.memory_space<vmem>>) dst(%dma_wait3A_731 : memref<10000x16xf32, #tpu.memory_space<vmem_shared>>)
        %dma_wait3A_732 = arith.constant 3 : i32
        %dma_wait3A_733 = arith.constant 0 : i32
        %dma_wait3A_734 = arith.constant 384 : i32
        %dma_wait3A_735 = arith.constant 0 : i32
        %dma_wait3A_736 = tpu.memref_slice %arg12[%dma_wait3A_734, %dma_wait3A_735] : memref<768x16xf32, #tpu.memory_space<vmem>> -> memref<128x16xf32, #tpu.memory_space<vmem>>
        %dma_wait3A_737 = arith.constant 0 : i32
        %dma_wait3A_738 = tpu.memref_slice %arg10[%dma_wait3A_732, %dma_wait3A_733, %dma_wait3A_737] : memref<6x1x128xi32, #tpu.memory_space<vmem>> -> memref<1x1x128xi32, #tpu.memory_space<vmem>>
        %dma_wait3A_739 = tpu.memref_squeeze %dma_wait3A_738 : memref<1x1x128xi32, #tpu.memory_space<vmem>> -> memref<128xi32, #tpu.memory_space<vmem>>
        %dma_wait3A_740 = arith.constant 0 : i32
        %dma_wait3A_741 = arith.constant 0 : i32
        %dma_wait3A_742 = tpu.memref_slice %arg6[%dma_wait3A_740, %dma_wait3A_741] : memref<10000x16xf32, #tpu.memory_space<vmem_shared>> -> memref<10000x16xf32, #tpu.memory_space<vmem_shared>>
        tpu.wait_indirect_dma semaphore(%arg18 : memref<!tpu.dma_semaphore, #tpu.memory_space<semaphore_mem>>) src(%dma_wait3A_736 : memref<128x16xf32, #tpu.memory_space<vmem>>) dst(%dma_wait3A_742 : memref<10000x16xf32, #tpu.memory_space<vmem_shared>>)
        %dma_wait3A_743 = arith.constant 4 : i32
        %dma_wait3A_744 = arith.constant 0 : i32
        %dma_wait3A_745 = arith.constant 512 : i32
        %dma_wait3A_746 = arith.constant 0 : i32
        %dma_wait3A_747 = tpu.memref_slice %arg12[%dma_wait3A_745, %dma_wait3A_746] : memref<768x16xf32, #tpu.memory_space<vmem>> -> memref<128x16xf32, #tpu.memory_space<vmem>>
        %dma_wait3A_748 = arith.constant 0 : i32
        %dma_wait3A_749 = tpu.memref_slice %arg10[%dma_wait3A_743, %dma_wait3A_744, %dma_wait3A_748] : memref<6x1x128xi32, #tpu.memory_space<vmem>> -> memref<1x1x128xi32, #tpu.memory_space<vmem>>
        %dma_wait3A_750 = tpu.memref_squeeze %dma_wait3A_749 : memref<1x1x128xi32, #tpu.memory_space<vmem>> -> memref<128xi32, #tpu.memory_space<vmem>>
        %dma_wait3A_751 = arith.constant 0 : i32
        %dma_wait3A_752 = arith.constant 0 : i32
        %dma_wait3A_753 = tpu.memref_slice %arg6[%dma_wait3A_751, %dma_wait3A_752] : memref<10000x16xf32, #tpu.memory_space<vmem_shared>> -> memref<10000x16xf32, #tpu.memory_space<vmem_shared>>
        tpu.wait_indirect_dma semaphore(%arg18 : memref<!tpu.dma_semaphore, #tpu.memory_space<semaphore_mem>>) src(%dma_wait3A_747 : memref<128x16xf32, #tpu.memory_space<vmem>>) dst(%dma_wait3A_753 : memref<10000x16xf32, #tpu.memory_space<vmem_shared>>)
        %dma_wait3A_754 = arith.constant 5 : i32
        %dma_wait3A_755 = arith.constant 0 : i32
        %dma_wait3A_756 = arith.constant 640 : i32
        %dma_wait3A_757 = arith.constant 0 : i32
        %dma_wait3A_758 = tpu.memref_slice %arg12[%dma_wait3A_756, %dma_wait3A_757] : memref<768x16xf32, #tpu.memory_space<vmem>> -> memref<128x16xf32, #tpu.memory_space<vmem>>
        %dma_wait3A_759 = arith.constant 0 : i32
        %dma_wait3A_760 = tpu.memref_slice %arg10[%dma_wait3A_754, %dma_wait3A_755, %dma_wait3A_759] : memref<6x1x128xi32, #tpu.memory_space<vmem>> -> memref<1x1x128xi32, #tpu.memory_space<vmem>>
        %dma_wait3A_761 = tpu.memref_squeeze %dma_wait3A_760 : memref<1x1x128xi32, #tpu.memory_space<vmem>> -> memref<128xi32, #tpu.memory_space<vmem>>
        %dma_wait3A_762 = arith.constant 0 : i32
        %dma_wait3A_763 = arith.constant 0 : i32
        %dma_wait3A_764 = tpu.memref_slice %arg6[%dma_wait3A_762, %dma_wait3A_763] : memref<10000x16xf32, #tpu.memory_space<vmem_shared>> -> memref<10000x16xf32, #tpu.memory_space<vmem_shared>>
        tpu.wait_indirect_dma semaphore(%arg18 : memref<!tpu.dma_semaphore, #tpu.memory_space<semaphore_mem>>) src(%dma_wait3A_758 : memref<128x16xf32, #tpu.memory_space<vmem>>) dst(%dma_wait3A_764 : memref<10000x16xf32, #tpu.memory_space<vmem_shared>>)
        %mul3A_765 = arith.constant 128 : i32
        %mul3A_766 = arith.muli %add3A_390, %mul3A_765 : i32
        %dma_wait3A_767 = tpu.memref_slice %arg5[%mul3A_766] : memref<320000xf32, #tpu.memory_space<hbm>> -> memref<768xf32, #tpu.memory_space<hbm>>
        %dma_wait3A_768 = tpu.memref_slice %arg5[%mul3A_766] : memref<320000xf32, #tpu.memory_space<hbm>> -> memref<768xf32, #tpu.memory_space<hbm>>
        tpu.wait_dma2 semaphore(%arg20 : memref<!tpu.dma_semaphore, #tpu.memory_space<semaphore_mem>>) src(%arg14 : memref<768xf32, #tpu.memory_space<vmem>>) dst(%dma_wait3A_768 : memref<768xf32, #tpu.memory_space<hbm>>)
      } else {
      }
      %mul3A_407 = arith.constant 128 : i32
      %mul3A_408 = arith.muli %add3A_390, %mul3A_407 : i32
      %dma_start3A_409 = arith.constant 0 : i32
      %dma_start3A_410 = tpu.memref_slice %arg2[%dma_start3A_409, %mul3A_408] : memref<16x320000xf32, #tpu.memory_space<hbm>> -> memref<16x768xf32, #tpu.memory_space<hbm>>
      %dma_start3A_411 = arith.constant 0 : i32
      %dma_start3A_412 = tpu.memref_slice %arg2[%dma_start3A_411, %mul3A_408] : memref<16x320000xf32, #tpu.memory_space<hbm>> -> memref<16x768xf32, #tpu.memory_space<hbm>>
      tpu.enqueue_dma source(%dma_start3A_412 : memref<16x768xf32, #tpu.memory_space<hbm>>) target(%arg8 : memref<16x768xf32, #tpu.memory_space<vmem>>) target_semaphore(%arg16 : memref<!tpu.dma_semaphore, #tpu.memory_space<semaphore_mem>>)
      %dma_start3A_413 = arith.constant 1 : i32
      %dma_start3A_414 = arith.constant 0 : i32
      %dma_start3A_415 = tpu.memref_slice %arg3[%add3A_390, %dma_start3A_413, %dma_start3A_414] : memref<2500x2x128xi32, #tpu.memory_space<hbm>> -> memref<6x1x128xi32, #tpu.memory_space<hbm>>
      %dma_start3A_416 = arith.constant 1 : i32
      %dma_start3A_417 = arith.constant 0 : i32
      %dma_start3A_418 = tpu.memref_slice %arg3[%add3A_390, %dma_start3A_416, %dma_start3A_417] : memref<2500x2x128xi32, #tpu.memory_space<hbm>> -> memref<6x1x128xi32, #tpu.memory_space<hbm>>
      tpu.enqueue_dma source(%dma_start3A_418 : memref<6x1x128xi32, #tpu.memory_space<hbm>>) target(%arg10 : memref<6x1x128xi32, #tpu.memory_space<vmem>>) target_semaphore(%arg16 : memref<!tpu.dma_semaphore, #tpu.memory_space<semaphore_mem>>)
      %while3A_419 = arith.constant 0 : i32
      %while3A_420 = arith.constant 0 : i32
      %while3A_421 = arith.constant 48 : i32
      %while3A_422 = arith.subi %while3A_421, %while3A_420 : i32
      %while3A_423 = arith.addi %while3A_420, %while3A_422 : i32
      %while3A_424 = arith.constant 1 : i32
      %while3A_425 = arith.divsi %while3A_422, %while3A_424 : i32
      %while3A_426 = arith.muli %while3A_425, %while3A_424 : i32
      %while3A_427 = arith.addi %while3A_420, %while3A_426 : i32
      %while3A_428 = arith.constant 1 : i32
      scf.for %while3A_699 = %while3A_420 to %while3A_427 step %while3A_428  : i32 {
        %mul3A_700 = arith.constant 16 : i32
        %mul3A_701 = arith.muli %while3A_699, %mul3A_700 : i32
        %add3A_702 = vector.broadcast %mul3A_701 : i32 to vector<16xi32>
        %add3A_703 = arith.addi %and3A_20, %add3A_702 : vector<16xi32>
        %add3A_704 = vector.broadcast %mul3A_701 : i32 to vector<16xi32>
        %add3A_705 = arith.addi %and3A_26, %add3A_704 : vector<16xi32>
        %add3A_706 = vector.broadcast %mul3A_701 : i32 to vector<16xi32>
        %add3A_707 = arith.addi %and3A_32, %add3A_706 : vector<16xi32>
        %add3A_708 = vector.broadcast %mul3A_701 : i32 to vector<16xi32>
        %add3A_709 = arith.addi %and3A_38, %add3A_708 : vector<16xi32>
        %add3A_710 = vector.broadcast %mul3A_701 : i32 to vector<16xi32>
        %add3A_711 = arith.addi %and3A_44, %add3A_710 : vector<16xi32>
        %add3A_712 = vector.broadcast %mul3A_701 : i32 to vector<16xi32>
        %add3A_713 = arith.addi %and3A_50, %add3A_712 : vector<16xi32>
        %add3A_714 = vector.broadcast %mul3A_701 : i32 to vector<16xi32>
        %add3A_715 = arith.addi %and3A_56, %add3A_714 : vector<16xi32>
        %add3A_716 = vector.broadcast %mul3A_701 : i32 to vector<16xi32>
        %add3A_717 = arith.addi %and3A_62, %add3A_716 : vector<16xi32>
        %add3A_718 = vector.broadcast %mul3A_701 : i32 to vector<16xi32>
        %add3A_719 = arith.addi %and3A_68, %add3A_718 : vector<16xi32>
        %add3A_720 = vector.broadcast %mul3A_701 : i32 to vector<16xi32>
        %add3A_721 = arith.addi %and3A_74, %add3A_720 : vector<16xi32>
        %add3A_722 = vector.broadcast %mul3A_701 : i32 to vector<16xi32>
        %add3A_723 = arith.addi %and3A_80, %add3A_722 : vector<16xi32>
        %add3A_724 = vector.broadcast %mul3A_701 : i32 to vector<16xi32>
        %add3A_725 = arith.addi %and3A_86, %add3A_724 : vector<16xi32>
        %add3A_726 = vector.broadcast %mul3A_701 : i32 to vector<16xi32>
        %add3A_727 = arith.addi %and3A_92, %add3A_726 : vector<16xi32>
        %add3A_728 = vector.broadcast %mul3A_701 : i32 to vector<16xi32>
        %add3A_729 = arith.addi %and3A_98, %add3A_728 : vector<16xi32>
        %add3A_730 = vector.broadcast %mul3A_701 : i32 to vector<16xi32>
        %add3A_731 = arith.addi %and3A_104, %add3A_730 : vector<16xi32>
        %add3A_732 = vector.broadcast %mul3A_701 : i32 to vector<16xi32>
        %add3A_733 = arith.addi %and3A_110, %add3A_732 : vector<16xi32>
        %gather3A = tpu.vector_load_idx %arg7[%iota3A, %add3A_703] : memref<16x768xf32, #tpu.memory_space<vmem>>[vector<16xi32>, vector<16xi32>], vector<16xf32>,
        %gather3A_734 = tpu.vector_load_idx %arg7[%iota3A, %add3A_705] : memref<16x768xf32, #tpu.memory_space<vmem>>[vector<16xi32>, vector<16xi32>], vector<16xf32>,
        %gather3A_735 = tpu.vector_load_idx %arg7[%iota3A, %add3A_707] : memref<16x768xf32, #tpu.memory_space<vmem>>[vector<16xi32>, vector<16xi32>], vector<16xf32>,
        %gather3A_736 = tpu.vector_load_idx %arg7[%iota3A, %add3A_709] : memref<16x768xf32, #tpu.memory_space<vmem>>[vector<16xi32>, vector<16xi32>], vector<16xf32>,
        %gather3A_737 = tpu.vector_load_idx %arg7[%iota3A, %add3A_711] : memref<16x768xf32, #tpu.memory_space<vmem>>[vector<16xi32>, vector<16xi32>], vector<16xf32>,
        %gather3A_738 = tpu.vector_load_idx %arg7[%iota3A, %add3A_713] : memref<16x768xf32, #tpu.memory_space<vmem>>[vector<16xi32>, vector<16xi32>], vector<16xf32>,
        %gather3A_739 = tpu.vector_load_idx %arg7[%iota3A, %add3A_715] : memref<16x768xf32, #tpu.memory_space<vmem>>[vector<16xi32>, vector<16xi32>], vector<16xf32>,
        %gather3A_740 = tpu.vector_load_idx %arg7[%iota3A, %add3A_717] : memref<16x768xf32, #tpu.memory_space<vmem>>[vector<16xi32>, vector<16xi32>], vector<16xf32>,
        %gather3A_741 = tpu.vector_load_idx %arg7[%iota3A, %add3A_719] : memref<16x768xf32, #tpu.memory_space<vmem>>[vector<16xi32>, vector<16xi32>], vector<16xf32>,
        %gather3A_742 = tpu.vector_load_idx %arg7[%iota3A, %add3A_721] : memref<16x768xf32, #tpu.memory_space<vmem>>[vector<16xi32>, vector<16xi32>], vector<16xf32>,
        %gather3A_743 = tpu.vector_load_idx %arg7[%iota3A, %add3A_723] : memref<16x768xf32, #tpu.memory_space<vmem>>[vector<16xi32>, vector<16xi32>], vector<16xf32>,
        %gather3A_744 = tpu.vector_load_idx %arg7[%iota3A, %add3A_725] : memref<16x768xf32, #tpu.memory_space<vmem>>[vector<16xi32>, vector<16xi32>], vector<16xf32>,
        %gather3A_745 = tpu.vector_load_idx %arg7[%iota3A, %add3A_727] : memref<16x768xf32, #tpu.memory_space<vmem>>[vector<16xi32>, vector<16xi32>], vector<16xf32>,
        %gather3A_746 = tpu.vector_load_idx %arg7[%iota3A, %add3A_729] : memref<16x768xf32, #tpu.memory_space<vmem>>[vector<16xi32>, vector<16xi32>], vector<16xf32>,
        %gather3A_747 = tpu.vector_load_idx %arg7[%iota3A, %add3A_731] : memref<16x768xf32, #tpu.memory_space<vmem>>[vector<16xi32>, vector<16xi32>], vector<16xf32>,
        %gather3A_748 = tpu.vector_load_idx %arg7[%iota3A, %add3A_733] : memref<16x768xf32, #tpu.memory_space<vmem>>[vector<16xi32>, vector<16xi32>], vector<16xf32>,
        tpu.vector_store_idx %arg11[%add3A_703, %iota3A], %gather3A : memref<768x16xf32, #tpu.memory_space<vmem>>[vector<16xi32>, vector<16xi32>], vector<16xf32>,
        tpu.vector_store_idx %arg11[%add3A_705, %iota3A], %gather3A_734 : memref<768x16xf32, #tpu.memory_space<vmem>>[vector<16xi32>, vector<16xi32>], vector<16xf32>,
        tpu.vector_store_idx %arg11[%add3A_707, %iota3A], %gather3A_735 : memref<768x16xf32, #tpu.memory_space<vmem>>[vector<16xi32>, vector<16xi32>], vector<16xf32>,
        tpu.vector_store_idx %arg11[%add3A_709, %iota3A], %gather3A_736 : memref<768x16xf32, #tpu.memory_space<vmem>>[vector<16xi32>, vector<16xi32>], vector<16xf32>,
        tpu.vector_store_idx %arg11[%add3A_711, %iota3A], %gather3A_737 : memref<768x16xf32, #tpu.memory_space<vmem>>[vector<16xi32>, vector<16xi32>], vector<16xf32>,
        tpu.vector_store_idx %arg11[%add3A_713, %iota3A], %gather3A_738 : memref<768x16xf32, #tpu.memory_space<vmem>>[vector<16xi32>, vector<16xi32>], vector<16xf32>,
        tpu.vector_store_idx %arg11[%add3A_715, %iota3A], %gather3A_739 : memref<768x16xf32, #tpu.memory_space<vmem>>[vector<16xi32>, vector<16xi32>], vector<16xf32>,
        tpu.vector_store_idx %arg11[%add3A_717, %iota3A], %gather3A_740 : memref<768x16xf32, #tpu.memory_space<vmem>>[vector<16xi32>, vector<16xi32>], vector<16xf32>,
        tpu.vector_store_idx %arg11[%add3A_719, %iota3A], %gather3A_741 : memref<768x16xf32, #tpu.memory_space<vmem>>[vector<16xi32>, vector<16xi32>], vector<16xf32>,
        tpu.vector_store_idx %arg11[%add3A_721, %iota3A], %gather3A_742 : memref<768x16xf32, #tpu.memory_space<vmem>>[vector<16xi32>, vector<16xi32>], vector<16xf32>,
        tpu.vector_store_idx %arg11[%add3A_723, %iota3A], %gather3A_743 : memref<768x16xf32, #tpu.memory_space<vmem>>[vector<16xi32>, vector<16xi32>], vector<16xf32>,
        tpu.vector_store_idx %arg11[%add3A_725, %iota3A], %gather3A_744 : memref<768x16xf32, #tpu.memory_space<vmem>>[vector<16xi32>, vector<16xi32>], vector<16xf32>,
        tpu.vector_store_idx %arg11[%add3A_727, %iota3A], %gather3A_745 : memref<768x16xf32, #tpu.memory_space<vmem>>[vector<16xi32>, vector<16xi32>], vector<16xf32>,
        tpu.vector_store_idx %arg11[%add3A_729, %iota3A], %gather3A_746 : memref<768x16xf32, #tpu.memory_space<vmem>>[vector<16xi32>, vector<16xi32>], vector<16xf32>,
        tpu.vector_store_idx %arg11[%add3A_731, %iota3A], %gather3A_747 : memref<768x16xf32, #tpu.memory_space<vmem>>[vector<16xi32>, vector<16xi32>], vector<16xf32>,
        tpu.vector_store_idx %arg11[%add3A_733, %iota3A], %gather3A_748 : memref<768x16xf32, #tpu.memory_space<vmem>>[vector<16xi32>, vector<16xi32>], vector<16xf32>,
      }
      %while3A_429 = arith.constant 1 : i32
      scf.for %while3A_699 = %while3A_427 to %while3A_423 step %while3A_429  : i32 {
        %mul3A_700 = arith.constant 16 : i32
        %mul3A_701 = arith.muli %while3A_699, %mul3A_700 : i32
        %add3A_702 = vector.broadcast %mul3A_701 : i32 to vector<16xi32>
        %add3A_703 = arith.addi %and3A_20, %add3A_702 : vector<16xi32>
        %add3A_704 = vector.broadcast %mul3A_701 : i32 to vector<16xi32>
        %add3A_705 = arith.addi %and3A_26, %add3A_704 : vector<16xi32>
        %add3A_706 = vector.broadcast %mul3A_701 : i32 to vector<16xi32>
        %add3A_707 = arith.addi %and3A_32, %add3A_706 : vector<16xi32>
        %add3A_708 = vector.broadcast %mul3A_701 : i32 to vector<16xi32>
        %add3A_709 = arith.addi %and3A_38, %add3A_708 : vector<16xi32>
        %add3A_710 = vector.broadcast %mul3A_701 : i32 to vector<16xi32>
        %add3A_711 = arith.addi %and3A_44, %add3A_710 : vector<16xi32>
        %add3A_712 = vector.broadcast %mul3A_701 : i32 to vector<16xi32>
        %add3A_713 = arith.addi %and3A_50, %add3A_712 : vector<16xi32>
        %add3A_714 = vector.broadcast %mul3A_701 : i32 to vector<16xi32>
        %add3A_715 = arith.addi %and3A_56, %add3A_714 : vector<16xi32>
        %add3A_716 = vector.broadcast %mul3A_701 : i32 to vector<16xi32>
        %add3A_717 = arith.addi %and3A_62, %add3A_716 : vector<16xi32>
        %add3A_718 = vector.broadcast %mul3A_701 : i32 to vector<16xi32>
        %add3A_719 = arith.addi %and3A_68, %add3A_718 : vector<16xi32>
        %add3A_720 = vector.broadcast %mul3A_701 : i32 to vector<16xi32>
        %add3A_721 = arith.addi %and3A_74, %add3A_720 : vector<16xi32>
        %add3A_722 = vector.broadcast %mul3A_701 : i32 to vector<16xi32>
        %add3A_723 = arith.addi %and3A_80, %add3A_722 : vector<16xi32>
        %add3A_724 = vector.broadcast %mul3A_701 : i32 to vector<16xi32>
        %add3A_725 = arith.addi %and3A_86, %add3A_724 : vector<16xi32>
        %add3A_726 = vector.broadcast %mul3A_701 : i32 to vector<16xi32>
        %add3A_727 = arith.addi %and3A_92, %add3A_726 : vector<16xi32>
        %add3A_728 = vector.broadcast %mul3A_701 : i32 to vector<16xi32>
        %add3A_729 = arith.addi %and3A_98, %add3A_728 : vector<16xi32>
        %add3A_730 = vector.broadcast %mul3A_701 : i32 to vector<16xi32>
        %add3A_731 = arith.addi %and3A_104, %add3A_730 : vector<16xi32>
        %add3A_732 = vector.broadcast %mul3A_701 : i32 to vector<16xi32>
        %add3A_733 = arith.addi %and3A_110, %add3A_732 : vector<16xi32>
        %gather3A = tpu.vector_load_idx %arg7[%iota3A, %add3A_703] : memref<16x768xf32, #tpu.memory_space<vmem>>[vector<16xi32>, vector<16xi32>], vector<16xf32>,
        %gather3A_734 = tpu.vector_load_idx %arg7[%iota3A, %add3A_705] : memref<16x768xf32, #tpu.memory_space<vmem>>[vector<16xi32>, vector<16xi32>], vector<16xf32>,
        %gather3A_735 = tpu.vector_load_idx %arg7[%iota3A, %add3A_707] : memref<16x768xf32, #tpu.memory_space<vmem>>[vector<16xi32>, vector<16xi32>], vector<16xf32>,
        %gather3A_736 = tpu.vector_load_idx %arg7[%iota3A, %add3A_709] : memref<16x768xf32, #tpu.memory_space<vmem>>[vector<16xi32>, vector<16xi32>], vector<16xf32>,
        %gather3A_737 = tpu.vector_load_idx %arg7[%iota3A, %add3A_711] : memref<16x768xf32, #tpu.memory_space<vmem>>[vector<16xi32>, vector<16xi32>], vector<16xf32>,
        %gather3A_738 = tpu.vector_load_idx %arg7[%iota3A, %add3A_713] : memref<16x768xf32, #tpu.memory_space<vmem>>[vector<16xi32>, vector<16xi32>], vector<16xf32>,
        %gather3A_739 = tpu.vector_load_idx %arg7[%iota3A, %add3A_715] : memref<16x768xf32, #tpu.memory_space<vmem>>[vector<16xi32>, vector<16xi32>], vector<16xf32>,
        %gather3A_740 = tpu.vector_load_idx %arg7[%iota3A, %add3A_717] : memref<16x768xf32, #tpu.memory_space<vmem>>[vector<16xi32>, vector<16xi32>], vector<16xf32>,
        %gather3A_741 = tpu.vector_load_idx %arg7[%iota3A, %add3A_719] : memref<16x768xf32, #tpu.memory_space<vmem>>[vector<16xi32>, vector<16xi32>], vector<16xf32>,
        %gather3A_742 = tpu.vector_load_idx %arg7[%iota3A, %add3A_721] : memref<16x768xf32, #tpu.memory_space<vmem>>[vector<16xi32>, vector<16xi32>], vector<16xf32>,
        %gather3A_743 = tpu.vector_load_idx %arg7[%iota3A, %add3A_723] : memref<16x768xf32, #tpu.memory_space<vmem>>[vector<16xi32>, vector<16xi32>], vector<16xf32>,
        %gather3A_744 = tpu.vector_load_idx %arg7[%iota3A, %add3A_725] : memref<16x768xf32, #tpu.memory_space<vmem>>[vector<16xi32>, vector<16xi32>], vector<16xf32>,
        %gather3A_745 = tpu.vector_load_idx %arg7[%iota3A, %add3A_727] : memref<16x768xf32, #tpu.memory_space<vmem>>[vector<16xi32>, vector<16xi32>], vector<16xf32>,
        %gather3A_746 = tpu.vector_load_idx %arg7[%iota3A, %add3A_729] : memref<16x768xf32, #tpu.memory_space<vmem>>[vector<16xi32>, vector<16xi32>], vector<16xf32>,
        %gather3A_747 = tpu.vector_load_idx %arg7[%iota3A, %add3A_731] : memref<16x768xf32, #tpu.memory_space<vmem>>[vector<16xi32>, vector<16xi32>], vector<16xf32>,
        %gather3A_748 = tpu.vector_load_idx %arg7[%iota3A, %add3A_733] : memref<16x768xf32, #tpu.memory_space<vmem>>[vector<16xi32>, vector<16xi32>], vector<16xf32>,
        tpu.vector_store_idx %arg11[%add3A_703, %iota3A], %gather3A : memref<768x16xf32, #tpu.memory_space<vmem>>[vector<16xi32>, vector<16xi32>], vector<16xf32>,
        tpu.vector_store_idx %arg11[%add3A_705, %iota3A], %gather3A_734 : memref<768x16xf32, #tpu.memory_space<vmem>>[vector<16xi32>, vector<16xi32>], vector<16xf32>,
        tpu.vector_store_idx %arg11[%add3A_707, %iota3A], %gather3A_735 : memref<768x16xf32, #tpu.memory_space<vmem>>[vector<16xi32>, vector<16xi32>], vector<16xf32>,
        tpu.vector_store_idx %arg11[%add3A_709, %iota3A], %gather3A_736 : memref<768x16xf32, #tpu.memory_space<vmem>>[vector<16xi32>, vector<16xi32>], vector<16xf32>,
        tpu.vector_store_idx %arg11[%add3A_711, %iota3A], %gather3A_737 : memref<768x16xf32, #tpu.memory_space<vmem>>[vector<16xi32>, vector<16xi32>], vector<16xf32>,
        tpu.vector_store_idx %arg11[%add3A_713, %iota3A], %gather3A_738 : memref<768x16xf32, #tpu.memory_space<vmem>>[vector<16xi32>, vector<16xi32>], vector<16xf32>,
        tpu.vector_store_idx %arg11[%add3A_715, %iota3A], %gather3A_739 : memref<768x16xf32, #tpu.memory_space<vmem>>[vector<16xi32>, vector<16xi32>], vector<16xf32>,
        tpu.vector_store_idx %arg11[%add3A_717, %iota3A], %gather3A_740 : memref<768x16xf32, #tpu.memory_space<vmem>>[vector<16xi32>, vector<16xi32>], vector<16xf32>,
        tpu.vector_store_idx %arg11[%add3A_719, %iota3A], %gather3A_741 : memref<768x16xf32, #tpu.memory_space<vmem>>[vector<16xi32>, vector<16xi32>], vector<16xf32>,
        tpu.vector_store_idx %arg11[%add3A_721, %iota3A], %gather3A_742 : memref<768x16xf32, #tpu.memory_space<vmem>>[vector<16xi32>, vector<16xi32>], vector<16xf32>,
        tpu.vector_store_idx %arg11[%add3A_723, %iota3A], %gather3A_743 : memref<768x16xf32, #tpu.memory_space<vmem>>[vector<16xi32>, vector<16xi32>], vector<16xf32>,
        tpu.vector_store_idx %arg11[%add3A_725, %iota3A], %gather3A_744 : memref<768x16xf32, #tpu.memory_space<vmem>>[vector<16xi32>, vector<16xi32>], vector<16xf32>,
        tpu.vector_store_idx %arg11[%add3A_727, %iota3A], %gather3A_745 : memref<768x16xf32, #tpu.memory_space<vmem>>[vector<16xi32>, vector<16xi32>], vector<16xf32>,
        tpu.vector_store_idx %arg11[%add3A_729, %iota3A], %gather3A_746 : memref<768x16xf32, #tpu.memory_space<vmem>>[vector<16xi32>, vector<16xi32>], vector<16xf32>,
        tpu.vector_store_idx %arg11[%add3A_731, %iota3A], %gather3A_747 : memref<768x16xf32, #tpu.memory_space<vmem>>[vector<16xi32>, vector<16xi32>], vector<16xf32>,
        tpu.vector_store_idx %arg11[%add3A_733, %iota3A], %gather3A_748 : memref<768x16xf32, #tpu.memory_space<vmem>>[vector<16xi32>, vector<16xi32>], vector<16xf32>,
      }
      %while3A_430 = arith.constant 0 : i32
      %while3A_431 = arith.constant 0 : i32
      %while3A_432 = arith.constant 48 : i32
      %while3A_433 = arith.subi %while3A_432, %while3A_431 : i32
      %while3A_434 = arith.addi %while3A_431, %while3A_433 : i32
      %while3A_435 = arith.constant 1 : i32
      %while3A_436 = arith.divsi %while3A_433, %while3A_435 : i32
      %while3A_437 = arith.muli %while3A_436, %while3A_435 : i32
      %while3A_438 = arith.addi %while3A_431, %while3A_437 : i32
      %while3A_439 = arith.constant 1 : i32
      scf.for %while3A_699 = %while3A_431 to %while3A_438 step %while3A_439  : i32 {
        %mul3A_700 = arith.constant 16 : i32
        %mul3A_701 = arith.muli %while3A_699, %mul3A_700 : i32
        %get3A = arith.constant 15 : i32
        %get3A_702 = arith.index_cast %get3A : i32 to index
        %get3A_703 = arith.index_cast %mul3A_701 : i32 to index
        %get3A_704 = tpu.vector_load %arg7[%get3A_702, %get3A_703] {strides = array<i32>} : memref<16x768xf32, #tpu.memory_space<vmem>>, vector<16xf32>,
        %swap3A = arith.index_cast %mul3A_701 : i32 to index
        %swap3A_705 = tpu.vector_load %arg13[%swap3A] {strides = array<i32>} : memref<768xf32, #tpu.memory_space<vmem>>, vector<16xf32>,
        tpu.vector_store %arg13[%swap3A], %get3A_704 {strides = array<i32>} : memref<768xf32, #tpu.memory_space<vmem>>, vector<16xf32>,
      }
      %while3A_440 = arith.constant 1 : i32
      scf.for %while3A_699 = %while3A_438 to %while3A_434 step %while3A_440  : i32 {
        %mul3A_700 = arith.constant 16 : i32
        %mul3A_701 = arith.muli %while3A_699, %mul3A_700 : i32
        %get3A = arith.constant 15 : i32
        %get3A_702 = arith.index_cast %get3A : i32 to index
        %get3A_703 = arith.index_cast %mul3A_701 : i32 to index
        %get3A_704 = tpu.vector_load %arg7[%get3A_702, %get3A_703] {strides = array<i32>} : memref<16x768xf32, #tpu.memory_space<vmem>>, vector<16xf32>,
        %swap3A = arith.index_cast %mul3A_701 : i32 to index
        %swap3A_705 = tpu.vector_load %arg13[%swap3A] {strides = array<i32>} : memref<768xf32, #tpu.memory_space<vmem>>, vector<16xf32>,
        tpu.vector_store %arg13[%swap3A], %get3A_704 {strides = array<i32>} : memref<768xf32, #tpu.memory_space<vmem>>, vector<16xf32>,
      }
      %dma_start3A_441 = arith.constant 0 : i32
      %dma_start3A_442 = arith.constant 0 : i32
      %dma_start3A_443 = arith.constant 0 : i32
      %dma_start3A_444 = arith.constant 0 : i32
      %dma_start3A_445 = tpu.memref_slice %arg11[%dma_start3A_443, %dma_start3A_444] : memref<768x16xf32, #tpu.memory_space<vmem>> -> memref<128x16xf32, #tpu.memory_space<vmem>>
      %dma_start3A_446 = arith.constant 0 : i32
      %dma_start3A_447 = tpu.memref_slice %arg9[%dma_start3A_441, %dma_start3A_442, %dma_start3A_446] : memref<6x1x128xi32, #tpu.memory_space<vmem>> -> memref<1x1x128xi32, #tpu.memory_space<vmem>>
      %dma_start3A_448 = tpu.memref_squeeze %dma_start3A_447 : memref<1x1x128xi32, #tpu.memory_space<vmem>> -> memref<128xi32, #tpu.memory_space<vmem>>
      %dma_start3A_449 = arith.constant 0 : i32
      %dma_start3A_450 = arith.constant 0 : i32
      %dma_start3A_451 = tpu.memref_slice %arg6[%dma_start3A_449, %dma_start3A_450] : memref<10000x16xf32, #tpu.memory_space<vmem_shared>> -> memref<10000x16xf32, #tpu.memory_space<vmem_shared>>
      tpu.enqueue_indirect_dma source(%dma_start3A_445 : memref<128x16xf32, #tpu.memory_space<vmem>>) target(%dma_start3A_451 : memref<10000x16xf32, #tpu.memory_space<vmem_shared>>) offsets(%dma_start3A_448 : memref<128xi32, #tpu.memory_space<vmem>>) semaphore(%arg17 : memref<!tpu.dma_semaphore, #tpu.memory_space<semaphore_mem>>) {add = true}
      %dma_start3A_452 = arith.constant 1 : i32
      %dma_start3A_453 = arith.constant 0 : i32
      %dma_start3A_454 = arith.constant 128 : i32
      %dma_start3A_455 = arith.constant 0 : i32
      %dma_start3A_456 = tpu.memref_slice %arg11[%dma_start3A_454, %dma_start3A_455] : memref<768x16xf32, #tpu.memory_space<vmem>> -> memref<128x16xf32, #tpu.memory_space<vmem>>
      %dma_start3A_457 = arith.constant 0 : i32
      %dma_start3A_458 = tpu.memref_slice %arg9[%dma_start3A_452, %dma_start3A_453, %dma_start3A_457] : memref<6x1x128xi32, #tpu.memory_space<vmem>> -> memref<1x1x128xi32, #tpu.memory_space<vmem>>
      %dma_start3A_459 = tpu.memref_squeeze %dma_start3A_458 : memref<1x1x128xi32, #tpu.memory_space<vmem>> -> memref<128xi32, #tpu.memory_space<vmem>>
      %dma_start3A_460 = arith.constant 0 : i32
      %dma_start3A_461 = arith.constant 0 : i32
      %dma_start3A_462 = tpu.memref_slice %arg6[%dma_start3A_460, %dma_start3A_461] : memref<10000x16xf32, #tpu.memory_space<vmem_shared>> -> memref<10000x16xf32, #tpu.memory_space<vmem_shared>>
      tpu.enqueue_indirect_dma source(%dma_start3A_456 : memref<128x16xf32, #tpu.memory_space<vmem>>) target(%dma_start3A_462 : memref<10000x16xf32, #tpu.memory_space<vmem_shared>>) offsets(%dma_start3A_459 : memref<128xi32, #tpu.memory_space<vmem>>) semaphore(%arg17 : memref<!tpu.dma_semaphore, #tpu.memory_space<semaphore_mem>>) {add = true}
      %dma_start3A_463 = arith.constant 2 : i32
      %dma_start3A_464 = arith.constant 0 : i32
      %dma_start3A_465 = arith.constant 256 : i32
      %dma_start3A_466 = arith.constant 0 : i32
      %dma_start3A_467 = tpu.memref_slice %arg11[%dma_start3A_465, %dma_start3A_466] : memref<768x16xf32, #tpu.memory_space<vmem>> -> memref<128x16xf32, #tpu.memory_space<vmem>>
      %dma_start3A_468 = arith.constant 0 : i32
      %dma_start3A_469 = tpu.memref_slice %arg9[%dma_start3A_463, %dma_start3A_464, %dma_start3A_468] : memref<6x1x128xi32, #tpu.memory_space<vmem>> -> memref<1x1x128xi32, #tpu.memory_space<vmem>>
      %dma_start3A_470 = tpu.memref_squeeze %dma_start3A_469 : memref<1x1x128xi32, #tpu.memory_space<vmem>> -> memref<128xi32, #tpu.memory_space<vmem>>
      %dma_start3A_471 = arith.constant 0 : i32
      %dma_start3A_472 = arith.constant 0 : i32
      %dma_start3A_473 = tpu.memref_slice %arg6[%dma_start3A_471, %dma_start3A_472] : memref<10000x16xf32, #tpu.memory_space<vmem_shared>> -> memref<10000x16xf32, #tpu.memory_space<vmem_shared>>
      tpu.enqueue_indirect_dma source(%dma_start3A_467 : memref<128x16xf32, #tpu.memory_space<vmem>>) target(%dma_start3A_473 : memref<10000x16xf32, #tpu.memory_space<vmem_shared>>) offsets(%dma_start3A_470 : memref<128xi32, #tpu.memory_space<vmem>>) semaphore(%arg17 : memref<!tpu.dma_semaphore, #tpu.memory_space<semaphore_mem>>) {add = true}
      %dma_start3A_474 = arith.constant 3 : i32
      %dma_start3A_475 = arith.constant 0 : i32
      %dma_start3A_476 = arith.constant 384 : i32
      %dma_start3A_477 = arith.constant 0 : i32
      %dma_start3A_478 = tpu.memref_slice %arg11[%dma_start3A_476, %dma_start3A_477] : memref<768x16xf32, #tpu.memory_space<vmem>> -> memref<128x16xf32, #tpu.memory_space<vmem>>
      %dma_start3A_479 = arith.constant 0 : i32
      %dma_start3A_480 = tpu.memref_slice %arg9[%dma_start3A_474, %dma_start3A_475, %dma_start3A_479] : memref<6x1x128xi32, #tpu.memory_space<vmem>> -> memref<1x1x128xi32, #tpu.memory_space<vmem>>
      %dma_start3A_481 = tpu.memref_squeeze %dma_start3A_480 : memref<1x1x128xi32, #tpu.memory_space<vmem>> -> memref<128xi32, #tpu.memory_space<vmem>>
      %dma_start3A_482 = arith.constant 0 : i32
      %dma_start3A_483 = arith.constant 0 : i32
      %dma_start3A_484 = tpu.memref_slice %arg6[%dma_start3A_482, %dma_start3A_483] : memref<10000x16xf32, #tpu.memory_space<vmem_shared>> -> memref<10000x16xf32, #tpu.memory_space<vmem_shared>>
      tpu.enqueue_indirect_dma source(%dma_start3A_478 : memref<128x16xf32, #tpu.memory_space<vmem>>) target(%dma_start3A_484 : memref<10000x16xf32, #tpu.memory_space<vmem_shared>>) offsets(%dma_start3A_481 : memref<128xi32, #tpu.memory_space<vmem>>) semaphore(%arg17 : memref<!tpu.dma_semaphore, #tpu.memory_space<semaphore_mem>>) {add = true}
      %dma_start3A_485 = arith.constant 4 : i32
      %dma_start3A_486 = arith.constant 0 : i32
      %dma_start3A_487 = arith.constant 512 : i32
      %dma_start3A_488 = arith.constant 0 : i32
      %dma_start3A_489 = tpu.memref_slice %arg11[%dma_start3A_487, %dma_start3A_488] : memref<768x16xf32, #tpu.memory_space<vmem>> -> memref<128x16xf32, #tpu.memory_space<vmem>>
      %dma_start3A_490 = arith.constant 0 : i32
      %dma_start3A_491 = tpu.memref_slice %arg9[%dma_start3A_485, %dma_start3A_486, %dma_start3A_490] : memref<6x1x128xi32, #tpu.memory_space<vmem>> -> memref<1x1x128xi32, #tpu.memory_space<vmem>>
      %dma_start3A_492 = tpu.memref_squeeze %dma_start3A_491 : memref<1x1x128xi32, #tpu.memory_space<vmem>> -> memref<128xi32, #tpu.memory_space<vmem>>
      %dma_start3A_493 = arith.constant 0 : i32
      %dma_start3A_494 = arith.constant 0 : i32
      %dma_start3A_495 = tpu.memref_slice %arg6[%dma_start3A_493, %dma_start3A_494] : memref<10000x16xf32, #tpu.memory_space<vmem_shared>> -> memref<10000x16xf32, #tpu.memory_space<vmem_shared>>
      tpu.enqueue_indirect_dma source(%dma_start3A_489 : memref<128x16xf32, #tpu.memory_space<vmem>>) target(%dma_start3A_495 : memref<10000x16xf32, #tpu.memory_space<vmem_shared>>) offsets(%dma_start3A_492 : memref<128xi32, #tpu.memory_space<vmem>>) semaphore(%arg17 : memref<!tpu.dma_semaphore, #tpu.memory_space<semaphore_mem>>) {add = true}
      %dma_start3A_496 = arith.constant 5 : i32
      %dma_start3A_497 = arith.constant 0 : i32
      %dma_start3A_498 = arith.constant 640 : i32
      %dma_start3A_499 = arith.constant 0 : i32
      %dma_start3A_500 = tpu.memref_slice %arg11[%dma_start3A_498, %dma_start3A_499] : memref<768x16xf32, #tpu.memory_space<vmem>> -> memref<128x16xf32, #tpu.memory_space<vmem>>
      %dma_start3A_501 = arith.constant 0 : i32
      %dma_start3A_502 = tpu.memref_slice %arg9[%dma_start3A_496, %dma_start3A_497, %dma_start3A_501] : memref<6x1x128xi32, #tpu.memory_space<vmem>> -> memref<1x1x128xi32, #tpu.memory_space<vmem>>
      %dma_start3A_503 = tpu.memref_squeeze %dma_start3A_502 : memref<1x1x128xi32, #tpu.memory_space<vmem>> -> memref<128xi32, #tpu.memory_space<vmem>>
      %dma_start3A_504 = arith.constant 0 : i32
      %dma_start3A_505 = arith.constant 0 : i32
      %dma_start3A_506 = tpu.memref_slice %arg6[%dma_start3A_504, %dma_start3A_505] : memref<10000x16xf32, #tpu.memory_space<vmem_shared>> -> memref<10000x16xf32, #tpu.memory_space<vmem_shared>>
      tpu.enqueue_indirect_dma source(%dma_start3A_500 : memref<128x16xf32, #tpu.memory_space<vmem>>) target(%dma_start3A_506 : memref<10000x16xf32, #tpu.memory_space<vmem_shared>>) offsets(%dma_start3A_503 : memref<128xi32, #tpu.memory_space<vmem>>) semaphore(%arg17 : memref<!tpu.dma_semaphore, #tpu.memory_space<semaphore_mem>>) {add = true}
      %mul3A_507 = arith.constant 128 : i32
      %mul3A_508 = arith.muli %add3A_388, %mul3A_507 : i32
      %dma_start3A_509 = tpu.memref_slice %arg5[%mul3A_508] : memref<320000xf32, #tpu.memory_space<hbm>> -> memref<768xf32, #tpu.memory_space<hbm>>
      %dma_start3A_510 = tpu.memref_slice %arg5[%mul3A_508] : memref<320000xf32, #tpu.memory_space<hbm>> -> memref<768xf32, #tpu.memory_space<hbm>>
      tpu.enqueue_dma source(%arg13 : memref<768xf32, #tpu.memory_space<vmem>>) target(%dma_start3A_510 : memref<768xf32, #tpu.memory_space<hbm>>) target_semaphore(%arg19 : memref<!tpu.dma_semaphore, #tpu.memory_space<semaphore_mem>>)
      %mul3A_511 = arith.constant 128 : i32
      %mul3A_512 = arith.muli %add3A_390, %mul3A_511 : i32
      %dma_wait3A_513 = arith.constant 0 : i32
      %dma_wait3A_514 = tpu.memref_slice %arg2[%dma_wait3A_513, %mul3A_512] : memref<16x320000xf32, #tpu.memory_space<hbm>> -> memref<16x768xf32, #tpu.memory_space<hbm>>
      %dma_wait3A_515 = arith.constant 0 : i32
      %dma_wait3A_516 = tpu.memref_slice %arg2[%dma_wait3A_515, %mul3A_512] : memref<16x320000xf32, #tpu.memory_space<hbm>> -> memref<16x768xf32, #tpu.memory_space<hbm>>
      tpu.wait_dma2 semaphore(%arg16 : memref<!tpu.dma_semaphore, #tpu.memory_space<semaphore_mem>>) src(%dma_wait3A_516 : memref<16x768xf32, #tpu.memory_space<hbm>>) dst(%arg8 : memref<16x768xf32, #tpu.memory_space<vmem>>)
      %dma_wait3A_517 = arith.constant 1 : i32
      %dma_wait3A_518 = arith.constant 0 : i32
      %dma_wait3A_519 = tpu.memref_slice %arg3[%add3A_390, %dma_wait3A_517, %dma_wait3A_518] : memref<2500x2x128xi32, #tpu.memory_space<hbm>> -> memref<6x1x128xi32, #tpu.memory_space<hbm>>
      %dma_wait3A_520 = arith.constant 1 : i32
      %dma_wait3A_521 = arith.constant 0 : i32
      %dma_wait3A_522 = tpu.memref_slice %arg3[%add3A_390, %dma_wait3A_520, %dma_wait3A_521] : memref<2500x2x128xi32, #tpu.memory_space<hbm>> -> memref<6x1x128xi32, #tpu.memory_space<hbm>>
      tpu.wait_dma2 semaphore(%arg16 : memref<!tpu.dma_semaphore, #tpu.memory_space<semaphore_mem>>) src(%dma_wait3A_522 : memref<6x1x128xi32, #tpu.memory_space<hbm>>) dst(%arg10 : memref<6x1x128xi32, #tpu.memory_space<vmem>>)
      %while3A_523 = arith.constant 0 : i32
      %while3A_524 = arith.constant 0 : i32
      %while3A_525 = arith.constant 48 : i32
      %while3A_526 = arith.subi %while3A_525, %while3A_524 : i32
      %while3A_527 = arith.addi %while3A_524, %while3A_526 : i32
      %while3A_528 = arith.constant 1 : i32
      %while3A_529 = arith.divsi %while3A_526, %while3A_528 : i32
      %while3A_530 = arith.muli %while3A_529, %while3A_528 : i32
      %while3A_531 = arith.addi %while3A_524, %while3A_530 : i32
      %while3A_532 = arith.constant 1 : i32
      scf.for %while3A_699 = %while3A_524 to %while3A_531 step %while3A_532  : i32 {
        %mul3A_700 = arith.constant 16 : i32
        %mul3A_701 = arith.muli %while3A_699, %mul3A_700 : i32
        %add3A_702 = vector.broadcast %mul3A_701 : i32 to vector<16xi32>
        %add3A_703 = arith.addi %and3A_20, %add3A_702 : vector<16xi32>
        %add3A_704 = vector.broadcast %mul3A_701 : i32 to vector<16xi32>
        %add3A_705 = arith.addi %and3A_26, %add3A_704 : vector<16xi32>
        %add3A_706 = vector.broadcast %mul3A_701 : i32 to vector<16xi32>
        %add3A_707 = arith.addi %and3A_32, %add3A_706 : vector<16xi32>
        %add3A_708 = vector.broadcast %mul3A_701 : i32 to vector<16xi32>
        %add3A_709 = arith.addi %and3A_38, %add3A_708 : vector<16xi32>
        %add3A_710 = vector.broadcast %mul3A_701 : i32 to vector<16xi32>
        %add3A_711 = arith.addi %and3A_44, %add3A_710 : vector<16xi32>
        %add3A_712 = vector.broadcast %mul3A_701 : i32 to vector<16xi32>
        %add3A_713 = arith.addi %and3A_50, %add3A_712 : vector<16xi32>
        %add3A_714 = vector.broadcast %mul3A_701 : i32 to vector<16xi32>
        %add3A_715 = arith.addi %and3A_56, %add3A_714 : vector<16xi32>
        %add3A_716 = vector.broadcast %mul3A_701 : i32 to vector<16xi32>
        %add3A_717 = arith.addi %and3A_62, %add3A_716 : vector<16xi32>
        %add3A_718 = vector.broadcast %mul3A_701 : i32 to vector<16xi32>
        %add3A_719 = arith.addi %and3A_68, %add3A_718 : vector<16xi32>
        %add3A_720 = vector.broadcast %mul3A_701 : i32 to vector<16xi32>
        %add3A_721 = arith.addi %and3A_74, %add3A_720 : vector<16xi32>
        %add3A_722 = vector.broadcast %mul3A_701 : i32 to vector<16xi32>
        %add3A_723 = arith.addi %and3A_80, %add3A_722 : vector<16xi32>
        %add3A_724 = vector.broadcast %mul3A_701 : i32 to vector<16xi32>
        %add3A_725 = arith.addi %and3A_86, %add3A_724 : vector<16xi32>
        %add3A_726 = vector.broadcast %mul3A_701 : i32 to vector<16xi32>
        %add3A_727 = arith.addi %and3A_92, %add3A_726 : vector<16xi32>
        %add3A_728 = vector.broadcast %mul3A_701 : i32 to vector<16xi32>
        %add3A_729 = arith.addi %and3A_98, %add3A_728 : vector<16xi32>
        %add3A_730 = vector.broadcast %mul3A_701 : i32 to vector<16xi32>
        %add3A_731 = arith.addi %and3A_104, %add3A_730 : vector<16xi32>
        %add3A_732 = vector.broadcast %mul3A_701 : i32 to vector<16xi32>
        %add3A_733 = arith.addi %and3A_110, %add3A_732 : vector<16xi32>
        %gather3A = tpu.vector_load_idx %arg8[%iota3A, %add3A_703] : memref<16x768xf32, #tpu.memory_space<vmem>>[vector<16xi32>, vector<16xi32>], vector<16xf32>,
        %gather3A_734 = tpu.vector_load_idx %arg8[%iota3A, %add3A_705] : memref<16x768xf32, #tpu.memory_space<vmem>>[vector<16xi32>, vector<16xi32>], vector<16xf32>,
        %gather3A_735 = tpu.vector_load_idx %arg8[%iota3A, %add3A_707] : memref<16x768xf32, #tpu.memory_space<vmem>>[vector<16xi32>, vector<16xi32>], vector<16xf32>,
        %gather3A_736 = tpu.vector_load_idx %arg8[%iota3A, %add3A_709] : memref<16x768xf32, #tpu.memory_space<vmem>>[vector<16xi32>, vector<16xi32>], vector<16xf32>,
        %gather3A_737 = tpu.vector_load_idx %arg8[%iota3A, %add3A_711] : memref<16x768xf32, #tpu.memory_space<vmem>>[vector<16xi32>, vector<16xi32>], vector<16xf32>,
        %gather3A_738 = tpu.vector_load_idx %arg8[%iota3A, %add3A_713] : memref<16x768xf32, #tpu.memory_space<vmem>>[vector<16xi32>, vector<16xi32>], vector<16xf32>,
        %gather3A_739 = tpu.vector_load_idx %arg8[%iota3A, %add3A_715] : memref<16x768xf32, #tpu.memory_space<vmem>>[vector<16xi32>, vector<16xi32>], vector<16xf32>,
        %gather3A_740 = tpu.vector_load_idx %arg8[%iota3A, %add3A_717] : memref<16x768xf32, #tpu.memory_space<vmem>>[vector<16xi32>, vector<16xi32>], vector<16xf32>,
        %gather3A_741 = tpu.vector_load_idx %arg8[%iota3A, %add3A_719] : memref<16x768xf32, #tpu.memory_space<vmem>>[vector<16xi32>, vector<16xi32>], vector<16xf32>,
        %gather3A_742 = tpu.vector_load_idx %arg8[%iota3A, %add3A_721] : memref<16x768xf32, #tpu.memory_space<vmem>>[vector<16xi32>, vector<16xi32>], vector<16xf32>,
        %gather3A_743 = tpu.vector_load_idx %arg8[%iota3A, %add3A_723] : memref<16x768xf32, #tpu.memory_space<vmem>>[vector<16xi32>, vector<16xi32>], vector<16xf32>,
        %gather3A_744 = tpu.vector_load_idx %arg8[%iota3A, %add3A_725] : memref<16x768xf32, #tpu.memory_space<vmem>>[vector<16xi32>, vector<16xi32>], vector<16xf32>,
        %gather3A_745 = tpu.vector_load_idx %arg8[%iota3A, %add3A_727] : memref<16x768xf32, #tpu.memory_space<vmem>>[vector<16xi32>, vector<16xi32>], vector<16xf32>,
        %gather3A_746 = tpu.vector_load_idx %arg8[%iota3A, %add3A_729] : memref<16x768xf32, #tpu.memory_space<vmem>>[vector<16xi32>, vector<16xi32>], vector<16xf32>,
        %gather3A_747 = tpu.vector_load_idx %arg8[%iota3A, %add3A_731] : memref<16x768xf32, #tpu.memory_space<vmem>>[vector<16xi32>, vector<16xi32>], vector<16xf32>,
        %gather3A_748 = tpu.vector_load_idx %arg8[%iota3A, %add3A_733] : memref<16x768xf32, #tpu.memory_space<vmem>>[vector<16xi32>, vector<16xi32>], vector<16xf32>,
        tpu.vector_store_idx %arg12[%add3A_703, %iota3A], %gather3A : memref<768x16xf32, #tpu.memory_space<vmem>>[vector<16xi32>, vector<16xi32>], vector<16xf32>,
        tpu.vector_store_idx %arg12[%add3A_705, %iota3A], %gather3A_734 : memref<768x16xf32, #tpu.memory_space<vmem>>[vector<16xi32>, vector<16xi32>], vector<16xf32>,
        tpu.vector_store_idx %arg12[%add3A_707, %iota3A], %gather3A_735 : memref<768x16xf32, #tpu.memory_space<vmem>>[vector<16xi32>, vector<16xi32>], vector<16xf32>,
        tpu.vector_store_idx %arg12[%add3A_709, %iota3A], %gather3A_736 : memref<768x16xf32, #tpu.memory_space<vmem>>[vector<16xi32>, vector<16xi32>], vector<16xf32>,
        tpu.vector_store_idx %arg12[%add3A_711, %iota3A], %gather3A_737 : memref<768x16xf32, #tpu.memory_space<vmem>>[vector<16xi32>, vector<16xi32>], vector<16xf32>,
        tpu.vector_store_idx %arg12[%add3A_713, %iota3A], %gather3A_738 : memref<768x16xf32, #tpu.memory_space<vmem>>[vector<16xi32>, vector<16xi32>], vector<16xf32>,
        tpu.vector_store_idx %arg12[%add3A_715, %iota3A], %gather3A_739 : memref<768x16xf32, #tpu.memory_space<vmem>>[vector<16xi32>, vector<16xi32>], vector<16xf32>,
        tpu.vector_store_idx %arg12[%add3A_717, %iota3A], %gather3A_740 : memref<768x16xf32, #tpu.memory_space<vmem>>[vector<16xi32>, vector<16xi32>], vector<16xf32>,
        tpu.vector_store_idx %arg12[%add3A_719, %iota3A], %gather3A_741 : memref<768x16xf32, #tpu.memory_space<vmem>>[vector<16xi32>, vector<16xi32>], vector<16xf32>,
        tpu.vector_store_idx %arg12[%add3A_721, %iota3A], %gather3A_742 : memref<768x16xf32, #tpu.memory_space<vmem>>[vector<16xi32>, vector<16xi32>], vector<16xf32>,
        tpu.vector_store_idx %arg12[%add3A_723, %iota3A], %gather3A_743 : memref<768x16xf32, #tpu.memory_space<vmem>>[vector<16xi32>, vector<16xi32>], vector<16xf32>,
        tpu.vector_store_idx %arg12[%add3A_725, %iota3A], %gather3A_744 : memref<768x16xf32, #tpu.memory_space<vmem>>[vector<16xi32>, vector<16xi32>], vector<16xf32>,
        tpu.vector_store_idx %arg12[%add3A_727, %iota3A], %gather3A_745 : memref<768x16xf32, #tpu.memory_space<vmem>>[vector<16xi32>, vector<16xi32>], vector<16xf32>,
        tpu.vector_store_idx %arg12[%add3A_729, %iota3A], %gather3A_746 : memref<768x16xf32, #tpu.memory_space<vmem>>[vector<16xi32>, vector<16xi32>], vector<16xf32>,
        tpu.vector_store_idx %arg12[%add3A_731, %iota3A], %gather3A_747 : memref<768x16xf32, #tpu.memory_space<vmem>>[vector<16xi32>, vector<16xi32>], vector<16xf32>,
        tpu.vector_store_idx %arg12[%add3A_733, %iota3A], %gather3A_748 : memref<768x16xf32, #tpu.memory_space<vmem>>[vector<16xi32>, vector<16xi32>], vector<16xf32>,
      }
      %while3A_533 = arith.constant 1 : i32
      scf.for %while3A_699 = %while3A_531 to %while3A_527 step %while3A_533  : i32 {
        %mul3A_700 = arith.constant 16 : i32
        %mul3A_701 = arith.muli %while3A_699, %mul3A_700 : i32
        %add3A_702 = vector.broadcast %mul3A_701 : i32 to vector<16xi32>
        %add3A_703 = arith.addi %and3A_20, %add3A_702 : vector<16xi32>
        %add3A_704 = vector.broadcast %mul3A_701 : i32 to vector<16xi32>
        %add3A_705 = arith.addi %and3A_26, %add3A_704 : vector<16xi32>
        %add3A_706 = vector.broadcast %mul3A_701 : i32 to vector<16xi32>
        %add3A_707 = arith.addi %and3A_32, %add3A_706 : vector<16xi32>
        %add3A_708 = vector.broadcast %mul3A_701 : i32 to vector<16xi32>
        %add3A_709 = arith.addi %and3A_38, %add3A_708 : vector<16xi32>
        %add3A_710 = vector.broadcast %mul3A_701 : i32 to vector<16xi32>
        %add3A_711 = arith.addi %and3A_44, %add3A_710 : vector<16xi32>
        %add3A_712 = vector.broadcast %mul3A_701 : i32 to vector<16xi32>
        %add3A_713 = arith.addi %and3A_50, %add3A_712 : vector<16xi32>
        %add3A_714 = vector.broadcast %mul3A_701 : i32 to vector<16xi32>
        %add3A_715 = arith.addi %and3A_56, %add3A_714 : vector<16xi32>
        %add3A_716 = vector.broadcast %mul3A_701 : i32 to vector<16xi32>
        %add3A_717 = arith.addi %and3A_62, %add3A_716 : vector<16xi32>
        %add3A_718 = vector.broadcast %mul3A_701 : i32 to vector<16xi32>
        %add3A_719 = arith.addi %and3A_68, %add3A_718 : vector<16xi32>
        %add3A_720 = vector.broadcast %mul3A_701 : i32 to vector<16xi32>
        %add3A_721 = arith.addi %and3A_74, %add3A_720 : vector<16xi32>
        %add3A_722 = vector.broadcast %mul3A_701 : i32 to vector<16xi32>
        %add3A_723 = arith.addi %and3A_80, %add3A_722 : vector<16xi32>
        %add3A_724 = vector.broadcast %mul3A_701 : i32 to vector<16xi32>
        %add3A_725 = arith.addi %and3A_86, %add3A_724 : vector<16xi32>
        %add3A_726 = vector.broadcast %mul3A_701 : i32 to vector<16xi32>
        %add3A_727 = arith.addi %and3A_92, %add3A_726 : vector<16xi32>
        %add3A_728 = vector.broadcast %mul3A_701 : i32 to vector<16xi32>
        %add3A_729 = arith.addi %and3A_98, %add3A_728 : vector<16xi32>
        %add3A_730 = vector.broadcast %mul3A_701 : i32 to vector<16xi32>
        %add3A_731 = arith.addi %and3A_104, %add3A_730 : vector<16xi32>
        %add3A_732 = vector.broadcast %mul3A_701 : i32 to vector<16xi32>
        %add3A_733 = arith.addi %and3A_110, %add3A_732 : vector<16xi32>
        %gather3A = tpu.vector_load_idx %arg8[%iota3A, %add3A_703] : memref<16x768xf32, #tpu.memory_space<vmem>>[vector<16xi32>, vector<16xi32>], vector<16xf32>,
        %gather3A_734 = tpu.vector_load_idx %arg8[%iota3A, %add3A_705] : memref<16x768xf32, #tpu.memory_space<vmem>>[vector<16xi32>, vector<16xi32>], vector<16xf32>,
        %gather3A_735 = tpu.vector_load_idx %arg8[%iota3A, %add3A_707] : memref<16x768xf32, #tpu.memory_space<vmem>>[vector<16xi32>, vector<16xi32>], vector<16xf32>,
        %gather3A_736 = tpu.vector_load_idx %arg8[%iota3A, %add3A_709] : memref<16x768xf32, #tpu.memory_space<vmem>>[vector<16xi32>, vector<16xi32>], vector<16xf32>,
        %gather3A_737 = tpu.vector_load_idx %arg8[%iota3A, %add3A_711] : memref<16x768xf32, #tpu.memory_space<vmem>>[vector<16xi32>, vector<16xi32>], vector<16xf32>,
        %gather3A_738 = tpu.vector_load_idx %arg8[%iota3A, %add3A_713] : memref<16x768xf32, #tpu.memory_space<vmem>>[vector<16xi32>, vector<16xi32>], vector<16xf32>,
        %gather3A_739 = tpu.vector_load_idx %arg8[%iota3A, %add3A_715] : memref<16x768xf32, #tpu.memory_space<vmem>>[vector<16xi32>, vector<16xi32>], vector<16xf32>,
        %gather3A_740 = tpu.vector_load_idx %arg8[%iota3A, %add3A_717] : memref<16x768xf32, #tpu.memory_space<vmem>>[vector<16xi32>, vector<16xi32>], vector<16xf32>,
        %gather3A_741 = tpu.vector_load_idx %arg8[%iota3A, %add3A_719] : memref<16x768xf32, #tpu.memory_space<vmem>>[vector<16xi32>, vector<16xi32>], vector<16xf32>,
        %gather3A_742 = tpu.vector_load_idx %arg8[%iota3A, %add3A_721] : memref<16x768xf32, #tpu.memory_space<vmem>>[vector<16xi32>, vector<16xi32>], vector<16xf32>,
        %gather3A_743 = tpu.vector_load_idx %arg8[%iota3A, %add3A_723] : memref<16x768xf32, #tpu.memory_space<vmem>>[vector<16xi32>, vector<16xi32>], vector<16xf32>,
        %gather3A_744 = tpu.vector_load_idx %arg8[%iota3A, %add3A_725] : memref<16x768xf32, #tpu.memory_space<vmem>>[vector<16xi32>, vector<16xi32>], vector<16xf32>,
        %gather3A_745 = tpu.vector_load_idx %arg8[%iota3A, %add3A_727] : memref<16x768xf32, #tpu.memory_space<vmem>>[vector<16xi32>, vector<16xi32>], vector<16xf32>,
        %gather3A_746 = tpu.vector_load_idx %arg8[%iota3A, %add3A_729] : memref<16x768xf32, #tpu.memory_space<vmem>>[vector<16xi32>, vector<16xi32>], vector<16xf32>,
        %gather3A_747 = tpu.vector_load_idx %arg8[%iota3A, %add3A_731] : memref<16x768xf32, #tpu.memory_space<vmem>>[vector<16xi32>, vector<16xi32>], vector<16xf32>,
        %gather3A_748 = tpu.vector_load_idx %arg8[%iota3A, %add3A_733] : memref<16x768xf32, #tpu.memory_space<vmem>>[vector<16xi32>, vector<16xi32>], vector<16xf32>,
        tpu.vector_store_idx %arg12[%add3A_703, %iota3A], %gather3A : memref<768x16xf32, #tpu.memory_space<vmem>>[vector<16xi32>, vector<16xi32>], vector<16xf32>,
        tpu.vector_store_idx %arg12[%add3A_705, %iota3A], %gather3A_734 : memref<768x16xf32, #tpu.memory_space<vmem>>[vector<16xi32>, vector<16xi32>], vector<16xf32>,
        tpu.vector_store_idx %arg12[%add3A_707, %iota3A], %gather3A_735 : memref<768x16xf32, #tpu.memory_space<vmem>>[vector<16xi32>, vector<16xi32>], vector<16xf32>,
        tpu.vector_store_idx %arg12[%add3A_709, %iota3A], %gather3A_736 : memref<768x16xf32, #tpu.memory_space<vmem>>[vector<16xi32>, vector<16xi32>], vector<16xf32>,
        tpu.vector_store_idx %arg12[%add3A_711, %iota3A], %gather3A_737 : memref<768x16xf32, #tpu.memory_space<vmem>>[vector<16xi32>, vector<16xi32>], vector<16xf32>,
        tpu.vector_store_idx %arg12[%add3A_713, %iota3A], %gather3A_738 : memref<768x16xf32, #tpu.memory_space<vmem>>[vector<16xi32>, vector<16xi32>], vector<16xf32>,
        tpu.vector_store_idx %arg12[%add3A_715, %iota3A], %gather3A_739 : memref<768x16xf32, #tpu.memory_space<vmem>>[vector<16xi32>, vector<16xi32>], vector<16xf32>,
        tpu.vector_store_idx %arg12[%add3A_717, %iota3A], %gather3A_740 : memref<768x16xf32, #tpu.memory_space<vmem>>[vector<16xi32>, vector<16xi32>], vector<16xf32>,
        tpu.vector_store_idx %arg12[%add3A_719, %iota3A], %gather3A_741 : memref<768x16xf32, #tpu.memory_space<vmem>>[vector<16xi32>, vector<16xi32>], vector<16xf32>,
        tpu.vector_store_idx %arg12[%add3A_721, %iota3A], %gather3A_742 : memref<768x16xf32, #tpu.memory_space<vmem>>[vector<16xi32>, vector<16xi32>], vector<16xf32>,
        tpu.vector_store_idx %arg12[%add3A_723, %iota3A], %gather3A_743 : memref<768x16xf32, #tpu.memory_space<vmem>>[vector<16xi32>, vector<16xi32>], vector<16xf32>,
        tpu.vector_store_idx %arg12[%add3A_725, %iota3A], %gather3A_744 : memref<768x16xf32, #tpu.memory_space<vmem>>[vector<16xi32>, vector<16xi32>], vector<16xf32>,
        tpu.vector_store_idx %arg12[%add3A_727, %iota3A], %gather3A_745 : memref<768x16xf32, #tpu.memory_space<vmem>>[vector<16xi32>, vector<16xi32>], vector<16xf32>,
        tpu.vector_store_idx %arg12[%add3A_729, %iota3A], %gather3A_746 : memref<768x16xf32, #tpu.memory_space<vmem>>[vector<16xi32>, vector<16xi32>], vector<16xf32>,
        tpu.vector_store_idx %arg12[%add3A_731, %iota3A], %gather3A_747 : memref<768x16xf32, #tpu.memory_space<vmem>>[vector<16xi32>, vector<16xi32>], vector<16xf32>,
        tpu.vector_store_idx %arg12[%add3A_733, %iota3A], %gather3A_748 : memref<768x16xf32, #tpu.memory_space<vmem>>[vector<16xi32>, vector<16xi32>], vector<16xf32>,
      }
      %while3A_534 = arith.constant 0 : i32
      %while3A_535 = arith.constant 0 : i32
      %while3A_536 = arith.constant 48 : i32
      %while3A_537 = arith.subi %while3A_536, %while3A_535 : i32
      %while3A_538 = arith.addi %while3A_535, %while3A_537 : i32
      %while3A_539 = arith.constant 1 : i32
      %while3A_540 = arith.divsi %while3A_537, %while3A_539 : i32
      %while3A_541 = arith.muli %while3A_540, %while3A_539 : i32
      %while3A_542 = arith.addi %while3A_535, %while3A_541 : i32
      %while3A_543 = arith.constant 1 : i32
      scf.for %while3A_699 = %while3A_535 to %while3A_542 step %while3A_543  : i32 {
        %mul3A_700 = arith.constant 16 : i32
        %mul3A_701 = arith.muli %while3A_699, %mul3A_700 : i32
        %get3A = arith.constant 15 : i32
        %get3A_702 = arith.index_cast %get3A : i32 to index
        %get3A_703 = arith.index_cast %mul3A_701 : i32 to index
        %get3A_704 = tpu.vector_load %arg8[%get3A_702, %get3A_703] {strides = array<i32>} : memref<16x768xf32, #tpu.memory_space<vmem>>, vector<16xf32>,
        %swap3A = arith.index_cast %mul3A_701 : i32 to index
        %swap3A_705 = tpu.vector_load %arg14[%swap3A] {strides = array<i32>} : memref<768xf32, #tpu.memory_space<vmem>>, vector<16xf32>,
        tpu.vector_store %arg14[%swap3A], %get3A_704 {strides = array<i32>} : memref<768xf32, #tpu.memory_space<vmem>>, vector<16xf32>,
      }
      %while3A_544 = arith.constant 1 : i32
      scf.for %while3A_699 = %while3A_542 to %while3A_538 step %while3A_544  : i32 {
        %mul3A_700 = arith.constant 16 : i32
        %mul3A_701 = arith.muli %while3A_699, %mul3A_700 : i32
        %get3A = arith.constant 15 : i32
        %get3A_702 = arith.index_cast %get3A : i32 to index
        %get3A_703 = arith.index_cast %mul3A_701 : i32 to index
        %get3A_704 = tpu.vector_load %arg8[%get3A_702, %get3A_703] {strides = array<i32>} : memref<16x768xf32, #tpu.memory_space<vmem>>, vector<16xf32>,
        %swap3A = arith.index_cast %mul3A_701 : i32 to index
        %swap3A_705 = tpu.vector_load %arg14[%swap3A] {strides = array<i32>} : memref<768xf32, #tpu.memory_space<vmem>>, vector<16xf32>,
        tpu.vector_store %arg14[%swap3A], %get3A_704 {strides = array<i32>} : memref<768xf32, #tpu.memory_space<vmem>>, vector<16xf32>,
      }
      %dma_start3A_545 = arith.constant 0 : i32
      %dma_start3A_546 = arith.constant 0 : i32
      %dma_start3A_547 = arith.constant 0 : i32
      %dma_start3A_548 = arith.constant 0 : i32
      %dma_start3A_549 = tpu.memref_slice %arg12[%dma_start3A_547, %dma_start3A_548] : memref<768x16xf32, #tpu.memory_space<vmem>> -> memref<128x16xf32, #tpu.memory_space<vmem>>
      %dma_start3A_550 = arith.constant 0 : i32
      %dma_start3A_551 = tpu.memref_slice %arg10[%dma_start3A_545, %dma_start3A_546, %dma_start3A_550] : memref<6x1x128xi32, #tpu.memory_space<vmem>> -> memref<1x1x128xi32, #tpu.memory_space<vmem>>
      %dma_start3A_552 = tpu.memref_squeeze %dma_start3A_551 : memref<1x1x128xi32, #tpu.memory_space<vmem>> -> memref<128xi32, #tpu.memory_space<vmem>>
      %dma_start3A_553 = arith.constant 0 : i32
      %dma_start3A_554 = arith.constant 0 : i32
      %dma_start3A_555 = tpu.memref_slice %arg6[%dma_start3A_553, %dma_start3A_554] : memref<10000x16xf32, #tpu.memory_space<vmem_shared>> -> memref<10000x16xf32, #tpu.memory_space<vmem_shared>>
      tpu.enqueue_indirect_dma source(%dma_start3A_549 : memref<128x16xf32, #tpu.memory_space<vmem>>) target(%dma_start3A_555 : memref<10000x16xf32, #tpu.memory_space<vmem_shared>>) offsets(%dma_start3A_552 : memref<128xi32, #tpu.memory_space<vmem>>) semaphore(%arg18 : memref<!tpu.dma_semaphore, #tpu.memory_space<semaphore_mem>>) {add = true}
      %dma_start3A_556 = arith.constant 1 : i32
      %dma_start3A_557 = arith.constant 0 : i32
      %dma_start3A_558 = arith.constant 128 : i32
      %dma_start3A_559 = arith.constant 0 : i32
      %dma_start3A_560 = tpu.memref_slice %arg12[%dma_start3A_558, %dma_start3A_559] : memref<768x16xf32, #tpu.memory_space<vmem>> -> memref<128x16xf32, #tpu.memory_space<vmem>>
      %dma_start3A_561 = arith.constant 0 : i32
      %dma_start3A_562 = tpu.memref_slice %arg10[%dma_start3A_556, %dma_start3A_557, %dma_start3A_561] : memref<6x1x128xi32, #tpu.memory_space<vmem>> -> memref<1x1x128xi32, #tpu.memory_space<vmem>>
      %dma_start3A_563 = tpu.memref_squeeze %dma_start3A_562 : memref<1x1x128xi32, #tpu.memory_space<vmem>> -> memref<128xi32, #tpu.memory_space<vmem>>
      %dma_start3A_564 = arith.constant 0 : i32
      %dma_start3A_565 = arith.constant 0 : i32
      %dma_start3A_566 = tpu.memref_slice %arg6[%dma_start3A_564, %dma_start3A_565] : memref<10000x16xf32, #tpu.memory_space<vmem_shared>> -> memref<10000x16xf32, #tpu.memory_space<vmem_shared>>
      tpu.enqueue_indirect_dma source(%dma_start3A_560 : memref<128x16xf32, #tpu.memory_space<vmem>>) target(%dma_start3A_566 : memref<10000x16xf32, #tpu.memory_space<vmem_shared>>) offsets(%dma_start3A_563 : memref<128xi32, #tpu.memory_space<vmem>>) semaphore(%arg18 : memref<!tpu.dma_semaphore, #tpu.memory_space<semaphore_mem>>) {add = true}
      %dma_start3A_567 = arith.constant 2 : i32
      %dma_start3A_568 = arith.constant 0 : i32
      %dma_start3A_569 = arith.constant 256 : i32
      %dma_start3A_570 = arith.constant 0 : i32
      %dma_start3A_571 = tpu.memref_slice %arg12[%dma_start3A_569, %dma_start3A_570] : memref<768x16xf32, #tpu.memory_space<vmem>> -> memref<128x16xf32, #tpu.memory_space<vmem>>
      %dma_start3A_572 = arith.constant 0 : i32
      %dma_start3A_573 = tpu.memref_slice %arg10[%dma_start3A_567, %dma_start3A_568, %dma_start3A_572] : memref<6x1x128xi32, #tpu.memory_space<vmem>> -> memref<1x1x128xi32, #tpu.memory_space<vmem>>
      %dma_start3A_574 = tpu.memref_squeeze %dma_start3A_573 : memref<1x1x128xi32, #tpu.memory_space<vmem>> -> memref<128xi32, #tpu.memory_space<vmem>>
      %dma_start3A_575 = arith.constant 0 : i32
      %dma_start3A_576 = arith.constant 0 : i32
      %dma_start3A_577 = tpu.memref_slice %arg6[%dma_start3A_575, %dma_start3A_576] : memref<10000x16xf32, #tpu.memory_space<vmem_shared>> -> memref<10000x16xf32, #tpu.memory_space<vmem_shared>>
      tpu.enqueue_indirect_dma source(%dma_start3A_571 : memref<128x16xf32, #tpu.memory_space<vmem>>) target(%dma_start3A_577 : memref<10000x16xf32, #tpu.memory_space<vmem_shared>>) offsets(%dma_start3A_574 : memref<128xi32, #tpu.memory_space<vmem>>) semaphore(%arg18 : memref<!tpu.dma_semaphore, #tpu.memory_space<semaphore_mem>>) {add = true}
      %dma_start3A_578 = arith.constant 3 : i32
      %dma_start3A_579 = arith.constant 0 : i32
      %dma_start3A_580 = arith.constant 384 : i32
      %dma_start3A_581 = arith.constant 0 : i32
      %dma_start3A_582 = tpu.memref_slice %arg12[%dma_start3A_580, %dma_start3A_581] : memref<768x16xf32, #tpu.memory_space<vmem>> -> memref<128x16xf32, #tpu.memory_space<vmem>>
      %dma_start3A_583 = arith.constant 0 : i32
      %dma_start3A_584 = tpu.memref_slice %arg10[%dma_start3A_578, %dma_start3A_579, %dma_start3A_583] : memref<6x1x128xi32, #tpu.memory_space<vmem>> -> memref<1x1x128xi32, #tpu.memory_space<vmem>>
      %dma_start3A_585 = tpu.memref_squeeze %dma_start3A_584 : memref<1x1x128xi32, #tpu.memory_space<vmem>> -> memref<128xi32, #tpu.memory_space<vmem>>
      %dma_start3A_586 = arith.constant 0 : i32
      %dma_start3A_587 = arith.constant 0 : i32
      %dma_start3A_588 = tpu.memref_slice %arg6[%dma_start3A_586, %dma_start3A_587] : memref<10000x16xf32, #tpu.memory_space<vmem_shared>> -> memref<10000x16xf32, #tpu.memory_space<vmem_shared>>
      tpu.enqueue_indirect_dma source(%dma_start3A_582 : memref<128x16xf32, #tpu.memory_space<vmem>>) target(%dma_start3A_588 : memref<10000x16xf32, #tpu.memory_space<vmem_shared>>) offsets(%dma_start3A_585 : memref<128xi32, #tpu.memory_space<vmem>>) semaphore(%arg18 : memref<!tpu.dma_semaphore, #tpu.memory_space<semaphore_mem>>) {add = true}
      %dma_start3A_589 = arith.constant 4 : i32
      %dma_start3A_590 = arith.constant 0 : i32
      %dma_start3A_591 = arith.constant 512 : i32
      %dma_start3A_592 = arith.constant 0 : i32
      %dma_start3A_593 = tpu.memref_slice %arg12[%dma_start3A_591, %dma_start3A_592] : memref<768x16xf32, #tpu.memory_space<vmem>> -> memref<128x16xf32, #tpu.memory_space<vmem>>
      %dma_start3A_594 = arith.constant 0 : i32
      %dma_start3A_595 = tpu.memref_slice %arg10[%dma_start3A_589, %dma_start3A_590, %dma_start3A_594] : memref<6x1x128xi32, #tpu.memory_space<vmem>> -> memref<1x1x128xi32, #tpu.memory_space<vmem>>
      %dma_start3A_596 = tpu.memref_squeeze %dma_start3A_595 : memref<1x1x128xi32, #tpu.memory_space<vmem>> -> memref<128xi32, #tpu.memory_space<vmem>>
      %dma_start3A_597 = arith.constant 0 : i32
      %dma_start3A_598 = arith.constant 0 : i32
      %dma_start3A_599 = tpu.memref_slice %arg6[%dma_start3A_597, %dma_start3A_598] : memref<10000x16xf32, #tpu.memory_space<vmem_shared>> -> memref<10000x16xf32, #tpu.memory_space<vmem_shared>>
      tpu.enqueue_indirect_dma source(%dma_start3A_593 : memref<128x16xf32, #tpu.memory_space<vmem>>) target(%dma_start3A_599 : memref<10000x16xf32, #tpu.memory_space<vmem_shared>>) offsets(%dma_start3A_596 : memref<128xi32, #tpu.memory_space<vmem>>) semaphore(%arg18 : memref<!tpu.dma_semaphore, #tpu.memory_space<semaphore_mem>>) {add = true}
      %dma_start3A_600 = arith.constant 5 : i32
      %dma_start3A_601 = arith.constant 0 : i32
      %dma_start3A_602 = arith.constant 640 : i32
      %dma_start3A_603 = arith.constant 0 : i32
      %dma_start3A_604 = tpu.memref_slice %arg12[%dma_start3A_602, %dma_start3A_603] : memref<768x16xf32, #tpu.memory_space<vmem>> -> memref<128x16xf32, #tpu.memory_space<vmem>>
      %dma_start3A_605 = arith.constant 0 : i32
      %dma_start3A_606 = tpu.memref_slice %arg10[%dma_start3A_600, %dma_start3A_601, %dma_start3A_605] : memref<6x1x128xi32, #tpu.memory_space<vmem>> -> memref<1x1x128xi32, #tpu.memory_space<vmem>>
      %dma_start3A_607 = tpu.memref_squeeze %dma_start3A_606 : memref<1x1x128xi32, #tpu.memory_space<vmem>> -> memref<128xi32, #tpu.memory_space<vmem>>
      %dma_start3A_608 = arith.constant 0 : i32
      %dma_start3A_609 = arith.constant 0 : i32
      %dma_start3A_610 = tpu.memref_slice %arg6[%dma_start3A_608, %dma_start3A_609] : memref<10000x16xf32, #tpu.memory_space<vmem_shared>> -> memref<10000x16xf32, #tpu.memory_space<vmem_shared>>
      tpu.enqueue_indirect_dma source(%dma_start3A_604 : memref<128x16xf32, #tpu.memory_space<vmem>>) target(%dma_start3A_610 : memref<10000x16xf32, #tpu.memory_space<vmem_shared>>) offsets(%dma_start3A_607 : memref<128xi32, #tpu.memory_space<vmem>>) semaphore(%arg18 : memref<!tpu.dma_semaphore, #tpu.memory_space<semaphore_mem>>) {add = true}
      %mul3A_611 = arith.constant 128 : i32
      %mul3A_612 = arith.muli %add3A_390, %mul3A_611 : i32
      %dma_start3A_613 = tpu.memref_slice %arg5[%mul3A_612] : memref<320000xf32, #tpu.memory_space<hbm>> -> memref<768xf32, #tpu.memory_space<hbm>>
      %dma_start3A_614 = tpu.memref_slice %arg5[%mul3A_612] : memref<320000xf32, #tpu.memory_space<hbm>> -> memref<768xf32, #tpu.memory_space<hbm>>
      tpu.enqueue_dma source(%arg14 : memref<768xf32, #tpu.memory_space<vmem>>) target(%dma_start3A_614 : memref<768xf32, #tpu.memory_space<hbm>>) target_semaphore(%arg20 : memref<!tpu.dma_semaphore, #tpu.memory_space<semaphore_mem>>)
      %dma_wait3A_615 = arith.constant 0 : i32
      %dma_wait3A_616 = arith.constant 0 : i32
      %dma_wait3A_617 = arith.constant 0 : i32
      %dma_wait3A_618 = arith.constant 0 : i32
      %dma_wait3A_619 = tpu.memref_slice %arg11[%dma_wait3A_617, %dma_wait3A_618] : memref<768x16xf32, #tpu.memory_space<vmem>> -> memref<128x16xf32, #tpu.memory_space<vmem>>
      %dma_wait3A_620 = arith.constant 0 : i32
      %dma_wait3A_621 = tpu.memref_slice %arg9[%dma_wait3A_615, %dma_wait3A_616, %dma_wait3A_620] : memref<6x1x128xi32, #tpu.memory_space<vmem>> -> memref<1x1x128xi32, #tpu.memory_space<vmem>>
      %dma_wait3A_622 = tpu.memref_squeeze %dma_wait3A_621 : memref<1x1x128xi32, #tpu.memory_space<vmem>> -> memref<128xi32, #tpu.memory_space<vmem>>
      %dma_wait3A_623 = arith.constant 0 : i32
      %dma_wait3A_624 = arith.constant 0 : i32
      %dma_wait3A_625 = tpu.memref_slice %arg6[%dma_wait3A_623, %dma_wait3A_624] : memref<10000x16xf32, #tpu.memory_space<vmem_shared>> -> memref<10000x16xf32, #tpu.memory_space<vmem_shared>>
      tpu.wait_indirect_dma semaphore(%arg17 : memref<!tpu.dma_semaphore, #tpu.memory_space<semaphore_mem>>) src(%dma_wait3A_619 : memref<128x16xf32, #tpu.memory_space<vmem>>) dst(%dma_wait3A_625 : memref<10000x16xf32, #tpu.memory_space<vmem_shared>>)
      %dma_wait3A_626 = arith.constant 1 : i32
      %dma_wait3A_627 = arith.constant 0 : i32
      %dma_wait3A_628 = arith.constant 128 : i32
      %dma_wait3A_629 = arith.constant 0 : i32
      %dma_wait3A_630 = tpu.memref_slice %arg11[%dma_wait3A_628, %dma_wait3A_629] : memref<768x16xf32, #tpu.memory_space<vmem>> -> memref<128x16xf32, #tpu.memory_space<vmem>>
      %dma_wait3A_631 = arith.constant 0 : i32
      %dma_wait3A_632 = tpu.memref_slice %arg9[%dma_wait3A_626, %dma_wait3A_627, %dma_wait3A_631] : memref<6x1x128xi32, #tpu.memory_space<vmem>> -> memref<1x1x128xi32, #tpu.memory_space<vmem>>
      %dma_wait3A_633 = tpu.memref_squeeze %dma_wait3A_632 : memref<1x1x128xi32, #tpu.memory_space<vmem>> -> memref<128xi32, #tpu.memory_space<vmem>>
      %dma_wait3A_634 = arith.constant 0 : i32
      %dma_wait3A_635 = arith.constant 0 : i32
      %dma_wait3A_636 = tpu.memref_slice %arg6[%dma_wait3A_634, %dma_wait3A_635] : memref<10000x16xf32, #tpu.memory_space<vmem_shared>> -> memref<10000x16xf32, #tpu.memory_space<vmem_shared>>
      tpu.wait_indirect_dma semaphore(%arg17 : memref<!tpu.dma_semaphore, #tpu.memory_space<semaphore_mem>>) src(%dma_wait3A_630 : memref<128x16xf32, #tpu.memory_space<vmem>>) dst(%dma_wait3A_636 : memref<10000x16xf32, #tpu.memory_space<vmem_shared>>)
      %dma_wait3A_637 = arith.constant 2 : i32
      %dma_wait3A_638 = arith.constant 0 : i32
      %dma_wait3A_639 = arith.constant 256 : i32
      %dma_wait3A_640 = arith.constant 0 : i32
      %dma_wait3A_641 = tpu.memref_slice %arg11[%dma_wait3A_639, %dma_wait3A_640] : memref<768x16xf32, #tpu.memory_space<vmem>> -> memref<128x16xf32, #tpu.memory_space<vmem>>
      %dma_wait3A_642 = arith.constant 0 : i32
      %dma_wait3A_643 = tpu.memref_slice %arg9[%dma_wait3A_637, %dma_wait3A_638, %dma_wait3A_642] : memref<6x1x128xi32, #tpu.memory_space<vmem>> -> memref<1x1x128xi32, #tpu.memory_space<vmem>>
      %dma_wait3A_644 = tpu.memref_squeeze %dma_wait3A_643 : memref<1x1x128xi32, #tpu.memory_space<vmem>> -> memref<128xi32, #tpu.memory_space<vmem>>
      %dma_wait3A_645 = arith.constant 0 : i32
      %dma_wait3A_646 = arith.constant 0 : i32
      %dma_wait3A_647 = tpu.memref_slice %arg6[%dma_wait3A_645, %dma_wait3A_646] : memref<10000x16xf32, #tpu.memory_space<vmem_shared>> -> memref<10000x16xf32, #tpu.memory_space<vmem_shared>>
      tpu.wait_indirect_dma semaphore(%arg17 : memref<!tpu.dma_semaphore, #tpu.memory_space<semaphore_mem>>) src(%dma_wait3A_641 : memref<128x16xf32, #tpu.memory_space<vmem>>) dst(%dma_wait3A_647 : memref<10000x16xf32, #tpu.memory_space<vmem_shared>>)
      %dma_wait3A_648 = arith.constant 3 : i32
      %dma_wait3A_649 = arith.constant 0 : i32
      %dma_wait3A_650 = arith.constant 384 : i32
      %dma_wait3A_651 = arith.constant 0 : i32
      %dma_wait3A_652 = tpu.memref_slice %arg11[%dma_wait3A_650, %dma_wait3A_651] : memref<768x16xf32, #tpu.memory_space<vmem>> -> memref<128x16xf32, #tpu.memory_space<vmem>>
      %dma_wait3A_653 = arith.constant 0 : i32
      %dma_wait3A_654 = tpu.memref_slice %arg9[%dma_wait3A_648, %dma_wait3A_649, %dma_wait3A_653] : memref<6x1x128xi32, #tpu.memory_space<vmem>> -> memref<1x1x128xi32, #tpu.memory_space<vmem>>
      %dma_wait3A_655 = tpu.memref_squeeze %dma_wait3A_654 : memref<1x1x128xi32, #tpu.memory_space<vmem>> -> memref<128xi32, #tpu.memory_space<vmem>>
      %dma_wait3A_656 = arith.constant 0 : i32
      %dma_wait3A_657 = arith.constant 0 : i32
      %dma_wait3A_658 = tpu.memref_slice %arg6[%dma_wait3A_656, %dma_wait3A_657] : memref<10000x16xf32, #tpu.memory_space<vmem_shared>> -> memref<10000x16xf32, #tpu.memory_space<vmem_shared>>
      tpu.wait_indirect_dma semaphore(%arg17 : memref<!tpu.dma_semaphore, #tpu.memory_space<semaphore_mem>>) src(%dma_wait3A_652 : memref<128x16xf32, #tpu.memory_space<vmem>>) dst(%dma_wait3A_658 : memref<10000x16xf32, #tpu.memory_space<vmem_shared>>)
      %dma_wait3A_659 = arith.constant 4 : i32
      %dma_wait3A_660 = arith.constant 0 : i32
      %dma_wait3A_661 = arith.constant 512 : i32
      %dma_wait3A_662 = arith.constant 0 : i32
      %dma_wait3A_663 = tpu.memref_slice %arg11[%dma_wait3A_661, %dma_wait3A_662] : memref<768x16xf32, #tpu.memory_space<vmem>> -> memref<128x16xf32, #tpu.memory_space<vmem>>
      %dma_wait3A_664 = arith.constant 0 : i32
      %dma_wait3A_665 = tpu.memref_slice %arg9[%dma_wait3A_659, %dma_wait3A_660, %dma_wait3A_664] : memref<6x1x128xi32, #tpu.memory_space<vmem>> -> memref<1x1x128xi32, #tpu.memory_space<vmem>>
      %dma_wait3A_666 = tpu.memref_squeeze %dma_wait3A_665 : memref<1x1x128xi32, #tpu.memory_space<vmem>> -> memref<128xi32, #tpu.memory_space<vmem>>
      %dma_wait3A_667 = arith.constant 0 : i32
      %dma_wait3A_668 = arith.constant 0 : i32
      %dma_wait3A_669 = tpu.memref_slice %arg6[%dma_wait3A_667, %dma_wait3A_668] : memref<10000x16xf32, #tpu.memory_space<vmem_shared>> -> memref<10000x16xf32, #tpu.memory_space<vmem_shared>>
      tpu.wait_indirect_dma semaphore(%arg17 : memref<!tpu.dma_semaphore, #tpu.memory_space<semaphore_mem>>) src(%dma_wait3A_663 : memref<128x16xf32, #tpu.memory_space<vmem>>) dst(%dma_wait3A_669 : memref<10000x16xf32, #tpu.memory_space<vmem_shared>>)
      %dma_wait3A_670 = arith.constant 5 : i32
      %dma_wait3A_671 = arith.constant 0 : i32
      %dma_wait3A_672 = arith.constant 640 : i32
      %dma_wait3A_673 = arith.constant 0 : i32
      %dma_wait3A_674 = tpu.memref_slice %arg11[%dma_wait3A_672, %dma_wait3A_673] : memref<768x16xf32, #tpu.memory_space<vmem>> -> memref<128x16xf32, #tpu.memory_space<vmem>>
      %dma_wait3A_675 = arith.constant 0 : i32
      %dma_wait3A_676 = tpu.memref_slice %arg9[%dma_wait3A_670, %dma_wait3A_671, %dma_wait3A_675] : memref<6x1x128xi32, #tpu.memory_space<vmem>> -> memref<1x1x128xi32, #tpu.memory_space<vmem>>
      %dma_wait3A_677 = tpu.memref_squeeze %dma_wait3A_676 : memref<1x1x128xi32, #tpu.memory_space<vmem>> -> memref<128xi32, #tpu.memory_space<vmem>>
      %dma_wait3A_678 = arith.constant 0 : i32
      %dma_wait3A_679 = arith.constant 0 : i32
      %dma_wait3A_680 = tpu.memref_slice %arg6[%dma_wait3A_678, %dma_wait3A_679] : memref<10000x16xf32, #tpu.memory_space<vmem_shared>> -> memref<10000x16xf32, #tpu.memory_space<vmem_shared>>
      tpu.wait_indirect_dma semaphore(%arg17 : memref<!tpu.dma_semaphore, #tpu.memory_space<semaphore_mem>>) src(%dma_wait3A_674 : memref<128x16xf32, #tpu.memory_space<vmem>>) dst(%dma_wait3A_680 : memref<10000x16xf32, #tpu.memory_space<vmem_shared>>)
      %mul3A_681 = arith.constant 128 : i32
      %mul3A_682 = arith.muli %add3A_388, %mul3A_681 : i32
      %dma_wait3A_683 = tpu.memref_slice %arg5[%mul3A_682] : memref<320000xf32, #tpu.memory_space<hbm>> -> memref<768xf32, #tpu.memory_space<hbm>>
      %dma_wait3A_684 = tpu.memref_slice %arg5[%mul3A_682] : memref<320000xf32, #tpu.memory_space<hbm>> -> memref<768xf32, #tpu.memory_space<hbm>>
      tpu.wait_dma2 semaphore(%arg19 : memref<!tpu.dma_semaphore, #tpu.memory_space<semaphore_mem>>) src(%arg13 : memref<768xf32, #tpu.memory_space<vmem>>) dst(%dma_wait3A_684 : memref<768xf32, #tpu.memory_space<hbm>>)
      %add3A_685 = arith.constant 12 : i32
      %add3A_686 = arith.addi %add3A_388, %add3A_685 : i32
      %mul3A_687 = arith.constant 128 : i32
      %mul3A_688 = arith.muli %add3A_686, %mul3A_687 : i32
      %dma_start3A_689 = arith.constant 0 : i32
      %dma_start3A_690 = tpu.memref_slice %arg2[%dma_start3A_689, %mul3A_688] : memref<16x320000xf32, #tpu.memory_space<hbm>> -> memref<16x768xf32, #tpu.memory_space<hbm>>
      %dma_start3A_691 = arith.constant 0 : i32
      %dma_start3A_692 = tpu.memref_slice %arg2[%dma_start3A_691, %mul3A_688] : memref<16x320000xf32, #tpu.memory_space<hbm>> -> memref<16x768xf32, #tpu.memory_space<hbm>>
      tpu.enqueue_dma source(%dma_start3A_692 : memref<16x768xf32, #tpu.memory_space<hbm>>) target(%arg7 : memref<16x768xf32, #tpu.memory_space<vmem>>) target_semaphore(%arg15 : memref<!tpu.dma_semaphore, #tpu.memory_space<semaphore_mem>>)
      %dma_start3A_693 = arith.constant 1 : i32
      %dma_start3A_694 = arith.constant 0 : i32
      %dma_start3A_695 = tpu.memref_slice %arg3[%add3A_686, %dma_start3A_693, %dma_start3A_694] : memref<2500x2x128xi32, #tpu.memory_space<hbm>> -> memref<6x1x128xi32, #tpu.memory_space<hbm>>
      %dma_start3A_696 = arith.constant 1 : i32
      %dma_start3A_697 = arith.constant 0 : i32
      %dma_start3A_698 = tpu.memref_slice %arg3[%add3A_686, %dma_start3A_696, %dma_start3A_697] : memref<2500x2x128xi32, #tpu.memory_space<hbm>> -> memref<6x1x128xi32, #tpu.memory_space<hbm>>
      tpu.enqueue_dma source(%dma_start3A_698 : memref<6x1x128xi32, #tpu.memory_space<hbm>>) target(%arg9 : memref<6x1x128xi32, #tpu.memory_space<vmem>>) target_semaphore(%arg15 : memref<!tpu.dma_semaphore, #tpu.memory_space<semaphore_mem>>)
    }
    %while3A_132 = arith.constant 1 : i32
    scf.for %while3A_385 = %while3A_130 to %while3A_126 step %while3A_132  : i32 {
      %mul3A_386 = arith.constant 12 : i32
      %mul3A_387 = arith.muli %while3A_385, %mul3A_386 : i32
      %add3A_388 = arith.addi %mul3A_2, %mul3A_387 : i32
      %add3A_389 = arith.constant 6 : i32
      %add3A_390 = arith.addi %add3A_388, %add3A_389 : i32
      %mul3A_391 = arith.constant 128 : i32
      %mul3A_392 = arith.muli %add3A_388, %mul3A_391 : i32
      %dma_wait3A_393 = arith.constant 0 : i32
      %dma_wait3A_394 = tpu.memref_slice %arg2[%dma_wait3A_393, %mul3A_392] : memref<16x320000xf32, #tpu.memory_space<hbm>> -> memref<16x768xf32, #tpu.memory_space<hbm>>
      %dma_wait3A_395 = arith.constant 0 : i32
      %dma_wait3A_396 = tpu.memref_slice %arg2[%dma_wait3A_395, %mul3A_392] : memref<16x320000xf32, #tpu.memory_space<hbm>> -> memref<16x768xf32, #tpu.memory_space<hbm>>
      tpu.wait_dma2 semaphore(%arg15 : memref<!tpu.dma_semaphore, #tpu.memory_space<semaphore_mem>>) src(%dma_wait3A_396 : memref<16x768xf32, #tpu.memory_space<hbm>>) dst(%arg7 : memref<16x768xf32, #tpu.memory_space<vmem>>)
      %dma_wait3A_397 = arith.constant 1 : i32
      %dma_wait3A_398 = arith.constant 0 : i32
      %dma_wait3A_399 = tpu.memref_slice %arg3[%add3A_388, %dma_wait3A_397, %dma_wait3A_398] : memref<2500x2x128xi32, #tpu.memory_space<hbm>> -> memref<6x1x128xi32, #tpu.memory_space<hbm>>
      %dma_wait3A_400 = arith.constant 1 : i32
      %dma_wait3A_401 = arith.constant 0 : i32
      %dma_wait3A_402 = tpu.memref_slice %arg3[%add3A_388, %dma_wait3A_400, %dma_wait3A_401] : memref<2500x2x128xi32, #tpu.memory_space<hbm>> -> memref<6x1x128xi32, #tpu.memory_space<hbm>>
      tpu.wait_dma2 semaphore(%arg15 : memref<!tpu.dma_semaphore, #tpu.memory_space<semaphore_mem>>) src(%dma_wait3A_402 : memref<6x1x128xi32, #tpu.memory_space<hbm>>) dst(%arg9 : memref<6x1x128xi32, #tpu.memory_space<vmem>>)
      %gt3A = arith.constant 0 : i32
      %gt3A_403 = arith.cmpi sgt, %while3A_385, %gt3A : i32
      %convert_element_type3A_404 = arith.extui %gt3A_403 : i1 to i32
      %cond3A_405 = arith.constant 0 : i32
      %cond3A_406 = arith.cmpi ne, %convert_element_type3A_404, %cond3A_405 : i32
      scf.if %cond3A_406 {
        %dma_wait3A_699 = arith.constant 0 : i32
        %dma_wait3A_700 = arith.constant 0 : i32
        %dma_wait3A_701 = arith.constant 0 : i32
        %dma_wait3A_702 = arith.constant 0 : i32
        %dma_wait3A_703 = tpu.memref_slice %arg12[%dma_wait3A_701, %dma_wait3A_702] : memref<768x16xf32, #tpu.memory_space<vmem>> -> memref<128x16xf32, #tpu.memory_space<vmem>>
        %dma_wait3A_704 = arith.constant 0 : i32
        %dma_wait3A_705 = tpu.memref_slice %arg10[%dma_wait3A_699, %dma_wait3A_700, %dma_wait3A_704] : memref<6x1x128xi32, #tpu.memory_space<vmem>> -> memref<1x1x128xi32, #tpu.memory_space<vmem>>
        %dma_wait3A_706 = tpu.memref_squeeze %dma_wait3A_705 : memref<1x1x128xi32, #tpu.memory_space<vmem>> -> memref<128xi32, #tpu.memory_space<vmem>>
        %dma_wait3A_707 = arith.constant 0 : i32
        %dma_wait3A_708 = arith.constant 0 : i32
        %dma_wait3A_709 = tpu.memref_slice %arg6[%dma_wait3A_707, %dma_wait3A_708] : memref<10000x16xf32, #tpu.memory_space<vmem_shared>> -> memref<10000x16xf32, #tpu.memory_space<vmem_shared>>
        tpu.wait_indirect_dma semaphore(%arg18 : memref<!tpu.dma_semaphore, #tpu.memory_space<semaphore_mem>>) src(%dma_wait3A_703 : memref<128x16xf32, #tpu.memory_space<vmem>>) dst(%dma_wait3A_709 : memref<10000x16xf32, #tpu.memory_space<vmem_shared>>)
        %dma_wait3A_710 = arith.constant 1 : i32
        %dma_wait3A_711 = arith.constant 0 : i32
        %dma_wait3A_712 = arith.constant 128 : i32
        %dma_wait3A_713 = arith.constant 0 : i32
        %dma_wait3A_714 = tpu.memref_slice %arg12[%dma_wait3A_712, %dma_wait3A_713] : memref<768x16xf32, #tpu.memory_space<vmem>> -> memref<128x16xf32, #tpu.memory_space<vmem>>
        %dma_wait3A_715 = arith.constant 0 : i32
        %dma_wait3A_716 = tpu.memref_slice %arg10[%dma_wait3A_710, %dma_wait3A_711, %dma_wait3A_715] : memref<6x1x128xi32, #tpu.memory_space<vmem>> -> memref<1x1x128xi32, #tpu.memory_space<vmem>>
        %dma_wait3A_717 = tpu.memref_squeeze %dma_wait3A_716 : memref<1x1x128xi32, #tpu.memory_space<vmem>> -> memref<128xi32, #tpu.memory_space<vmem>>
        %dma_wait3A_718 = arith.constant 0 : i32
        %dma_wait3A_719 = arith.constant 0 : i32
        %dma_wait3A_720 = tpu.memref_slice %arg6[%dma_wait3A_718, %dma_wait3A_719] : memref<10000x16xf32, #tpu.memory_space<vmem_shared>> -> memref<10000x16xf32, #tpu.memory_space<vmem_shared>>
        tpu.wait_indirect_dma semaphore(%arg18 : memref<!tpu.dma_semaphore, #tpu.memory_space<semaphore_mem>>) src(%dma_wait3A_714 : memref<128x16xf32, #tpu.memory_space<vmem>>) dst(%dma_wait3A_720 : memref<10000x16xf32, #tpu.memory_space<vmem_shared>>)
        %dma_wait3A_721 = arith.constant 2 : i32
        %dma_wait3A_722 = arith.constant 0 : i32
        %dma_wait3A_723 = arith.constant 256 : i32
        %dma_wait3A_724 = arith.constant 0 : i32
        %dma_wait3A_725 = tpu.memref_slice %arg12[%dma_wait3A_723, %dma_wait3A_724] : memref<768x16xf32, #tpu.memory_space<vmem>> -> memref<128x16xf32, #tpu.memory_space<vmem>>
        %dma_wait3A_726 = arith.constant 0 : i32
        %dma_wait3A_727 = tpu.memref_slice %arg10[%dma_wait3A_721, %dma_wait3A_722, %dma_wait3A_726] : memref<6x1x128xi32, #tpu.memory_space<vmem>> -> memref<1x1x128xi32, #tpu.memory_space<vmem>>
        %dma_wait3A_728 = tpu.memref_squeeze %dma_wait3A_727 : memref<1x1x128xi32, #tpu.memory_space<vmem>> -> memref<128xi32, #tpu.memory_space<vmem>>
        %dma_wait3A_729 = arith.constant 0 : i32
        %dma_wait3A_730 = arith.constant 0 : i32
        %dma_wait3A_731 = tpu.memref_slice %arg6[%dma_wait3A_729, %dma_wait3A_730] : memref<10000x16xf32, #tpu.memory_space<vmem_shared>> -> memref<10000x16xf32, #tpu.memory_space<vmem_shared>>
        tpu.wait_indirect_dma semaphore(%arg18 : memref<!tpu.dma_semaphore, #tpu.memory_space<semaphore_mem>>) src(%dma_wait3A_725 : memref<128x16xf32, #tpu.memory_space<vmem>>) dst(%dma_wait3A_731 : memref<10000x16xf32, #tpu.memory_space<vmem_shared>>)
        %dma_wait3A_732 = arith.constant 3 : i32
        %dma_wait3A_733 = arith.constant 0 : i32
        %dma_wait3A_734 = arith.constant 384 : i32
        %dma_wait3A_735 = arith.constant 0 : i32
        %dma_wait3A_736 = tpu.memref_slice %arg12[%dma_wait3A_734, %dma_wait3A_735] : memref<768x16xf32, #tpu.memory_space<vmem>> -> memref<128x16xf32, #tpu.memory_space<vmem>>
        %dma_wait3A_737 = arith.constant 0 : i32
        %dma_wait3A_738 = tpu.memref_slice %arg10[%dma_wait3A_732, %dma_wait3A_733, %dma_wait3A_737] : memref<6x1x128xi32, #tpu.memory_space<vmem>> -> memref<1x1x128xi32, #tpu.memory_space<vmem>>
        %dma_wait3A_739 = tpu.memref_squeeze %dma_wait3A_738 : memref<1x1x128xi32, #tpu.memory_space<vmem>> -> memref<128xi32, #tpu.memory_space<vmem>>
        %dma_wait3A_740 = arith.constant 0 : i32
        %dma_wait3A_741 = arith.constant 0 : i32
        %dma_wait3A_742 = tpu.memref_slice %arg6[%dma_wait3A_740, %dma_wait3A_741] : memref<10000x16xf32, #tpu.memory_space<vmem_shared>> -> memref<10000x16xf32, #tpu.memory_space<vmem_shared>>
        tpu.wait_indirect_dma semaphore(%arg18 : memref<!tpu.dma_semaphore, #tpu.memory_space<semaphore_mem>>) src(%dma_wait3A_736 : memref<128x16xf32, #tpu.memory_space<vmem>>) dst(%dma_wait3A_742 : memref<10000x16xf32, #tpu.memory_space<vmem_shared>>)
        %dma_wait3A_743 = arith.constant 4 : i32
        %dma_wait3A_744 = arith.constant 0 : i32
        %dma_wait3A_745 = arith.constant 512 : i32
        %dma_wait3A_746 = arith.constant 0 : i32
        %dma_wait3A_747 = tpu.memref_slice %arg12[%dma_wait3A_745, %dma_wait3A_746] : memref<768x16xf32, #tpu.memory_space<vmem>> -> memref<128x16xf32, #tpu.memory_space<vmem>>
        %dma_wait3A_748 = arith.constant 0 : i32
        %dma_wait3A_749 = tpu.memref_slice %arg10[%dma_wait3A_743, %dma_wait3A_744, %dma_wait3A_748] : memref<6x1x128xi32, #tpu.memory_space<vmem>> -> memref<1x1x128xi32, #tpu.memory_space<vmem>>
        %dma_wait3A_750 = tpu.memref_squeeze %dma_wait3A_749 : memref<1x1x128xi32, #tpu.memory_space<vmem>> -> memref<128xi32, #tpu.memory_space<vmem>>
        %dma_wait3A_751 = arith.constant 0 : i32
        %dma_wait3A_752 = arith.constant 0 : i32
        %dma_wait3A_753 = tpu.memref_slice %arg6[%dma_wait3A_751, %dma_wait3A_752] : memref<10000x16xf32, #tpu.memory_space<vmem_shared>> -> memref<10000x16xf32, #tpu.memory_space<vmem_shared>>
        tpu.wait_indirect_dma semaphore(%arg18 : memref<!tpu.dma_semaphore, #tpu.memory_space<semaphore_mem>>) src(%dma_wait3A_747 : memref<128x16xf32, #tpu.memory_space<vmem>>) dst(%dma_wait3A_753 : memref<10000x16xf32, #tpu.memory_space<vmem_shared>>)
        %dma_wait3A_754 = arith.constant 5 : i32
        %dma_wait3A_755 = arith.constant 0 : i32
        %dma_wait3A_756 = arith.constant 640 : i32
        %dma_wait3A_757 = arith.constant 0 : i32
        %dma_wait3A_758 = tpu.memref_slice %arg12[%dma_wait3A_756, %dma_wait3A_757] : memref<768x16xf32, #tpu.memory_space<vmem>> -> memref<128x16xf32, #tpu.memory_space<vmem>>
        %dma_wait3A_759 = arith.constant 0 : i32
        %dma_wait3A_760 = tpu.memref_slice %arg10[%dma_wait3A_754, %dma_wait3A_755, %dma_wait3A_759] : memref<6x1x128xi32, #tpu.memory_space<vmem>> -> memref<1x1x128xi32, #tpu.memory_space<vmem>>
        %dma_wait3A_761 = tpu.memref_squeeze %dma_wait3A_760 : memref<1x1x128xi32, #tpu.memory_space<vmem>> -> memref<128xi32, #tpu.memory_space<vmem>>
        %dma_wait3A_762 = arith.constant 0 : i32
        %dma_wait3A_763 = arith.constant 0 : i32
        %dma_wait3A_764 = tpu.memref_slice %arg6[%dma_wait3A_762, %dma_wait3A_763] : memref<10000x16xf32, #tpu.memory_space<vmem_shared>> -> memref<10000x16xf32, #tpu.memory_space<vmem_shared>>
        tpu.wait_indirect_dma semaphore(%arg18 : memref<!tpu.dma_semaphore, #tpu.memory_space<semaphore_mem>>) src(%dma_wait3A_758 : memref<128x16xf32, #tpu.memory_space<vmem>>) dst(%dma_wait3A_764 : memref<10000x16xf32, #tpu.memory_space<vmem_shared>>)
        %mul3A_765 = arith.constant 128 : i32
        %mul3A_766 = arith.muli %add3A_390, %mul3A_765 : i32
        %dma_wait3A_767 = tpu.memref_slice %arg5[%mul3A_766] : memref<320000xf32, #tpu.memory_space<hbm>> -> memref<768xf32, #tpu.memory_space<hbm>>
        %dma_wait3A_768 = tpu.memref_slice %arg5[%mul3A_766] : memref<320000xf32, #tpu.memory_space<hbm>> -> memref<768xf32, #tpu.memory_space<hbm>>
        tpu.wait_dma2 semaphore(%arg20 : memref<!tpu.dma_semaphore, #tpu.memory_space<semaphore_mem>>) src(%arg14 : memref<768xf32, #tpu.memory_space<vmem>>) dst(%dma_wait3A_768 : memref<768xf32, #tpu.memory_space<hbm>>)
      } else {
      }
      %mul3A_407 = arith.constant 128 : i32
      %mul3A_408 = arith.muli %add3A_390, %mul3A_407 : i32
      %dma_start3A_409 = arith.constant 0 : i32
      %dma_start3A_410 = tpu.memref_slice %arg2[%dma_start3A_409, %mul3A_408] : memref<16x320000xf32, #tpu.memory_space<hbm>> -> memref<16x768xf32, #tpu.memory_space<hbm>>
      %dma_start3A_411 = arith.constant 0 : i32
      %dma_start3A_412 = tpu.memref_slice %arg2[%dma_start3A_411, %mul3A_408] : memref<16x320000xf32, #tpu.memory_space<hbm>> -> memref<16x768xf32, #tpu.memory_space<hbm>>
      tpu.enqueue_dma source(%dma_start3A_412 : memref<16x768xf32, #tpu.memory_space<hbm>>) target(%arg8 : memref<16x768xf32, #tpu.memory_space<vmem>>) target_semaphore(%arg16 : memref<!tpu.dma_semaphore, #tpu.memory_space<semaphore_mem>>)
      %dma_start3A_413 = arith.constant 1 : i32
      %dma_start3A_414 = arith.constant 0 : i32
      %dma_start3A_415 = tpu.memref_slice %arg3[%add3A_390, %dma_start3A_413, %dma_start3A_414] : memref<2500x2x128xi32, #tpu.memory_space<hbm>> -> memref<6x1x128xi32, #tpu.memory_space<hbm>>
      %dma_start3A_416 = arith.constant 1 : i32
      %dma_start3A_417 = arith.constant 0 : i32
      %dma_start3A_418 = tpu.memref_slice %arg3[%add3A_390, %dma_start3A_416, %dma_start3A_417] : memref<2500x2x128xi32, #tpu.memory_space<hbm>> -> memref<6x1x128xi32, #tpu.memory_space<hbm>>
      tpu.enqueue_dma source(%dma_start3A_418 : memref<6x1x128xi32, #tpu.memory_space<hbm>>) target(%arg10 : memref<6x1x128xi32, #tpu.memory_space<vmem>>) target_semaphore(%arg16 : memref<!tpu.dma_semaphore, #tpu.memory_space<semaphore_mem>>)
      %while3A_419 = arith.constant 0 : i32
      %while3A_420 = arith.constant 0 : i32
      %while3A_421 = arith.constant 48 : i32
      %while3A_422 = arith.subi %while3A_421, %while3A_420 : i32
      %while3A_423 = arith.addi %while3A_420, %while3A_422 : i32
      %while3A_424 = arith.constant 1 : i32
      %while3A_425 = arith.divsi %while3A_422, %while3A_424 : i32
      %while3A_426 = arith.muli %while3A_425, %while3A_424 : i32
      %while3A_427 = arith.addi %while3A_420, %while3A_426 : i32
      %while3A_428 = arith.constant 1 : i32
      scf.for %while3A_699 = %while3A_420 to %while3A_427 step %while3A_428  : i32 {
        %mul3A_700 = arith.constant 16 : i32
        %mul3A_701 = arith.muli %while3A_699, %mul3A_700 : i32
        %add3A_702 = vector.broadcast %mul3A_701 : i32 to vector<16xi32>
        %add3A_703 = arith.addi %and3A_20, %add3A_702 : vector<16xi32>
        %add3A_704 = vector.broadcast %mul3A_701 : i32 to vector<16xi32>
        %add3A_705 = arith.addi %and3A_26, %add3A_704 : vector<16xi32>
        %add3A_706 = vector.broadcast %mul3A_701 : i32 to vector<16xi32>
        %add3A_707 = arith.addi %and3A_32, %add3A_706 : vector<16xi32>
        %add3A_708 = vector.broadcast %mul3A_701 : i32 to vector<16xi32>
        %add3A_709 = arith.addi %and3A_38, %add3A_708 : vector<16xi32>
        %add3A_710 = vector.broadcast %mul3A_701 : i32 to vector<16xi32>
        %add3A_711 = arith.addi %and3A_44, %add3A_710 : vector<16xi32>
        %add3A_712 = vector.broadcast %mul3A_701 : i32 to vector<16xi32>
        %add3A_713 = arith.addi %and3A_50, %add3A_712 : vector<16xi32>
        %add3A_714 = vector.broadcast %mul3A_701 : i32 to vector<16xi32>
        %add3A_715 = arith.addi %and3A_56, %add3A_714 : vector<16xi32>
        %add3A_716 = vector.broadcast %mul3A_701 : i32 to vector<16xi32>
        %add3A_717 = arith.addi %and3A_62, %add3A_716 : vector<16xi32>
        %add3A_718 = vector.broadcast %mul3A_701 : i32 to vector<16xi32>
        %add3A_719 = arith.addi %and3A_68, %add3A_718 : vector<16xi32>
        %add3A_720 = vector.broadcast %mul3A_701 : i32 to vector<16xi32>
        %add3A_721 = arith.addi %and3A_74, %add3A_720 : vector<16xi32>
        %add3A_722 = vector.broadcast %mul3A_701 : i32 to vector<16xi32>
        %add3A_723 = arith.addi %and3A_80, %add3A_722 : vector<16xi32>
        %add3A_724 = vector.broadcast %mul3A_701 : i32 to vector<16xi32>
        %add3A_725 = arith.addi %and3A_86, %add3A_724 : vector<16xi32>
        %add3A_726 = vector.broadcast %mul3A_701 : i32 to vector<16xi32>
        %add3A_727 = arith.addi %and3A_92, %add3A_726 : vector<16xi32>
        %add3A_728 = vector.broadcast %mul3A_701 : i32 to vector<16xi32>
        %add3A_729 = arith.addi %and3A_98, %add3A_728 : vector<16xi32>
        %add3A_730 = vector.broadcast %mul3A_701 : i32 to vector<16xi32>
        %add3A_731 = arith.addi %and3A_104, %add3A_730 : vector<16xi32>
        %add3A_732 = vector.broadcast %mul3A_701 : i32 to vector<16xi32>
        %add3A_733 = arith.addi %and3A_110, %add3A_732 : vector<16xi32>
        %gather3A = tpu.vector_load_idx %arg7[%iota3A, %add3A_703] : memref<16x768xf32, #tpu.memory_space<vmem>>[vector<16xi32>, vector<16xi32>], vector<16xf32>,
        %gather3A_734 = tpu.vector_load_idx %arg7[%iota3A, %add3A_705] : memref<16x768xf32, #tpu.memory_space<vmem>>[vector<16xi32>, vector<16xi32>], vector<16xf32>,
        %gather3A_735 = tpu.vector_load_idx %arg7[%iota3A, %add3A_707] : memref<16x768xf32, #tpu.memory_space<vmem>>[vector<16xi32>, vector<16xi32>], vector<16xf32>,
        %gather3A_736 = tpu.vector_load_idx %arg7[%iota3A, %add3A_709] : memref<16x768xf32, #tpu.memory_space<vmem>>[vector<16xi32>, vector<16xi32>], vector<16xf32>,
        %gather3A_737 = tpu.vector_load_idx %arg7[%iota3A, %add3A_711] : memref<16x768xf32, #tpu.memory_space<vmem>>[vector<16xi32>, vector<16xi32>], vector<16xf32>,
        %gather3A_738 = tpu.vector_load_idx %arg7[%iota3A, %add3A_713] : memref<16x768xf32, #tpu.memory_space<vmem>>[vector<16xi32>, vector<16xi32>], vector<16xf32>,
        %gather3A_739 = tpu.vector_load_idx %arg7[%iota3A, %add3A_715] : memref<16x768xf32, #tpu.memory_space<vmem>>[vector<16xi32>, vector<16xi32>], vector<16xf32>,
        %gather3A_740 = tpu.vector_load_idx %arg7[%iota3A, %add3A_717] : memref<16x768xf32, #tpu.memory_space<vmem>>[vector<16xi32>, vector<16xi32>], vector<16xf32>,
        %gather3A_741 = tpu.vector_load_idx %arg7[%iota3A, %add3A_719] : memref<16x768xf32, #tpu.memory_space<vmem>>[vector<16xi32>, vector<16xi32>], vector<16xf32>,
        %gather3A_742 = tpu.vector_load_idx %arg7[%iota3A, %add3A_721] : memref<16x768xf32, #tpu.memory_space<vmem>>[vector<16xi32>, vector<16xi32>], vector<16xf32>,
        %gather3A_743 = tpu.vector_load_idx %arg7[%iota3A, %add3A_723] : memref<16x768xf32, #tpu.memory_space<vmem>>[vector<16xi32>, vector<16xi32>], vector<16xf32>,
        %gather3A_744 = tpu.vector_load_idx %arg7[%iota3A, %add3A_725] : memref<16x768xf32, #tpu.memory_space<vmem>>[vector<16xi32>, vector<16xi32>], vector<16xf32>,
        %gather3A_745 = tpu.vector_load_idx %arg7[%iota3A, %add3A_727] : memref<16x768xf32, #tpu.memory_space<vmem>>[vector<16xi32>, vector<16xi32>], vector<16xf32>,
        %gather3A_746 = tpu.vector_load_idx %arg7[%iota3A, %add3A_729] : memref<16x768xf32, #tpu.memory_space<vmem>>[vector<16xi32>, vector<16xi32>], vector<16xf32>,
        %gather3A_747 = tpu.vector_load_idx %arg7[%iota3A, %add3A_731] : memref<16x768xf32, #tpu.memory_space<vmem>>[vector<16xi32>, vector<16xi32>], vector<16xf32>,
        %gather3A_748 = tpu.vector_load_idx %arg7[%iota3A, %add3A_733] : memref<16x768xf32, #tpu.memory_space<vmem>>[vector<16xi32>, vector<16xi32>], vector<16xf32>,
        tpu.vector_store_idx %arg11[%add3A_703, %iota3A], %gather3A : memref<768x16xf32, #tpu.memory_space<vmem>>[vector<16xi32>, vector<16xi32>], vector<16xf32>,
        tpu.vector_store_idx %arg11[%add3A_705, %iota3A], %gather3A_734 : memref<768x16xf32, #tpu.memory_space<vmem>>[vector<16xi32>, vector<16xi32>], vector<16xf32>,
        tpu.vector_store_idx %arg11[%add3A_707, %iota3A], %gather3A_735 : memref<768x16xf32, #tpu.memory_space<vmem>>[vector<16xi32>, vector<16xi32>], vector<16xf32>,
        tpu.vector_store_idx %arg11[%add3A_709, %iota3A], %gather3A_736 : memref<768x16xf32, #tpu.memory_space<vmem>>[vector<16xi32>, vector<16xi32>], vector<16xf32>,
        tpu.vector_store_idx %arg11[%add3A_711, %iota3A], %gather3A_737 : memref<768x16xf32, #tpu.memory_space<vmem>>[vector<16xi32>, vector<16xi32>], vector<16xf32>,
        tpu.vector_store_idx %arg11[%add3A_713, %iota3A], %gather3A_738 : memref<768x16xf32, #tpu.memory_space<vmem>>[vector<16xi32>, vector<16xi32>], vector<16xf32>,
        tpu.vector_store_idx %arg11[%add3A_715, %iota3A], %gather3A_739 : memref<768x16xf32, #tpu.memory_space<vmem>>[vector<16xi32>, vector<16xi32>], vector<16xf32>,
        tpu.vector_store_idx %arg11[%add3A_717, %iota3A], %gather3A_740 : memref<768x16xf32, #tpu.memory_space<vmem>>[vector<16xi32>, vector<16xi32>], vector<16xf32>,
        tpu.vector_store_idx %arg11[%add3A_719, %iota3A], %gather3A_741 : memref<768x16xf32, #tpu.memory_space<vmem>>[vector<16xi32>, vector<16xi32>], vector<16xf32>,
        tpu.vector_store_idx %arg11[%add3A_721, %iota3A], %gather3A_742 : memref<768x16xf32, #tpu.memory_space<vmem>>[vector<16xi32>, vector<16xi32>], vector<16xf32>,
        tpu.vector_store_idx %arg11[%add3A_723, %iota3A], %gather3A_743 : memref<768x16xf32, #tpu.memory_space<vmem>>[vector<16xi32>, vector<16xi32>], vector<16xf32>,
        tpu.vector_store_idx %arg11[%add3A_725, %iota3A], %gather3A_744 : memref<768x16xf32, #tpu.memory_space<vmem>>[vector<16xi32>, vector<16xi32>], vector<16xf32>,
        tpu.vector_store_idx %arg11[%add3A_727, %iota3A], %gather3A_745 : memref<768x16xf32, #tpu.memory_space<vmem>>[vector<16xi32>, vector<16xi32>], vector<16xf32>,
        tpu.vector_store_idx %arg11[%add3A_729, %iota3A], %gather3A_746 : memref<768x16xf32, #tpu.memory_space<vmem>>[vector<16xi32>, vector<16xi32>], vector<16xf32>,
        tpu.vector_store_idx %arg11[%add3A_731, %iota3A], %gather3A_747 : memref<768x16xf32, #tpu.memory_space<vmem>>[vector<16xi32>, vector<16xi32>], vector<16xf32>,
        tpu.vector_store_idx %arg11[%add3A_733, %iota3A], %gather3A_748 : memref<768x16xf32, #tpu.memory_space<vmem>>[vector<16xi32>, vector<16xi32>], vector<16xf32>,
      }
      %while3A_429 = arith.constant 1 : i32
      scf.for %while3A_699 = %while3A_427 to %while3A_423 step %while3A_429  : i32 {
        %mul3A_700 = arith.constant 16 : i32
        %mul3A_701 = arith.muli %while3A_699, %mul3A_700 : i32
        %add3A_702 = vector.broadcast %mul3A_701 : i32 to vector<16xi32>
        %add3A_703 = arith.addi %and3A_20, %add3A_702 : vector<16xi32>
        %add3A_704 = vector.broadcast %mul3A_701 : i32 to vector<16xi32>
        %add3A_705 = arith.addi %and3A_26, %add3A_704 : vector<16xi32>
        %add3A_706 = vector.broadcast %mul3A_701 : i32 to vector<16xi32>
        %add3A_707 = arith.addi %and3A_32, %add3A_706 : vector<16xi32>
        %add3A_708 = vector.broadcast %mul3A_701 : i32 to vector<16xi32>
        %add3A_709 = arith.addi %and3A_38, %add3A_708 : vector<16xi32>
        %add3A_710 = vector.broadcast %mul3A_701 : i32 to vector<16xi32>
        %add3A_711 = arith.addi %and3A_44, %add3A_710 : vector<16xi32>
        %add3A_712 = vector.broadcast %mul3A_701 : i32 to vector<16xi32>
        %add3A_713 = arith.addi %and3A_50, %add3A_712 : vector<16xi32>
        %add3A_714 = vector.broadcast %mul3A_701 : i32 to vector<16xi32>
        %add3A_715 = arith.addi %and3A_56, %add3A_714 : vector<16xi32>
        %add3A_716 = vector.broadcast %mul3A_701 : i32 to vector<16xi32>
        %add3A_717 = arith.addi %and3A_62, %add3A_716 : vector<16xi32>
        %add3A_718 = vector.broadcast %mul3A_701 : i32 to vector<16xi32>
        %add3A_719 = arith.addi %and3A_68, %add3A_718 : vector<16xi32>
        %add3A_720 = vector.broadcast %mul3A_701 : i32 to vector<16xi32>
        %add3A_721 = arith.addi %and3A_74, %add3A_720 : vector<16xi32>
        %add3A_722 = vector.broadcast %mul3A_701 : i32 to vector<16xi32>
        %add3A_723 = arith.addi %and3A_80, %add3A_722 : vector<16xi32>
        %add3A_724 = vector.broadcast %mul3A_701 : i32 to vector<16xi32>
        %add3A_725 = arith.addi %and3A_86, %add3A_724 : vector<16xi32>
        %add3A_726 = vector.broadcast %mul3A_701 : i32 to vector<16xi32>
        %add3A_727 = arith.addi %and3A_92, %add3A_726 : vector<16xi32>
        %add3A_728 = vector.broadcast %mul3A_701 : i32 to vector<16xi32>
        %add3A_729 = arith.addi %and3A_98, %add3A_728 : vector<16xi32>
        %add3A_730 = vector.broadcast %mul3A_701 : i32 to vector<16xi32>
        %add3A_731 = arith.addi %and3A_104, %add3A_730 : vector<16xi32>
        %add3A_732 = vector.broadcast %mul3A_701 : i32 to vector<16xi32>
        %add3A_733 = arith.addi %and3A_110, %add3A_732 : vector<16xi32>
        %gather3A = tpu.vector_load_idx %arg7[%iota3A, %add3A_703] : memref<16x768xf32, #tpu.memory_space<vmem>>[vector<16xi32>, vector<16xi32>], vector<16xf32>,
        %gather3A_734 = tpu.vector_load_idx %arg7[%iota3A, %add3A_705] : memref<16x768xf32, #tpu.memory_space<vmem>>[vector<16xi32>, vector<16xi32>], vector<16xf32>,
        %gather3A_735 = tpu.vector_load_idx %arg7[%iota3A, %add3A_707] : memref<16x768xf32, #tpu.memory_space<vmem>>[vector<16xi32>, vector<16xi32>], vector<16xf32>,
        %gather3A_736 = tpu.vector_load_idx %arg7[%iota3A, %add3A_709] : memref<16x768xf32, #tpu.memory_space<vmem>>[vector<16xi32>, vector<16xi32>], vector<16xf32>,
        %gather3A_737 = tpu.vector_load_idx %arg7[%iota3A, %add3A_711] : memref<16x768xf32, #tpu.memory_space<vmem>>[vector<16xi32>, vector<16xi32>], vector<16xf32>,
        %gather3A_738 = tpu.vector_load_idx %arg7[%iota3A, %add3A_713] : memref<16x768xf32, #tpu.memory_space<vmem>>[vector<16xi32>, vector<16xi32>], vector<16xf32>,
        %gather3A_739 = tpu.vector_load_idx %arg7[%iota3A, %add3A_715] : memref<16x768xf32, #tpu.memory_space<vmem>>[vector<16xi32>, vector<16xi32>], vector<16xf32>,
        %gather3A_740 = tpu.vector_load_idx %arg7[%iota3A, %add3A_717] : memref<16x768xf32, #tpu.memory_space<vmem>>[vector<16xi32>, vector<16xi32>], vector<16xf32>,
        %gather3A_741 = tpu.vector_load_idx %arg7[%iota3A, %add3A_719] : memref<16x768xf32, #tpu.memory_space<vmem>>[vector<16xi32>, vector<16xi32>], vector<16xf32>,
        %gather3A_742 = tpu.vector_load_idx %arg7[%iota3A, %add3A_721] : memref<16x768xf32, #tpu.memory_space<vmem>>[vector<16xi32>, vector<16xi32>], vector<16xf32>,
        %gather3A_743 = tpu.vector_load_idx %arg7[%iota3A, %add3A_723] : memref<16x768xf32, #tpu.memory_space<vmem>>[vector<16xi32>, vector<16xi32>], vector<16xf32>,
        %gather3A_744 = tpu.vector_load_idx %arg7[%iota3A, %add3A_725] : memref<16x768xf32, #tpu.memory_space<vmem>>[vector<16xi32>, vector<16xi32>], vector<16xf32>,
        %gather3A_745 = tpu.vector_load_idx %arg7[%iota3A, %add3A_727] : memref<16x768xf32, #tpu.memory_space<vmem>>[vector<16xi32>, vector<16xi32>], vector<16xf32>,
        %gather3A_746 = tpu.vector_load_idx %arg7[%iota3A, %add3A_729] : memref<16x768xf32, #tpu.memory_space<vmem>>[vector<16xi32>, vector<16xi32>], vector<16xf32>,
        %gather3A_747 = tpu.vector_load_idx %arg7[%iota3A, %add3A_731] : memref<16x768xf32, #tpu.memory_space<vmem>>[vector<16xi32>, vector<16xi32>], vector<16xf32>,
        %gather3A_748 = tpu.vector_load_idx %arg7[%iota3A, %add3A_733] : memref<16x768xf32, #tpu.memory_space<vmem>>[vector<16xi32>, vector<16xi32>], vector<16xf32>,
        tpu.vector_store_idx %arg11[%add3A_703, %iota3A], %gather3A : memref<768x16xf32, #tpu.memory_space<vmem>>[vector<16xi32>, vector<16xi32>], vector<16xf32>,
        tpu.vector_store_idx %arg11[%add3A_705, %iota3A], %gather3A_734 : memref<768x16xf32, #tpu.memory_space<vmem>>[vector<16xi32>, vector<16xi32>], vector<16xf32>,
        tpu.vector_store_idx %arg11[%add3A_707, %iota3A], %gather3A_735 : memref<768x16xf32, #tpu.memory_space<vmem>>[vector<16xi32>, vector<16xi32>], vector<16xf32>,
        tpu.vector_store_idx %arg11[%add3A_709, %iota3A], %gather3A_736 : memref<768x16xf32, #tpu.memory_space<vmem>>[vector<16xi32>, vector<16xi32>], vector<16xf32>,
        tpu.vector_store_idx %arg11[%add3A_711, %iota3A], %gather3A_737 : memref<768x16xf32, #tpu.memory_space<vmem>>[vector<16xi32>, vector<16xi32>], vector<16xf32>,
        tpu.vector_store_idx %arg11[%add3A_713, %iota3A], %gather3A_738 : memref<768x16xf32, #tpu.memory_space<vmem>>[vector<16xi32>, vector<16xi32>], vector<16xf32>,
        tpu.vector_store_idx %arg11[%add3A_715, %iota3A], %gather3A_739 : memref<768x16xf32, #tpu.memory_space<vmem>>[vector<16xi32>, vector<16xi32>], vector<16xf32>,
        tpu.vector_store_idx %arg11[%add3A_717, %iota3A], %gather3A_740 : memref<768x16xf32, #tpu.memory_space<vmem>>[vector<16xi32>, vector<16xi32>], vector<16xf32>,
        tpu.vector_store_idx %arg11[%add3A_719, %iota3A], %gather3A_741 : memref<768x16xf32, #tpu.memory_space<vmem>>[vector<16xi32>, vector<16xi32>], vector<16xf32>,
        tpu.vector_store_idx %arg11[%add3A_721, %iota3A], %gather3A_742 : memref<768x16xf32, #tpu.memory_space<vmem>>[vector<16xi32>, vector<16xi32>], vector<16xf32>,
        tpu.vector_store_idx %arg11[%add3A_723, %iota3A], %gather3A_743 : memref<768x16xf32, #tpu.memory_space<vmem>>[vector<16xi32>, vector<16xi32>], vector<16xf32>,
        tpu.vector_store_idx %arg11[%add3A_725, %iota3A], %gather3A_744 : memref<768x16xf32, #tpu.memory_space<vmem>>[vector<16xi32>, vector<16xi32>], vector<16xf32>,
        tpu.vector_store_idx %arg11[%add3A_727, %iota3A], %gather3A_745 : memref<768x16xf32, #tpu.memory_space<vmem>>[vector<16xi32>, vector<16xi32>], vector<16xf32>,
        tpu.vector_store_idx %arg11[%add3A_729, %iota3A], %gather3A_746 : memref<768x16xf32, #tpu.memory_space<vmem>>[vector<16xi32>, vector<16xi32>], vector<16xf32>,
        tpu.vector_store_idx %arg11[%add3A_731, %iota3A], %gather3A_747 : memref<768x16xf32, #tpu.memory_space<vmem>>[vector<16xi32>, vector<16xi32>], vector<16xf32>,
        tpu.vector_store_idx %arg11[%add3A_733, %iota3A], %gather3A_748 : memref<768x16xf32, #tpu.memory_space<vmem>>[vector<16xi32>, vector<16xi32>], vector<16xf32>,
      }
      %while3A_430 = arith.constant 0 : i32
      %while3A_431 = arith.constant 0 : i32
      %while3A_432 = arith.constant 48 : i32
      %while3A_433 = arith.subi %while3A_432, %while3A_431 : i32
      %while3A_434 = arith.addi %while3A_431, %while3A_433 : i32
      %while3A_435 = arith.constant 1 : i32
      %while3A_436 = arith.divsi %while3A_433, %while3A_435 : i32
      %while3A_437 = arith.muli %while3A_436, %while3A_435 : i32
      %while3A_438 = arith.addi %while3A_431, %while3A_437 : i32
      %while3A_439 = arith.constant 1 : i32
      scf.for %while3A_699 = %while3A_431 to %while3A_438 step %while3A_439  : i32 {
        %mul3A_700 = arith.constant 16 : i32
        %mul3A_701 = arith.muli %while3A_699, %mul3A_700 : i32
        %get3A = arith.constant 15 : i32
        %get3A_702 = arith.index_cast %get3A : i32 to index
        %get3A_703 = arith.index_cast %mul3A_701 : i32 to index
        %get3A_704 = tpu.vector_load %arg7[%get3A_702, %get3A_703] {strides = array<i32>} : memref<16x768xf32, #tpu.memory_space<vmem>>, vector<16xf32>,
        %swap3A = arith.index_cast %mul3A_701 : i32 to index
        %swap3A_705 = tpu.vector_load %arg13[%swap3A] {strides = array<i32>} : memref<768xf32, #tpu.memory_space<vmem>>, vector<16xf32>,
        tpu.vector_store %arg13[%swap3A], %get3A_704 {strides = array<i32>} : memref<768xf32, #tpu.memory_space<vmem>>, vector<16xf32>,
      }
      %while3A_440 = arith.constant 1 : i32
      scf.for %while3A_699 = %while3A_438 to %while3A_434 step %while3A_440  : i32 {
        %mul3A_700 = arith.constant 16 : i32
        %mul3A_701 = arith.muli %while3A_699, %mul3A_700 : i32
        %get3A = arith.constant 15 : i32
        %get3A_702 = arith.index_cast %get3A : i32 to index
        %get3A_703 = arith.index_cast %mul3A_701 : i32 to index
        %get3A_704 = tpu.vector_load %arg7[%get3A_702, %get3A_703] {strides = array<i32>} : memref<16x768xf32, #tpu.memory_space<vmem>>, vector<16xf32>,
        %swap3A = arith.index_cast %mul3A_701 : i32 to index
        %swap3A_705 = tpu.vector_load %arg13[%swap3A] {strides = array<i32>} : memref<768xf32, #tpu.memory_space<vmem>>, vector<16xf32>,
        tpu.vector_store %arg13[%swap3A], %get3A_704 {strides = array<i32>} : memref<768xf32, #tpu.memory_space<vmem>>, vector<16xf32>,
      }
      %dma_start3A_441 = arith.constant 0 : i32
      %dma_start3A_442 = arith.constant 0 : i32
      %dma_start3A_443 = arith.constant 0 : i32
      %dma_start3A_444 = arith.constant 0 : i32
      %dma_start3A_445 = tpu.memref_slice %arg11[%dma_start3A_443, %dma_start3A_444] : memref<768x16xf32, #tpu.memory_space<vmem>> -> memref<128x16xf32, #tpu.memory_space<vmem>>
      %dma_start3A_446 = arith.constant 0 : i32
      %dma_start3A_447 = tpu.memref_slice %arg9[%dma_start3A_441, %dma_start3A_442, %dma_start3A_446] : memref<6x1x128xi32, #tpu.memory_space<vmem>> -> memref<1x1x128xi32, #tpu.memory_space<vmem>>
      %dma_start3A_448 = tpu.memref_squeeze %dma_start3A_447 : memref<1x1x128xi32, #tpu.memory_space<vmem>> -> memref<128xi32, #tpu.memory_space<vmem>>
      %dma_start3A_449 = arith.constant 0 : i32
      %dma_start3A_450 = arith.constant 0 : i32
      %dma_start3A_451 = tpu.memref_slice %arg6[%dma_start3A_449, %dma_start3A_450] : memref<10000x16xf32, #tpu.memory_space<vmem_shared>> -> memref<10000x16xf32, #tpu.memory_space<vmem_shared>>
      tpu.enqueue_indirect_dma source(%dma_start3A_445 : memref<128x16xf32, #tpu.memory_space<vmem>>) target(%dma_start3A_451 : memref<10000x16xf32, #tpu.memory_space<vmem_shared>>) offsets(%dma_start3A_448 : memref<128xi32, #tpu.memory_space<vmem>>) semaphore(%arg17 : memref<!tpu.dma_semaphore, #tpu.memory_space<semaphore_mem>>) {add = true}
      %dma_start3A_452 = arith.constant 1 : i32
      %dma_start3A_453 = arith.constant 0 : i32
      %dma_start3A_454 = arith.constant 128 : i32
      %dma_start3A_455 = arith.constant 0 : i32
      %dma_start3A_456 = tpu.memref_slice %arg11[%dma_start3A_454, %dma_start3A_455] : memref<768x16xf32, #tpu.memory_space<vmem>> -> memref<128x16xf32, #tpu.memory_space<vmem>>
      %dma_start3A_457 = arith.constant 0 : i32
      %dma_start3A_458 = tpu.memref_slice %arg9[%dma_start3A_452, %dma_start3A_453, %dma_start3A_457] : memref<6x1x128xi32, #tpu.memory_space<vmem>> -> memref<1x1x128xi32, #tpu.memory_space<vmem>>
      %dma_start3A_459 = tpu.memref_squeeze %dma_start3A_458 : memref<1x1x128xi32, #tpu.memory_space<vmem>> -> memref<128xi32, #tpu.memory_space<vmem>>
      %dma_start3A_460 = arith.constant 0 : i32
      %dma_start3A_461 = arith.constant 0 : i32
      %dma_start3A_462 = tpu.memref_slice %arg6[%dma_start3A_460, %dma_start3A_461] : memref<10000x16xf32, #tpu.memory_space<vmem_shared>> -> memref<10000x16xf32, #tpu.memory_space<vmem_shared>>
      tpu.enqueue_indirect_dma source(%dma_start3A_456 : memref<128x16xf32, #tpu.memory_space<vmem>>) target(%dma_start3A_462 : memref<10000x16xf32, #tpu.memory_space<vmem_shared>>) offsets(%dma_start3A_459 : memref<128xi32, #tpu.memory_space<vmem>>) semaphore(%arg17 : memref<!tpu.dma_semaphore, #tpu.memory_space<semaphore_mem>>) {add = true}
      %dma_start3A_463 = arith.constant 2 : i32
      %dma_start3A_464 = arith.constant 0 : i32
      %dma_start3A_465 = arith.constant 256 : i32
      %dma_start3A_466 = arith.constant 0 : i32
      %dma_start3A_467 = tpu.memref_slice %arg11[%dma_start3A_465, %dma_start3A_466] : memref<768x16xf32, #tpu.memory_space<vmem>> -> memref<128x16xf32, #tpu.memory_space<vmem>>
      %dma_start3A_468 = arith.constant 0 : i32
      %dma_start3A_469 = tpu.memref_slice %arg9[%dma_start3A_463, %dma_start3A_464, %dma_start3A_468] : memref<6x1x128xi32, #tpu.memory_space<vmem>> -> memref<1x1x128xi32, #tpu.memory_space<vmem>>
      %dma_start3A_470 = tpu.memref_squeeze %dma_start3A_469 : memref<1x1x128xi32, #tpu.memory_space<vmem>> -> memref<128xi32, #tpu.memory_space<vmem>>
      %dma_start3A_471 = arith.constant 0 : i32
      %dma_start3A_472 = arith.constant 0 : i32
      %dma_start3A_473 = tpu.memref_slice %arg6[%dma_start3A_471, %dma_start3A_472] : memref<10000x16xf32, #tpu.memory_space<vmem_shared>> -> memref<10000x16xf32, #tpu.memory_space<vmem_shared>>
      tpu.enqueue_indirect_dma source(%dma_start3A_467 : memref<128x16xf32, #tpu.memory_space<vmem>>) target(%dma_start3A_473 : memref<10000x16xf32, #tpu.memory_space<vmem_shared>>) offsets(%dma_start3A_470 : memref<128xi32, #tpu.memory_space<vmem>>) semaphore(%arg17 : memref<!tpu.dma_semaphore, #tpu.memory_space<semaphore_mem>>) {add = true}
      %dma_start3A_474 = arith.constant 3 : i32
      %dma_start3A_475 = arith.constant 0 : i32
      %dma_start3A_476 = arith.constant 384 : i32
      %dma_start3A_477 = arith.constant 0 : i32
      %dma_start3A_478 = tpu.memref_slice %arg11[%dma_start3A_476, %dma_start3A_477] : memref<768x16xf32, #tpu.memory_space<vmem>> -> memref<128x16xf32, #tpu.memory_space<vmem>>
      %dma_start3A_479 = arith.constant 0 : i32
      %dma_start3A_480 = tpu.memref_slice %arg9[%dma_start3A_474, %dma_start3A_475, %dma_start3A_479] : memref<6x1x128xi32, #tpu.memory_space<vmem>> -> memref<1x1x128xi32, #tpu.memory_space<vmem>>
      %dma_start3A_481 = tpu.memref_squeeze %dma_start3A_480 : memref<1x1x128xi32, #tpu.memory_space<vmem>> -> memref<128xi32, #tpu.memory_space<vmem>>
      %dma_start3A_482 = arith.constant 0 : i32
      %dma_start3A_483 = arith.constant 0 : i32
      %dma_start3A_484 = tpu.memref_slice %arg6[%dma_start3A_482, %dma_start3A_483] : memref<10000x16xf32, #tpu.memory_space<vmem_shared>> -> memref<10000x16xf32, #tpu.memory_space<vmem_shared>>
      tpu.enqueue_indirect_dma source(%dma_start3A_478 : memref<128x16xf32, #tpu.memory_space<vmem>>) target(%dma_start3A_484 : memref<10000x16xf32, #tpu.memory_space<vmem_shared>>) offsets(%dma_start3A_481 : memref<128xi32, #tpu.memory_space<vmem>>) semaphore(%arg17 : memref<!tpu.dma_semaphore, #tpu.memory_space<semaphore_mem>>) {add = true}
      %dma_start3A_485 = arith.constant 4 : i32
      %dma_start3A_486 = arith.constant 0 : i32
      %dma_start3A_487 = arith.constant 512 : i32
      %dma_start3A_488 = arith.constant 0 : i32
      %dma_start3A_489 = tpu.memref_slice %arg11[%dma_start3A_487, %dma_start3A_488] : memref<768x16xf32, #tpu.memory_space<vmem>> -> memref<128x16xf32, #tpu.memory_space<vmem>>
      %dma_start3A_490 = arith.constant 0 : i32
      %dma_start3A_491 = tpu.memref_slice %arg9[%dma_start3A_485, %dma_start3A_486, %dma_start3A_490] : memref<6x1x128xi32, #tpu.memory_space<vmem>> -> memref<1x1x128xi32, #tpu.memory_space<vmem>>
      %dma_start3A_492 = tpu.memref_squeeze %dma_start3A_491 : memref<1x1x128xi32, #tpu.memory_space<vmem>> -> memref<128xi32, #tpu.memory_space<vmem>>
      %dma_start3A_493 = arith.constant 0 : i32
      %dma_start3A_494 = arith.constant 0 : i32
      %dma_start3A_495 = tpu.memref_slice %arg6[%dma_start3A_493, %dma_start3A_494] : memref<10000x16xf32, #tpu.memory_space<vmem_shared>> -> memref<10000x16xf32, #tpu.memory_space<vmem_shared>>
      tpu.enqueue_indirect_dma source(%dma_start3A_489 : memref<128x16xf32, #tpu.memory_space<vmem>>) target(%dma_start3A_495 : memref<10000x16xf32, #tpu.memory_space<vmem_shared>>) offsets(%dma_start3A_492 : memref<128xi32, #tpu.memory_space<vmem>>) semaphore(%arg17 : memref<!tpu.dma_semaphore, #tpu.memory_space<semaphore_mem>>) {add = true}
      %dma_start3A_496 = arith.constant 5 : i32
      %dma_start3A_497 = arith.constant 0 : i32
      %dma_start3A_498 = arith.constant 640 : i32
      %dma_start3A_499 = arith.constant 0 : i32
      %dma_start3A_500 = tpu.memref_slice %arg11[%dma_start3A_498, %dma_start3A_499] : memref<768x16xf32, #tpu.memory_space<vmem>> -> memref<128x16xf32, #tpu.memory_space<vmem>>
      %dma_start3A_501 = arith.constant 0 : i32
      %dma_start3A_502 = tpu.memref_slice %arg9[%dma_start3A_496, %dma_start3A_497, %dma_start3A_501] : memref<6x1x128xi32, #tpu.memory_space<vmem>> -> memref<1x1x128xi32, #tpu.memory_space<vmem>>
      %dma_start3A_503 = tpu.memref_squeeze %dma_start3A_502 : memref<1x1x128xi32, #tpu.memory_space<vmem>> -> memref<128xi32, #tpu.memory_space<vmem>>
      %dma_start3A_504 = arith.constant 0 : i32
      %dma_start3A_505 = arith.constant 0 : i32
      %dma_start3A_506 = tpu.memref_slice %arg6[%dma_start3A_504, %dma_start3A_505] : memref<10000x16xf32, #tpu.memory_space<vmem_shared>> -> memref<10000x16xf32, #tpu.memory_space<vmem_shared>>
      tpu.enqueue_indirect_dma source(%dma_start3A_500 : memref<128x16xf32, #tpu.memory_space<vmem>>) target(%dma_start3A_506 : memref<10000x16xf32, #tpu.memory_space<vmem_shared>>) offsets(%dma_start3A_503 : memref<128xi32, #tpu.memory_space<vmem>>) semaphore(%arg17 : memref<!tpu.dma_semaphore, #tpu.memory_space<semaphore_mem>>) {add = true}
      %mul3A_507 = arith.constant 128 : i32
      %mul3A_508 = arith.muli %add3A_388, %mul3A_507 : i32
      %dma_start3A_509 = tpu.memref_slice %arg5[%mul3A_508] : memref<320000xf32, #tpu.memory_space<hbm>> -> memref<768xf32, #tpu.memory_space<hbm>>
      %dma_start3A_510 = tpu.memref_slice %arg5[%mul3A_508] : memref<320000xf32, #tpu.memory_space<hbm>> -> memref<768xf32, #tpu.memory_space<hbm>>
      tpu.enqueue_dma source(%arg13 : memref<768xf32, #tpu.memory_space<vmem>>) target(%dma_start3A_510 : memref<768xf32, #tpu.memory_space<hbm>>) target_semaphore(%arg19 : memref<!tpu.dma_semaphore, #tpu.memory_space<semaphore_mem>>)
      %mul3A_511 = arith.constant 128 : i32
      %mul3A_512 = arith.muli %add3A_390, %mul3A_511 : i32
      %dma_wait3A_513 = arith.constant 0 : i32
      %dma_wait3A_514 = tpu.memref_slice %arg2[%dma_wait3A_513, %mul3A_512] : memref<16x320000xf32, #tpu.memory_space<hbm>> -> memref<16x768xf32, #tpu.memory_space<hbm>>
      %dma_wait3A_515 = arith.constant 0 : i32
      %dma_wait3A_516 = tpu.memref_slice %arg2[%dma_wait3A_515, %mul3A_512] : memref<16x320000xf32, #tpu.memory_space<hbm>> -> memref<16x768xf32, #tpu.memory_space<hbm>>
      tpu.wait_dma2 semaphore(%arg16 : memref<!tpu.dma_semaphore, #tpu.memory_space<semaphore_mem>>) src(%dma_wait3A_516 : memref<16x768xf32, #tpu.memory_space<hbm>>) dst(%arg8 : memref<16x768xf32, #tpu.memory_space<vmem>>)
      %dma_wait3A_517 = arith.constant 1 : i32
      %dma_wait3A_518 = arith.constant 0 : i32
      %dma_wait3A_519 = tpu.memref_slice %arg3[%add3A_390, %dma_wait3A_517, %dma_wait3A_518] : memref<2500x2x128xi32, #tpu.memory_space<hbm>> -> memref<6x1x128xi32, #tpu.memory_space<hbm>>
      %dma_wait3A_520 = arith.constant 1 : i32
      %dma_wait3A_521 = arith.constant 0 : i32
      %dma_wait3A_522 = tpu.memref_slice %arg3[%add3A_390, %dma_wait3A_520, %dma_wait3A_521] : memref<2500x2x128xi32, #tpu.memory_space<hbm>> -> memref<6x1x128xi32, #tpu.memory_space<hbm>>
      tpu.wait_dma2 semaphore(%arg16 : memref<!tpu.dma_semaphore, #tpu.memory_space<semaphore_mem>>) src(%dma_wait3A_522 : memref<6x1x128xi32, #tpu.memory_space<hbm>>) dst(%arg10 : memref<6x1x128xi32, #tpu.memory_space<vmem>>)
      %while3A_523 = arith.constant 0 : i32
      %while3A_524 = arith.constant 0 : i32
      %while3A_525 = arith.constant 48 : i32
      %while3A_526 = arith.subi %while3A_525, %while3A_524 : i32
      %while3A_527 = arith.addi %while3A_524, %while3A_526 : i32
      %while3A_528 = arith.constant 1 : i32
      %while3A_529 = arith.divsi %while3A_526, %while3A_528 : i32
      %while3A_530 = arith.muli %while3A_529, %while3A_528 : i32
      %while3A_531 = arith.addi %while3A_524, %while3A_530 : i32
      %while3A_532 = arith.constant 1 : i32
      scf.for %while3A_699 = %while3A_524 to %while3A_531 step %while3A_532  : i32 {
        %mul3A_700 = arith.constant 16 : i32
        %mul3A_701 = arith.muli %while3A_699, %mul3A_700 : i32
        %add3A_702 = vector.broadcast %mul3A_701 : i32 to vector<16xi32>
        %add3A_703 = arith.addi %and3A_20, %add3A_702 : vector<16xi32>
        %add3A_704 = vector.broadcast %mul3A_701 : i32 to vector<16xi32>
        %add3A_705 = arith.addi %and3A_26, %add3A_704 : vector<16xi32>
        %add3A_706 = vector.broadcast %mul3A_701 : i32 to vector<16xi32>
        %add3A_707 = arith.addi %and3A_32, %add3A_706 : vector<16xi32>
        %add3A_708 = vector.broadcast %mul3A_701 : i32 to vector<16xi32>
        %add3A_709 = arith.addi %and3A_38, %add3A_708 : vector<16xi32>
        %add3A_710 = vector.broadcast %mul3A_701 : i32 to vector<16xi32>
        %add3A_711 = arith.addi %and3A_44, %add3A_710 : vector<16xi32>
        %add3A_712 = vector.broadcast %mul3A_701 : i32 to vector<16xi32>
        %add3A_713 = arith.addi %and3A_50, %add3A_712 : vector<16xi32>
        %add3A_714 = vector.broadcast %mul3A_701 : i32 to vector<16xi32>
        %add3A_715 = arith.addi %and3A_56, %add3A_714 : vector<16xi32>
        %add3A_716 = vector.broadcast %mul3A_701 : i32 to vector<16xi32>
        %add3A_717 = arith.addi %and3A_62, %add3A_716 : vector<16xi32>
        %add3A_718 = vector.broadcast %mul3A_701 : i32 to vector<16xi32>
        %add3A_719 = arith.addi %and3A_68, %add3A_718 : vector<16xi32>
        %add3A_720 = vector.broadcast %mul3A_701 : i32 to vector<16xi32>
        %add3A_721 = arith.addi %and3A_74, %add3A_720 : vector<16xi32>
        %add3A_722 = vector.broadcast %mul3A_701 : i32 to vector<16xi32>
        %add3A_723 = arith.addi %and3A_80, %add3A_722 : vector<16xi32>
        %add3A_724 = vector.broadcast %mul3A_701 : i32 to vector<16xi32>
        %add3A_725 = arith.addi %and3A_86, %add3A_724 : vector<16xi32>
        %add3A_726 = vector.broadcast %mul3A_701 : i32 to vector<16xi32>
        %add3A_727 = arith.addi %and3A_92, %add3A_726 : vector<16xi32>
        %add3A_728 = vector.broadcast %mul3A_701 : i32 to vector<16xi32>
        %add3A_729 = arith.addi %and3A_98, %add3A_728 : vector<16xi32>
        %add3A_730 = vector.broadcast %mul3A_701 : i32 to vector<16xi32>
        %add3A_731 = arith.addi %and3A_104, %add3A_730 : vector<16xi32>
        %add3A_732 = vector.broadcast %mul3A_701 : i32 to vector<16xi32>
        %add3A_733 = arith.addi %and3A_110, %add3A_732 : vector<16xi32>
        %gather3A = tpu.vector_load_idx %arg8[%iota3A, %add3A_703] : memref<16x768xf32, #tpu.memory_space<vmem>>[vector<16xi32>, vector<16xi32>], vector<16xf32>,
        %gather3A_734 = tpu.vector_load_idx %arg8[%iota3A, %add3A_705] : memref<16x768xf32, #tpu.memory_space<vmem>>[vector<16xi32>, vector<16xi32>], vector<16xf32>,
        %gather3A_735 = tpu.vector_load_idx %arg8[%iota3A, %add3A_707] : memref<16x768xf32, #tpu.memory_space<vmem>>[vector<16xi32>, vector<16xi32>], vector<16xf32>,
        %gather3A_736 = tpu.vector_load_idx %arg8[%iota3A, %add3A_709] : memref<16x768xf32, #tpu.memory_space<vmem>>[vector<16xi32>, vector<16xi32>], vector<16xf32>,
        %gather3A_737 = tpu.vector_load_idx %arg8[%iota3A, %add3A_711] : memref<16x768xf32, #tpu.memory_space<vmem>>[vector<16xi32>, vector<16xi32>], vector<16xf32>,
        %gather3A_738 = tpu.vector_load_idx %arg8[%iota3A, %add3A_713] : memref<16x768xf32, #tpu.memory_space<vmem>>[vector<16xi32>, vector<16xi32>], vector<16xf32>,
        %gather3A_739 = tpu.vector_load_idx %arg8[%iota3A, %add3A_715] : memref<16x768xf32, #tpu.memory_space<vmem>>[vector<16xi32>, vector<16xi32>], vector<16xf32>,
        %gather3A_740 = tpu.vector_load_idx %arg8[%iota3A, %add3A_717] : memref<16x768xf32, #tpu.memory_space<vmem>>[vector<16xi32>, vector<16xi32>], vector<16xf32>,
        %gather3A_741 = tpu.vector_load_idx %arg8[%iota3A, %add3A_719] : memref<16x768xf32, #tpu.memory_space<vmem>>[vector<16xi32>, vector<16xi32>], vector<16xf32>,
        %gather3A_742 = tpu.vector_load_idx %arg8[%iota3A, %add3A_721] : memref<16x768xf32, #tpu.memory_space<vmem>>[vector<16xi32>, vector<16xi32>], vector<16xf32>,
        %gather3A_743 = tpu.vector_load_idx %arg8[%iota3A, %add3A_723] : memref<16x768xf32, #tpu.memory_space<vmem>>[vector<16xi32>, vector<16xi32>], vector<16xf32>,
        %gather3A_744 = tpu.vector_load_idx %arg8[%iota3A, %add3A_725] : memref<16x768xf32, #tpu.memory_space<vmem>>[vector<16xi32>, vector<16xi32>], vector<16xf32>,
        %gather3A_745 = tpu.vector_load_idx %arg8[%iota3A, %add3A_727] : memref<16x768xf32, #tpu.memory_space<vmem>>[vector<16xi32>, vector<16xi32>], vector<16xf32>,
        %gather3A_746 = tpu.vector_load_idx %arg8[%iota3A, %add3A_729] : memref<16x768xf32, #tpu.memory_space<vmem>>[vector<16xi32>, vector<16xi32>], vector<16xf32>,
        %gather3A_747 = tpu.vector_load_idx %arg8[%iota3A, %add3A_731] : memref<16x768xf32, #tpu.memory_space<vmem>>[vector<16xi32>, vector<16xi32>], vector<16xf32>,
        %gather3A_748 = tpu.vector_load_idx %arg8[%iota3A, %add3A_733] : memref<16x768xf32, #tpu.memory_space<vmem>>[vector<16xi32>, vector<16xi32>], vector<16xf32>,
        tpu.vector_store_idx %arg12[%add3A_703, %iota3A], %gather3A : memref<768x16xf32, #tpu.memory_space<vmem>>[vector<16xi32>, vector<16xi32>], vector<16xf32>,
        tpu.vector_store_idx %arg12[%add3A_705, %iota3A], %gather3A_734 : memref<768x16xf32, #tpu.memory_space<vmem>>[vector<16xi32>, vector<16xi32>], vector<16xf32>,
        tpu.vector_store_idx %arg12[%add3A_707, %iota3A], %gather3A_735 : memref<768x16xf32, #tpu.memory_space<vmem>>[vector<16xi32>, vector<16xi32>], vector<16xf32>,
        tpu.vector_store_idx %arg12[%add3A_709, %iota3A], %gather3A_736 : memref<768x16xf32, #tpu.memory_space<vmem>>[vector<16xi32>, vector<16xi32>], vector<16xf32>,
        tpu.vector_store_idx %arg12[%add3A_711, %iota3A], %gather3A_737 : memref<768x16xf32, #tpu.memory_space<vmem>>[vector<16xi32>, vector<16xi32>], vector<16xf32>,
        tpu.vector_store_idx %arg12[%add3A_713, %iota3A], %gather3A_738 : memref<768x16xf32, #tpu.memory_space<vmem>>[vector<16xi32>, vector<16xi32>], vector<16xf32>,
        tpu.vector_store_idx %arg12[%add3A_715, %iota3A], %gather3A_739 : memref<768x16xf32, #tpu.memory_space<vmem>>[vector<16xi32>, vector<16xi32>], vector<16xf32>,
        tpu.vector_store_idx %arg12[%add3A_717, %iota3A], %gather3A_740 : memref<768x16xf32, #tpu.memory_space<vmem>>[vector<16xi32>, vector<16xi32>], vector<16xf32>,
        tpu.vector_store_idx %arg12[%add3A_719, %iota3A], %gather3A_741 : memref<768x16xf32, #tpu.memory_space<vmem>>[vector<16xi32>, vector<16xi32>], vector<16xf32>,
        tpu.vector_store_idx %arg12[%add3A_721, %iota3A], %gather3A_742 : memref<768x16xf32, #tpu.memory_space<vmem>>[vector<16xi32>, vector<16xi32>], vector<16xf32>,
        tpu.vector_store_idx %arg12[%add3A_723, %iota3A], %gather3A_743 : memref<768x16xf32, #tpu.memory_space<vmem>>[vector<16xi32>, vector<16xi32>], vector<16xf32>,
        tpu.vector_store_idx %arg12[%add3A_725, %iota3A], %gather3A_744 : memref<768x16xf32, #tpu.memory_space<vmem>>[vector<16xi32>, vector<16xi32>], vector<16xf32>,
        tpu.vector_store_idx %arg12[%add3A_727, %iota3A], %gather3A_745 : memref<768x16xf32, #tpu.memory_space<vmem>>[vector<16xi32>, vector<16xi32>], vector<16xf32>,
        tpu.vector_store_idx %arg12[%add3A_729, %iota3A], %gather3A_746 : memref<768x16xf32, #tpu.memory_space<vmem>>[vector<16xi32>, vector<16xi32>], vector<16xf32>,
        tpu.vector_store_idx %arg12[%add3A_731, %iota3A], %gather3A_747 : memref<768x16xf32, #tpu.memory_space<vmem>>[vector<16xi32>, vector<16xi32>], vector<16xf32>,
        tpu.vector_store_idx %arg12[%add3A_733, %iota3A], %gather3A_748 : memref<768x16xf32, #tpu.memory_space<vmem>>[vector<16xi32>, vector<16xi32>], vector<16xf32>,
      }
      %while3A_533 = arith.constant 1 : i32
      scf.for %while3A_699 = %while3A_531 to %while3A_527 step %while3A_533  : i32 {
        %mul3A_700 = arith.constant 16 : i32
        %mul3A_701 = arith.muli %while3A_699, %mul3A_700 : i32
        %add3A_702 = vector.broadcast %mul3A_701 : i32 to vector<16xi32>
        %add3A_703 = arith.addi %and3A_20, %add3A_702 : vector<16xi32>
        %add3A_704 = vector.broadcast %mul3A_701 : i32 to vector<16xi32>
        %add3A_705 = arith.addi %and3A_26, %add3A_704 : vector<16xi32>
        %add3A_706 = vector.broadcast %mul3A_701 : i32 to vector<16xi32>
        %add3A_707 = arith.addi %and3A_32, %add3A_706 : vector<16xi32>
        %add3A_708 = vector.broadcast %mul3A_701 : i32 to vector<16xi32>
        %add3A_709 = arith.addi %and3A_38, %add3A_708 : vector<16xi32>
        %add3A_710 = vector.broadcast %mul3A_701 : i32 to vector<16xi32>
        %add3A_711 = arith.addi %and3A_44, %add3A_710 : vector<16xi32>
        %add3A_712 = vector.broadcast %mul3A_701 : i32 to vector<16xi32>
        %add3A_713 = arith.addi %and3A_50, %add3A_712 : vector<16xi32>
        %add3A_714 = vector.broadcast %mul3A_701 : i32 to vector<16xi32>
        %add3A_715 = arith.addi %and3A_56, %add3A_714 : vector<16xi32>
        %add3A_716 = vector.broadcast %mul3A_701 : i32 to vector<16xi32>
        %add3A_717 = arith.addi %and3A_62, %add3A_716 : vector<16xi32>
        %add3A_718 = vector.broadcast %mul3A_701 : i32 to vector<16xi32>
        %add3A_719 = arith.addi %and3A_68, %add3A_718 : vector<16xi32>
        %add3A_720 = vector.broadcast %mul3A_701 : i32 to vector<16xi32>
        %add3A_721 = arith.addi %and3A_74, %add3A_720 : vector<16xi32>
        %add3A_722 = vector.broadcast %mul3A_701 : i32 to vector<16xi32>
        %add3A_723 = arith.addi %and3A_80, %add3A_722 : vector<16xi32>
        %add3A_724 = vector.broadcast %mul3A_701 : i32 to vector<16xi32>
        %add3A_725 = arith.addi %and3A_86, %add3A_724 : vector<16xi32>
        %add3A_726 = vector.broadcast %mul3A_701 : i32 to vector<16xi32>
        %add3A_727 = arith.addi %and3A_92, %add3A_726 : vector<16xi32>
        %add3A_728 = vector.broadcast %mul3A_701 : i32 to vector<16xi32>
        %add3A_729 = arith.addi %and3A_98, %add3A_728 : vector<16xi32>
        %add3A_730 = vector.broadcast %mul3A_701 : i32 to vector<16xi32>
        %add3A_731 = arith.addi %and3A_104, %add3A_730 : vector<16xi32>
        %add3A_732 = vector.broadcast %mul3A_701 : i32 to vector<16xi32>
        %add3A_733 = arith.addi %and3A_110, %add3A_732 : vector<16xi32>
        %gather3A = tpu.vector_load_idx %arg8[%iota3A, %add3A_703] : memref<16x768xf32, #tpu.memory_space<vmem>>[vector<16xi32>, vector<16xi32>], vector<16xf32>,
        %gather3A_734 = tpu.vector_load_idx %arg8[%iota3A, %add3A_705] : memref<16x768xf32, #tpu.memory_space<vmem>>[vector<16xi32>, vector<16xi32>], vector<16xf32>,
        %gather3A_735 = tpu.vector_load_idx %arg8[%iota3A, %add3A_707] : memref<16x768xf32, #tpu.memory_space<vmem>>[vector<16xi32>, vector<16xi32>], vector<16xf32>,
        %gather3A_736 = tpu.vector_load_idx %arg8[%iota3A, %add3A_709] : memref<16x768xf32, #tpu.memory_space<vmem>>[vector<16xi32>, vector<16xi32>], vector<16xf32>,
        %gather3A_737 = tpu.vector_load_idx %arg8[%iota3A, %add3A_711] : memref<16x768xf32, #tpu.memory_space<vmem>>[vector<16xi32>, vector<16xi32>], vector<16xf32>,
        %gather3A_738 = tpu.vector_load_idx %arg8[%iota3A, %add3A_713] : memref<16x768xf32, #tpu.memory_space<vmem>>[vector<16xi32>, vector<16xi32>], vector<16xf32>,
        %gather3A_739 = tpu.vector_load_idx %arg8[%iota3A, %add3A_715] : memref<16x768xf32, #tpu.memory_space<vmem>>[vector<16xi32>, vector<16xi32>], vector<16xf32>,
        %gather3A_740 = tpu.vector_load_idx %arg8[%iota3A, %add3A_717] : memref<16x768xf32, #tpu.memory_space<vmem>>[vector<16xi32>, vector<16xi32>], vector<16xf32>,
        %gather3A_741 = tpu.vector_load_idx %arg8[%iota3A, %add3A_719] : memref<16x768xf32, #tpu.memory_space<vmem>>[vector<16xi32>, vector<16xi32>], vector<16xf32>,
        %gather3A_742 = tpu.vector_load_idx %arg8[%iota3A, %add3A_721] : memref<16x768xf32, #tpu.memory_space<vmem>>[vector<16xi32>, vector<16xi32>], vector<16xf32>,
        %gather3A_743 = tpu.vector_load_idx %arg8[%iota3A, %add3A_723] : memref<16x768xf32, #tpu.memory_space<vmem>>[vector<16xi32>, vector<16xi32>], vector<16xf32>,
        %gather3A_744 = tpu.vector_load_idx %arg8[%iota3A, %add3A_725] : memref<16x768xf32, #tpu.memory_space<vmem>>[vector<16xi32>, vector<16xi32>], vector<16xf32>,
        %gather3A_745 = tpu.vector_load_idx %arg8[%iota3A, %add3A_727] : memref<16x768xf32, #tpu.memory_space<vmem>>[vector<16xi32>, vector<16xi32>], vector<16xf32>,
        %gather3A_746 = tpu.vector_load_idx %arg8[%iota3A, %add3A_729] : memref<16x768xf32, #tpu.memory_space<vmem>>[vector<16xi32>, vector<16xi32>], vector<16xf32>,
        %gather3A_747 = tpu.vector_load_idx %arg8[%iota3A, %add3A_731] : memref<16x768xf32, #tpu.memory_space<vmem>>[vector<16xi32>, vector<16xi32>], vector<16xf32>,
        %gather3A_748 = tpu.vector_load_idx %arg8[%iota3A, %add3A_733] : memref<16x768xf32, #tpu.memory_space<vmem>>[vector<16xi32>, vector<16xi32>], vector<16xf32>,
        tpu.vector_store_idx %arg12[%add3A_703, %iota3A], %gather3A : memref<768x16xf32, #tpu.memory_space<vmem>>[vector<16xi32>, vector<16xi32>], vector<16xf32>,
        tpu.vector_store_idx %arg12[%add3A_705, %iota3A], %gather3A_734 : memref<768x16xf32, #tpu.memory_space<vmem>>[vector<16xi32>, vector<16xi32>], vector<16xf32>,
        tpu.vector_store_idx %arg12[%add3A_707, %iota3A], %gather3A_735 : memref<768x16xf32, #tpu.memory_space<vmem>>[vector<16xi32>, vector<16xi32>], vector<16xf32>,
        tpu.vector_store_idx %arg12[%add3A_709, %iota3A], %gather3A_736 : memref<768x16xf32, #tpu.memory_space<vmem>>[vector<16xi32>, vector<16xi32>], vector<16xf32>,
        tpu.vector_store_idx %arg12[%add3A_711, %iota3A], %gather3A_737 : memref<768x16xf32, #tpu.memory_space<vmem>>[vector<16xi32>, vector<16xi32>], vector<16xf32>,
        tpu.vector_store_idx %arg12[%add3A_713, %iota3A], %gather3A_738 : memref<768x16xf32, #tpu.memory_space<vmem>>[vector<16xi32>, vector<16xi32>], vector<16xf32>,
        tpu.vector_store_idx %arg12[%add3A_715, %iota3A], %gather3A_739 : memref<768x16xf32, #tpu.memory_space<vmem>>[vector<16xi32>, vector<16xi32>], vector<16xf32>,
        tpu.vector_store_idx %arg12[%add3A_717, %iota3A], %gather3A_740 : memref<768x16xf32, #tpu.memory_space<vmem>>[vector<16xi32>, vector<16xi32>], vector<16xf32>,
        tpu.vector_store_idx %arg12[%add3A_719, %iota3A], %gather3A_741 : memref<768x16xf32, #tpu.memory_space<vmem>>[vector<16xi32>, vector<16xi32>], vector<16xf32>,
        tpu.vector_store_idx %arg12[%add3A_721, %iota3A], %gather3A_742 : memref<768x16xf32, #tpu.memory_space<vmem>>[vector<16xi32>, vector<16xi32>], vector<16xf32>,
        tpu.vector_store_idx %arg12[%add3A_723, %iota3A], %gather3A_743 : memref<768x16xf32, #tpu.memory_space<vmem>>[vector<16xi32>, vector<16xi32>], vector<16xf32>,
        tpu.vector_store_idx %arg12[%add3A_725, %iota3A], %gather3A_744 : memref<768x16xf32, #tpu.memory_space<vmem>>[vector<16xi32>, vector<16xi32>], vector<16xf32>,
        tpu.vector_store_idx %arg12[%add3A_727, %iota3A], %gather3A_745 : memref<768x16xf32, #tpu.memory_space<vmem>>[vector<16xi32>, vector<16xi32>], vector<16xf32>,
        tpu.vector_store_idx %arg12[%add3A_729, %iota3A], %gather3A_746 : memref<768x16xf32, #tpu.memory_space<vmem>>[vector<16xi32>, vector<16xi32>], vector<16xf32>,
        tpu.vector_store_idx %arg12[%add3A_731, %iota3A], %gather3A_747 : memref<768x16xf32, #tpu.memory_space<vmem>>[vector<16xi32>, vector<16xi32>], vector<16xf32>,
        tpu.vector_store_idx %arg12[%add3A_733, %iota3A], %gather3A_748 : memref<768x16xf32, #tpu.memory_space<vmem>>[vector<16xi32>, vector<16xi32>], vector<16xf32>,
      }
      %while3A_534 = arith.constant 0 : i32
      %while3A_535 = arith.constant 0 : i32
      %while3A_536 = arith.constant 48 : i32
      %while3A_537 = arith.subi %while3A_536, %while3A_535 : i32
      %while3A_538 = arith.addi %while3A_535, %while3A_537 : i32
      %while3A_539 = arith.constant 1 : i32
      %while3A_540 = arith.divsi %while3A_537, %while3A_539 : i32
      %while3A_541 = arith.muli %while3A_540, %while3A_539 : i32
      %while3A_542 = arith.addi %while3A_535, %while3A_541 : i32
      %while3A_543 = arith.constant 1 : i32
      scf.for %while3A_699 = %while3A_535 to %while3A_542 step %while3A_543  : i32 {
        %mul3A_700 = arith.constant 16 : i32
        %mul3A_701 = arith.muli %while3A_699, %mul3A_700 : i32
        %get3A = arith.constant 15 : i32
        %get3A_702 = arith.index_cast %get3A : i32 to index
        %get3A_703 = arith.index_cast %mul3A_701 : i32 to index
        %get3A_704 = tpu.vector_load %arg8[%get3A_702, %get3A_703] {strides = array<i32>} : memref<16x768xf32, #tpu.memory_space<vmem>>, vector<16xf32>,
        %swap3A = arith.index_cast %mul3A_701 : i32 to index
        %swap3A_705 = tpu.vector_load %arg14[%swap3A] {strides = array<i32>} : memref<768xf32, #tpu.memory_space<vmem>>, vector<16xf32>,
        tpu.vector_store %arg14[%swap3A], %get3A_704 {strides = array<i32>} : memref<768xf32, #tpu.memory_space<vmem>>, vector<16xf32>,
      }
      %while3A_544 = arith.constant 1 : i32
      scf.for %while3A_699 = %while3A_542 to %while3A_538 step %while3A_544  : i32 {
        %mul3A_700 = arith.constant 16 : i32
        %mul3A_701 = arith.muli %while3A_699, %mul3A_700 : i32
        %get3A = arith.constant 15 : i32
        %get3A_702 = arith.index_cast %get3A : i32 to index
        %get3A_703 = arith.index_cast %mul3A_701 : i32 to index
        %get3A_704 = tpu.vector_load %arg8[%get3A_702, %get3A_703] {strides = array<i32>} : memref<16x768xf32, #tpu.memory_space<vmem>>, vector<16xf32>,
        %swap3A = arith.index_cast %mul3A_701 : i32 to index
        %swap3A_705 = tpu.vector_load %arg14[%swap3A] {strides = array<i32>} : memref<768xf32, #tpu.memory_space<vmem>>, vector<16xf32>,
        tpu.vector_store %arg14[%swap3A], %get3A_704 {strides = array<i32>} : memref<768xf32, #tpu.memory_space<vmem>>, vector<16xf32>,
      }
      %dma_start3A_545 = arith.constant 0 : i32
      %dma_start3A_546 = arith.constant 0 : i32
      %dma_start3A_547 = arith.constant 0 : i32
      %dma_start3A_548 = arith.constant 0 : i32
      %dma_start3A_549 = tpu.memref_slice %arg12[%dma_start3A_547, %dma_start3A_548] : memref<768x16xf32, #tpu.memory_space<vmem>> -> memref<128x16xf32, #tpu.memory_space<vmem>>
      %dma_start3A_550 = arith.constant 0 : i32
      %dma_start3A_551 = tpu.memref_slice %arg10[%dma_start3A_545, %dma_start3A_546, %dma_start3A_550] : memref<6x1x128xi32, #tpu.memory_space<vmem>> -> memref<1x1x128xi32, #tpu.memory_space<vmem>>
      %dma_start3A_552 = tpu.memref_squeeze %dma_start3A_551 : memref<1x1x128xi32, #tpu.memory_space<vmem>> -> memref<128xi32, #tpu.memory_space<vmem>>
      %dma_start3A_553 = arith.constant 0 : i32
      %dma_start3A_554 = arith.constant 0 : i32
      %dma_start3A_555 = tpu.memref_slice %arg6[%dma_start3A_553, %dma_start3A_554] : memref<10000x16xf32, #tpu.memory_space<vmem_shared>> -> memref<10000x16xf32, #tpu.memory_space<vmem_shared>>
      tpu.enqueue_indirect_dma source(%dma_start3A_549 : memref<128x16xf32, #tpu.memory_space<vmem>>) target(%dma_start3A_555 : memref<10000x16xf32, #tpu.memory_space<vmem_shared>>) offsets(%dma_start3A_552 : memref<128xi32, #tpu.memory_space<vmem>>) semaphore(%arg18 : memref<!tpu.dma_semaphore, #tpu.memory_space<semaphore_mem>>) {add = true}
      %dma_start3A_556 = arith.constant 1 : i32
      %dma_start3A_557 = arith.constant 0 : i32
      %dma_start3A_558 = arith.constant 128 : i32
      %dma_start3A_559 = arith.constant 0 : i32
      %dma_start3A_560 = tpu.memref_slice %arg12[%dma_start3A_558, %dma_start3A_559] : memref<768x16xf32, #tpu.memory_space<vmem>> -> memref<128x16xf32, #tpu.memory_space<vmem>>
      %dma_start3A_561 = arith.constant 0 : i32
      %dma_start3A_562 = tpu.memref_slice %arg10[%dma_start3A_556, %dma_start3A_557, %dma_start3A_561] : memref<6x1x128xi32, #tpu.memory_space<vmem>> -> memref<1x1x128xi32, #tpu.memory_space<vmem>>
      %dma_start3A_563 = tpu.memref_squeeze %dma_start3A_562 : memref<1x1x128xi32, #tpu.memory_space<vmem>> -> memref<128xi32, #tpu.memory_space<vmem>>
      %dma_start3A_564 = arith.constant 0 : i32
      %dma_start3A_565 = arith.constant 0 : i32
      %dma_start3A_566 = tpu.memref_slice %arg6[%dma_start3A_564, %dma_start3A_565] : memref<10000x16xf32, #tpu.memory_space<vmem_shared>> -> memref<10000x16xf32, #tpu.memory_space<vmem_shared>>
      tpu.enqueue_indirect_dma source(%dma_start3A_560 : memref<128x16xf32, #tpu.memory_space<vmem>>) target(%dma_start3A_566 : memref<10000x16xf32, #tpu.memory_space<vmem_shared>>) offsets(%dma_start3A_563 : memref<128xi32, #tpu.memory_space<vmem>>) semaphore(%arg18 : memref<!tpu.dma_semaphore, #tpu.memory_space<semaphore_mem>>) {add = true}
      %dma_start3A_567 = arith.constant 2 : i32
      %dma_start3A_568 = arith.constant 0 : i32
      %dma_start3A_569 = arith.constant 256 : i32
      %dma_start3A_570 = arith.constant 0 : i32
      %dma_start3A_571 = tpu.memref_slice %arg12[%dma_start3A_569, %dma_start3A_570] : memref<768x16xf32, #tpu.memory_space<vmem>> -> memref<128x16xf32, #tpu.memory_space<vmem>>
      %dma_start3A_572 = arith.constant 0 : i32
      %dma_start3A_573 = tpu.memref_slice %arg10[%dma_start3A_567, %dma_start3A_568, %dma_start3A_572] : memref<6x1x128xi32, #tpu.memory_space<vmem>> -> memref<1x1x128xi32, #tpu.memory_space<vmem>>
      %dma_start3A_574 = tpu.memref_squeeze %dma_start3A_573 : memref<1x1x128xi32, #tpu.memory_space<vmem>> -> memref<128xi32, #tpu.memory_space<vmem>>
      %dma_start3A_575 = arith.constant 0 : i32
      %dma_start3A_576 = arith.constant 0 : i32
      %dma_start3A_577 = tpu.memref_slice %arg6[%dma_start3A_575, %dma_start3A_576] : memref<10000x16xf32, #tpu.memory_space<vmem_shared>> -> memref<10000x16xf32, #tpu.memory_space<vmem_shared>>
      tpu.enqueue_indirect_dma source(%dma_start3A_571 : memref<128x16xf32, #tpu.memory_space<vmem>>) target(%dma_start3A_577 : memref<10000x16xf32, #tpu.memory_space<vmem_shared>>) offsets(%dma_start3A_574 : memref<128xi32, #tpu.memory_space<vmem>>) semaphore(%arg18 : memref<!tpu.dma_semaphore, #tpu.memory_space<semaphore_mem>>) {add = true}
      %dma_start3A_578 = arith.constant 3 : i32
      %dma_start3A_579 = arith.constant 0 : i32
      %dma_start3A_580 = arith.constant 384 : i32
      %dma_start3A_581 = arith.constant 0 : i32
      %dma_start3A_582 = tpu.memref_slice %arg12[%dma_start3A_580, %dma_start3A_581] : memref<768x16xf32, #tpu.memory_space<vmem>> -> memref<128x16xf32, #tpu.memory_space<vmem>>
      %dma_start3A_583 = arith.constant 0 : i32
      %dma_start3A_584 = tpu.memref_slice %arg10[%dma_start3A_578, %dma_start3A_579, %dma_start3A_583] : memref<6x1x128xi32, #tpu.memory_space<vmem>> -> memref<1x1x128xi32, #tpu.memory_space<vmem>>
      %dma_start3A_585 = tpu.memref_squeeze %dma_start3A_584 : memref<1x1x128xi32, #tpu.memory_space<vmem>> -> memref<128xi32, #tpu.memory_space<vmem>>
      %dma_start3A_586 = arith.constant 0 : i32
      %dma_start3A_587 = arith.constant 0 : i32
      %dma_start3A_588 = tpu.memref_slice %arg6[%dma_start3A_586, %dma_start3A_587] : memref<10000x16xf32, #tpu.memory_space<vmem_shared>> -> memref<10000x16xf32, #tpu.memory_space<vmem_shared>>
      tpu.enqueue_indirect_dma source(%dma_start3A_582 : memref<128x16xf32, #tpu.memory_space<vmem>>) target(%dma_start3A_588 : memref<10000x16xf32, #tpu.memory_space<vmem_shared>>) offsets(%dma_start3A_585 : memref<128xi32, #tpu.memory_space<vmem>>) semaphore(%arg18 : memref<!tpu.dma_semaphore, #tpu.memory_space<semaphore_mem>>) {add = true}
      %dma_start3A_589 = arith.constant 4 : i32
      %dma_start3A_590 = arith.constant 0 : i32
      %dma_start3A_591 = arith.constant 512 : i32
      %dma_start3A_592 = arith.constant 0 : i32
      %dma_start3A_593 = tpu.memref_slice %arg12[%dma_start3A_591, %dma_start3A_592] : memref<768x16xf32, #tpu.memory_space<vmem>> -> memref<128x16xf32, #tpu.memory_space<vmem>>
      %dma_start3A_594 = arith.constant 0 : i32
      %dma_start3A_595 = tpu.memref_slice %arg10[%dma_start3A_589, %dma_start3A_590, %dma_start3A_594] : memref<6x1x128xi32, #tpu.memory_space<vmem>> -> memref<1x1x128xi32, #tpu.memory_space<vmem>>
      %dma_start3A_596 = tpu.memref_squeeze %dma_start3A_595 : memref<1x1x128xi32, #tpu.memory_space<vmem>> -> memref<128xi32, #tpu.memory_space<vmem>>
      %dma_start3A_597 = arith.constant 0 : i32
      %dma_start3A_598 = arith.constant 0 : i32
      %dma_start3A_599 = tpu.memref_slice %arg6[%dma_start3A_597, %dma_start3A_598] : memref<10000x16xf32, #tpu.memory_space<vmem_shared>> -> memref<10000x16xf32, #tpu.memory_space<vmem_shared>>
      tpu.enqueue_indirect_dma source(%dma_start3A_593 : memref<128x16xf32, #tpu.memory_space<vmem>>) target(%dma_start3A_599 : memref<10000x16xf32, #tpu.memory_space<vmem_shared>>) offsets(%dma_start3A_596 : memref<128xi32, #tpu.memory_space<vmem>>) semaphore(%arg18 : memref<!tpu.dma_semaphore, #tpu.memory_space<semaphore_mem>>) {add = true}
      %dma_start3A_600 = arith.constant 5 : i32
      %dma_start3A_601 = arith.constant 0 : i32
      %dma_start3A_602 = arith.constant 640 : i32
      %dma_start3A_603 = arith.constant 0 : i32
      %dma_start3A_604 = tpu.memref_slice %arg12[%dma_start3A_602, %dma_start3A_603] : memref<768x16xf32, #tpu.memory_space<vmem>> -> memref<128x16xf32, #tpu.memory_space<vmem>>
      %dma_start3A_605 = arith.constant 0 : i32
      %dma_start3A_606 = tpu.memref_slice %arg10[%dma_start3A_600, %dma_start3A_601, %dma_start3A_605] : memref<6x1x128xi32, #tpu.memory_space<vmem>> -> memref<1x1x128xi32, #tpu.memory_space<vmem>>
      %dma_start3A_607 = tpu.memref_squeeze %dma_start3A_606 : memref<1x1x128xi32, #tpu.memory_space<vmem>> -> memref<128xi32, #tpu.memory_space<vmem>>
      %dma_start3A_608 = arith.constant 0 : i32
      %dma_start3A_609 = arith.constant 0 : i32
      %dma_start3A_610 = tpu.memref_slice %arg6[%dma_start3A_608, %dma_start3A_609] : memref<10000x16xf32, #tpu.memory_space<vmem_shared>> -> memref<10000x16xf32, #tpu.memory_space<vmem_shared>>
      tpu.enqueue_indirect_dma source(%dma_start3A_604 : memref<128x16xf32, #tpu.memory_space<vmem>>) target(%dma_start3A_610 : memref<10000x16xf32, #tpu.memory_space<vmem_shared>>) offsets(%dma_start3A_607 : memref<128xi32, #tpu.memory_space<vmem>>) semaphore(%arg18 : memref<!tpu.dma_semaphore, #tpu.memory_space<semaphore_mem>>) {add = true}
      %mul3A_611 = arith.constant 128 : i32
      %mul3A_612 = arith.muli %add3A_390, %mul3A_611 : i32
      %dma_start3A_613 = tpu.memref_slice %arg5[%mul3A_612] : memref<320000xf32, #tpu.memory_space<hbm>> -> memref<768xf32, #tpu.memory_space<hbm>>
      %dma_start3A_614 = tpu.memref_slice %arg5[%mul3A_612] : memref<320000xf32, #tpu.memory_space<hbm>> -> memref<768xf32, #tpu.memory_space<hbm>>
      tpu.enqueue_dma source(%arg14 : memref<768xf32, #tpu.memory_space<vmem>>) target(%dma_start3A_614 : memref<768xf32, #tpu.memory_space<hbm>>) target_semaphore(%arg20 : memref<!tpu.dma_semaphore, #tpu.memory_space<semaphore_mem>>)
      %dma_wait3A_615 = arith.constant 0 : i32
      %dma_wait3A_616 = arith.constant 0 : i32
      %dma_wait3A_617 = arith.constant 0 : i32
      %dma_wait3A_618 = arith.constant 0 : i32
      %dma_wait3A_619 = tpu.memref_slice %arg11[%dma_wait3A_617, %dma_wait3A_618] : memref<768x16xf32, #tpu.memory_space<vmem>> -> memref<128x16xf32, #tpu.memory_space<vmem>>
      %dma_wait3A_620 = arith.constant 0 : i32
      %dma_wait3A_621 = tpu.memref_slice %arg9[%dma_wait3A_615, %dma_wait3A_616, %dma_wait3A_620] : memref<6x1x128xi32, #tpu.memory_space<vmem>> -> memref<1x1x128xi32, #tpu.memory_space<vmem>>
      %dma_wait3A_622 = tpu.memref_squeeze %dma_wait3A_621 : memref<1x1x128xi32, #tpu.memory_space<vmem>> -> memref<128xi32, #tpu.memory_space<vmem>>
      %dma_wait3A_623 = arith.constant 0 : i32
      %dma_wait3A_624 = arith.constant 0 : i32
      %dma_wait3A_625 = tpu.memref_slice %arg6[%dma_wait3A_623, %dma_wait3A_624] : memref<10000x16xf32, #tpu.memory_space<vmem_shared>> -> memref<10000x16xf32, #tpu.memory_space<vmem_shared>>
      tpu.wait_indirect_dma semaphore(%arg17 : memref<!tpu.dma_semaphore, #tpu.memory_space<semaphore_mem>>) src(%dma_wait3A_619 : memref<128x16xf32, #tpu.memory_space<vmem>>) dst(%dma_wait3A_625 : memref<10000x16xf32, #tpu.memory_space<vmem_shared>>)
      %dma_wait3A_626 = arith.constant 1 : i32
      %dma_wait3A_627 = arith.constant 0 : i32
      %dma_wait3A_628 = arith.constant 128 : i32
      %dma_wait3A_629 = arith.constant 0 : i32
      %dma_wait3A_630 = tpu.memref_slice %arg11[%dma_wait3A_628, %dma_wait3A_629] : memref<768x16xf32, #tpu.memory_space<vmem>> -> memref<128x16xf32, #tpu.memory_space<vmem>>
      %dma_wait3A_631 = arith.constant 0 : i32
      %dma_wait3A_632 = tpu.memref_slice %arg9[%dma_wait3A_626, %dma_wait3A_627, %dma_wait3A_631] : memref<6x1x128xi32, #tpu.memory_space<vmem>> -> memref<1x1x128xi32, #tpu.memory_space<vmem>>
      %dma_wait3A_633 = tpu.memref_squeeze %dma_wait3A_632 : memref<1x1x128xi32, #tpu.memory_space<vmem>> -> memref<128xi32, #tpu.memory_space<vmem>>
      %dma_wait3A_634 = arith.constant 0 : i32
      %dma_wait3A_635 = arith.constant 0 : i32
      %dma_wait3A_636 = tpu.memref_slice %arg6[%dma_wait3A_634, %dma_wait3A_635] : memref<10000x16xf32, #tpu.memory_space<vmem_shared>> -> memref<10000x16xf32, #tpu.memory_space<vmem_shared>>
      tpu.wait_indirect_dma semaphore(%arg17 : memref<!tpu.dma_semaphore, #tpu.memory_space<semaphore_mem>>) src(%dma_wait3A_630 : memref<128x16xf32, #tpu.memory_space<vmem>>) dst(%dma_wait3A_636 : memref<10000x16xf32, #tpu.memory_space<vmem_shared>>)
      %dma_wait3A_637 = arith.constant 2 : i32
      %dma_wait3A_638 = arith.constant 0 : i32
      %dma_wait3A_639 = arith.constant 256 : i32
      %dma_wait3A_640 = arith.constant 0 : i32
      %dma_wait3A_641 = tpu.memref_slice %arg11[%dma_wait3A_639, %dma_wait3A_640] : memref<768x16xf32, #tpu.memory_space<vmem>> -> memref<128x16xf32, #tpu.memory_space<vmem>>
      %dma_wait3A_642 = arith.constant 0 : i32
      %dma_wait3A_643 = tpu.memref_slice %arg9[%dma_wait3A_637, %dma_wait3A_638, %dma_wait3A_642] : memref<6x1x128xi32, #tpu.memory_space<vmem>> -> memref<1x1x128xi32, #tpu.memory_space<vmem>>
      %dma_wait3A_644 = tpu.memref_squeeze %dma_wait3A_643 : memref<1x1x128xi32, #tpu.memory_space<vmem>> -> memref<128xi32, #tpu.memory_space<vmem>>
      %dma_wait3A_645 = arith.constant 0 : i32
      %dma_wait3A_646 = arith.constant 0 : i32
      %dma_wait3A_647 = tpu.memref_slice %arg6[%dma_wait3A_645, %dma_wait3A_646] : memref<10000x16xf32, #tpu.memory_space<vmem_shared>> -> memref<10000x16xf32, #tpu.memory_space<vmem_shared>>
      tpu.wait_indirect_dma semaphore(%arg17 : memref<!tpu.dma_semaphore, #tpu.memory_space<semaphore_mem>>) src(%dma_wait3A_641 : memref<128x16xf32, #tpu.memory_space<vmem>>) dst(%dma_wait3A_647 : memref<10000x16xf32, #tpu.memory_space<vmem_shared>>)
      %dma_wait3A_648 = arith.constant 3 : i32
      %dma_wait3A_649 = arith.constant 0 : i32
      %dma_wait3A_650 = arith.constant 384 : i32
      %dma_wait3A_651 = arith.constant 0 : i32
      %dma_wait3A_652 = tpu.memref_slice %arg11[%dma_wait3A_650, %dma_wait3A_651] : memref<768x16xf32, #tpu.memory_space<vmem>> -> memref<128x16xf32, #tpu.memory_space<vmem>>
      %dma_wait3A_653 = arith.constant 0 : i32
      %dma_wait3A_654 = tpu.memref_slice %arg9[%dma_wait3A_648, %dma_wait3A_649, %dma_wait3A_653] : memref<6x1x128xi32, #tpu.memory_space<vmem>> -> memref<1x1x128xi32, #tpu.memory_space<vmem>>
      %dma_wait3A_655 = tpu.memref_squeeze %dma_wait3A_654 : memref<1x1x128xi32, #tpu.memory_space<vmem>> -> memref<128xi32, #tpu.memory_space<vmem>>
      %dma_wait3A_656 = arith.constant 0 : i32
      %dma_wait3A_657 = arith.constant 0 : i32
      %dma_wait3A_658 = tpu.memref_slice %arg6[%dma_wait3A_656, %dma_wait3A_657] : memref<10000x16xf32, #tpu.memory_space<vmem_shared>> -> memref<10000x16xf32, #tpu.memory_space<vmem_shared>>
      tpu.wait_indirect_dma semaphore(%arg17 : memref<!tpu.dma_semaphore, #tpu.memory_space<semaphore_mem>>) src(%dma_wait3A_652 : memref<128x16xf32, #tpu.memory_space<vmem>>) dst(%dma_wait3A_658 : memref<10000x16xf32, #tpu.memory_space<vmem_shared>>)
      %dma_wait3A_659 = arith.constant 4 : i32
      %dma_wait3A_660 = arith.constant 0 : i32
      %dma_wait3A_661 = arith.constant 512 : i32
      %dma_wait3A_662 = arith.constant 0 : i32
      %dma_wait3A_663 = tpu.memref_slice %arg11[%dma_wait3A_661, %dma_wait3A_662] : memref<768x16xf32, #tpu.memory_space<vmem>> -> memref<128x16xf32, #tpu.memory_space<vmem>>
      %dma_wait3A_664 = arith.constant 0 : i32
      %dma_wait3A_665 = tpu.memref_slice %arg9[%dma_wait3A_659, %dma_wait3A_660, %dma_wait3A_664] : memref<6x1x128xi32, #tpu.memory_space<vmem>> -> memref<1x1x128xi32, #tpu.memory_space<vmem>>
      %dma_wait3A_666 = tpu.memref_squeeze %dma_wait3A_665 : memref<1x1x128xi32, #tpu.memory_space<vmem>> -> memref<128xi32, #tpu.memory_space<vmem>>
      %dma_wait3A_667 = arith.constant 0 : i32
      %dma_wait3A_668 = arith.constant 0 : i32
      %dma_wait3A_669 = tpu.memref_slice %arg6[%dma_wait3A_667, %dma_wait3A_668] : memref<10000x16xf32, #tpu.memory_space<vmem_shared>> -> memref<10000x16xf32, #tpu.memory_space<vmem_shared>>
      tpu.wait_indirect_dma semaphore(%arg17 : memref<!tpu.dma_semaphore, #tpu.memory_space<semaphore_mem>>) src(%dma_wait3A_663 : memref<128x16xf32, #tpu.memory_space<vmem>>) dst(%dma_wait3A_669 : memref<10000x16xf32, #tpu.memory_space<vmem_shared>>)
      %dma_wait3A_670 = arith.constant 5 : i32
      %dma_wait3A_671 = arith.constant 0 : i32
      %dma_wait3A_672 = arith.constant 640 : i32
      %dma_wait3A_673 = arith.constant 0 : i32
      %dma_wait3A_674 = tpu.memref_slice %arg11[%dma_wait3A_672, %dma_wait3A_673] : memref<768x16xf32, #tpu.memory_space<vmem>> -> memref<128x16xf32, #tpu.memory_space<vmem>>
      %dma_wait3A_675 = arith.constant 0 : i32
      %dma_wait3A_676 = tpu.memref_slice %arg9[%dma_wait3A_670, %dma_wait3A_671, %dma_wait3A_675] : memref<6x1x128xi32, #tpu.memory_space<vmem>> -> memref<1x1x128xi32, #tpu.memory_space<vmem>>
      %dma_wait3A_677 = tpu.memref_squeeze %dma_wait3A_676 : memref<1x1x128xi32, #tpu.memory_space<vmem>> -> memref<128xi32, #tpu.memory_space<vmem>>
      %dma_wait3A_678 = arith.constant 0 : i32
      %dma_wait3A_679 = arith.constant 0 : i32
      %dma_wait3A_680 = tpu.memref_slice %arg6[%dma_wait3A_678, %dma_wait3A_679] : memref<10000x16xf32, #tpu.memory_space<vmem_shared>> -> memref<10000x16xf32, #tpu.memory_space<vmem_shared>>
      tpu.wait_indirect_dma semaphore(%arg17 : memref<!tpu.dma_semaphore, #tpu.memory_space<semaphore_mem>>) src(%dma_wait3A_674 : memref<128x16xf32, #tpu.memory_space<vmem>>) dst(%dma_wait3A_680 : memref<10000x16xf32, #tpu.memory_space<vmem_shared>>)
      %mul3A_681 = arith.constant 128 : i32
      %mul3A_682 = arith.muli %add3A_388, %mul3A_681 : i32
      %dma_wait3A_683 = tpu.memref_slice %arg5[%mul3A_682] : memref<320000xf32, #tpu.memory_space<hbm>> -> memref<768xf32, #tpu.memory_space<hbm>>
      %dma_wait3A_684 = tpu.memref_slice %arg5[%mul3A_682] : memref<320000xf32, #tpu.memory_space<hbm>> -> memref<768xf32, #tpu.memory_space<hbm>>
      tpu.wait_dma2 semaphore(%arg19 : memref<!tpu.dma_semaphore, #tpu.memory_space<semaphore_mem>>) src(%arg13 : memref<768xf32, #tpu.memory_space<vmem>>) dst(%dma_wait3A_684 : memref<768xf32, #tpu.memory_space<hbm>>)
      %add3A_685 = arith.constant 12 : i32
      %add3A_686 = arith.addi %add3A_388, %add3A_685 : i32
      %mul3A_687 = arith.constant 128 : i32
      %mul3A_688 = arith.muli %add3A_686, %mul3A_687 : i32
      %dma_start3A_689 = arith.constant 0 : i32
      %dma_start3A_690 = tpu.memref_slice %arg2[%dma_start3A_689, %mul3A_688] : memref<16x320000xf32, #tpu.memory_space<hbm>> -> memref<16x768xf32, #tpu.memory_space<hbm>>
      %dma_start3A_691 = arith.constant 0 : i32
      %dma_start3A_692 = tpu.memref_slice %arg2[%dma_start3A_691, %mul3A_688] : memref<16x320000xf32, #tpu.memory_space<hbm>> -> memref<16x768xf32, #tpu.memory_space<hbm>>
      tpu.enqueue_dma source(%dma_start3A_692 : memref<16x768xf32, #tpu.memory_space<hbm>>) target(%arg7 : memref<16x768xf32, #tpu.memory_space<vmem>>) target_semaphore(%arg15 : memref<!tpu.dma_semaphore, #tpu.memory_space<semaphore_mem>>)
      %dma_start3A_693 = arith.constant 1 : i32
      %dma_start3A_694 = arith.constant 0 : i32
      %dma_start3A_695 = tpu.memref_slice %arg3[%add3A_686, %dma_start3A_693, %dma_start3A_694] : memref<2500x2x128xi32, #tpu.memory_space<hbm>> -> memref<6x1x128xi32, #tpu.memory_space<hbm>>
      %dma_start3A_696 = arith.constant 1 : i32
      %dma_start3A_697 = arith.constant 0 : i32
      %dma_start3A_698 = tpu.memref_slice %arg3[%add3A_686, %dma_start3A_696, %dma_start3A_697] : memref<2500x2x128xi32, #tpu.memory_space<hbm>> -> memref<6x1x128xi32, #tpu.memory_space<hbm>>
      tpu.enqueue_dma source(%dma_start3A_698 : memref<6x1x128xi32, #tpu.memory_space<hbm>>) target(%arg9 : memref<6x1x128xi32, #tpu.memory_space<vmem>>) target_semaphore(%arg15 : memref<!tpu.dma_semaphore, #tpu.memory_space<semaphore_mem>>)
    }
    %add3A_133 = arith.constant 72 : i32
    %add3A_134 = arith.addi %mul3A_2, %add3A_133 : i32
    %mul3A_135 = arith.constant 128 : i32
    %mul3A_136 = arith.muli %add3A_134, %mul3A_135 : i32
    %dma_wait3A = arith.constant 0 : i32
    %dma_wait3A_137 = tpu.memref_slice %arg2[%dma_wait3A, %mul3A_136] : memref<16x320000xf32, #tpu.memory_space<hbm>> -> memref<16x768xf32, #tpu.memory_space<hbm>>
    %dma_wait3A_138 = arith.constant 0 : i32
    %dma_wait3A_139 = tpu.memref_slice %arg2[%dma_wait3A_138, %mul3A_136] : memref<16x320000xf32, #tpu.memory_space<hbm>> -> memref<16x768xf32, #tpu.memory_space<hbm>>
    tpu.wait_dma2 semaphore(%arg15 : memref<!tpu.dma_semaphore, #tpu.memory_space<semaphore_mem>>) src(%dma_wait3A_139 : memref<16x768xf32, #tpu.memory_space<hbm>>) dst(%arg7 : memref<16x768xf32, #tpu.memory_space<vmem>>)
    %dma_wait3A_140 = arith.constant 1 : i32
    %dma_wait3A_141 = arith.constant 0 : i32
    %dma_wait3A_142 = tpu.memref_slice %arg3[%add3A_134, %dma_wait3A_140, %dma_wait3A_141] : memref<2500x2x128xi32, #tpu.memory_space<hbm>> -> memref<6x1x128xi32, #tpu.memory_space<hbm>>
    %dma_wait3A_143 = arith.constant 1 : i32
    %dma_wait3A_144 = arith.constant 0 : i32
    %dma_wait3A_145 = tpu.memref_slice %arg3[%add3A_134, %dma_wait3A_143, %dma_wait3A_144] : memref<2500x2x128xi32, #tpu.memory_space<hbm>> -> memref<6x1x128xi32, #tpu.memory_space<hbm>>
    tpu.wait_dma2 semaphore(%arg15 : memref<!tpu.dma_semaphore, #tpu.memory_space<semaphore_mem>>) src(%dma_wait3A_145 : memref<6x1x128xi32, #tpu.memory_space<hbm>>) dst(%arg9 : memref<6x1x128xi32, #tpu.memory_space<vmem>>)
    %dma_wait3A_146 = arith.constant 0 : i32
    %dma_wait3A_147 = arith.constant 0 : i32
    %dma_wait3A_148 = arith.constant 0 : i32
    %dma_wait3A_149 = arith.constant 0 : i32
    %dma_wait3A_150 = tpu.memref_slice %arg12[%dma_wait3A_148, %dma_wait3A_149] : memref<768x16xf32, #tpu.memory_space<vmem>> -> memref<128x16xf32, #tpu.memory_space<vmem>>
    %dma_wait3A_151 = arith.constant 0 : i32
    %dma_wait3A_152 = tpu.memref_slice %arg10[%dma_wait3A_146, %dma_wait3A_147, %dma_wait3A_151] : memref<6x1x128xi32, #tpu.memory_space<vmem>> -> memref<1x1x128xi32, #tpu.memory_space<vmem>>
    %dma_wait3A_153 = tpu.memref_squeeze %dma_wait3A_152 : memref<1x1x128xi32, #tpu.memory_space<vmem>> -> memref<128xi32, #tpu.memory_space<vmem>>
    %dma_wait3A_154 = arith.constant 0 : i32
    %dma_wait3A_155 = arith.constant 0 : i32
    %dma_wait3A_156 = tpu.memref_slice %arg6[%dma_wait3A_154, %dma_wait3A_155] : memref<10000x16xf32, #tpu.memory_space<vmem_shared>> -> memref<10000x16xf32, #tpu.memory_space<vmem_shared>>
    tpu.wait_indirect_dma semaphore(%arg18 : memref<!tpu.dma_semaphore, #tpu.memory_space<semaphore_mem>>) src(%dma_wait3A_150 : memref<128x16xf32, #tpu.memory_space<vmem>>) dst(%dma_wait3A_156 : memref<10000x16xf32, #tpu.memory_space<vmem_shared>>)
    %dma_wait3A_157 = arith.constant 1 : i32
    %dma_wait3A_158 = arith.constant 0 : i32
    %dma_wait3A_159 = arith.constant 128 : i32
    %dma_wait3A_160 = arith.constant 0 : i32
    %dma_wait3A_161 = tpu.memref_slice %arg12[%dma_wait3A_159, %dma_wait3A_160] : memref<768x16xf32, #tpu.memory_space<vmem>> -> memref<128x16xf32, #tpu.memory_space<vmem>>
    %dma_wait3A_162 = arith.constant 0 : i32
    %dma_wait3A_163 = tpu.memref_slice %arg10[%dma_wait3A_157, %dma_wait3A_158, %dma_wait3A_162] : memref<6x1x128xi32, #tpu.memory_space<vmem>> -> memref<1x1x128xi32, #tpu.memory_space<vmem>>
    %dma_wait3A_164 = tpu.memref_squeeze %dma_wait3A_163 : memref<1x1x128xi32, #tpu.memory_space<vmem>> -> memref<128xi32, #tpu.memory_space<vmem>>
    %dma_wait3A_165 = arith.constant 0 : i32
    %dma_wait3A_166 = arith.constant 0 : i32
    %dma_wait3A_167 = tpu.memref_slice %arg6[%dma_wait3A_165, %dma_wait3A_166] : memref<10000x16xf32, #tpu.memory_space<vmem_shared>> -> memref<10000x16xf32, #tpu.memory_space<vmem_shared>>
    tpu.wait_indirect_dma semaphore(%arg18 : memref<!tpu.dma_semaphore, #tpu.memory_space<semaphore_mem>>) src(%dma_wait3A_161 : memref<128x16xf32, #tpu.memory_space<vmem>>) dst(%dma_wait3A_167 : memref<10000x16xf32, #tpu.memory_space<vmem_shared>>)
    %dma_wait3A_168 = arith.constant 2 : i32
    %dma_wait3A_169 = arith.constant 0 : i32
    %dma_wait3A_170 = arith.constant 256 : i32
    %dma_wait3A_171 = arith.constant 0 : i32
    %dma_wait3A_172 = tpu.memref_slice %arg12[%dma_wait3A_170, %dma_wait3A_171] : memref<768x16xf32, #tpu.memory_space<vmem>> -> memref<128x16xf32, #tpu.memory_space<vmem>>
    %dma_wait3A_173 = arith.constant 0 : i32
    %dma_wait3A_174 = tpu.memref_slice %arg10[%dma_wait3A_168, %dma_wait3A_169, %dma_wait3A_173] : memref<6x1x128xi32, #tpu.memory_space<vmem>> -> memref<1x1x128xi32, #tpu.memory_space<vmem>>
    %dma_wait3A_175 = tpu.memref_squeeze %dma_wait3A_174 : memref<1x1x128xi32, #tpu.memory_space<vmem>> -> memref<128xi32, #tpu.memory_space<vmem>>
    %dma_wait3A_176 = arith.constant 0 : i32
    %dma_wait3A_177 = arith.constant 0 : i32
    %dma_wait3A_178 = tpu.memref_slice %arg6[%dma_wait3A_176, %dma_wait3A_177] : memref<10000x16xf32, #tpu.memory_space<vmem_shared>> -> memref<10000x16xf32, #tpu.memory_space<vmem_shared>>
    tpu.wait_indirect_dma semaphore(%arg18 : memref<!tpu.dma_semaphore, #tpu.memory_space<semaphore_mem>>) src(%dma_wait3A_172 : memref<128x16xf32, #tpu.memory_space<vmem>>) dst(%dma_wait3A_178 : memref<10000x16xf32, #tpu.memory_space<vmem_shared>>)
    %dma_wait3A_179 = arith.constant 3 : i32
    %dma_wait3A_180 = arith.constant 0 : i32
    %dma_wait3A_181 = arith.constant 384 : i32
    %dma_wait3A_182 = arith.constant 0 : i32
    %dma_wait3A_183 = tpu.memref_slice %arg12[%dma_wait3A_181, %dma_wait3A_182] : memref<768x16xf32, #tpu.memory_space<vmem>> -> memref<128x16xf32, #tpu.memory_space<vmem>>
    %dma_wait3A_184 = arith.constant 0 : i32
    %dma_wait3A_185 = tpu.memref_slice %arg10[%dma_wait3A_179, %dma_wait3A_180, %dma_wait3A_184] : memref<6x1x128xi32, #tpu.memory_space<vmem>> -> memref<1x1x128xi32, #tpu.memory_space<vmem>>
    %dma_wait3A_186 = tpu.memref_squeeze %dma_wait3A_185 : memref<1x1x128xi32, #tpu.memory_space<vmem>> -> memref<128xi32, #tpu.memory_space<vmem>>
    %dma_wait3A_187 = arith.constant 0 : i32
    %dma_wait3A_188 = arith.constant 0 : i32
    %dma_wait3A_189 = tpu.memref_slice %arg6[%dma_wait3A_187, %dma_wait3A_188] : memref<10000x16xf32, #tpu.memory_space<vmem_shared>> -> memref<10000x16xf32, #tpu.memory_space<vmem_shared>>
    tpu.wait_indirect_dma semaphore(%arg18 : memref<!tpu.dma_semaphore, #tpu.memory_space<semaphore_mem>>) src(%dma_wait3A_183 : memref<128x16xf32, #tpu.memory_space<vmem>>) dst(%dma_wait3A_189 : memref<10000x16xf32, #tpu.memory_space<vmem_shared>>)
    %dma_wait3A_190 = arith.constant 4 : i32
    %dma_wait3A_191 = arith.constant 0 : i32
    %dma_wait3A_192 = arith.constant 512 : i32
    %dma_wait3A_193 = arith.constant 0 : i32
    %dma_wait3A_194 = tpu.memref_slice %arg12[%dma_wait3A_192, %dma_wait3A_193] : memref<768x16xf32, #tpu.memory_space<vmem>> -> memref<128x16xf32, #tpu.memory_space<vmem>>
    %dma_wait3A_195 = arith.constant 0 : i32
    %dma_wait3A_196 = tpu.memref_slice %arg10[%dma_wait3A_190, %dma_wait3A_191, %dma_wait3A_195] : memref<6x1x128xi32, #tpu.memory_space<vmem>> -> memref<1x1x128xi32, #tpu.memory_space<vmem>>
    %dma_wait3A_197 = tpu.memref_squeeze %dma_wait3A_196 : memref<1x1x128xi32, #tpu.memory_space<vmem>> -> memref<128xi32, #tpu.memory_space<vmem>>
    %dma_wait3A_198 = arith.constant 0 : i32
    %dma_wait3A_199 = arith.constant 0 : i32
    %dma_wait3A_200 = tpu.memref_slice %arg6[%dma_wait3A_198, %dma_wait3A_199] : memref<10000x16xf32, #tpu.memory_space<vmem_shared>> -> memref<10000x16xf32, #tpu.memory_space<vmem_shared>>
    tpu.wait_indirect_dma semaphore(%arg18 : memref<!tpu.dma_semaphore, #tpu.memory_space<semaphore_mem>>) src(%dma_wait3A_194 : memref<128x16xf32, #tpu.memory_space<vmem>>) dst(%dma_wait3A_200 : memref<10000x16xf32, #tpu.memory_space<vmem_shared>>)
    %dma_wait3A_201 = arith.constant 5 : i32
    %dma_wait3A_202 = arith.constant 0 : i32
    %dma_wait3A_203 = arith.constant 640 : i32
    %dma_wait3A_204 = arith.constant 0 : i32
    %dma_wait3A_205 = tpu.memref_slice %arg12[%dma_wait3A_203, %dma_wait3A_204] : memref<768x16xf32, #tpu.memory_space<vmem>> -> memref<128x16xf32, #tpu.memory_space<vmem>>
    %dma_wait3A_206 = arith.constant 0 : i32
    %dma_wait3A_207 = tpu.memref_slice %arg10[%dma_wait3A_201, %dma_wait3A_202, %dma_wait3A_206] : memref<6x1x128xi32, #tpu.memory_space<vmem>> -> memref<1x1x128xi32, #tpu.memory_space<vmem>>
    %dma_wait3A_208 = tpu.memref_squeeze %dma_wait3A_207 : memref<1x1x128xi32, #tpu.memory_space<vmem>> -> memref<128xi32, #tpu.memory_space<vmem>>
    %dma_wait3A_209 = arith.constant 0 : i32
    %dma_wait3A_210 = arith.constant 0 : i32
    %dma_wait3A_211 = tpu.memref_slice %arg6[%dma_wait3A_209, %dma_wait3A_210] : memref<10000x16xf32, #tpu.memory_space<vmem_shared>> -> memref<10000x16xf32, #tpu.memory_space<vmem_shared>>
    tpu.wait_indirect_dma semaphore(%arg18 : memref<!tpu.dma_semaphore, #tpu.memory_space<semaphore_mem>>) src(%dma_wait3A_205 : memref<128x16xf32, #tpu.memory_space<vmem>>) dst(%dma_wait3A_211 : memref<10000x16xf32, #tpu.memory_space<vmem_shared>>)
    %mul3A_212 = arith.constant 128 : i32
    %mul3A_213 = arith.muli %add3A_134, %mul3A_212 : i32
    %dma_wait3A_214 = tpu.memref_slice %arg5[%mul3A_213] : memref<320000xf32, #tpu.memory_space<hbm>> -> memref<768xf32, #tpu.memory_space<hbm>>
    %dma_wait3A_215 = tpu.memref_slice %arg5[%mul3A_213] : memref<320000xf32, #tpu.memory_space<hbm>> -> memref<768xf32, #tpu.memory_space<hbm>>
    tpu.wait_dma2 semaphore(%arg20 : memref<!tpu.dma_semaphore, #tpu.memory_space<semaphore_mem>>) src(%arg14 : memref<768xf32, #tpu.memory_space<vmem>>) dst(%dma_wait3A_215 : memref<768xf32, #tpu.memory_space<hbm>>)
    %while3A_216 = arith.constant 0 : i32
    %while3A_217 = arith.constant 0 : i32
    %while3A_218 = arith.constant 48 : i32
    %while3A_219 = arith.subi %while3A_218, %while3A_217 : i32
    %while3A_220 = arith.addi %while3A_217, %while3A_219 : i32
    %while3A_221 = arith.constant 1 : i32
    %while3A_222 = arith.divsi %while3A_219, %while3A_221 : i32
    %while3A_223 = arith.muli %while3A_222, %while3A_221 : i32
    %while3A_224 = arith.addi %while3A_217, %while3A_223 : i32
    %while3A_225 = arith.constant 1 : i32
    scf.for %while3A_385 = %while3A_217 to %while3A_224 step %while3A_225  : i32 {
      %mul3A_386 = arith.constant 16 : i32
      %mul3A_387 = arith.muli %while3A_385, %mul3A_386 : i32
      %add3A_388 = vector.broadcast %mul3A_387 : i32 to vector<16xi32>
      %add3A_389 = arith.addi %and3A_20, %add3A_388 : vector<16xi32>
      %add3A_390 = vector.broadcast %mul3A_387 : i32 to vector<16xi32>
      %add3A_391 = arith.addi %and3A_26, %add3A_390 : vector<16xi32>
      %add3A_392 = vector.broadcast %mul3A_387 : i32 to vector<16xi32>
      %add3A_393 = arith.addi %and3A_32, %add3A_392 : vector<16xi32>
      %add3A_394 = vector.broadcast %mul3A_387 : i32 to vector<16xi32>
      %add3A_395 = arith.addi %and3A_38, %add3A_394 : vector<16xi32>
      %add3A_396 = vector.broadcast %mul3A_387 : i32 to vector<16xi32>
      %add3A_397 = arith.addi %and3A_44, %add3A_396 : vector<16xi32>
      %add3A_398 = vector.broadcast %mul3A_387 : i32 to vector<16xi32>
      %add3A_399 = arith.addi %and3A_50, %add3A_398 : vector<16xi32>
      %add3A_400 = vector.broadcast %mul3A_387 : i32 to vector<16xi32>
      %add3A_401 = arith.addi %and3A_56, %add3A_400 : vector<16xi32>
      %add3A_402 = vector.broadcast %mul3A_387 : i32 to vector<16xi32>
      %add3A_403 = arith.addi %and3A_62, %add3A_402 : vector<16xi32>
      %add3A_404 = vector.broadcast %mul3A_387 : i32 to vector<16xi32>
      %add3A_405 = arith.addi %and3A_68, %add3A_404 : vector<16xi32>
      %add3A_406 = vector.broadcast %mul3A_387 : i32 to vector<16xi32>
      %add3A_407 = arith.addi %and3A_74, %add3A_406 : vector<16xi32>
      %add3A_408 = vector.broadcast %mul3A_387 : i32 to vector<16xi32>
      %add3A_409 = arith.addi %and3A_80, %add3A_408 : vector<16xi32>
      %add3A_410 = vector.broadcast %mul3A_387 : i32 to vector<16xi32>
      %add3A_411 = arith.addi %and3A_86, %add3A_410 : vector<16xi32>
      %add3A_412 = vector.broadcast %mul3A_387 : i32 to vector<16xi32>
      %add3A_413 = arith.addi %and3A_92, %add3A_412 : vector<16xi32>
      %add3A_414 = vector.broadcast %mul3A_387 : i32 to vector<16xi32>
      %add3A_415 = arith.addi %and3A_98, %add3A_414 : vector<16xi32>
      %add3A_416 = vector.broadcast %mul3A_387 : i32 to vector<16xi32>
      %add3A_417 = arith.addi %and3A_104, %add3A_416 : vector<16xi32>
      %add3A_418 = vector.broadcast %mul3A_387 : i32 to vector<16xi32>
      %add3A_419 = arith.addi %and3A_110, %add3A_418 : vector<16xi32>
      %gather3A = tpu.vector_load_idx %arg7[%iota3A, %add3A_389] : memref<16x768xf32, #tpu.memory_space<vmem>>[vector<16xi32>, vector<16xi32>], vector<16xf32>,
      %gather3A_420 = tpu.vector_load_idx %arg7[%iota3A, %add3A_391] : memref<16x768xf32, #tpu.memory_space<vmem>>[vector<16xi32>, vector<16xi32>], vector<16xf32>,
      %gather3A_421 = tpu.vector_load_idx %arg7[%iota3A, %add3A_393] : memref<16x768xf32, #tpu.memory_space<vmem>>[vector<16xi32>, vector<16xi32>], vector<16xf32>,
      %gather3A_422 = tpu.vector_load_idx %arg7[%iota3A, %add3A_395] : memref<16x768xf32, #tpu.memory_space<vmem>>[vector<16xi32>, vector<16xi32>], vector<16xf32>,
      %gather3A_423 = tpu.vector_load_idx %arg7[%iota3A, %add3A_397] : memref<16x768xf32, #tpu.memory_space<vmem>>[vector<16xi32>, vector<16xi32>], vector<16xf32>,
      %gather3A_424 = tpu.vector_load_idx %arg7[%iota3A, %add3A_399] : memref<16x768xf32, #tpu.memory_space<vmem>>[vector<16xi32>, vector<16xi32>], vector<16xf32>,
      %gather3A_425 = tpu.vector_load_idx %arg7[%iota3A, %add3A_401] : memref<16x768xf32, #tpu.memory_space<vmem>>[vector<16xi32>, vector<16xi32>], vector<16xf32>,
      %gather3A_426 = tpu.vector_load_idx %arg7[%iota3A, %add3A_403] : memref<16x768xf32, #tpu.memory_space<vmem>>[vector<16xi32>, vector<16xi32>], vector<16xf32>,
      %gather3A_427 = tpu.vector_load_idx %arg7[%iota3A, %add3A_405] : memref<16x768xf32, #tpu.memory_space<vmem>>[vector<16xi32>, vector<16xi32>], vector<16xf32>,
      %gather3A_428 = tpu.vector_load_idx %arg7[%iota3A, %add3A_407] : memref<16x768xf32, #tpu.memory_space<vmem>>[vector<16xi32>, vector<16xi32>], vector<16xf32>,
      %gather3A_429 = tpu.vector_load_idx %arg7[%iota3A, %add3A_409] : memref<16x768xf32, #tpu.memory_space<vmem>>[vector<16xi32>, vector<16xi32>], vector<16xf32>,
      %gather3A_430 = tpu.vector_load_idx %arg7[%iota3A, %add3A_411] : memref<16x768xf32, #tpu.memory_space<vmem>>[vector<16xi32>, vector<16xi32>], vector<16xf32>,
      %gather3A_431 = tpu.vector_load_idx %arg7[%iota3A, %add3A_413] : memref<16x768xf32, #tpu.memory_space<vmem>>[vector<16xi32>, vector<16xi32>], vector<16xf32>,
      %gather3A_432 = tpu.vector_load_idx %arg7[%iota3A, %add3A_415] : memref<16x768xf32, #tpu.memory_space<vmem>>[vector<16xi32>, vector<16xi32>], vector<16xf32>,
      %gather3A_433 = tpu.vector_load_idx %arg7[%iota3A, %add3A_417] : memref<16x768xf32, #tpu.memory_space<vmem>>[vector<16xi32>, vector<16xi32>], vector<16xf32>,
      %gather3A_434 = tpu.vector_load_idx %arg7[%iota3A, %add3A_419] : memref<16x768xf32, #tpu.memory_space<vmem>>[vector<16xi32>, vector<16xi32>], vector<16xf32>,
      tpu.vector_store_idx %arg11[%add3A_389, %iota3A], %gather3A : memref<768x16xf32, #tpu.memory_space<vmem>>[vector<16xi32>, vector<16xi32>], vector<16xf32>,
      tpu.vector_store_idx %arg11[%add3A_391, %iota3A], %gather3A_420 : memref<768x16xf32, #tpu.memory_space<vmem>>[vector<16xi32>, vector<16xi32>], vector<16xf32>,
      tpu.vector_store_idx %arg11[%add3A_393, %iota3A], %gather3A_421 : memref<768x16xf32, #tpu.memory_space<vmem>>[vector<16xi32>, vector<16xi32>], vector<16xf32>,
      tpu.vector_store_idx %arg11[%add3A_395, %iota3A], %gather3A_422 : memref<768x16xf32, #tpu.memory_space<vmem>>[vector<16xi32>, vector<16xi32>], vector<16xf32>,
      tpu.vector_store_idx %arg11[%add3A_397, %iota3A], %gather3A_423 : memref<768x16xf32, #tpu.memory_space<vmem>>[vector<16xi32>, vector<16xi32>], vector<16xf32>,
      tpu.vector_store_idx %arg11[%add3A_399, %iota3A], %gather3A_424 : memref<768x16xf32, #tpu.memory_space<vmem>>[vector<16xi32>, vector<16xi32>], vector<16xf32>,
      tpu.vector_store_idx %arg11[%add3A_401, %iota3A], %gather3A_425 : memref<768x16xf32, #tpu.memory_space<vmem>>[vector<16xi32>, vector<16xi32>], vector<16xf32>,
      tpu.vector_store_idx %arg11[%add3A_403, %iota3A], %gather3A_426 : memref<768x16xf32, #tpu.memory_space<vmem>>[vector<16xi32>, vector<16xi32>], vector<16xf32>,
      tpu.vector_store_idx %arg11[%add3A_405, %iota3A], %gather3A_427 : memref<768x16xf32, #tpu.memory_space<vmem>>[vector<16xi32>, vector<16xi32>], vector<16xf32>,
      tpu.vector_store_idx %arg11[%add3A_407, %iota3A], %gather3A_428 : memref<768x16xf32, #tpu.memory_space<vmem>>[vector<16xi32>, vector<16xi32>], vector<16xf32>,
      tpu.vector_store_idx %arg11[%add3A_409, %iota3A], %gather3A_429 : memref<768x16xf32, #tpu.memory_space<vmem>>[vector<16xi32>, vector<16xi32>], vector<16xf32>,
      tpu.vector_store_idx %arg11[%add3A_411, %iota3A], %gather3A_430 : memref<768x16xf32, #tpu.memory_space<vmem>>[vector<16xi32>, vector<16xi32>], vector<16xf32>,
      tpu.vector_store_idx %arg11[%add3A_413, %iota3A], %gather3A_431 : memref<768x16xf32, #tpu.memory_space<vmem>>[vector<16xi32>, vector<16xi32>], vector<16xf32>,
      tpu.vector_store_idx %arg11[%add3A_415, %iota3A], %gather3A_432 : memref<768x16xf32, #tpu.memory_space<vmem>>[vector<16xi32>, vector<16xi32>], vector<16xf32>,
      tpu.vector_store_idx %arg11[%add3A_417, %iota3A], %gather3A_433 : memref<768x16xf32, #tpu.memory_space<vmem>>[vector<16xi32>, vector<16xi32>], vector<16xf32>,
      tpu.vector_store_idx %arg11[%add3A_419, %iota3A], %gather3A_434 : memref<768x16xf32, #tpu.memory_space<vmem>>[vector<16xi32>, vector<16xi32>], vector<16xf32>,
    }
    %while3A_226 = arith.constant 1 : i32
    scf.for %while3A_385 = %while3A_224 to %while3A_220 step %while3A_226  : i32 {
      %mul3A_386 = arith.constant 16 : i32
      %mul3A_387 = arith.muli %while3A_385, %mul3A_386 : i32
      %add3A_388 = vector.broadcast %mul3A_387 : i32 to vector<16xi32>
      %add3A_389 = arith.addi %and3A_20, %add3A_388 : vector<16xi32>
      %add3A_390 = vector.broadcast %mul3A_387 : i32 to vector<16xi32>
      %add3A_391 = arith.addi %and3A_26, %add3A_390 : vector<16xi32>
      %add3A_392 = vector.broadcast %mul3A_387 : i32 to vector<16xi32>
      %add3A_393 = arith.addi %and3A_32, %add3A_392 : vector<16xi32>
      %add3A_394 = vector.broadcast %mul3A_387 : i32 to vector<16xi32>
      %add3A_395 = arith.addi %and3A_38, %add3A_394 : vector<16xi32>
      %add3A_396 = vector.broadcast %mul3A_387 : i32 to vector<16xi32>
      %add3A_397 = arith.addi %and3A_44, %add3A_396 : vector<16xi32>
      %add3A_398 = vector.broadcast %mul3A_387 : i32 to vector<16xi32>
      %add3A_399 = arith.addi %and3A_50, %add3A_398 : vector<16xi32>
      %add3A_400 = vector.broadcast %mul3A_387 : i32 to vector<16xi32>
      %add3A_401 = arith.addi %and3A_56, %add3A_400 : vector<16xi32>
      %add3A_402 = vector.broadcast %mul3A_387 : i32 to vector<16xi32>
      %add3A_403 = arith.addi %and3A_62, %add3A_402 : vector<16xi32>
      %add3A_404 = vector.broadcast %mul3A_387 : i32 to vector<16xi32>
      %add3A_405 = arith.addi %and3A_68, %add3A_404 : vector<16xi32>
      %add3A_406 = vector.broadcast %mul3A_387 : i32 to vector<16xi32>
      %add3A_407 = arith.addi %and3A_74, %add3A_406 : vector<16xi32>
      %add3A_408 = vector.broadcast %mul3A_387 : i32 to vector<16xi32>
      %add3A_409 = arith.addi %and3A_80, %add3A_408 : vector<16xi32>
      %add3A_410 = vector.broadcast %mul3A_387 : i32 to vector<16xi32>
      %add3A_411 = arith.addi %and3A_86, %add3A_410 : vector<16xi32>
      %add3A_412 = vector.broadcast %mul3A_387 : i32 to vector<16xi32>
      %add3A_413 = arith.addi %and3A_92, %add3A_412 : vector<16xi32>
      %add3A_414 = vector.broadcast %mul3A_387 : i32 to vector<16xi32>
      %add3A_415 = arith.addi %and3A_98, %add3A_414 : vector<16xi32>
      %add3A_416 = vector.broadcast %mul3A_387 : i32 to vector<16xi32>
      %add3A_417 = arith.addi %and3A_104, %add3A_416 : vector<16xi32>
      %add3A_418 = vector.broadcast %mul3A_387 : i32 to vector<16xi32>
      %add3A_419 = arith.addi %and3A_110, %add3A_418 : vector<16xi32>
      %gather3A = tpu.vector_load_idx %arg7[%iota3A, %add3A_389] : memref<16x768xf32, #tpu.memory_space<vmem>>[vector<16xi32>, vector<16xi32>], vector<16xf32>,
      %gather3A_420 = tpu.vector_load_idx %arg7[%iota3A, %add3A_391] : memref<16x768xf32, #tpu.memory_space<vmem>>[vector<16xi32>, vector<16xi32>], vector<16xf32>,
      %gather3A_421 = tpu.vector_load_idx %arg7[%iota3A, %add3A_393] : memref<16x768xf32, #tpu.memory_space<vmem>>[vector<16xi32>, vector<16xi32>], vector<16xf32>,
      %gather3A_422 = tpu.vector_load_idx %arg7[%iota3A, %add3A_395] : memref<16x768xf32, #tpu.memory_space<vmem>>[vector<16xi32>, vector<16xi32>], vector<16xf32>,
      %gather3A_423 = tpu.vector_load_idx %arg7[%iota3A, %add3A_397] : memref<16x768xf32, #tpu.memory_space<vmem>>[vector<16xi32>, vector<16xi32>], vector<16xf32>,
      %gather3A_424 = tpu.vector_load_idx %arg7[%iota3A, %add3A_399] : memref<16x768xf32, #tpu.memory_space<vmem>>[vector<16xi32>, vector<16xi32>], vector<16xf32>,
      %gather3A_425 = tpu.vector_load_idx %arg7[%iota3A, %add3A_401] : memref<16x768xf32, #tpu.memory_space<vmem>>[vector<16xi32>, vector<16xi32>], vector<16xf32>,
      %gather3A_426 = tpu.vector_load_idx %arg7[%iota3A, %add3A_403] : memref<16x768xf32, #tpu.memory_space<vmem>>[vector<16xi32>, vector<16xi32>], vector<16xf32>,
      %gather3A_427 = tpu.vector_load_idx %arg7[%iota3A, %add3A_405] : memref<16x768xf32, #tpu.memory_space<vmem>>[vector<16xi32>, vector<16xi32>], vector<16xf32>,
      %gather3A_428 = tpu.vector_load_idx %arg7[%iota3A, %add3A_407] : memref<16x768xf32, #tpu.memory_space<vmem>>[vector<16xi32>, vector<16xi32>], vector<16xf32>,
      %gather3A_429 = tpu.vector_load_idx %arg7[%iota3A, %add3A_409] : memref<16x768xf32, #tpu.memory_space<vmem>>[vector<16xi32>, vector<16xi32>], vector<16xf32>,
      %gather3A_430 = tpu.vector_load_idx %arg7[%iota3A, %add3A_411] : memref<16x768xf32, #tpu.memory_space<vmem>>[vector<16xi32>, vector<16xi32>], vector<16xf32>,
      %gather3A_431 = tpu.vector_load_idx %arg7[%iota3A, %add3A_413] : memref<16x768xf32, #tpu.memory_space<vmem>>[vector<16xi32>, vector<16xi32>], vector<16xf32>,
      %gather3A_432 = tpu.vector_load_idx %arg7[%iota3A, %add3A_415] : memref<16x768xf32, #tpu.memory_space<vmem>>[vector<16xi32>, vector<16xi32>], vector<16xf32>,
      %gather3A_433 = tpu.vector_load_idx %arg7[%iota3A, %add3A_417] : memref<16x768xf32, #tpu.memory_space<vmem>>[vector<16xi32>, vector<16xi32>], vector<16xf32>,
      %gather3A_434 = tpu.vector_load_idx %arg7[%iota3A, %add3A_419] : memref<16x768xf32, #tpu.memory_space<vmem>>[vector<16xi32>, vector<16xi32>], vector<16xf32>,
      tpu.vector_store_idx %arg11[%add3A_389, %iota3A], %gather3A : memref<768x16xf32, #tpu.memory_space<vmem>>[vector<16xi32>, vector<16xi32>], vector<16xf32>,
      tpu.vector_store_idx %arg11[%add3A_391, %iota3A], %gather3A_420 : memref<768x16xf32, #tpu.memory_space<vmem>>[vector<16xi32>, vector<16xi32>], vector<16xf32>,
      tpu.vector_store_idx %arg11[%add3A_393, %iota3A], %gather3A_421 : memref<768x16xf32, #tpu.memory_space<vmem>>[vector<16xi32>, vector<16xi32>], vector<16xf32>,
      tpu.vector_store_idx %arg11[%add3A_395, %iota3A], %gather3A_422 : memref<768x16xf32, #tpu.memory_space<vmem>>[vector<16xi32>, vector<16xi32>], vector<16xf32>,
      tpu.vector_store_idx %arg11[%add3A_397, %iota3A], %gather3A_423 : memref<768x16xf32, #tpu.memory_space<vmem>>[vector<16xi32>, vector<16xi32>], vector<16xf32>,
      tpu.vector_store_idx %arg11[%add3A_399, %iota3A], %gather3A_424 : memref<768x16xf32, #tpu.memory_space<vmem>>[vector<16xi32>, vector<16xi32>], vector<16xf32>,
      tpu.vector_store_idx %arg11[%add3A_401, %iota3A], %gather3A_425 : memref<768x16xf32, #tpu.memory_space<vmem>>[vector<16xi32>, vector<16xi32>], vector<16xf32>,
      tpu.vector_store_idx %arg11[%add3A_403, %iota3A], %gather3A_426 : memref<768x16xf32, #tpu.memory_space<vmem>>[vector<16xi32>, vector<16xi32>], vector<16xf32>,
      tpu.vector_store_idx %arg11[%add3A_405, %iota3A], %gather3A_427 : memref<768x16xf32, #tpu.memory_space<vmem>>[vector<16xi32>, vector<16xi32>], vector<16xf32>,
      tpu.vector_store_idx %arg11[%add3A_407, %iota3A], %gather3A_428 : memref<768x16xf32, #tpu.memory_space<vmem>>[vector<16xi32>, vector<16xi32>], vector<16xf32>,
      tpu.vector_store_idx %arg11[%add3A_409, %iota3A], %gather3A_429 : memref<768x16xf32, #tpu.memory_space<vmem>>[vector<16xi32>, vector<16xi32>], vector<16xf32>,
      tpu.vector_store_idx %arg11[%add3A_411, %iota3A], %gather3A_430 : memref<768x16xf32, #tpu.memory_space<vmem>>[vector<16xi32>, vector<16xi32>], vector<16xf32>,
      tpu.vector_store_idx %arg11[%add3A_413, %iota3A], %gather3A_431 : memref<768x16xf32, #tpu.memory_space<vmem>>[vector<16xi32>, vector<16xi32>], vector<16xf32>,
      tpu.vector_store_idx %arg11[%add3A_415, %iota3A], %gather3A_432 : memref<768x16xf32, #tpu.memory_space<vmem>>[vector<16xi32>, vector<16xi32>], vector<16xf32>,
      tpu.vector_store_idx %arg11[%add3A_417, %iota3A], %gather3A_433 : memref<768x16xf32, #tpu.memory_space<vmem>>[vector<16xi32>, vector<16xi32>], vector<16xf32>,
      tpu.vector_store_idx %arg11[%add3A_419, %iota3A], %gather3A_434 : memref<768x16xf32, #tpu.memory_space<vmem>>[vector<16xi32>, vector<16xi32>], vector<16xf32>,
    }
    %while3A_227 = arith.constant 0 : i32
    %while3A_228 = arith.constant 0 : i32
    %while3A_229 = arith.constant 48 : i32
    %while3A_230 = arith.subi %while3A_229, %while3A_228 : i32
    %while3A_231 = arith.addi %while3A_228, %while3A_230 : i32
    %while3A_232 = arith.constant 1 : i32
    %while3A_233 = arith.divsi %while3A_230, %while3A_232 : i32
    %while3A_234 = arith.muli %while3A_233, %while3A_232 : i32
    %while3A_235 = arith.addi %while3A_228, %while3A_234 : i32
    %while3A_236 = arith.constant 1 : i32
    scf.for %while3A_385 = %while3A_228 to %while3A_235 step %while3A_236  : i32 {
      %mul3A_386 = arith.constant 16 : i32
      %mul3A_387 = arith.muli %while3A_385, %mul3A_386 : i32
      %get3A = arith.constant 15 : i32
      %get3A_388 = arith.index_cast %get3A : i32 to index
      %get3A_389 = arith.index_cast %mul3A_387 : i32 to index
      %get3A_390 = tpu.vector_load %arg7[%get3A_388, %get3A_389] {strides = array<i32>} : memref<16x768xf32, #tpu.memory_space<vmem>>, vector<16xf32>,
      %swap3A = arith.index_cast %mul3A_387 : i32 to index
      %swap3A_391 = tpu.vector_load %arg13[%swap3A] {strides = array<i32>} : memref<768xf32, #tpu.memory_space<vmem>>, vector<16xf32>,
      tpu.vector_store %arg13[%swap3A], %get3A_390 {strides = array<i32>} : memref<768xf32, #tpu.memory_space<vmem>>, vector<16xf32>,
    }
    %while3A_237 = arith.constant 1 : i32
    scf.for %while3A_385 = %while3A_235 to %while3A_231 step %while3A_237  : i32 {
      %mul3A_386 = arith.constant 16 : i32
      %mul3A_387 = arith.muli %while3A_385, %mul3A_386 : i32
      %get3A = arith.constant 15 : i32
      %get3A_388 = arith.index_cast %get3A : i32 to index
      %get3A_389 = arith.index_cast %mul3A_387 : i32 to index
      %get3A_390 = tpu.vector_load %arg7[%get3A_388, %get3A_389] {strides = array<i32>} : memref<16x768xf32, #tpu.memory_space<vmem>>, vector<16xf32>,
      %swap3A = arith.index_cast %mul3A_387 : i32 to index
      %swap3A_391 = tpu.vector_load %arg13[%swap3A] {strides = array<i32>} : memref<768xf32, #tpu.memory_space<vmem>>, vector<16xf32>,
      tpu.vector_store %arg13[%swap3A], %get3A_390 {strides = array<i32>} : memref<768xf32, #tpu.memory_space<vmem>>, vector<16xf32>,
    }
    %dma_start3A_238 = arith.constant 0 : i32
    %dma_start3A_239 = arith.constant 0 : i32
    %dma_start3A_240 = arith.constant 0 : i32
    %dma_start3A_241 = arith.constant 0 : i32
    %dma_start3A_242 = tpu.memref_slice %arg11[%dma_start3A_240, %dma_start3A_241] : memref<768x16xf32, #tpu.memory_space<vmem>> -> memref<128x16xf32, #tpu.memory_space<vmem>>
    %dma_start3A_243 = arith.constant 0 : i32
    %dma_start3A_244 = tpu.memref_slice %arg9[%dma_start3A_238, %dma_start3A_239, %dma_start3A_243] : memref<6x1x128xi32, #tpu.memory_space<vmem>> -> memref<1x1x128xi32, #tpu.memory_space<vmem>>
    %dma_start3A_245 = tpu.memref_squeeze %dma_start3A_244 : memref<1x1x128xi32, #tpu.memory_space<vmem>> -> memref<128xi32, #tpu.memory_space<vmem>>
    %dma_start3A_246 = arith.constant 0 : i32
    %dma_start3A_247 = arith.constant 0 : i32
    %dma_start3A_248 = tpu.memref_slice %arg6[%dma_start3A_246, %dma_start3A_247] : memref<10000x16xf32, #tpu.memory_space<vmem_shared>> -> memref<10000x16xf32, #tpu.memory_space<vmem_shared>>
    tpu.enqueue_indirect_dma source(%dma_start3A_242 : memref<128x16xf32, #tpu.memory_space<vmem>>) target(%dma_start3A_248 : memref<10000x16xf32, #tpu.memory_space<vmem_shared>>) offsets(%dma_start3A_245 : memref<128xi32, #tpu.memory_space<vmem>>) semaphore(%arg17 : memref<!tpu.dma_semaphore, #tpu.memory_space<semaphore_mem>>) {add = true}
    %dma_start3A_249 = arith.constant 1 : i32
    %dma_start3A_250 = arith.constant 0 : i32
    %dma_start3A_251 = arith.constant 128 : i32
    %dma_start3A_252 = arith.constant 0 : i32
    %dma_start3A_253 = tpu.memref_slice %arg11[%dma_start3A_251, %dma_start3A_252] : memref<768x16xf32, #tpu.memory_space<vmem>> -> memref<128x16xf32, #tpu.memory_space<vmem>>
    %dma_start3A_254 = arith.constant 0 : i32
    %dma_start3A_255 = tpu.memref_slice %arg9[%dma_start3A_249, %dma_start3A_250, %dma_start3A_254] : memref<6x1x128xi32, #tpu.memory_space<vmem>> -> memref<1x1x128xi32, #tpu.memory_space<vmem>>
    %dma_start3A_256 = tpu.memref_squeeze %dma_start3A_255 : memref<1x1x128xi32, #tpu.memory_space<vmem>> -> memref<128xi32, #tpu.memory_space<vmem>>
    %dma_start3A_257 = arith.constant 0 : i32
    %dma_start3A_258 = arith.constant 0 : i32
    %dma_start3A_259 = tpu.memref_slice %arg6[%dma_start3A_257, %dma_start3A_258] : memref<10000x16xf32, #tpu.memory_space<vmem_shared>> -> memref<10000x16xf32, #tpu.memory_space<vmem_shared>>
    tpu.enqueue_indirect_dma source(%dma_start3A_253 : memref<128x16xf32, #tpu.memory_space<vmem>>) target(%dma_start3A_259 : memref<10000x16xf32, #tpu.memory_space<vmem_shared>>) offsets(%dma_start3A_256 : memref<128xi32, #tpu.memory_space<vmem>>) semaphore(%arg17 : memref<!tpu.dma_semaphore, #tpu.memory_space<semaphore_mem>>) {add = true}
    %dma_start3A_260 = arith.constant 2 : i32
    %dma_start3A_261 = arith.constant 0 : i32
    %dma_start3A_262 = arith.constant 256 : i32
    %dma_start3A_263 = arith.constant 0 : i32
    %dma_start3A_264 = tpu.memref_slice %arg11[%dma_start3A_262, %dma_start3A_263] : memref<768x16xf32, #tpu.memory_space<vmem>> -> memref<128x16xf32, #tpu.memory_space<vmem>>
    %dma_start3A_265 = arith.constant 0 : i32
    %dma_start3A_266 = tpu.memref_slice %arg9[%dma_start3A_260, %dma_start3A_261, %dma_start3A_265] : memref<6x1x128xi32, #tpu.memory_space<vmem>> -> memref<1x1x128xi32, #tpu.memory_space<vmem>>
    %dma_start3A_267 = tpu.memref_squeeze %dma_start3A_266 : memref<1x1x128xi32, #tpu.memory_space<vmem>> -> memref<128xi32, #tpu.memory_space<vmem>>
    %dma_start3A_268 = arith.constant 0 : i32
    %dma_start3A_269 = arith.constant 0 : i32
    %dma_start3A_270 = tpu.memref_slice %arg6[%dma_start3A_268, %dma_start3A_269] : memref<10000x16xf32, #tpu.memory_space<vmem_shared>> -> memref<10000x16xf32, #tpu.memory_space<vmem_shared>>
    tpu.enqueue_indirect_dma source(%dma_start3A_264 : memref<128x16xf32, #tpu.memory_space<vmem>>) target(%dma_start3A_270 : memref<10000x16xf32, #tpu.memory_space<vmem_shared>>) offsets(%dma_start3A_267 : memref<128xi32, #tpu.memory_space<vmem>>) semaphore(%arg17 : memref<!tpu.dma_semaphore, #tpu.memory_space<semaphore_mem>>) {add = true}
    %dma_start3A_271 = arith.constant 3 : i32
    %dma_start3A_272 = arith.constant 0 : i32
    %dma_start3A_273 = arith.constant 384 : i32
    %dma_start3A_274 = arith.constant 0 : i32
    %dma_start3A_275 = tpu.memref_slice %arg11[%dma_start3A_273, %dma_start3A_274] : memref<768x16xf32, #tpu.memory_space<vmem>> -> memref<128x16xf32, #tpu.memory_space<vmem>>
    %dma_start3A_276 = arith.constant 0 : i32
    %dma_start3A_277 = tpu.memref_slice %arg9[%dma_start3A_271, %dma_start3A_272, %dma_start3A_276] : memref<6x1x128xi32, #tpu.memory_space<vmem>> -> memref<1x1x128xi32, #tpu.memory_space<vmem>>
    %dma_start3A_278 = tpu.memref_squeeze %dma_start3A_277 : memref<1x1x128xi32, #tpu.memory_space<vmem>> -> memref<128xi32, #tpu.memory_space<vmem>>
    %dma_start3A_279 = arith.constant 0 : i32
    %dma_start3A_280 = arith.constant 0 : i32
    %dma_start3A_281 = tpu.memref_slice %arg6[%dma_start3A_279, %dma_start3A_280] : memref<10000x16xf32, #tpu.memory_space<vmem_shared>> -> memref<10000x16xf32, #tpu.memory_space<vmem_shared>>
    tpu.enqueue_indirect_dma source(%dma_start3A_275 : memref<128x16xf32, #tpu.memory_space<vmem>>) target(%dma_start3A_281 : memref<10000x16xf32, #tpu.memory_space<vmem_shared>>) offsets(%dma_start3A_278 : memref<128xi32, #tpu.memory_space<vmem>>) semaphore(%arg17 : memref<!tpu.dma_semaphore, #tpu.memory_space<semaphore_mem>>) {add = true}
    %dma_start3A_282 = arith.constant 4 : i32
    %dma_start3A_283 = arith.constant 0 : i32
    %dma_start3A_284 = arith.constant 512 : i32
    %dma_start3A_285 = arith.constant 0 : i32
    %dma_start3A_286 = tpu.memref_slice %arg11[%dma_start3A_284, %dma_start3A_285] : memref<768x16xf32, #tpu.memory_space<vmem>> -> memref<128x16xf32, #tpu.memory_space<vmem>>
    %dma_start3A_287 = arith.constant 0 : i32
    %dma_start3A_288 = tpu.memref_slice %arg9[%dma_start3A_282, %dma_start3A_283, %dma_start3A_287] : memref<6x1x128xi32, #tpu.memory_space<vmem>> -> memref<1x1x128xi32, #tpu.memory_space<vmem>>
    %dma_start3A_289 = tpu.memref_squeeze %dma_start3A_288 : memref<1x1x128xi32, #tpu.memory_space<vmem>> -> memref<128xi32, #tpu.memory_space<vmem>>
    %dma_start3A_290 = arith.constant 0 : i32
    %dma_start3A_291 = arith.constant 0 : i32
    %dma_start3A_292 = tpu.memref_slice %arg6[%dma_start3A_290, %dma_start3A_291] : memref<10000x16xf32, #tpu.memory_space<vmem_shared>> -> memref<10000x16xf32, #tpu.memory_space<vmem_shared>>
    tpu.enqueue_indirect_dma source(%dma_start3A_286 : memref<128x16xf32, #tpu.memory_space<vmem>>) target(%dma_start3A_292 : memref<10000x16xf32, #tpu.memory_space<vmem_shared>>) offsets(%dma_start3A_289 : memref<128xi32, #tpu.memory_space<vmem>>) semaphore(%arg17 : memref<!tpu.dma_semaphore, #tpu.memory_space<semaphore_mem>>) {add = true}
    %dma_start3A_293 = arith.constant 5 : i32
    %dma_start3A_294 = arith.constant 0 : i32
    %dma_start3A_295 = arith.constant 640 : i32
    %dma_start3A_296 = arith.constant 0 : i32
    %dma_start3A_297 = tpu.memref_slice %arg11[%dma_start3A_295, %dma_start3A_296] : memref<768x16xf32, #tpu.memory_space<vmem>> -> memref<128x16xf32, #tpu.memory_space<vmem>>
    %dma_start3A_298 = arith.constant 0 : i32
    %dma_start3A_299 = tpu.memref_slice %arg9[%dma_start3A_293, %dma_start3A_294, %dma_start3A_298] : memref<6x1x128xi32, #tpu.memory_space<vmem>> -> memref<1x1x128xi32, #tpu.memory_space<vmem>>
    %dma_start3A_300 = tpu.memref_squeeze %dma_start3A_299 : memref<1x1x128xi32, #tpu.memory_space<vmem>> -> memref<128xi32, #tpu.memory_space<vmem>>
    %dma_start3A_301 = arith.constant 0 : i32
    %dma_start3A_302 = arith.constant 0 : i32
    %dma_start3A_303 = tpu.memref_slice %arg6[%dma_start3A_301, %dma_start3A_302] : memref<10000x16xf32, #tpu.memory_space<vmem_shared>> -> memref<10000x16xf32, #tpu.memory_space<vmem_shared>>
    tpu.enqueue_indirect_dma source(%dma_start3A_297 : memref<128x16xf32, #tpu.memory_space<vmem>>) target(%dma_start3A_303 : memref<10000x16xf32, #tpu.memory_space<vmem_shared>>) offsets(%dma_start3A_300 : memref<128xi32, #tpu.memory_space<vmem>>) semaphore(%arg17 : memref<!tpu.dma_semaphore, #tpu.memory_space<semaphore_mem>>) {add = true}
    %mul3A_304 = arith.constant 128 : i32
    %mul3A_305 = arith.muli %add3A_134, %mul3A_304 : i32
    %dma_start3A_306 = tpu.memref_slice %arg5[%mul3A_305] : memref<320000xf32, #tpu.memory_space<hbm>> -> memref<768xf32, #tpu.memory_space<hbm>>
    %dma_start3A_307 = tpu.memref_slice %arg5[%mul3A_305] : memref<320000xf32, #tpu.memory_space<hbm>> -> memref<768xf32, #tpu.memory_space<hbm>>
    tpu.enqueue_dma source(%arg13 : memref<768xf32, #tpu.memory_space<vmem>>) target(%dma_start3A_307 : memref<768xf32, #tpu.memory_space<hbm>>) target_semaphore(%arg19 : memref<!tpu.dma_semaphore, #tpu.memory_space<semaphore_mem>>)
    %dma_wait3A_308 = arith.constant 0 : i32
    %dma_wait3A_309 = arith.constant 0 : i32
    %dma_wait3A_310 = arith.constant 0 : i32
    %dma_wait3A_311 = arith.constant 0 : i32
    %dma_wait3A_312 = tpu.memref_slice %arg11[%dma_wait3A_310, %dma_wait3A_311] : memref<768x16xf32, #tpu.memory_space<vmem>> -> memref<128x16xf32, #tpu.memory_space<vmem>>
    %dma_wait3A_313 = arith.constant 0 : i32
    %dma_wait3A_314 = tpu.memref_slice %arg9[%dma_wait3A_308, %dma_wait3A_309, %dma_wait3A_313] : memref<6x1x128xi32, #tpu.memory_space<vmem>> -> memref<1x1x128xi32, #tpu.memory_space<vmem>>
    %dma_wait3A_315 = tpu.memref_squeeze %dma_wait3A_314 : memref<1x1x128xi32, #tpu.memory_space<vmem>> -> memref<128xi32, #tpu.memory_space<vmem>>
    %dma_wait3A_316 = arith.constant 0 : i32
    %dma_wait3A_317 = arith.constant 0 : i32
    %dma_wait3A_318 = tpu.memref_slice %arg6[%dma_wait3A_316, %dma_wait3A_317] : memref<10000x16xf32, #tpu.memory_space<vmem_shared>> -> memref<10000x16xf32, #tpu.memory_space<vmem_shared>>
    tpu.wait_indirect_dma semaphore(%arg17 : memref<!tpu.dma_semaphore, #tpu.memory_space<semaphore_mem>>) src(%dma_wait3A_312 : memref<128x16xf32, #tpu.memory_space<vmem>>) dst(%dma_wait3A_318 : memref<10000x16xf32, #tpu.memory_space<vmem_shared>>)
    %dma_wait3A_319 = arith.constant 1 : i32
    %dma_wait3A_320 = arith.constant 0 : i32
    %dma_wait3A_321 = arith.constant 128 : i32
    %dma_wait3A_322 = arith.constant 0 : i32
    %dma_wait3A_323 = tpu.memref_slice %arg11[%dma_wait3A_321, %dma_wait3A_322] : memref<768x16xf32, #tpu.memory_space<vmem>> -> memref<128x16xf32, #tpu.memory_space<vmem>>
    %dma_wait3A_324 = arith.constant 0 : i32
    %dma_wait3A_325 = tpu.memref_slice %arg9[%dma_wait3A_319, %dma_wait3A_320, %dma_wait3A_324] : memref<6x1x128xi32, #tpu.memory_space<vmem>> -> memref<1x1x128xi32, #tpu.memory_space<vmem>>
    %dma_wait3A_326 = tpu.memref_squeeze %dma_wait3A_325 : memref<1x1x128xi32, #tpu.memory_space<vmem>> -> memref<128xi32, #tpu.memory_space<vmem>>
    %dma_wait3A_327 = arith.constant 0 : i32
    %dma_wait3A_328 = arith.constant 0 : i32
    %dma_wait3A_329 = tpu.memref_slice %arg6[%dma_wait3A_327, %dma_wait3A_328] : memref<10000x16xf32, #tpu.memory_space<vmem_shared>> -> memref<10000x16xf32, #tpu.memory_space<vmem_shared>>
    tpu.wait_indirect_dma semaphore(%arg17 : memref<!tpu.dma_semaphore, #tpu.memory_space<semaphore_mem>>) src(%dma_wait3A_323 : memref<128x16xf32, #tpu.memory_space<vmem>>) dst(%dma_wait3A_329 : memref<10000x16xf32, #tpu.memory_space<vmem_shared>>)
    %dma_wait3A_330 = arith.constant 2 : i32
    %dma_wait3A_331 = arith.constant 0 : i32
    %dma_wait3A_332 = arith.constant 256 : i32
    %dma_wait3A_333 = arith.constant 0 : i32
    %dma_wait3A_334 = tpu.memref_slice %arg11[%dma_wait3A_332, %dma_wait3A_333] : memref<768x16xf32, #tpu.memory_space<vmem>> -> memref<128x16xf32, #tpu.memory_space<vmem>>
    %dma_wait3A_335 = arith.constant 0 : i32
    %dma_wait3A_336 = tpu.memref_slice %arg9[%dma_wait3A_330, %dma_wait3A_331, %dma_wait3A_335] : memref<6x1x128xi32, #tpu.memory_space<vmem>> -> memref<1x1x128xi32, #tpu.memory_space<vmem>>
    %dma_wait3A_337 = tpu.memref_squeeze %dma_wait3A_336 : memref<1x1x128xi32, #tpu.memory_space<vmem>> -> memref<128xi32, #tpu.memory_space<vmem>>
    %dma_wait3A_338 = arith.constant 0 : i32
    %dma_wait3A_339 = arith.constant 0 : i32
    %dma_wait3A_340 = tpu.memref_slice %arg6[%dma_wait3A_338, %dma_wait3A_339] : memref<10000x16xf32, #tpu.memory_space<vmem_shared>> -> memref<10000x16xf32, #tpu.memory_space<vmem_shared>>
    tpu.wait_indirect_dma semaphore(%arg17 : memref<!tpu.dma_semaphore, #tpu.memory_space<semaphore_mem>>) src(%dma_wait3A_334 : memref<128x16xf32, #tpu.memory_space<vmem>>) dst(%dma_wait3A_340 : memref<10000x16xf32, #tpu.memory_space<vmem_shared>>)
    %dma_wait3A_341 = arith.constant 3 : i32
    %dma_wait3A_342 = arith.constant 0 : i32
    %dma_wait3A_343 = arith.constant 384 : i32
    %dma_wait3A_344 = arith.constant 0 : i32
    %dma_wait3A_345 = tpu.memref_slice %arg11[%dma_wait3A_343, %dma_wait3A_344] : memref<768x16xf32, #tpu.memory_space<vmem>> -> memref<128x16xf32, #tpu.memory_space<vmem>>
    %dma_wait3A_346 = arith.constant 0 : i32
    %dma_wait3A_347 = tpu.memref_slice %arg9[%dma_wait3A_341, %dma_wait3A_342, %dma_wait3A_346] : memref<6x1x128xi32, #tpu.memory_space<vmem>> -> memref<1x1x128xi32, #tpu.memory_space<vmem>>
    %dma_wait3A_348 = tpu.memref_squeeze %dma_wait3A_347 : memref<1x1x128xi32, #tpu.memory_space<vmem>> -> memref<128xi32, #tpu.memory_space<vmem>>
    %dma_wait3A_349 = arith.constant 0 : i32
    %dma_wait3A_350 = arith.constant 0 : i32
    %dma_wait3A_351 = tpu.memref_slice %arg6[%dma_wait3A_349, %dma_wait3A_350] : memref<10000x16xf32, #tpu.memory_space<vmem_shared>> -> memref<10000x16xf32, #tpu.memory_space<vmem_shared>>
    tpu.wait_indirect_dma semaphore(%arg17 : memref<!tpu.dma_semaphore, #tpu.memory_space<semaphore_mem>>) src(%dma_wait3A_345 : memref<128x16xf32, #tpu.memory_space<vmem>>) dst(%dma_wait3A_351 : memref<10000x16xf32, #tpu.memory_space<vmem_shared>>)
    %dma_wait3A_352 = arith.constant 4 : i32
    %dma_wait3A_353 = arith.constant 0 : i32
    %dma_wait3A_354 = arith.constant 512 : i32
    %dma_wait3A_355 = arith.constant 0 : i32
    %dma_wait3A_356 = tpu.memref_slice %arg11[%dma_wait3A_354, %dma_wait3A_355] : memref<768x16xf32, #tpu.memory_space<vmem>> -> memref<128x16xf32, #tpu.memory_space<vmem>>
    %dma_wait3A_357 = arith.constant 0 : i32
    %dma_wait3A_358 = tpu.memref_slice %arg9[%dma_wait3A_352, %dma_wait3A_353, %dma_wait3A_357] : memref<6x1x128xi32, #tpu.memory_space<vmem>> -> memref<1x1x128xi32, #tpu.memory_space<vmem>>
    %dma_wait3A_359 = tpu.memref_squeeze %dma_wait3A_358 : memref<1x1x128xi32, #tpu.memory_space<vmem>> -> memref<128xi32, #tpu.memory_space<vmem>>
    %dma_wait3A_360 = arith.constant 0 : i32
    %dma_wait3A_361 = arith.constant 0 : i32
    %dma_wait3A_362 = tpu.memref_slice %arg6[%dma_wait3A_360, %dma_wait3A_361] : memref<10000x16xf32, #tpu.memory_space<vmem_shared>> -> memref<10000x16xf32, #tpu.memory_space<vmem_shared>>
    tpu.wait_indirect_dma semaphore(%arg17 : memref<!tpu.dma_semaphore, #tpu.memory_space<semaphore_mem>>) src(%dma_wait3A_356 : memref<128x16xf32, #tpu.memory_space<vmem>>) dst(%dma_wait3A_362 : memref<10000x16xf32, #tpu.memory_space<vmem_shared>>)
    %dma_wait3A_363 = arith.constant 5 : i32
    %dma_wait3A_364 = arith.constant 0 : i32
    %dma_wait3A_365 = arith.constant 640 : i32
    %dma_wait3A_366 = arith.constant 0 : i32
    %dma_wait3A_367 = tpu.memref_slice %arg11[%dma_wait3A_365, %dma_wait3A_366] : memref<768x16xf32, #tpu.memory_space<vmem>> -> memref<128x16xf32, #tpu.memory_space<vmem>>
    %dma_wait3A_368 = arith.constant 0 : i32
    %dma_wait3A_369 = tpu.memref_slice %arg9[%dma_wait3A_363, %dma_wait3A_364, %dma_wait3A_368] : memref<6x1x128xi32, #tpu.memory_space<vmem>> -> memref<1x1x128xi32, #tpu.memory_space<vmem>>
    %dma_wait3A_370 = tpu.memref_squeeze %dma_wait3A_369 : memref<1x1x128xi32, #tpu.memory_space<vmem>> -> memref<128xi32, #tpu.memory_space<vmem>>
    %dma_wait3A_371 = arith.constant 0 : i32
    %dma_wait3A_372 = arith.constant 0 : i32
    %dma_wait3A_373 = tpu.memref_slice %arg6[%dma_wait3A_371, %dma_wait3A_372] : memref<10000x16xf32, #tpu.memory_space<vmem_shared>> -> memref<10000x16xf32, #tpu.memory_space<vmem_shared>>
    tpu.wait_indirect_dma semaphore(%arg17 : memref<!tpu.dma_semaphore, #tpu.memory_space<semaphore_mem>>) src(%dma_wait3A_367 : memref<128x16xf32, #tpu.memory_space<vmem>>) dst(%dma_wait3A_373 : memref<10000x16xf32, #tpu.memory_space<vmem_shared>>)
    %mul3A_374 = arith.constant 128 : i32
    %mul3A_375 = arith.muli %add3A_134, %mul3A_374 : i32
    %dma_wait3A_376 = tpu.memref_slice %arg5[%mul3A_375] : memref<320000xf32, #tpu.memory_space<hbm>> -> memref<768xf32, #tpu.memory_space<hbm>>
    %dma_wait3A_377 = tpu.memref_slice %arg5[%mul3A_375] : memref<320000xf32, #tpu.memory_space<hbm>> -> memref<768xf32, #tpu.memory_space<hbm>>
    tpu.wait_dma2 semaphore(%arg19 : memref<!tpu.dma_semaphore, #tpu.memory_space<semaphore_mem>>) src(%arg13 : memref<768xf32, #tpu.memory_space<vmem>>) dst(%dma_wait3A_377 : memref<768xf32, #tpu.memory_space<hbm>>)
    %lt3A = arith.constant 4 : i32
    %lt3A_378 = arith.cmpi slt, %add3A, %lt3A : i32
    %convert_element_type3A = arith.extui %lt3A_378 : i1 to i32
    %cond3A = arith.constant 0 : i32
    %cond3A_379 = arith.cmpi ne, %convert_element_type3A, %cond3A : i32
    scf.if %cond3A_379 {
      %add3A_385 = arith.constant 2496 : i32
      %add3A_386 = arith.addi %add3A_385, %add3A : i32
      %mul3A_387 = arith.constant 128 : i32
      %mul3A_388 = arith.muli %add3A_386, %mul3A_387 : i32
      "tpu.region"() ({
        %run_scoped3A_412 = tpu.sem_alloc : memref<!tpu.dma_semaphore, #tpu.memory_space<semaphore_mem>>
        %dma_start3A_413 = arith.constant 0 : i32
        %dma_start3A_414 = arith.constant 0 : i32
        %dma_start3A_415 = tpu.memref_slice %arg7[%dma_start3A_413, %dma_start3A_414] : memref<16x768xf32, #tpu.memory_space<vmem>> -> memref<16x128xf32, #tpu.memory_space<vmem>>
        %dma_start3A_416 = arith.constant 0 : i32
        %dma_start3A_417 = tpu.memref_slice %arg2[%dma_start3A_416, %mul3A_388] : memref<16x320000xf32, #tpu.memory_space<hbm>> -> memref<16x128xf32, #tpu.memory_space<hbm>>
        %dma_start3A_418 = arith.constant 0 : i32
        %dma_start3A_419 = arith.constant 0 : i32
        %dma_start3A_420 = tpu.memref_slice %arg7[%dma_start3A_418, %dma_start3A_419] : memref<16x768xf32, #tpu.memory_space<vmem>> -> memref<16x128xf32, #tpu.memory_space<vmem>>
        %dma_start3A_421 = arith.constant 0 : i32
        %dma_start3A_422 = tpu.memref_slice %arg2[%dma_start3A_421, %mul3A_388] : memref<16x320000xf32, #tpu.memory_space<hbm>> -> memref<16x128xf32, #tpu.memory_space<hbm>>
        tpu.enqueue_dma source(%dma_start3A_422 : memref<16x128xf32, #tpu.memory_space<hbm>>) target(%dma_start3A_420 : memref<16x128xf32, #tpu.memory_space<vmem>>) target_semaphore(%run_scoped3A_412 : memref<!tpu.dma_semaphore, #tpu.memory_space<semaphore_mem>>)
        %dma_wait3A_423 = arith.constant 0 : i32
        %dma_wait3A_424 = arith.constant 0 : i32
        %dma_wait3A_425 = tpu.memref_slice %arg7[%dma_wait3A_423, %dma_wait3A_424] : memref<16x768xf32, #tpu.memory_space<vmem>> -> memref<16x128xf32, #tpu.memory_space<vmem>>
        %dma_wait3A_426 = arith.constant 0 : i32
        %dma_wait3A_427 = tpu.memref_slice %arg2[%dma_wait3A_426, %mul3A_388] : memref<16x320000xf32, #tpu.memory_space<hbm>> -> memref<16x128xf32, #tpu.memory_space<hbm>>
        %dma_wait3A_428 = arith.constant 0 : i32
        %dma_wait3A_429 = arith.constant 0 : i32
        %dma_wait3A_430 = tpu.memref_slice %arg7[%dma_wait3A_428, %dma_wait3A_429] : memref<16x768xf32, #tpu.memory_space<vmem>> -> memref<16x128xf32, #tpu.memory_space<vmem>>
        %dma_wait3A_431 = arith.constant 0 : i32
        %dma_wait3A_432 = tpu.memref_slice %arg2[%dma_wait3A_431, %mul3A_388] : memref<16x320000xf32, #tpu.memory_space<hbm>> -> memref<16x128xf32, #tpu.memory_space<hbm>>
        tpu.wait_dma2 semaphore(%run_scoped3A_412 : memref<!tpu.dma_semaphore, #tpu.memory_space<semaphore_mem>>) src(%dma_wait3A_432 : memref<16x128xf32, #tpu.memory_space<hbm>>) dst(%dma_wait3A_430 : memref<16x128xf32, #tpu.memory_space<vmem>>)
        tpu.yield
      }) : () -> ()
      "tpu.region"() ({
        %run_scoped3A_412 = tpu.sem_alloc : memref<!tpu.dma_semaphore, #tpu.memory_space<semaphore_mem>>
        %dma_start3A_413 = arith.constant 0 : i32
        %dma_start3A_414 = arith.constant 0 : i32
        %dma_start3A_415 = arith.constant 0 : i32
        %dma_start3A_416 = tpu.memref_slice %arg9[%dma_start3A_413, %dma_start3A_414, %dma_start3A_415] : memref<6x1x128xi32, #tpu.memory_space<vmem>> -> memref<1x1x128xi32, #tpu.memory_space<vmem>>
        %dma_start3A_417 = arith.constant 1 : i32
        %dma_start3A_418 = arith.constant 0 : i32
        %dma_start3A_419 = tpu.memref_slice %arg3[%add3A_386, %dma_start3A_417, %dma_start3A_418] : memref<2500x2x128xi32, #tpu.memory_space<hbm>> -> memref<1x1x128xi32, #tpu.memory_space<hbm>>
        %dma_start3A_420 = arith.constant 0 : i32
        %dma_start3A_421 = arith.constant 0 : i32
        %dma_start3A_422 = arith.constant 0 : i32
        %dma_start3A_423 = tpu.memref_slice %arg9[%dma_start3A_420, %dma_start3A_421, %dma_start3A_422] : memref<6x1x128xi32, #tpu.memory_space<vmem>> -> memref<1x1x128xi32, #tpu.memory_space<vmem>>
        %dma_start3A_424 = arith.constant 1 : i32
        %dma_start3A_425 = arith.constant 0 : i32
        %dma_start3A_426 = tpu.memref_slice %arg3[%add3A_386, %dma_start3A_424, %dma_start3A_425] : memref<2500x2x128xi32, #tpu.memory_space<hbm>> -> memref<1x1x128xi32, #tpu.memory_space<hbm>>
        tpu.enqueue_dma source(%dma_start3A_426 : memref<1x1x128xi32, #tpu.memory_space<hbm>>) target(%dma_start3A_423 : memref<1x1x128xi32, #tpu.memory_space<vmem>>) target_semaphore(%run_scoped3A_412 : memref<!tpu.dma_semaphore, #tpu.memory_space<semaphore_mem>>)
        %dma_wait3A_427 = arith.constant 0 : i32
        %dma_wait3A_428 = arith.constant 0 : i32
        %dma_wait3A_429 = arith.constant 0 : i32
        %dma_wait3A_430 = tpu.memref_slice %arg9[%dma_wait3A_427, %dma_wait3A_428, %dma_wait3A_429] : memref<6x1x128xi32, #tpu.memory_space<vmem>> -> memref<1x1x128xi32, #tpu.memory_space<vmem>>
        %dma_wait3A_431 = arith.constant 1 : i32
        %dma_wait3A_432 = arith.constant 0 : i32
        %dma_wait3A_433 = tpu.memref_slice %arg3[%add3A_386, %dma_wait3A_431, %dma_wait3A_432] : memref<2500x2x128xi32, #tpu.memory_space<hbm>> -> memref<1x1x128xi32, #tpu.memory_space<hbm>>
        %dma_wait3A_434 = arith.constant 0 : i32
        %dma_wait3A_435 = arith.constant 0 : i32
        %dma_wait3A_436 = arith.constant 0 : i32
        %dma_wait3A_437 = tpu.memref_slice %arg9[%dma_wait3A_434, %dma_wait3A_435, %dma_wait3A_436] : memref<6x1x128xi32, #tpu.memory_space<vmem>> -> memref<1x1x128xi32, #tpu.memory_space<vmem>>
        %dma_wait3A_438 = arith.constant 1 : i32
        %dma_wait3A_439 = arith.constant 0 : i32
        %dma_wait3A_440 = tpu.memref_slice %arg3[%add3A_386, %dma_wait3A_438, %dma_wait3A_439] : memref<2500x2x128xi32, #tpu.memory_space<hbm>> -> memref<1x1x128xi32, #tpu.memory_space<hbm>>
        tpu.wait_dma2 semaphore(%run_scoped3A_412 : memref<!tpu.dma_semaphore, #tpu.memory_space<semaphore_mem>>) src(%dma_wait3A_440 : memref<1x1x128xi32, #tpu.memory_space<hbm>>) dst(%dma_wait3A_437 : memref<1x1x128xi32, #tpu.memory_space<vmem>>)
        tpu.yield
      }) : () -> ()
      %while3A_389 = arith.constant 0 : i32
      %while3A_390 = arith.constant 0 : i32
      %while3A_391 = arith.constant 8 : i32
      %while3A_392 = arith.subi %while3A_391, %while3A_390 : i32
      %while3A_393 = arith.addi %while3A_390, %while3A_392 : i32
      %while3A_394 = arith.constant 1 : i32
      %while3A_395 = arith.divsi %while3A_392, %while3A_394 : i32
      %while3A_396 = arith.muli %while3A_395, %while3A_394 : i32
      %while3A_397 = arith.addi %while3A_390, %while3A_396 : i32
      %while3A_398 = arith.constant 1 : i32
      scf.for %while3A_412 = %while3A_390 to %while3A_397 step %while3A_398  : i32 {
        %mul3A_413 = arith.constant 16 : i32
        %mul3A_414 = arith.muli %while3A_412, %mul3A_413 : i32
        %add3A_415 = vector.broadcast %mul3A_414 : i32 to vector<16xi32>
        %add3A_416 = arith.addi %and3A_20, %add3A_415 : vector<16xi32>
        %add3A_417 = vector.broadcast %mul3A_414 : i32 to vector<16xi32>
        %add3A_418 = arith.addi %and3A_26, %add3A_417 : vector<16xi32>
        %add3A_419 = vector.broadcast %mul3A_414 : i32 to vector<16xi32>
        %add3A_420 = arith.addi %and3A_32, %add3A_419 : vector<16xi32>
        %add3A_421 = vector.broadcast %mul3A_414 : i32 to vector<16xi32>
        %add3A_422 = arith.addi %and3A_38, %add3A_421 : vector<16xi32>
        %add3A_423 = vector.broadcast %mul3A_414 : i32 to vector<16xi32>
        %add3A_424 = arith.addi %and3A_44, %add3A_423 : vector<16xi32>
        %add3A_425 = vector.broadcast %mul3A_414 : i32 to vector<16xi32>
        %add3A_426 = arith.addi %and3A_50, %add3A_425 : vector<16xi32>
        %add3A_427 = vector.broadcast %mul3A_414 : i32 to vector<16xi32>
        %add3A_428 = arith.addi %and3A_56, %add3A_427 : vector<16xi32>
        %add3A_429 = vector.broadcast %mul3A_414 : i32 to vector<16xi32>
        %add3A_430 = arith.addi %and3A_62, %add3A_429 : vector<16xi32>
        %add3A_431 = vector.broadcast %mul3A_414 : i32 to vector<16xi32>
        %add3A_432 = arith.addi %and3A_68, %add3A_431 : vector<16xi32>
        %add3A_433 = vector.broadcast %mul3A_414 : i32 to vector<16xi32>
        %add3A_434 = arith.addi %and3A_74, %add3A_433 : vector<16xi32>
        %add3A_435 = vector.broadcast %mul3A_414 : i32 to vector<16xi32>
        %add3A_436 = arith.addi %and3A_80, %add3A_435 : vector<16xi32>
        %add3A_437 = vector.broadcast %mul3A_414 : i32 to vector<16xi32>
        %add3A_438 = arith.addi %and3A_86, %add3A_437 : vector<16xi32>
        %add3A_439 = vector.broadcast %mul3A_414 : i32 to vector<16xi32>
        %add3A_440 = arith.addi %and3A_92, %add3A_439 : vector<16xi32>
        %add3A_441 = vector.broadcast %mul3A_414 : i32 to vector<16xi32>
        %add3A_442 = arith.addi %and3A_98, %add3A_441 : vector<16xi32>
        %add3A_443 = vector.broadcast %mul3A_414 : i32 to vector<16xi32>
        %add3A_444 = arith.addi %and3A_104, %add3A_443 : vector<16xi32>
        %add3A_445 = vector.broadcast %mul3A_414 : i32 to vector<16xi32>
        %add3A_446 = arith.addi %and3A_110, %add3A_445 : vector<16xi32>
        %gather3A = tpu.vector_load_idx %arg7[%iota3A, %add3A_416] : memref<16x768xf32, #tpu.memory_space<vmem>>[vector<16xi32>, vector<16xi32>], vector<16xf32>,
        %gather3A_447 = tpu.vector_load_idx %arg7[%iota3A, %add3A_418] : memref<16x768xf32, #tpu.memory_space<vmem>>[vector<16xi32>, vector<16xi32>], vector<16xf32>,
        %gather3A_448 = tpu.vector_load_idx %arg7[%iota3A, %add3A_420] : memref<16x768xf32, #tpu.memory_space<vmem>>[vector<16xi32>, vector<16xi32>], vector<16xf32>,
        %gather3A_449 = tpu.vector_load_idx %arg7[%iota3A, %add3A_422] : memref<16x768xf32, #tpu.memory_space<vmem>>[vector<16xi32>, vector<16xi32>], vector<16xf32>,
        %gather3A_450 = tpu.vector_load_idx %arg7[%iota3A, %add3A_424] : memref<16x768xf32, #tpu.memory_space<vmem>>[vector<16xi32>, vector<16xi32>], vector<16xf32>,
        %gather3A_451 = tpu.vector_load_idx %arg7[%iota3A, %add3A_426] : memref<16x768xf32, #tpu.memory_space<vmem>>[vector<16xi32>, vector<16xi32>], vector<16xf32>,
        %gather3A_452 = tpu.vector_load_idx %arg7[%iota3A, %add3A_428] : memref<16x768xf32, #tpu.memory_space<vmem>>[vector<16xi32>, vector<16xi32>], vector<16xf32>,
        %gather3A_453 = tpu.vector_load_idx %arg7[%iota3A, %add3A_430] : memref<16x768xf32, #tpu.memory_space<vmem>>[vector<16xi32>, vector<16xi32>], vector<16xf32>,
        %gather3A_454 = tpu.vector_load_idx %arg7[%iota3A, %add3A_432] : memref<16x768xf32, #tpu.memory_space<vmem>>[vector<16xi32>, vector<16xi32>], vector<16xf32>,
        %gather3A_455 = tpu.vector_load_idx %arg7[%iota3A, %add3A_434] : memref<16x768xf32, #tpu.memory_space<vmem>>[vector<16xi32>, vector<16xi32>], vector<16xf32>,
        %gather3A_456 = tpu.vector_load_idx %arg7[%iota3A, %add3A_436] : memref<16x768xf32, #tpu.memory_space<vmem>>[vector<16xi32>, vector<16xi32>], vector<16xf32>,
        %gather3A_457 = tpu.vector_load_idx %arg7[%iota3A, %add3A_438] : memref<16x768xf32, #tpu.memory_space<vmem>>[vector<16xi32>, vector<16xi32>], vector<16xf32>,
        %gather3A_458 = tpu.vector_load_idx %arg7[%iota3A, %add3A_440] : memref<16x768xf32, #tpu.memory_space<vmem>>[vector<16xi32>, vector<16xi32>], vector<16xf32>,
        %gather3A_459 = tpu.vector_load_idx %arg7[%iota3A, %add3A_442] : memref<16x768xf32, #tpu.memory_space<vmem>>[vector<16xi32>, vector<16xi32>], vector<16xf32>,
        %gather3A_460 = tpu.vector_load_idx %arg7[%iota3A, %add3A_444] : memref<16x768xf32, #tpu.memory_space<vmem>>[vector<16xi32>, vector<16xi32>], vector<16xf32>,
        %gather3A_461 = tpu.vector_load_idx %arg7[%iota3A, %add3A_446] : memref<16x768xf32, #tpu.memory_space<vmem>>[vector<16xi32>, vector<16xi32>], vector<16xf32>,
        tpu.vector_store_idx %arg11[%add3A_416, %iota3A], %gather3A : memref<768x16xf32, #tpu.memory_space<vmem>>[vector<16xi32>, vector<16xi32>], vector<16xf32>,
        tpu.vector_store_idx %arg11[%add3A_418, %iota3A], %gather3A_447 : memref<768x16xf32, #tpu.memory_space<vmem>>[vector<16xi32>, vector<16xi32>], vector<16xf32>,
        tpu.vector_store_idx %arg11[%add3A_420, %iota3A], %gather3A_448 : memref<768x16xf32, #tpu.memory_space<vmem>>[vector<16xi32>, vector<16xi32>], vector<16xf32>,
        tpu.vector_store_idx %arg11[%add3A_422, %iota3A], %gather3A_449 : memref<768x16xf32, #tpu.memory_space<vmem>>[vector<16xi32>, vector<16xi32>], vector<16xf32>,
        tpu.vector_store_idx %arg11[%add3A_424, %iota3A], %gather3A_450 : memref<768x16xf32, #tpu.memory_space<vmem>>[vector<16xi32>, vector<16xi32>], vector<16xf32>,
        tpu.vector_store_idx %arg11[%add3A_426, %iota3A], %gather3A_451 : memref<768x16xf32, #tpu.memory_space<vmem>>[vector<16xi32>, vector<16xi32>], vector<16xf32>,
        tpu.vector_store_idx %arg11[%add3A_428, %iota3A], %gather3A_452 : memref<768x16xf32, #tpu.memory_space<vmem>>[vector<16xi32>, vector<16xi32>], vector<16xf32>,
        tpu.vector_store_idx %arg11[%add3A_430, %iota3A], %gather3A_453 : memref<768x16xf32, #tpu.memory_space<vmem>>[vector<16xi32>, vector<16xi32>], vector<16xf32>,
        tpu.vector_store_idx %arg11[%add3A_432, %iota3A], %gather3A_454 : memref<768x16xf32, #tpu.memory_space<vmem>>[vector<16xi32>, vector<16xi32>], vector<16xf32>,
        tpu.vector_store_idx %arg11[%add3A_434, %iota3A], %gather3A_455 : memref<768x16xf32, #tpu.memory_space<vmem>>[vector<16xi32>, vector<16xi32>], vector<16xf32>,
        tpu.vector_store_idx %arg11[%add3A_436, %iota3A], %gather3A_456 : memref<768x16xf32, #tpu.memory_space<vmem>>[vector<16xi32>, vector<16xi32>], vector<16xf32>,
        tpu.vector_store_idx %arg11[%add3A_438, %iota3A], %gather3A_457 : memref<768x16xf32, #tpu.memory_space<vmem>>[vector<16xi32>, vector<16xi32>], vector<16xf32>,
        tpu.vector_store_idx %arg11[%add3A_440, %iota3A], %gather3A_458 : memref<768x16xf32, #tpu.memory_space<vmem>>[vector<16xi32>, vector<16xi32>], vector<16xf32>,
        tpu.vector_store_idx %arg11[%add3A_442, %iota3A], %gather3A_459 : memref<768x16xf32, #tpu.memory_space<vmem>>[vector<16xi32>, vector<16xi32>], vector<16xf32>,
        tpu.vector_store_idx %arg11[%add3A_444, %iota3A], %gather3A_460 : memref<768x16xf32, #tpu.memory_space<vmem>>[vector<16xi32>, vector<16xi32>], vector<16xf32>,
        tpu.vector_store_idx %arg11[%add3A_446, %iota3A], %gather3A_461 : memref<768x16xf32, #tpu.memory_space<vmem>>[vector<16xi32>, vector<16xi32>], vector<16xf32>,
      }
      %while3A_399 = arith.constant 1 : i32
      scf.for %while3A_412 = %while3A_397 to %while3A_393 step %while3A_399  : i32 {
        %mul3A_413 = arith.constant 16 : i32
        %mul3A_414 = arith.muli %while3A_412, %mul3A_413 : i32
        %add3A_415 = vector.broadcast %mul3A_414 : i32 to vector<16xi32>
        %add3A_416 = arith.addi %and3A_20, %add3A_415 : vector<16xi32>
        %add3A_417 = vector.broadcast %mul3A_414 : i32 to vector<16xi32>
        %add3A_418 = arith.addi %and3A_26, %add3A_417 : vector<16xi32>
        %add3A_419 = vector.broadcast %mul3A_414 : i32 to vector<16xi32>
        %add3A_420 = arith.addi %and3A_32, %add3A_419 : vector<16xi32>
        %add3A_421 = vector.broadcast %mul3A_414 : i32 to vector<16xi32>
        %add3A_422 = arith.addi %and3A_38, %add3A_421 : vector<16xi32>
        %add3A_423 = vector.broadcast %mul3A_414 : i32 to vector<16xi32>
        %add3A_424 = arith.addi %and3A_44, %add3A_423 : vector<16xi32>
        %add3A_425 = vector.broadcast %mul3A_414 : i32 to vector<16xi32>
        %add3A_426 = arith.addi %and3A_50, %add3A_425 : vector<16xi32>
        %add3A_427 = vector.broadcast %mul3A_414 : i32 to vector<16xi32>
        %add3A_428 = arith.addi %and3A_56, %add3A_427 : vector<16xi32>
        %add3A_429 = vector.broadcast %mul3A_414 : i32 to vector<16xi32>
        %add3A_430 = arith.addi %and3A_62, %add3A_429 : vector<16xi32>
        %add3A_431 = vector.broadcast %mul3A_414 : i32 to vector<16xi32>
        %add3A_432 = arith.addi %and3A_68, %add3A_431 : vector<16xi32>
        %add3A_433 = vector.broadcast %mul3A_414 : i32 to vector<16xi32>
        %add3A_434 = arith.addi %and3A_74, %add3A_433 : vector<16xi32>
        %add3A_435 = vector.broadcast %mul3A_414 : i32 to vector<16xi32>
        %add3A_436 = arith.addi %and3A_80, %add3A_435 : vector<16xi32>
        %add3A_437 = vector.broadcast %mul3A_414 : i32 to vector<16xi32>
        %add3A_438 = arith.addi %and3A_86, %add3A_437 : vector<16xi32>
        %add3A_439 = vector.broadcast %mul3A_414 : i32 to vector<16xi32>
        %add3A_440 = arith.addi %and3A_92, %add3A_439 : vector<16xi32>
        %add3A_441 = vector.broadcast %mul3A_414 : i32 to vector<16xi32>
        %add3A_442 = arith.addi %and3A_98, %add3A_441 : vector<16xi32>
        %add3A_443 = vector.broadcast %mul3A_414 : i32 to vector<16xi32>
        %add3A_444 = arith.addi %and3A_104, %add3A_443 : vector<16xi32>
        %add3A_445 = vector.broadcast %mul3A_414 : i32 to vector<16xi32>
        %add3A_446 = arith.addi %and3A_110, %add3A_445 : vector<16xi32>
        %gather3A = tpu.vector_load_idx %arg7[%iota3A, %add3A_416] : memref<16x768xf32, #tpu.memory_space<vmem>>[vector<16xi32>, vector<16xi32>], vector<16xf32>,
        %gather3A_447 = tpu.vector_load_idx %arg7[%iota3A, %add3A_418] : memref<16x768xf32, #tpu.memory_space<vmem>>[vector<16xi32>, vector<16xi32>], vector<16xf32>,
        %gather3A_448 = tpu.vector_load_idx %arg7[%iota3A, %add3A_420] : memref<16x768xf32, #tpu.memory_space<vmem>>[vector<16xi32>, vector<16xi32>], vector<16xf32>,
        %gather3A_449 = tpu.vector_load_idx %arg7[%iota3A, %add3A_422] : memref<16x768xf32, #tpu.memory_space<vmem>>[vector<16xi32>, vector<16xi32>], vector<16xf32>,
        %gather3A_450 = tpu.vector_load_idx %arg7[%iota3A, %add3A_424] : memref<16x768xf32, #tpu.memory_space<vmem>>[vector<16xi32>, vector<16xi32>], vector<16xf32>,
        %gather3A_451 = tpu.vector_load_idx %arg7[%iota3A, %add3A_426] : memref<16x768xf32, #tpu.memory_space<vmem>>[vector<16xi32>, vector<16xi32>], vector<16xf32>,
        %gather3A_452 = tpu.vector_load_idx %arg7[%iota3A, %add3A_428] : memref<16x768xf32, #tpu.memory_space<vmem>>[vector<16xi32>, vector<16xi32>], vector<16xf32>,
        %gather3A_453 = tpu.vector_load_idx %arg7[%iota3A, %add3A_430] : memref<16x768xf32, #tpu.memory_space<vmem>>[vector<16xi32>, vector<16xi32>], vector<16xf32>,
        %gather3A_454 = tpu.vector_load_idx %arg7[%iota3A, %add3A_432] : memref<16x768xf32, #tpu.memory_space<vmem>>[vector<16xi32>, vector<16xi32>], vector<16xf32>,
        %gather3A_455 = tpu.vector_load_idx %arg7[%iota3A, %add3A_434] : memref<16x768xf32, #tpu.memory_space<vmem>>[vector<16xi32>, vector<16xi32>], vector<16xf32>,
        %gather3A_456 = tpu.vector_load_idx %arg7[%iota3A, %add3A_436] : memref<16x768xf32, #tpu.memory_space<vmem>>[vector<16xi32>, vector<16xi32>], vector<16xf32>,
        %gather3A_457 = tpu.vector_load_idx %arg7[%iota3A, %add3A_438] : memref<16x768xf32, #tpu.memory_space<vmem>>[vector<16xi32>, vector<16xi32>], vector<16xf32>,
        %gather3A_458 = tpu.vector_load_idx %arg7[%iota3A, %add3A_440] : memref<16x768xf32, #tpu.memory_space<vmem>>[vector<16xi32>, vector<16xi32>], vector<16xf32>,
        %gather3A_459 = tpu.vector_load_idx %arg7[%iota3A, %add3A_442] : memref<16x768xf32, #tpu.memory_space<vmem>>[vector<16xi32>, vector<16xi32>], vector<16xf32>,
        %gather3A_460 = tpu.vector_load_idx %arg7[%iota3A, %add3A_444] : memref<16x768xf32, #tpu.memory_space<vmem>>[vector<16xi32>, vector<16xi32>], vector<16xf32>,
        %gather3A_461 = tpu.vector_load_idx %arg7[%iota3A, %add3A_446] : memref<16x768xf32, #tpu.memory_space<vmem>>[vector<16xi32>, vector<16xi32>], vector<16xf32>,
        tpu.vector_store_idx %arg11[%add3A_416, %iota3A], %gather3A : memref<768x16xf32, #tpu.memory_space<vmem>>[vector<16xi32>, vector<16xi32>], vector<16xf32>,
        tpu.vector_store_idx %arg11[%add3A_418, %iota3A], %gather3A_447 : memref<768x16xf32, #tpu.memory_space<vmem>>[vector<16xi32>, vector<16xi32>], vector<16xf32>,
        tpu.vector_store_idx %arg11[%add3A_420, %iota3A], %gather3A_448 : memref<768x16xf32, #tpu.memory_space<vmem>>[vector<16xi32>, vector<16xi32>], vector<16xf32>,
        tpu.vector_store_idx %arg11[%add3A_422, %iota3A], %gather3A_449 : memref<768x16xf32, #tpu.memory_space<vmem>>[vector<16xi32>, vector<16xi32>], vector<16xf32>,
        tpu.vector_store_idx %arg11[%add3A_424, %iota3A], %gather3A_450 : memref<768x16xf32, #tpu.memory_space<vmem>>[vector<16xi32>, vector<16xi32>], vector<16xf32>,
        tpu.vector_store_idx %arg11[%add3A_426, %iota3A], %gather3A_451 : memref<768x16xf32, #tpu.memory_space<vmem>>[vector<16xi32>, vector<16xi32>], vector<16xf32>,
        tpu.vector_store_idx %arg11[%add3A_428, %iota3A], %gather3A_452 : memref<768x16xf32, #tpu.memory_space<vmem>>[vector<16xi32>, vector<16xi32>], vector<16xf32>,
        tpu.vector_store_idx %arg11[%add3A_430, %iota3A], %gather3A_453 : memref<768x16xf32, #tpu.memory_space<vmem>>[vector<16xi32>, vector<16xi32>], vector<16xf32>,
        tpu.vector_store_idx %arg11[%add3A_432, %iota3A], %gather3A_454 : memref<768x16xf32, #tpu.memory_space<vmem>>[vector<16xi32>, vector<16xi32>], vector<16xf32>,
        tpu.vector_store_idx %arg11[%add3A_434, %iota3A], %gather3A_455 : memref<768x16xf32, #tpu.memory_space<vmem>>[vector<16xi32>, vector<16xi32>], vector<16xf32>,
        tpu.vector_store_idx %arg11[%add3A_436, %iota3A], %gather3A_456 : memref<768x16xf32, #tpu.memory_space<vmem>>[vector<16xi32>, vector<16xi32>], vector<16xf32>,
        tpu.vector_store_idx %arg11[%add3A_438, %iota3A], %gather3A_457 : memref<768x16xf32, #tpu.memory_space<vmem>>[vector<16xi32>, vector<16xi32>], vector<16xf32>,
        tpu.vector_store_idx %arg11[%add3A_440, %iota3A], %gather3A_458 : memref<768x16xf32, #tpu.memory_space<vmem>>[vector<16xi32>, vector<16xi32>], vector<16xf32>,
        tpu.vector_store_idx %arg11[%add3A_442, %iota3A], %gather3A_459 : memref<768x16xf32, #tpu.memory_space<vmem>>[vector<16xi32>, vector<16xi32>], vector<16xf32>,
        tpu.vector_store_idx %arg11[%add3A_444, %iota3A], %gather3A_460 : memref<768x16xf32, #tpu.memory_space<vmem>>[vector<16xi32>, vector<16xi32>], vector<16xf32>,
        tpu.vector_store_idx %arg11[%add3A_446, %iota3A], %gather3A_461 : memref<768x16xf32, #tpu.memory_space<vmem>>[vector<16xi32>, vector<16xi32>], vector<16xf32>,
      }
      %while3A_400 = arith.constant 0 : i32
      %while3A_401 = arith.constant 0 : i32
      %while3A_402 = arith.constant 8 : i32
      %while3A_403 = arith.subi %while3A_402, %while3A_401 : i32
      %while3A_404 = arith.addi %while3A_401, %while3A_403 : i32
      %while3A_405 = arith.constant 1 : i32
      %while3A_406 = arith.divsi %while3A_403, %while3A_405 : i32
      %while3A_407 = arith.muli %while3A_406, %while3A_405 : i32
      %while3A_408 = arith.addi %while3A_401, %while3A_407 : i32
      %while3A_409 = arith.constant 1 : i32
      scf.for %while3A_412 = %while3A_401 to %while3A_408 step %while3A_409  : i32 {
        %mul3A_413 = arith.constant 16 : i32
        %mul3A_414 = arith.muli %while3A_412, %mul3A_413 : i32
        %get3A = arith.constant 15 : i32
        %get3A_415 = arith.index_cast %get3A : i32 to index
        %get3A_416 = arith.index_cast %mul3A_414 : i32 to index
        %get3A_417 = tpu.vector_load %arg7[%get3A_415, %get3A_416] {strides = array<i32>} : memref<16x768xf32, #tpu.memory_space<vmem>>, vector<16xf32>,
        %swap3A = arith.index_cast %mul3A_414 : i32 to index
        %swap3A_418 = tpu.vector_load %arg13[%swap3A] {strides = array<i32>} : memref<768xf32, #tpu.memory_space<vmem>>, vector<16xf32>,
        tpu.vector_store %arg13[%swap3A], %get3A_417 {strides = array<i32>} : memref<768xf32, #tpu.memory_space<vmem>>, vector<16xf32>,
      }
      %while3A_410 = arith.constant 1 : i32
      scf.for %while3A_412 = %while3A_408 to %while3A_404 step %while3A_410  : i32 {
        %mul3A_413 = arith.constant 16 : i32
        %mul3A_414 = arith.muli %while3A_412, %mul3A_413 : i32
        %get3A = arith.constant 15 : i32
        %get3A_415 = arith.index_cast %get3A : i32 to index
        %get3A_416 = arith.index_cast %mul3A_414 : i32 to index
        %get3A_417 = tpu.vector_load %arg7[%get3A_415, %get3A_416] {strides = array<i32>} : memref<16x768xf32, #tpu.memory_space<vmem>>, vector<16xf32>,
        %swap3A = arith.index_cast %mul3A_414 : i32 to index
        %swap3A_418 = tpu.vector_load %arg13[%swap3A] {strides = array<i32>} : memref<768xf32, #tpu.memory_space<vmem>>, vector<16xf32>,
        tpu.vector_store %arg13[%swap3A], %get3A_417 {strides = array<i32>} : memref<768xf32, #tpu.memory_space<vmem>>, vector<16xf32>,
      }
      %run_scoped3A = arith.constant 0 : i32
      %run_scoped3A_411 = arith.constant 0 : i32
      "tpu.region"() ({
        %run_scoped3A_412 = tpu.sem_alloc : memref<!tpu.dma_semaphore, #tpu.memory_space<semaphore_mem>>
        %dma_start3A_413 = arith.constant 0 : i32
        %dma_start3A_414 = arith.constant 0 : i32
        %dma_start3A_415 = tpu.memref_slice %arg11[%dma_start3A_413, %dma_start3A_414] : memref<768x16xf32, #tpu.memory_space<vmem>> -> memref<128x16xf32, #tpu.memory_space<vmem>>
        %dma_start3A_416 = arith.constant 0 : i32
        %dma_start3A_417 = tpu.memref_slice %arg9[%run_scoped3A, %run_scoped3A_411, %dma_start3A_416] : memref<6x1x128xi32, #tpu.memory_space<vmem>> -> memref<1x1x128xi32, #tpu.memory_space<vmem>>
        %dma_start3A_418 = tpu.memref_squeeze %dma_start3A_417 : memref<1x1x128xi32, #tpu.memory_space<vmem>> -> memref<128xi32, #tpu.memory_space<vmem>>
        %dma_start3A_419 = arith.constant 0 : i32
        %dma_start3A_420 = arith.constant 0 : i32
        %dma_start3A_421 = tpu.memref_slice %arg6[%dma_start3A_419, %dma_start3A_420] : memref<10000x16xf32, #tpu.memory_space<vmem_shared>> -> memref<10000x16xf32, #tpu.memory_space<vmem_shared>>
        tpu.enqueue_indirect_dma source(%dma_start3A_415 : memref<128x16xf32, #tpu.memory_space<vmem>>) target(%dma_start3A_421 : memref<10000x16xf32, #tpu.memory_space<vmem_shared>>) offsets(%dma_start3A_418 : memref<128xi32, #tpu.memory_space<vmem>>) semaphore(%run_scoped3A_412 : memref<!tpu.dma_semaphore, #tpu.memory_space<semaphore_mem>>) {add = true}
        %dma_wait3A_422 = arith.constant 0 : i32
        %dma_wait3A_423 = arith.constant 0 : i32
        %dma_wait3A_424 = tpu.memref_slice %arg11[%dma_wait3A_422, %dma_wait3A_423] : memref<768x16xf32, #tpu.memory_space<vmem>> -> memref<128x16xf32, #tpu.memory_space<vmem>>
        %dma_wait3A_425 = arith.constant 0 : i32
        %dma_wait3A_426 = tpu.memref_slice %arg9[%run_scoped3A, %run_scoped3A_411, %dma_wait3A_425] : memref<6x1x128xi32, #tpu.memory_space<vmem>> -> memref<1x1x128xi32, #tpu.memory_space<vmem>>
        %dma_wait3A_427 = tpu.memref_squeeze %dma_wait3A_426 : memref<1x1x128xi32, #tpu.memory_space<vmem>> -> memref<128xi32, #tpu.memory_space<vmem>>
        %dma_wait3A_428 = arith.constant 0 : i32
        %dma_wait3A_429 = arith.constant 0 : i32
        %dma_wait3A_430 = tpu.memref_slice %arg6[%dma_wait3A_428, %dma_wait3A_429] : memref<10000x16xf32, #tpu.memory_space<vmem_shared>> -> memref<10000x16xf32, #tpu.memory_space<vmem_shared>>
        tpu.wait_indirect_dma semaphore(%run_scoped3A_412 : memref<!tpu.dma_semaphore, #tpu.memory_space<semaphore_mem>>) src(%dma_wait3A_424 : memref<128x16xf32, #tpu.memory_space<vmem>>) dst(%dma_wait3A_430 : memref<10000x16xf32, #tpu.memory_space<vmem_shared>>)
        tpu.yield
      }) : () -> ()
      "tpu.region"() ({
        %run_scoped3A_412 = tpu.sem_alloc : memref<!tpu.dma_semaphore, #tpu.memory_space<semaphore_mem>>
        %dma_start3A_413 = arith.constant 0 : i32
        %dma_start3A_414 = tpu.memref_slice %arg13[%dma_start3A_413] : memref<768xf32, #tpu.memory_space<vmem>> -> memref<128xf32, #tpu.memory_space<vmem>>
        %dma_start3A_415 = tpu.memref_slice %arg5[%mul3A_388] : memref<320000xf32, #tpu.memory_space<hbm>> -> memref<128xf32, #tpu.memory_space<hbm>>
        %dma_start3A_416 = tpu.memref_slice %arg5[%mul3A_388] : memref<320000xf32, #tpu.memory_space<hbm>> -> memref<128xf32, #tpu.memory_space<hbm>>
        %dma_start3A_417 = arith.constant 0 : i32
        %dma_start3A_418 = tpu.memref_slice %arg13[%dma_start3A_417] : memref<768xf32, #tpu.memory_space<vmem>> -> memref<128xf32, #tpu.memory_space<vmem>>
        tpu.enqueue_dma source(%dma_start3A_418 : memref<128xf32, #tpu.memory_space<vmem>>) target(%dma_start3A_416 : memref<128xf32, #tpu.memory_space<hbm>>) target_semaphore(%run_scoped3A_412 : memref<!tpu.dma_semaphore, #tpu.memory_space<semaphore_mem>>)
        %dma_wait3A_419 = arith.constant 0 : i32
        %dma_wait3A_420 = tpu.memref_slice %arg13[%dma_wait3A_419] : memref<768xf32, #tpu.memory_space<vmem>> -> memref<128xf32, #tpu.memory_space<vmem>>
        %dma_wait3A_421 = tpu.memref_slice %arg5[%mul3A_388] : memref<320000xf32, #tpu.memory_space<hbm>> -> memref<128xf32, #tpu.memory_space<hbm>>
        %dma_wait3A_422 = tpu.memref_slice %arg5[%mul3A_388] : memref<320000xf32, #tpu.memory_space<hbm>> -> memref<128xf32, #tpu.memory_space<hbm>>
        %dma_wait3A_423 = arith.constant 0 : i32
        %dma_wait3A_424 = tpu.memref_slice %arg13[%dma_wait3A_423] : memref<768xf32, #tpu.memory_space<vmem>> -> memref<128xf32, #tpu.memory_space<vmem>>
        tpu.wait_dma2 semaphore(%run_scoped3A_412 : memref<!tpu.dma_semaphore, #tpu.memory_space<semaphore_mem>>) src(%dma_wait3A_424 : memref<128xf32, #tpu.memory_space<vmem>>) dst(%dma_wait3A_422 : memref<128xf32, #tpu.memory_space<hbm>>)
        tpu.yield
      }) : () -> ()
    } else {
    }
    %barrier3A_380 = arith.constant 0 : index
    tpu.barrier barrier_id(%barrier3A_380)
    %mul3A_381 = arith.constant 625 : i32
    %mul3A_382 = arith.muli %arg1, %mul3A_381 : i32
    %mul3A_383 = arith.constant 625 : i32
    %mul3A_384 = arith.muli %arg1, %mul3A_383 : i32
    "tpu.region"() ({
      %run_scoped3A = tpu.sem_alloc : memref<!tpu.dma_semaphore, #tpu.memory_space<semaphore_mem>>
      %dma_start3A_385 = arith.constant 0 : i32
      %dma_start3A_386 = arith.constant 0 : i32
      %dma_start3A_387 = tpu.memref_slice %arg4[%arg0, %dma_start3A_385, %dma_start3A_386] : memref<2x10000x16xf32, #tpu.memory_space<hbm>> -> memref<1x10000x16xf32, #tpu.memory_space<hbm>>
      %dma_start3A_388 = tpu.memref_squeeze %dma_start3A_387 : memref<1x10000x16xf32, #tpu.memory_space<hbm>> -> memref<10000x16xf32, #tpu.memory_space<hbm>>
      %dma_start3A_389 = arith.constant 0 : i32
      %dma_start3A_390 = tpu.memref_slice %dma_start3A_388[%mul3A_384, %dma_start3A_389] : memref<10000x16xf32, #tpu.memory_space<hbm>> -> memref<625x16xf32, #tpu.memory_space<hbm>>
      %dma_start3A_391 = arith.constant 0 : i32
      %dma_start3A_392 = tpu.memref_slice %arg6[%mul3A_382, %dma_start3A_391] : memref<10000x16xf32, #tpu.memory_space<vmem_shared>> -> memref<625x16xf32, #tpu.memory_space<vmem_shared>>
      tpu.enqueue_dma source(%dma_start3A_392 : memref<625x16xf32, #tpu.memory_space<vmem_shared>>) target(%dma_start3A_390 : memref<625x16xf32, #tpu.memory_space<hbm>>) target_semaphore(%run_scoped3A : memref<!tpu.dma_semaphore, #tpu.memory_space<semaphore_mem>>)
      %dma_wait3A_393 = arith.constant 0 : i32
      %dma_wait3A_394 = arith.constant 0 : i32
      %dma_wait3A_395 = tpu.memref_slice %arg4[%arg0, %dma_wait3A_393, %dma_wait3A_394] : memref<2x10000x16xf32, #tpu.memory_space<hbm>> -> memref<1x10000x16xf32, #tpu.memory_space<hbm>>
      %dma_wait3A_396 = tpu.memref_squeeze %dma_wait3A_395 : memref<1x10000x16xf32, #tpu.memory_space<hbm>> -> memref<10000x16xf32, #tpu.memory_space<hbm>>
      %dma_wait3A_397 = arith.constant 0 : i32
      %dma_wait3A_398 = tpu.memref_slice %dma_wait3A_396[%mul3A_384, %dma_wait3A_397] : memref<10000x16xf32, #tpu.memory_space<hbm>> -> memref<625x16xf32, #tpu.memory_space<hbm>>
      %dma_wait3A_399 = arith.constant 0 : i32
      %dma_wait3A_400 = tpu.memref_slice %arg6[%mul3A_382, %dma_wait3A_399] : memref<10000x16xf32, #tpu.memory_space<vmem_shared>> -> memref<625x16xf32, #tpu.memory_space<vmem_shared>>
      tpu.wait_dma2 semaphore(%run_scoped3A : memref<!tpu.dma_semaphore, #tpu.memory_space<semaphore_mem>>) src(%dma_wait3A_400 : memref<625x16xf32, #tpu.memory_space<vmem_shared>>) dst(%dma_wait3A_398 : memref<625x16xf32, #tpu.memory_space<hbm>>)
      tpu.yield
    }) : () -> ()
    return
  }
}

module attributes {stable_mosaic.version = 14 : i64} {
  func.func @_combine(%arg0: memref<2x1250x128xf32, #tpu.memory_space<vmem>>, %arg1: memref<1250x128xf32, #tpu.memory_space<vmem>>) attributes {dimension_semantics = [], scalar_prefetch = 0 : i64, scratch_operands = 0 : i64, tpu.core_type = #tpu.core_type<tc>} {
    %get3A = arith.constant 0 : index
    %get3A_0 = arith.constant 0 : index
    %get3A_1 = arith.constant 0 : index
    %get3A_2 = vector.load %arg0[%get3A, %get3A_0, %get3A_1] : memref<2x1250x128xf32, #tpu.memory_space<vmem>>, vector<1x1250x128xf32>
    %get3A_3 = vector.shape_cast %get3A_2 : vector<1x1250x128xf32> to vector<1250x128xf32>
    %get3A_4 = arith.constant 1 : index
    %get3A_5 = arith.constant 0 : index
    %get3A_6 = arith.constant 0 : index
    %get3A_7 = vector.load %arg0[%get3A_4, %get3A_5, %get3A_6] : memref<2x1250x128xf32, #tpu.memory_space<vmem>>, vector<1x1250x128xf32>
    %get3A_8 = vector.shape_cast %get3A_7 : vector<1x1250x128xf32> to vector<1250x128xf32>
    %add3A = arith.addf %get3A_3, %get3A_8 : vector<1250x128xf32>
    %swap3A = arith.constant 0 : index
    %swap3A_9 = arith.constant 0 : index
    %swap3A_10 = vector.load %arg1[%swap3A, %swap3A_9] : memref<1250x128xf32, #tpu.memory_space<vmem>>, vector<1250x128xf32>
    tpu.vector_store %arg1[%swap3A, %swap3A_9], %add3A {strides = array<i32>} : memref<1250x128xf32, #tpu.memory_space<vmem>>, vector<1250x128xf32>,
    return
  }
}

</mosaic_0001>

<sc_bundles>
// kernel: kernel.4.cloned.1.call-start
scs
__scs_entry_jumppad:
0x0: {  	(pc) =	sbr.rel $0x88, $3  }
0x1: {  	(tag) =	ssettag $0x0;
	lr =	simm.s32 $0x1  }
0x2: {  	[smem:$0x3F9F] =	sst lr;
	_ =	strace $0xD0000000  }
0x3: {  	_ = 	snop  }
0x4: {  	_ = 	snop  }
0x5: {  	_ = 	snop  }
0x6: {  	_ = 	snop  }
0x7: {  	_ = 	snop  }
__scs_overlays_trampoline_lowered:
0x8: {  	[smem:$0x3FAE] =	sst s0  }
0x9: {  	[smem:$0x3FAF] =	sst s1  }
0xa: {  	[smem:$0x3FB0] =	sst s2  }
0xb: {  	[smem:$0x3FB1] =	sst s3  }
0xc: {  	[smem:$0x3FB2] =	sst s4  }
0xd: {  	[smem:$0x3FB3] =	sst s5  }
0xe: {  	[smem:$0x3FB4] =	sst s6  }
0xf: {  	[smem:$0x3FB5] =	sst s7  }
0x10: {  	[smem:$0x3FB6] =	sst s8  }
0x11: {  	[smem:$0x3FB7] =	sst s9;
	s0 =	simm.s32 @!p0 $0x0  }
0x12: {  	s1 =	sld [smem:$0x3F9D];
	s0 =	simm.s32 @p0 $0x1  }
0x13: {  	[smem:$0x3FB8] =	sst s0;
	s0 =	simm.s32 @!p1 $0x0  }
0x14: {  	s2 =	sld [smem:$0x3F9C];
	s0 =	simm.s32 @p1 $0x1  }
0x15: {  	[smem:$0x3FB9] =	sst s0;
	s0 =	simm.s32 @!p2 $0x0  }
0x16: {  	s3 =	sld [smem:$0x3FDB];
	s0 =	simm.s32 @p2 $0x1  }
0x17: {  	s4 =	simm.s32 $0x1BF5;
	[smem:$0x3FBB] =	sst s0  }
0x18: {  	s0 =	sld [smem:$0x3F9E];
	_ =	swait.ge [sflag:s4], $0x0  }
0x19: {  	s7 =	sld [smem:$0x3F9F]  }
0x1a: {  	s8 =	sadd.s32 $0xFFFFE003, lr  }
0x1b: {  	s9 =	sadd.s32 $0xFFFFFEF7, lr;
	s5 =	simm.s32 $0xFFFFFFFF;
	p2 =	slt.u32 s8, $0xFFFFF086  }
0x1c: {  	p1 =	slt.u32 s9, $0xF7A;
	s5 =	simm.s32 @!p2 $0x0  }
0x1d: {  	s5 =	simm.s32 @p1 $0x1;
	p0 =	seq.s32 s7, s2  }
0x1e: {  	s7 =	smul.u32 @!p0 $0xF7A, s2;
	p2 =	seq.s32 @!p0 s5, $0x0  }
0x1f: {  	s9 =	smul.u32 $0xF7A, s1;
	s8 =	simm.s32 @!p0 $0x1BF5;
	p2 =	por !p2, p0  }
0x20: {  	[sflag:s8] =	ssyncset.s32 @!p0 $0xFFFFF086;
	s6 =	sadd.s32 @!p0 s3, s7;
	s7 =	simm.s32 @!p0 $0x108  }
0x21: {  	s3 =	sadd.s32 s3, s9;
	s6 =	sadd.s32 @!p0 $0x88, s6;
	s7 =	simm.s32 @p2 $0x1082  }
0x22: {  	[simem:s7], [sflag:s8] =	dma.local @!p0 [hbm:s6], $0xF7A  }
0x23: {  	s9 =	sor.u32 $0xD0000000, s2;
	s6 =	simm.s32 $0x108;
	_ =	swait.ge @!p0 [sflag:s8], $0x0  }
0x24: {  	s3 =	sadd.s32 $0x88, s3;
	s6 =	simm.s32 @!p1 $0x1082;
	[sflag:s4] =	ssyncset.s32 $0xFFFFF086  }
0x25: {  	[simem:s6], [sflag:s4] =	dma.local [hbm:s3], $0xF7A  }
0x26: {  	[smem:$0x3F9F] =	sst s1;
	(tag) =	ssettag s2;
	_ =	strace s9  }
0x27: {  	s1 =	sld [smem:$0x3FAF]  }
0x28: {  	s2 =	sld [smem:$0x3FB0]  }
0x29: {  	s4 =	sld [smem:$0x3FB2]  }
0x2a: {  	p0 =	seq.s32 s5, $0x0;
	s5 =	sld [smem:$0x3FB3]  }
0x2b: {  	s6 =	sld [smem:$0x3FB4]  }
0x2c: {  	s7 =	sld [smem:$0x3FB5]  }
0x2d: {  	s3 =	simm.s32 $0x108;
	s8 =	sld [smem:$0x3FB6]  }
0x2e: {  	s3 =	simm.s32 @!p0 $0x1082;
	s9 =	sld [smem:$0x3FB7]  }
0x2f: {  	lr =	sadd.s32 s0, s3;
	s0 =	sld [smem:$0x3FAE]  }
0x30: {  	s3 =	sld [smem:$0x3FB1]  }
0x31: {  	[smem:$0x3FBA] =	sst s10  }
0x32: {  	s10 =	sld [smem:$0x3FB8];
	_ =	sdelay $0x3  }
0x33: {  	p0 =	seq.s32 s10, $0x1;
	s10 =	sld [smem:$0x3FBA];
	_ =	sdelay $0x3  }
0x34: {  	[smem:$0x3FBA] =	sst s10  }
0x35: {  	s10 =	sld [smem:$0x3FB9];
	_ =	sdelay $0x3  }
0x36: {  	p1 =	seq.s32 s10, $0x1;
	s10 =	sld [smem:$0x3FBA];
	_ =	sdelay $0x3  }
0x37: {  	[smem:$0x3FBA] =	sst s10  }
0x38: {  	s10 =	sld [smem:$0x3FBB]  }
0x39: {  	_ = 	snop;
	(pc) =	sbr.ind lr, $3  }
0x3a: {  	_ = 	snop  }
0x3b: {  	_ = 	snop  }
0x3c: {  	p2 =	seq.s32 s10, $0x1;
	s10 =	sld [smem:$0x3FBA]  }
0x3d: {  	_ =	shalt  }
0x3e: {  	_ =	shalt  }
0x3f: {  	_ =	shalt  }
0x40: {  	_ =	shalt  }
0x41: {  	_ =	shalt  }
0x42: {  	_ =	shalt  }
0x43: {  	_ =	shalt  }
0x44: {  	_ =	shalt  }
0x45: {  	_ =	shalt  }
0x46: {  	_ =	shalt  }
0x47: {  	_ =	shalt  }
0x48: {  	_ =	shalt  }
0x49: {  	_ =	shalt  }
0x4a: {  	_ =	shalt  }
0x4b: {  	_ =	shalt  }
0x4c: {  	_ =	shalt  }
0x4d: {  	_ =	shalt  }
0x4e: {  	_ =	shalt  }
0x4f: {  	_ =	shalt  }
0x50: {  	_ =	shalt  }
0x51: {  	_ =	shalt  }
0x52: {  	_ =	shalt  }
0x53: {  	_ =	shalt  }
0x54: {  	_ =	shalt  }
0x55: {  	_ =	shalt  }
0x56: {  	_ =	shalt  }
0x57: {  	_ =	shalt  }
0x58: {  	_ =	shalt  }
0x59: {  	_ =	shalt  }
0x5a: {  	_ =	shalt  }
0x5b: {  	_ =	shalt  }
0x5c: {  	_ =	shalt  }
0x5d: {  	_ =	shalt  }
0x5e: {  	_ =	shalt  }
0x5f: {  	_ =	shalt  }
0x60: {  	_ =	shalt  }
0x61: {  	_ =	shalt  }
0x62: {  	_ =	shalt  }
0x63: {  	_ =	shalt  }
0x64: {  	_ =	shalt  }
0x65: {  	_ =	shalt  }
0x66: {  	_ =	shalt  }
0x67: {  	_ =	shalt  }
0x68: {  	_ =	shalt  }
0x69: {  	_ =	shalt  }
0x6a: {  	_ =	shalt  }
0x6b: {  	_ =	shalt  }
0x6c: {  	_ =	shalt  }
0x6d: {  	_ =	shalt  }
0x6e: {  	_ =	shalt  }
0x6f: {  	_ =	shalt  }
0x70: {  	_ =	shalt  }
0x71: {  	_ =	shalt  }
0x72: {  	_ =	shalt  }
0x73: {  	_ =	shalt  }
0x74: {  	_ =	shalt  }
0x75: {  	_ =	shalt  }
0x76: {  	_ =	shalt  }
0x77: {  	_ =	shalt  }
0x78: {  	_ =	shalt  }
0x79: {  	_ =	shalt  }
0x7a: {  	_ =	shalt  }
0x7b: {  	_ =	shalt  }
0x7c: {  	_ =	shalt  }
0x7d: {  	_ =	shalt  }
0x7e: {  	_ =	shalt  }
0x7f: {  	_ =	shalt  }
0x80: {  	_ =	shalt  }
0x81: {  	_ =	shalt  }
0x82: {  	_ =	shalt  }
0x83: {  	_ =	shalt  }
0x84: {  	_ =	shalt  }
0x85: {  	_ =	shalt  }
0x86: {  	_ =	shalt  }
0x87: {  	_ =	shalt  }
.Lfunc_end0:
.L_simem_size_0:
called_computation_lowered:
.L_overlay_start_0:
0x88: {  	s2 =	sld [smem:$0x3FD9]  }
0x89: {  	s3 =	sld [smem:$0x3FFE];
	_ =	sdelay $0x1  }
0x8a: {  	s1 =	srdreg.scid  }
0x8b: {  	s0 =	sand.u32 $0x1, s1  }
0x8c: {  	s14 =	sshll.u32 s0, $0xA;
	s2 =	sadd.s32 s3, s2  }
0x8d: {  	s2 =	sadd.s32 s2, s14  }
0x8e: {  	[smem:$0x3FC6] =	sst s2  }
0x8f: {  	_ = 	snop  }
0x90: {  	s2 =	sld [smem:$0x3FD0];
	_ =	sdelay $0x2  }
0x91: {  	s15 =	simm.s32 $0xA;
	s4 =	simm.s32 $0x10  }
0x92: {  	[smem:s4], [sflag:s15] =	dma.local [hbm:s2], $0x1  }
0x93: {  	_ =	swait.eq [sflag:s15], $0x1  }
0x94: {  	[sflag:s15] =	ssyncset.done $0x0  }
0x95: {  	[sflag:s15] =	ssyncadd.s32 $0xFFFFFFFF  }
0x96: {  	s16 =	sld [smem:$0x11];
	(tm) =	ssettm $0x1  }
0x97: {  	s17 =	sld [smem:$0x3FFB];
	_ =	sdelay $0x3  }
0x98: {  	_ =	strace s17  }
0x99: {  	s3 =	sld [smem:$0x3FFC];
	_ =	sdelay $0x3  }
0x9a: {  	_ =	strace s3  }
0x9b: {  	s3 =	sld [smem:$0x3FFD];
	_ =	sdelay $0x3  }
0x9c: {  	_ =	strace s3  }
0x9d: {  	_ =	strace $0x8FFFFFFF  }
0x9e: {  	s18 =	sld [smem:$0x3FDB];
	_ =	sdelay $0x1  }
0x9f: {  	s19 =	simm.s32 $_scs_section_size  }
0xa0: {  	s5 =	simm.s32 $_size__tile_overlayer_lowered;
	s6 =	simm.s32 $_tile_overlayer_lowered  }
0xa1: {  	s22 =	simm.s32 $0x1BFF;
	s21 =	sshll.u32 s6, $0x1;
	s3 =	sadd.s32 s19, s18  }
0xa2: {  	s7 =	simm.s32 $0x0;
	s20 =	sshll.u32 s5, $0x1;
	s5 =	sadd.s32 s21, s3  }
0xa3: {  	[timem:s7], [sflag:s22] =	dma.local [hbm:s5], s20  }
0xa4: {  	_ =	swait.ge [sflag:s22], s20  }
0xa5: {  	s4 =	ssub.s32 $0x0, s20;
	[sflag:s22] =	ssyncset.done $0x0  }
0xa6: {  	[sflag:s22] =	ssyncadd.s32 s4;
	_ =	sdelay $0x1  }
0xa7: {  	s23 =	simm.s32 $0x1B8B  }
0xa8: {  	_ =	swait.ge [sflag:s23], $0x1  }
0xa9: {  	[sflag:s23] =	ssyncset.done $0x0  }
0xaa: {  	s25 =	simm.s32 $0x1B8E;
	s24 =	sld [smem:$0x3FFE];
	[sflag:s23] =	ssyncadd.s32 $0xFFFFFFFF  }
0xab: {  	s26 =	simm.s32 $execute0_lowered;
	[smem:$0x3FD2] =	sst s25  }
0xac: {  	s5 =	sshll.u32 s26, $0x1;
	_ =	strace $0x80000046;
	[dreg:$0x1] =	wrdreg $0xFFFFFFFF  }
0xad: {  	s28 =	simm.s32 $_size_execute0_lowered;
	s3 =	sadd.s32 s3, s5;
	[dreg:$0x0] =	wrdreg $0x0  }
0xae: {  	s5 =	sshll.u32 s28, $0x1;
	[dreg:$0x2] =	wrdreg s3  }
0xaf: {  	[dreg:$0x3] =	wrdreg s5  }
0xb0: {  	[dreg:$0x4] =	wrdreg $0xC0  }
0xb1: {  	_ =	task [dreg:s7], $0x5FFFF  }
0xb2: {  	[dreg:$0x1] =	wrdreg $0xFFFFFFFF  }
0xb3: {  	[dreg:$0x0] =	wrdreg $0x60  }
0xb4: {  	[dreg:$0x2] =	wrdreg s24  }
0xb5: {  	[dreg:$0x3] =	wrdreg s16  }
0xb6: {  	[dreg:$0x4] =	wrdreg $0x0  }
0xb7: {  	[dreg:$0x5] =	wrdreg $0x9  }
0xb8: {  	_ =	task.clear_ibuf [dreg:s7], $0x6FFFF;
	_ =	strace $0x90000046  }
0xb9: {  	s29 =	simm.s32 $0x9;
	_ =	strace $0x80000048  }
0xba: {  	_ =	swait.ge [sflag:s29], $0x1  }
0xbb: {  	[sflag:s29] =	ssyncadd.s32 $0xFFFFFFFF  }
0xbc: {  	_ =	strace $0x90000048  }
0xbd: {  	_ =	sfence  }
0xbe: {  	s30 =	sld [smem:$0x0];
	_ =	sdelay $0x2  }
0xbf: {  	s31 =	sshll.u32 s1, $0xD;
	s1 =	sshrl.u32 s1, $0x2  }
0xc0: {  	s3 =	sand.u32 $0x4000, s31;
	s1 =	sadd.s32 s1, s30  }
0xc1: {  	s0 =	sor.u32 s3, s0;
	s1 =	sshll.u32 s1, $0x11  }
0xc2: {  	s0 =	sor.u32 s1, s0  }
0xc3: {  	s0 =	sadd.s32 $0x8F2B, s0  }
0xc4: {  	[sflag:s0] =	ssyncadd.remote.s32 $0x1  }
0xc5: {  	_ =	sfence.sel $0xFFFF  }
0xc6: {  	[dreg:$0x0] =	wrdreg $0xFFFFFFFF;
	(pc) =	sbr.abs _section_cstart, $3  }
0xc7: {  	[dreg:$0x1] =	wrdreg $0xFFFFFFFF  }
0xc8: {  	_ =	task.clear_ibuf [dreg:s7], $0x2FFFF;
	_ =	strace $0x9FFFFFFF  }
0xc9: {  	(tm) =	ssettm $0x7FFFFFFF  }
tec
execute0_lowered:
.L_overlay_start_1:
0x0: {  	(tag) =	ssettag $0x1  }
0x1: {  	v0 =	vimm.s32 $0xFEDCBA9  }
0x2: {  	v1 =	vimm.s32 $0x87654321;
	v3 =	vimm.s32 $0x10FEDCBA;
	v4 =	vimm.s32 $0x98765432  }
0x3: {  	v5 =	vimm.s32 $0x210FEDCB;
	v6 =	vimm.s32 $0xA9876543;
	v19 =	vimm.s32 $0x6543210F  }
0x4: {  	v20 =	vimm.s32 $0xFEDCBA98;
	v21 =	vimm.s32 $0xEDCBA987;
	v22 =	vimm.s32 $0x76543210  }
0x5: {  	vm14 =	vcmask $0x300;
	vm13 =	vcmask $0x704;
	vm12 =	vcmask $0xB08  }
0x6: {  	vm11 =	vcmask $0xF0C;
	vm10 =	vcmask $0x1310;
	vm9 =	vcmask $0x1714  }
0x7: {  	vm8 =	vcmask $0x1B18;
	vm7 =	vcmask $0x1F1C;
	vm6 =	vcmask $0x2320  }
0x8: {  	vm5 =	vcmask $0x2724;
	vm4 =	vcmask $0x2B28;
	vm3 =	vcmask $0x2F2C  }
0x9: {  	vm2 =	vcmask $0x3330;
	vm1 =	vcmask $0x3734;
	vm0 =	vcmask $0x3B38  }
0xa: {  	v0 =	vunpack.c.l.s4.s8 v0;
	v1 =	vunpack.c.l.s4.s8 v1;
	v3 =	vunpack.c.l.s4.s8 v3  }
0xb: {  	v4 =	vunpack.c.l.s4.s8 v4;
	v5 =	vunpack.c.l.s4.s8 v5;
	v20 =	vunpack.c.l.s4.s8 v20  }
0xc: {  	v19 =	vunpack.c.l.s4.s8 v19;
	v21 =	vunpack.c.l.s4.s8 v21;
	v22 =	vunpack.c.l.s4.s8 v22  }
0xd: {  	v9 =	vunpack.c.0.s8.s32 v0;
	v10 =	vunpack.c.0.s8.s32 v1;
	v0 =	vimm.f32 $0.0e+00  }
0xe: {  	v1 =	vlaneseq.u32;
	v11 =	vunpack.c.0.s8.s32 v3;
	v3 =	vunpack.c.l.s4.s8 v6  }
0xf: {  	v12 =	vunpack.c.0.s8.s32 v4;
	v13 =	vunpack.c.0.s8.s32 v5;
	v4 =	vimm.s32 $0x3210FEDC  }
0x10: {  	v5 =	vimm.s32 $0x43210FED;
	v6 =	vimm.s32 $0xCBA98765;
	v19 =	vunpack.c.0.s8.s32 v19  }
0x11: {  	v5 =	vunpack.c.l.s4.s8 v5;
	v6 =	vunpack.c.l.s4.s8 v6;
	v2 =	vcombine.low v10, v9  }
0x12: {  	v14 =	vunpack.c.0.s8.s32 v3;
	v3 =	vunpack.c.l.s4.s8 v4;
	v7 =	vcombine.low v12, v11  }
0x13: {  	v4 =	vimm.s32 $0xBA987654;
	v10 =	vcombine.low v9, v10;
	v11 =	vcombine.low v11, v12  }
0x14: {  	v4 =	vunpack.c.l.s4.s8 v4;
	v17 =	vunpack.c.0.s8.s32 v5;
	v18 =	vunpack.c.0.s8.s32 v6  }
0x15: {  	v6 =	vimm.s32 $0x543210FE;
	v2 =	vand.u32 $0xF, v2;
	v8 =	vcombine.low v14, v13  }
0x16: {  	v15 =	vunpack.c.0.s8.s32 v3;
	v3 =	vand.u32 $0xF, v7;
	v6 =	vunpack.c.l.s4.s8 v6  }
0x17: {  	v12 =	vcombine.low v13, v14;
	v10 =	vand.u32 $0xF, v10;
	v11 =	vand.u32 $0xF, v11  }
0x18: {  	v16 =	vunpack.c.0.s8.s32 v4;
	v7 =	vcombine.low v18, v17;
	v14 =	vcombine.low v17, v18  }
0x19: {  	v17 =	vimm.s32 $0x2D07;
	v18 =	vimm.s32 $0x2D00;
	v4 =	vand.u32 $0xF, v8  }
0x1a: {  	v8 =	vimm.s32 $0xDCBA9876;
	v23 =	vunpack.c.0.s8.s32 v6;
	v6 =	vunpack.c.0.s8.s32 v20  }
0x1b: {  	v20 =	vunpack.c.0.s8.s32 v21;
	v12 =	vand.u32 $0xF, v12;
	v17 =	vsel vm14, $0x0, v17  }
0x1c: {  	v18 =	vsel vm14, $0x1, v18;
	v5 =	vcombine.low v16, v15;
	v8 =	vunpack.c.l.s4.s8 v8  }
0x1d: {  	v13 =	vcombine.low v15, v16;
	v14 =	vand.u32 $0xF, v14;
	v17 =	vsel vm13, $0x301, v17  }
0x1e: {  	v18 =	vsel vm13, $0x302, v18;
	v25 =	vcombine.low v20, v19;
	v16 =	vcombine.low v19, v20  }
0x1f: {  	v17 =	vsel vm12, $0x602, v17;
	v18 =	vsel vm12, $0x603, v18;
	v19 =	vimm.s32 $0x2D01  }
0x20: {  	v20 =	vimm.s32 $0x2D02;
	v24 =	vunpack.c.0.s8.s32 v8;
	v8 =	vunpack.c.0.s8.s32 v22  }
0x21: {  	v5 =	vand.u32 $0xF, v5;
	v22 =	vand.u32 $0xF, v6;
	v6 =	vand.u32 $0xF, v7  }
0x22: {  	v13 =	vand.u32 $0xF, v13;
	v17 =	vsel vm11, $0x903, v17;
	v18 =	vsel vm11, $0x904, v18  }
0x23: {  	v19 =	vsel vm14, $0x2, v19;
	v20 =	vsel vm14, $0x3, v20;
	v9 =	vand.u32 $0xF, v25  }
0x24: {  	v17 =	vsel vm10, $0xC04, v17;
	v18 =	vsel vm10, $0xC05, v18;
	v16 =	vand.u32 $0xF, v16  }
0x25: {  	v19 =	vsel vm13, $0x303, v19;
	v20 =	vsel vm13, $0x304, v20;
	v21 =	vcombine.low v24, v23  }
0x26: {  	v7 =	vcombine.low v22, v8;
	v15 =	vcombine.low v23, v24;
	v17 =	vsel vm9, $0xF05, v17  }
0x27: {  	v18 =	vsel vm9, $0xF06, v18;
	v19 =	vsel vm12, $0x604, v19;
	v20 =	vsel vm12, $0x605, v20  }
0x28: {  	v22 =	vimm.s32 $0x2D04;
	v23 =	vimm.s32 $0x2D05;
	v24 =	vimm.s32 $0x2D06  }
0x29: {  	v17 =	vsel vm8, $0x1206, v17;
	v18 =	vsel vm8, $0x1207, v18;
	v19 =	vsel vm11, $0x905, v19  }
0x2a: {  	v20 =	vsel vm11, $0x906, v20;
	v22 =	vsel vm14, $0x5, v22;
	v23 =	vsel vm14, $0x6, v23  }
0x2b: {  	v24 =	vsel vm14, $0x7, v24;
	v8 =	vand.u32 $0xF, v21;
	v15 =	vand.u32 $0xF, v15  }
0x2c: {  	v17 =	vsel vm7, $0x1507, v17;
	v18 =	vsel vm7, $0x1500, v18;
	v21 =	vimm.s32 $0x2D03  }
0x2d: {  	v19 =	vsel vm10, $0xC06, v19;
	v20 =	vsel vm10, $0xC07, v20;
	v22 =	vsel vm13, $0x306, v22  }
0x2e: {  	v23 =	vsel vm13, $0x307, v23;
	v24 =	vsel vm13, $0x300, v24;
	v17 =	vsel vm6, $0x1800, v17  }
0x2f: {  	v18 =	vsel vm6, $0x1801, v18;
	v21 =	vsel vm14, $0x4, v21;
	v19 =	vsel vm9, $0xF07, v19  }
0x30: {  	v20 =	vsel vm9, $0xF00, v20;
	v22 =	vsel vm12, $0x607, v22;
	v23 =	vsel vm12, $0x600, v23  }
0x31: {  	v24 =	vsel vm12, $0x601, v24;
	v17 =	vsel vm5, $0x1B01, v17;
	v18 =	vsel vm5, $0x1B02, v18  }
0x32: {  	s2 =	rddreg [dreg:$0x0];
	v21 =	vsel vm13, $0x305, v21;
	v19 =	vsel vm8, $0x1200, v19;
	v20 =	vsel vm8, $0x1201, v20  }
0x33: {  	s0 =	rddreg [dreg:$0x1];
	v22 =	vsel vm11, $0x900, v22;
	v23 =	vsel vm11, $0x901, v23;
	v24 =	vsel vm11, $0x902, v24  }
0x34: {  	s1 =	rddreg [dreg:$0x2];
	v17 =	vsel vm4, $0x1E02, v17;
	v18 =	vsel vm4, $0x1E03, v18;
	v21 =	vsel vm12, $0x606, v21  }
0x35: {  	s3 =	srdreg.scid;
	s12 =	stileid.u32;
	s5 =	simm.s32 $0x0;
	v19 =	vsel vm7, $0x1501, v19;
	v20 =	vsel vm7, $0x1502, v20;
	v22 =	vsel vm10, $0xC01, v22  }
0x36: {  	s16 =	simm.s32 $0x8D10;
	s30 =	simm.s32 $0x7;
	s18 =	simm.s32 $0x300;
	v23 =	vsel vm10, $0xC02, v23;
	v24 =	vsel vm10, $0xC03, v24;
	v17 =	vsel vm3, $0x2103, v17  }
0x37: {  	s19 =	simm.s32 $0x4E200;
	s20 =	simm.s32 $0x2710;
	s21 =	simm.s32 $0x80;
	v18 =	vsel vm3, $0x2104, v18;
	v21 =	vsel vm11, $0x907, v21;
	v19 =	vsel vm6, $0x1802, v19  }
0x38: {  	s28 =	simm.s32 $0x8A10;
	s14 =	simm.s32 $0xA510;
	s15 =	simm.s32 $0xED10;
	v20 =	vsel vm6, $0x1803, v20;
	v22 =	vsel vm9, $0xF02, v22;
	v23 =	vsel vm9, $0xF03, v23  }
0x39: {  	s3 =	sand.u32 $0x1, s3;
	s4 =	sshll.u32 s12, $0x1;
	s8 =	smul.u32 $0x2710, s12;
	v24 =	vsel vm9, $0xF04, v24;
	v17 =	vsel vm2, $0x2404, v17;
	v18 =	vsel vm2, $0x2405, v18  }
0x3a: {  	s17 =	simm.s32 $0x5;
	s7 =	smul.u32 $0x4E20, s3;
	s4 =	sor.u32 s3, s4;
	v21 =	vsel vm10, $0xC00, v21;
	v19 =	vsel vm5, $0x1B03, v19;
	v20 =	vsel vm5, $0x1B04, v20  }
0x3b: {  	s31 =	simm.s32 $0x0;
	[smem:$0x7FF] =	sst s5;
	s5 =	smul.u32 $0x4E, s4;
	v22 =	vsel vm8, $0x1203, v22;
	v23 =	vsel vm8, $0x1204, v23;
	v24 =	vsel vm8, $0x1205, v24  }
0x3c: {  	s6 =	sadd.s32 $0x14200, s2;
	p0 =	sgt.u32 s12, $0x1;
	s9 =	smul.u32 $0x4E0, s4;
	v17 =	vsel vm1, $0x2705, v17;
	v18 =	vsel vm1, $0x2706, v18;
	v21 =	vsel vm9, $0xF01, v21  }
0x3d: {  	_ =	strace $0x80000047;
	s3 =	ssub.s32 $0x2, s3;
	s11 =	smul.u32 $0x2700, s4;
	v19 =	vsel vm4, $0x1E04, v19;
	v20 =	vsel vm4, $0x1E05, v20;
	v22 =	vsel vm7, $0x1504, v22  }
0x3e: {  	s10 =	sshrl.u32 s3, $0x1;
	s13 =	sadd.s32 s8, s1;
	s22 =	smul.u32 $0x9C0, s4;
	v23 =	vsel vm7, $0x1505, v23;
	v24 =	vsel vm7, $0x1506, v24;
	v17 =	vsel vm0, $0x2A06, v17  }
0x3f: {  	s4 =	sor.u32 $0x9C0, s4;
	s29 =	sshrl.u32 s8, $0x3;
	s8 =	simm.s32 $0xAD10;
	v18 =	vsel vm0, $0x2A07, v18;
	v21 =	vsel vm8, $0x1202, v21;
	v19 =	vsel vm3, $0x2105, v19  }
0x40: {  	s7 =	sadd.s32 s7, s2;
	s3 =	ssub.s32 s3, s10;
	s24 =	sshll.u32 s4, $0x4;
	v20 =	vsel vm3, $0x2106, v20;
	v22 =	vsel vm6, $0x1805, v22;
	v23 =	vsel vm6, $0x1806, v23  }
0x41: {  	s4 =	sshll.u32 s4, $0x5;
	[dreg:$0x4] =	wrdreg s13;
	s9 =	sadd.s32 s6, s9;
	v24 =	vsel vm6, $0x1807, v24;
	v21 =	vsel vm7, $0x1503, v21;
	v19 =	vsel vm2, $0x2406, v19  }
0x42: {  	s23 =	sshrl.u32 s11, $0x3;
	s25 =	sadd.s32 s6, s24;
	s26 =	sadd.s32 $0xB0600, s7;
	v20 =	vsel vm2, $0x2407, v20;
	v22 =	vsel vm5, $0x1B06, v22;
	v23 =	vsel vm5, $0x1B07, v23  }
0x43: {  	s3 =	smax.u32 s3, $0x1;
	s11 =	simm.s32 $0xB510;
	[dreg:$0x5] =	wrdreg s9;
	v24 =	vsel vm5, $0x1B00, v24;
	v21 =	vsel vm6, $0x1804, v21;
	v19 =	vsel vm1, $0x2707, v19  }
0x44: {  	s7 =	simm.s32 $0xBD10;
	s9 =	sadd.s32 $0x810, s2;
	[dreg:$0x8] =	wrdreg s25;
	v20 =	vsel vm1, $0x2700, v20;
	v22 =	vsel vm4, $0x1E07, v22;
	v23 =	vsel vm4, $0x1E00, v23  }
0x45: {  	s2 =	sadd.s32 s0, s23;
	[dreg:$0xb] =	wrdreg s3;
	s10 =	sadd.s32 s22, s9;
	v24 =	vsel vm4, $0x1E01, v24;
	v21 =	vsel vm5, $0x1B05, v21;
	v19 =	vsel vm0, $0x2A00, v19  }
0x46: {  	s23 =	simm.s32 $0x8710;
	s2 =	sadd.s32 $0x480, s2;
	[dreg:$0x6] =	wrdreg s10;
	v20 =	vsel vm0, $0x2A01, v20;
	v22 =	vsel vm3, $0x2100, v22;
	v23 =	vsel vm3, $0x2101, v23  }
.Ltmp0:
0x47: {  	s4 =	sadd.s32 s4, s9;
	[dreg:$0x7] =	wrdreg s2;
	v24 =	vsel vm3, $0x2102, v24;
	v21 =	vsel vm4, $0x1E06, v21;
	v22 =	vsel vm2, $0x2401, v22;
	(pc) =	sbr.rel .LBB2_1-.Ltmp0, $4  }
0x48: {  	s25 =	simm.s32 $0x1;
	s22 =	simm.s32 $0x100;
	[dreg:$0x9] =	wrdreg s4;
	v23 =	vsel vm2, $0x2402, v23;
	v24 =	vsel vm2, $0x2403, v24;
	v21 =	vsel vm3, $0x2107, v21  }
0x49: {  	s2 =	sadd.s32 s0, s24;
	s10 =	simm.s32 $0x8990;
	s24 =	simm.s32 $0x2;
	v22 =	vsel vm1, $0x2702, v22;
	v23 =	vsel vm1, $0x2703, v23;
	v21 =	vsel vm2, $0x2400, v21  }
0x4a: {  	s4 =	simm.s32 $0x3;
	[dreg:$0xa] =	wrdreg s2;
	s2 =	sadd.s32 s29, s26;
	v24 =	vsel vm1, $0x2704, v24;
	v22 =	vsel vm0, $0x2A03, v22;
	v21 =	vsel vm1, $0x2701, v21  }
0x4b: {  	s26 =	simm.s32 $0x5710;
	[dreg:$0xc] =	wrdreg s2;
	s2 =	simm.s32 $0x8910;
	v23 =	vsel vm0, $0x2A04, v23;
	v24 =	vsel vm0, $0x2A05, v24;
	v21 =	vsel vm0, $0x2A02, v21  }
.LBB2_21:
0x4c: {  	s3 =	stileid.u32  }
0x4d: {  	[bflag:$0x0] =	sbarrier.arrive $0xFFFF;
	s3 =	sshll.u32 s3, $0x6  }
0x4e: {  	s12 =	sshrl.u32 s13, $0x3;
	s29 =	rddreg [dreg:$0xc];
	s3 =	sor.u32 $0x1C07, s3  }
0x4f: {  	[hbm:s29], [sflag:s3] =	dma.local [spmem:s12], $0x4E2  }
0x50: {  	_ =	swait.ge [sflag:s30], $0x4E2  }
0x51: {  	s31 =	sadd.s32 $0x1, s31;
	s29 =	rddreg [dreg:$0xb]  }
0x52: {  	p1 =	sne.s32 s31, s29  }
.Ltmp1:
0x53: {  	_ = 	snop;
	(pc) =	sbr.rel @!p1 .LBB2_22-.Ltmp1, $3  }
0x54: {  	_ =	sdelay $0x1  }
0x55: {  	[sflag:s30] =	ssyncset.done $0x0  }
0x56: {  	v0 =	vimm.f32 $0.0e+00;
	[sflag:s30] =	ssyncadd.s32 $0xFFFFFB1E  }
.LBB2_1:
0x57: {  	[dreg:$0xd] =	wrdreg s31;
	s3 =	simm.s32 $0x40;
	s12 =	simm.s32 $0x0  }
.LBB2_2:
0x58: {  	p1 =	sne.s32 s3, $0x9C00;
	[tilespmem:s12+$0x8D10] =	vst v0;
	s12 =	smov.u32 s3;
	s3 =	sadd.s32 $0x40, s3  }
.Ltmp2:
0x59: {  	(pc) =	sbr.rel @p1 .LBB2_2-.Ltmp2, $2  }
0x5a: {  	_ =	sdelay $0x2  }
0x5b: {  	s12 =	sshra.s32 s12, $0x2  }
0x5c: {  	[tilespmem:s12+$0x8D10] =	vst v0  }
0x5d: {  	[spmem:s13] =	stream.linear.scatter [tilespmem:s16], [sflag:$0x7], $0x2710, $0x38;
	[tilespmem:$0xF310] =	vst v63  }
0x5e: {  	_ =	swait.ge [sflag:s30], $0x2710  }
0x5f: {  	[sflag:s30] =	ssyncset.done $0x0  }
0x60: {  	[sflag:s30] =	ssyncadd.s32 $0xFFFFD8F0  }
0x61: {  	[bflag:$0x0] =	sbarrier.arrive $0xFFFF  }
0x62: {  	s3 =	rddreg [dreg:$0x5]  }
0x63: {  	[tilespmem:s20], [sflag:$0x1] =	stream.strided.gather [hbm4b:s3+s18], $0x3000, s19, s18, $0x38;
	[tilespmem:$0xF310] =	vst v63  }
0x64: {  	s29 =	simm.s32 $0x0;
	s30 =	simm.s32 $0x0;
	s31 =	rddreg [dreg:$0x6]  }
0x65: {  	[tilespmem:s23], [sflag:$0x1] =	stream.strided.gather [hbm4b:s31+s21], $0x300, s22, s21, $0x38;
	[tilespmem:$0xF310] =	vst v63  }
.LBB2_4:
0x66: {  	_ =	swait.ge [sflag:s25], $0x3000  }
0x67: {  	[sflag:s25] =	ssyncset.done $0x0  }
0x68: {  	[sflag:s25] =	ssyncadd.s32 $0xFFFFD000  }
0x69: {  	_ =	swait.ge [sflag:s25], $0x300  }
0x6a: {  	p1 =	seq.s32 s30, $0x0;
	[sflag:s25] =	ssyncset.done $0x0  }
0x6b: {  	s3 =	simm.s32 @!p1 $0x4;
	[sflag:s25] =	ssyncadd.s32 $0xFFFFFD00  }
0x6c: {  	_ =	swait.ge @!p1 [sflag:s3], $0x800  }
0x6d: {  	[sflag:s3] =	ssyncset.done @!p1 $0x0  }
0x6e: {  	[sflag:s3] =	ssyncadd.s32 @!p1 $0xFFFFF800  }
0x6f: {  	_ =	swait.ge @!p1 [sflag:s3], $0x800  }
0x70: {  	[sflag:s3] =	ssyncset.done @!p1 $0x0  }
0x71: {  	[sflag:s3] =	ssyncadd.s32 @!p1 $0xFFFFF800  }
0x72: {  	_ =	swait.ge @!p1 [sflag:s3], $0x800  }
0x73: {  	[sflag:s3] =	ssyncset.done @!p1 $0x0  }
0x74: {  	[sflag:s3] =	ssyncadd.s32 @!p1 $0xFFFFF800  }
0x75: {  	_ =	swait.ge @!p1 [sflag:s3], $0x800  }
0x76: {  	[sflag:s3] =	ssyncset.done @!p1 $0x0  }
0x77: {  	[sflag:s3] =	ssyncadd.s32 @!p1 $0xFFFFF800  }
0x78: {  	_ =	swait.ge @!p1 [sflag:s3], $0x800  }
0x79: {  	[sflag:s3] =	ssyncset.done @!p1 $0x0  }
0x7a: {  	s12 =	smul.u32 $0xC, s30;
	[sflag:s3] =	ssyncadd.s32 @!p1 $0xFFFFF800  }
0x7b: {  	_ =	swait.ge @!p1 [sflag:s3], $0x800  }
0x7c: {  	v41 =	vor.u32 s29, v12;
	s12 =	sadd.s32 s5, s12;
	[sflag:s3] =	ssyncset.done @!p1 $0x0  }
0x7d: {  	v34 =	vor.u32 s29, v14;
	v29 =	vor.u32 s29, v2;
	v35 =	vor.u32 s29, v15;
	s13 =	sadd.s32 $0x6, s12;
	[sflag:s3] =	ssyncadd.s32 @!p1 $0xFFFFF800;
	s3 =	simm.s32 @!p1 $0x6  }
0x7e: {  	v30 =	vor.u32 s29, v3;
	v31 =	vor.u32 s29, v1;
	v33 =	vor.u32 s29, v5;
	s31 =	sshll.u32 s13, $0x4;
	_ =	swait.ge @!p1 [sflag:s3], $0x300  }
0x7f: {  	v36 =	vor.u32 s29, v6;
	v43 =	vor.u32 s29, v11;
	v25 =	vand.u32 $0x3F8, v29;
	s31 =	sand.u32 $0x1FFFFFE0, s31;
	[sflag:s3] =	ssyncset.done @!p1 $0x0  }
0x80: {  	v38 =	vor.u32 s29, v10;
	v26 =	vand.u32 $0x3F8, v30;
	v25 =	vadd.s32 v18, v25;
	s13 =	sshll.u32 s13, $0x5;
	[sflag:s3] =	ssyncadd.s32 @!p1 $0xFFFFFD00;
	s3 =	sadd.s32 s6, s31  }
0x81: {  	v39 =	vor.u32 s29, v4;
	v27 =	vand.u32 $0x3F8, v31;
	v26 =	vadd.s32 v19, v26;
	[tilespmem:s26], [sflag:$0x2] =	stream.strided.gather [hbm4b:s3+s18], $0x3000, s19, s18, $0x38;
	[tilespmem:$0xF310] =	vst v63  }
0x82: {  	v40 =	vor.u32 s29, v7;
	v28 =	vand.u32 $0x3F8, v33;
	v27 =	vadd.s32 v17, v27;
	s3 =	sand.u32 $0x1FFFFFC0, s13  }
0x83: {  	v51 =	vor.u32 s29, v8;
	v42 =	vand.u32 $0x3F8, v39;
	v28 =	vadd.s32 v21, v28;
	s3 =	sadd.s32 s3, s9  }
0x84: {  	v46 =	vor.u32 s29, v13;
	v56 =	vand.u32 $0x3F8, v51;
	v42 =	vadd.s32 v20, v42;
	[tilespmem:s28], [sflag:$0x2] =	stream.strided.gather [hbm4b:s3+s21], $0x300, s22, s21, $0x38;
	[tilespmem:$0xF310] =	vst v63  }
0x85: {  	v49 =	vor.u32 s29, v9;
	v37 =	vand.u32 $0x3F8, v43;
	v56 =	vadd.s32 v23, v56;
	v45 =	vld.idx.msk [tilespmem:v25+s20+$0x0], $0xffff  }
0x86: {  	v53 =	vor.u32 s29, v16;
	v32 =	vand.u32 $0x3F8, v34;
	v37 =	vadd.s32 v19, v37;
	v47 =	vld.idx.msk [tilespmem:v26+s20+$0x0], $0xffff  }
0x87: {  	v60 =	vand.u32 $0x3F8, v46;
	v32 =	vadd.s32 v22, v32;
	v25 =	vand.u32 $0x3F8, v38;
	v48 =	vld.idx.msk [tilespmem:v27+s20+$0x0], $0xffff  }
0x88: {  	v61 =	vand.u32 $0x3F8, v53;
	v28 =	vld.idx.msk [tilespmem:v28+s20+$0x0], $0xffff;
	v26 =	vand.u32 $0x3F8, v49;
	v44 =	vadd.s32 v18, v25  }
0x89: {  	v62 =	vand.u32 $0x3F8, v36;
	v58 =	vld.idx.msk [tilespmem:v42+s20+$0x0], $0xffff;
	v25 =	vand.u32 $0x3F8, v40;
	v54 =	vadd.s32 v24, v26  }
0x8a: {  	v31 =	vshll.u32 v31, $0x4;
	v42 =	vld.idx.msk [tilespmem:v56+s20+$0x0], $0xffff;
	v50 =	vadd.s32 v17, v25;
	v25 =	vand.u32 $0x3F8, v41  }
0x8b: {  	v63 =	vshll.u32 v29, $0x4;
	v27 =	vand.u32 $0x3F8, v35;
	v26 =	vld.idx.msk [tilespmem:v37+s20+$0x0], $0xffff;
	v52 =	vadd.s32 v20, v25  }
0x8c: {  	v33 =	vshll.u32 v33, $0x4;
	v36 =	vshll.u32 v36, $0x4;
	v55 =	vadd.s32 v23, v27;
	v25 =	vld.idx.msk [tilespmem:v32+s20+$0x0], $0xffff  }
0x8d: {  	v51 =	vshll.u32 v51, $0x4;
	v53 =	vshll.u32 v53, $0x4;
	v59 =	vadd.s32 v21, v60;
	v27 =	vld.idx.msk [tilespmem:v44+s20+$0x0], $0xffff  }
0x8e: {  	v57 =	vadd.s32 v24, v61;
	v60 =	vshll.u32 v39, $0x4;
	v39 =	vor.u32 v1, v33;
	v37 =	vld.idx.msk [tilespmem:v54+s20+$0x0], $0xffff  }
0x8f: {  	v61 =	vshll.u32 v46, $0x4;
	v44 =	vadd.s32 v22, v62;
	v32 =	vld.idx.msk [tilespmem:v50+s20+$0x0], $0xffff;
	v50 =	vor.u32 v1, v31  }
0x90: {  	v46 =	vor.u32 v1, v51;
	v54 =	vshll.u32 v30, $0x4;
	v29 =	vld.idx.msk [tilespmem:v52+s20+$0x0], $0xffff;
	v52 =	vor.u32 v1, v63  }
0x91: {  	v49 =	vshll.u32 v49, $0x4;
	v38 =	vshll.u32 v38, $0x4;
	v30 =	vld.idx.msk [tilespmem:v55+s20+$0x0], $0xffff;
	v54 =	vor.u32 v1, v54  }
0x92: {  	v56 =	vor.u32 v1, v60;
	v55 =	vshll.u32 v40, $0x4;
	v40 =	vor.u32 v1, v36;
	v36 =	vld.idx.msk [tilespmem:v59+s20+$0x0], $0xffff  }
0x93: {  	v35 =	vshll.u32 v35, $0x4;
	v60 =	vshll.u32 v34, $0x4;
	v33 =	vor.u32 v1, v38;
	v31 =	vld.idx.msk [tilespmem:v57+s20+$0x0], $0xffff  }
0x94: {  	v34 =	vor.u32 v1, v35;
	v38 =	vor.u32 v1, v60;
	v44 =	vld.idx.msk [tilespmem:v44+s20+$0x0], $0xffff;
	[tilespmem:v50+s16+$0x0] =	vst.idx.msk $0xffff, v48  }
0x95: {  	v35 =	vor.u32 v1, v53;
	v62 =	vshll.u32 v41, $0x4;
	v41 =	vor.u32 v1, v61;
	[tilespmem:v52+s16+$0x0] =	vst.idx.msk $0xffff, v45  }
0x96: {  	v63 =	vshll.u32 v43, $0x4;
	v43 =	vor.u32 v1, v62;
	[tilespmem:v54+s16+$0x0] =	vst.idx.msk $0xffff, v47;
	v47 =	vor.u32 v1, v49  }
0x97: {  	s3 =	simm.s32 $0x10;
	v48 =	vor.u32 v1, v55;
	v45 =	vor.u32 v1, v63;
	[tilespmem:v56+s16+$0x0] =	vst.idx.msk $0xffff, v58  }
.LBB2_5:
0x98: {  	v49 =	vor.u32 s3, v12;
	v50 =	vor.u32 s3, v14;
	v51 =	vor.u32 s3, v15;
	p1 =	sne.s32 s3, $0x2F0;
	[tilespmem:v39+s16+$0x0] =	vst.idx.msk $0xffff, v28;
	s13 =	smov.u32 s3;
	s3 =	sadd.s32 $0x10, s3  }
0x99: {  	v39 =	vor.u32 s13, v3;
	v52 =	vor.u32 s13, v6;
	v53 =	vor.u32 s13, v13;
	[tilespmem:v40+s16+$0x0] =	vst.idx.msk $0xffff, v44  }
0x9a: {  	v40 =	vor.u32 s13, v8;
	v44 =	vor.u32 s13, v7;
	v54 =	vor.u32 s13, v16;
	[tilespmem:v46+s16+$0x0] =	vst.idx.msk $0xffff, v42  }
0x9b: {  	v28 =	vor.u32 s13, v5;
	v42 =	vor.u32 s13, v10;
	v46 =	vor.u32 s13, v11;
	[tilespmem:v47+s16+$0x0] =	vst.idx.msk $0xffff, v37  }
0x9c: {  	v55 =	vand.u32 $0x3F8, v53;
	v37 =	vor.u32 s13, v1;
	v47 =	vor.u32 s13, v9;
	[tilespmem:v48+s16+$0x0] =	vst.idx.msk $0xffff, v32  }
0x9d: {  	v56 =	vand.u32 $0x3F8, v54;
	v32 =	vor.u32 s13, v2;
	v48 =	vand.u32 $0x3F8, v37;
	[tilespmem:v33+s16+$0x0] =	vst.idx.msk $0xffff, v27  }
0x9e: {  	v27 =	vadd.s32 v17, v48;
	v33 =	vand.u32 $0x3F8, v32;
	v48 =	vand.u32 $0x3F8, v50;
	[tilespmem:v45+s16+$0x0] =	vst.idx.msk $0xffff, v26  }
0x9f: {  	v26 =	vadd.s32 v18, v33;
	v33 =	vand.u32 $0x3F8, v39;
	v45 =	vand.u32 $0x3F8, v51;
	[tilespmem:v43+s16+$0x0] =	vst.idx.msk $0xffff, v29  }
0xa0: {  	v29 =	vor.u32 s13, v4;
	v33 =	vadd.s32 v19, v33;
	v43 =	vadd.s32 v22, v48;
	[tilespmem:v41+s16+$0x0] =	vst.idx.msk $0xffff, v36  }
0xa1: {  	v48 =	vand.u32 $0x3F8, v46;
	v36 =	vand.u32 $0x3F8, v29;
	v41 =	vand.u32 $0x3F8, v28;
	[tilespmem:v38+s16+$0x0] =	vst.idx.msk $0xffff, v25  }
0xa2: {  	v25 =	vadd.s32 v21, v41;
	v38 =	vand.u32 $0x3F8, v44;
	v41 =	vadd.s32 v19, v48;
	[tilespmem:v34+s16+$0x0] =	vst.idx.msk $0xffff, v30  }
0xa3: {  	v30 =	vand.u32 $0x3F8, v52;
	v34 =	vadd.s32 v17, v38;
	v38 =	vand.u32 $0x3F8, v49;
	[tilespmem:v35+s16+$0x0] =	vst.idx.msk $0xffff, v31  }
0xa4: {  	v31 =	vand.u32 $0x3F8, v47;
	v35 =	vand.u32 $0x3F8, v42;
	v48 =	vld.idx.msk [tilespmem:v26+s20+$0x0], $0xffff;
	v26 =	vand.u32 $0x3F8, v40  }
0xa5: {  	v32 =	vshll.u32 v32, $0x4;
	v57 =	vld.idx.msk [tilespmem:v33+s20+$0x0], $0xffff;
	v33 =	vadd.s32 v18, v35;
	v35 =	vshll.u32 v37, $0x4  }
0xa6: {  	v36 =	vadd.s32 v20, v36;
	v37 =	vshll.u32 v28, $0x4;
	v58 =	vld.idx.msk [tilespmem:v27+s20+$0x0], $0xffff;
	v35 =	vor.u32 v1, v35  }
0xa7: {  	v59 =	vor.u32 v1, v32;
	v52 =	vshll.u32 v52, $0x4;
	v38 =	vadd.s32 v20, v38;
	v28 =	vld.idx.msk [tilespmem:v25+s20+$0x0], $0xffff  }
0xa8: {  	v55 =	vadd.s32 v21, v55;
	v60 =	vadd.s32 v22, v30;
	v30 =	vadd.s32 v23, v45;
	v25 =	vld.idx.msk [tilespmem:v43+s20+$0x0], $0xffff  }
0xa9: {  	v31 =	vadd.s32 v24, v31;
	v43 =	vadd.s32 v23, v26;
	v26 =	vld.idx.msk [tilespmem:v41+s20+$0x0], $0xffff;
	v41 =	vadd.s32 v24, v56  }
0xaa: {  	v45 =	vshll.u32 v39, $0x4;
	v47 =	vshll.u32 v47, $0x4;
	v56 =	vshll.u32 v29, $0x4;
	v27 =	vld.idx.msk [tilespmem:v33+s20+$0x0], $0xffff  }
0xab: {  	v62 =	vshll.u32 v40, $0x4;
	v63 =	vshll.u32 v44, $0x4;
	v29 =	vshll.u32 v42, $0x4;
	v61 =	vld.idx.msk [tilespmem:v36+s20+$0x0], $0xffff  }
0xac: {  	v0 =	vshll.u32 v46, $0x4;
	v39 =	vor.u32 v1, v37;
	v33 =	vor.u32 v1, v29;
	v32 =	vld.idx.msk [tilespmem:v34+s20+$0x0], $0xffff  }
0xad: {  	v49 =	vshll.u32 v49, $0x4;
	v40 =	vor.u32 v1, v52;
	v52 =	vshll.u32 v53, $0x4;
	v29 =	vld.idx.msk [tilespmem:v38+s20+$0x0], $0xffff  }
0xae: {  	v46 =	vshll.u32 v54, $0x4;
	v34 =	vshll.u32 v51, $0x4;
	v38 =	vshll.u32 v50, $0x4;
	v37 =	vld.idx.msk [tilespmem:v31+s20+$0x0], $0xffff  }
0xaf: {  	v30 =	vld.idx.msk [tilespmem:v30+s20+$0x0], $0xffff  }
0xb0: {  	v31 =	vld.idx.msk [tilespmem:v41+s20+$0x0], $0xffff  }
0xb1: {  	v42 =	vld.idx.msk [tilespmem:v43+s20+$0x0], $0xffff;
	v43 =	vor.u32 v1, v45  }
0xb2: {  	v45 =	vor.u32 v1, v56;
	v36 =	vld.idx.msk [tilespmem:v55+s20+$0x0], $0xffff  }
.Ltmp3:
0xb3: {  	v34 =	vor.u32 v1, v34;
	v44 =	vld.idx.msk [tilespmem:v60+s20+$0x0], $0xffff;
	(pc) =	sbr.rel @p1 .LBB2_5-.Ltmp3, $4  }
0xb4: {  	v38 =	vor.u32 v1, v38;
	[tilespmem:v35+s16+$0x0] =	vst.idx.msk $0xffff, v58;
	v35 =	vor.u32 v1, v46  }
0xb5: {  	v41 =	vor.u32 v1, v52;
	v46 =	vor.u32 v1, v62;
	[tilespmem:v59+s16+$0x0] =	vst.idx.msk $0xffff, v48  }
0xb6: {  	v47 =	vor.u32 v1, v47;
	[tilespmem:v43+s16+$0x0] =	vst.idx.msk $0xffff, v57;
	v43 =	vor.u32 v1, v49  }
0xb7: {  	v48 =	vor.u32 v1, v63;
	[tilespmem:v45+s16+$0x0] =	vst.idx.msk $0xffff, v61;
	v45 =	vor.u32 v1, v0  }
0xb8: {  	_ =	sdelay $0x3  }
0xb9: {  	[tilespmem:v39+s16+$0x0] =	vst.idx.msk $0xffff, v28  }
0xba: {  	[tilespmem:v40+s16+$0x0] =	vst.idx.msk $0xffff, v44  }
0xbb: {  	[tilespmem:v46+s16+$0x0] =	vst.idx.msk $0xffff, v42  }
0xbc: {  	[tilespmem:v47+s16+$0x0] =	vst.idx.msk $0xffff, v37  }
0xbd: {  	[tilespmem:v48+s16+$0x0] =	vst.idx.msk $0xffff, v32  }
0xbe: {  	[tilespmem:v33+s16+$0x0] =	vst.idx.msk $0xffff, v27  }
0xbf: {  	[tilespmem:v45+s16+$0x0] =	vst.idx.msk $0xffff, v26  }
0xc0: {  	[tilespmem:v43+s16+$0x0] =	vst.idx.msk $0xffff, v29  }
0xc1: {  	[tilespmem:v41+s16+$0x0] =	vst.idx.msk $0xffff, v36  }
0xc2: {  	[tilespmem:v38+s16+$0x0] =	vst.idx.msk $0xffff, v25  }
0xc3: {  	[tilespmem:v34+s16+$0x0] =	vst.idx.msk $0xffff, v30  }
0xc4: {  	s3 =	simm.s32 $0x0;
	[tilespmem:v35+s16+$0x0] =	vst.idx.msk $0xffff, v31  }
0xc5: {  	s13 =	simm.s32 $0x40;
	v25 =	vld [tilespmem:s3+$0x5410]  }
.LBB2_7:
0xc6: {  	p1 =	sne.s32 s13, $0xBC0  }
.Ltmp4:
0xc7: {  	_ = 	snop;
	(pc) =	sbr.rel @p1 .LBB2_7-.Ltmp4, $3  }
0xc8: {  	_ =	sdelay $0x1  }
0xc9: {  	[tilespmem:s3+$0xED10] =	vst v25;
	s3 =	sshra.s32 s13, $0x2;
	s13 =	sadd.s32 $0x40, s13  }
0xca: {  	v25 =	vld [tilespmem:s3+$0x5410]  }
0xcb: {  	_ =	sdelay $0x3  }
0xcc: {  	[tilespmem:s3+$0xED10] =	vst v25  }
0xcd: {  	[spmem:s1] =	stream.indirect.scatter.add.f32 [tilespmem:s16], [sflag:$0x3], $0x10, s23, s21, $0xb8;
	[tilespmem:$0xF310] =	vst v63  }
0xce: {  	s13 =	simm.s32 $0x9510;
	s3 =	simm.s32 $0x8790  }
0xcf: {  	[spmem:s1] =	stream.indirect.scatter.add.f32 [tilespmem:s13], [sflag:$0x3], $0x10, s3, s21, $0xb8;
	[tilespmem:$0xF310] =	vst v63  }
0xd0: {  	s3 =	simm.s32 $0x8810;
	s13 =	simm.s32 $0x9D10  }
0xd1: {  	[spmem:s1] =	stream.indirect.scatter.add.f32 [tilespmem:s13], [sflag:$0x3], $0x10, s3, s21, $0xb8;
	[tilespmem:$0xF310] =	vst v63  }
0xd2: {  	s13 =	simm.s32 $0x8890  }
0xd3: {  	[spmem:s1] =	stream.indirect.scatter.add.f32 [tilespmem:s14], [sflag:$0x3], $0x10, s13, s21, $0xb8;
	[tilespmem:$0xF310] =	vst v63  }
0xd4: {  	s13 =	sshll.u32 s12, $0x4  }
0xd5: {  	[spmem:s1] =	stream.indirect.scatter.add.f32 [tilespmem:s8], [sflag:$0x3], $0x10, s2, s21, $0xb8;
	[tilespmem:$0xF310] =	vst v63  }
0xd6: {  	s3 =	sadd.s32 s0, s13;
	s13 =	simm.s32 $0x0  }
0xd7: {  	v0 =	vor.u32 s13, v12;
	[spmem:s1] =	stream.indirect.scatter.add.f32 [tilespmem:s11], [sflag:$0x3], $0x10, s10, s21, $0xb8;
	[tilespmem:$0xF310] =	vst v63  }
0xd8: {  	v34 =	vor.u32 s13, v14;
	v29 =	vor.u32 s13, v2;
	v35 =	vor.u32 s13, v15  }
0xd9: {  	v30 =	vor.u32 s13, v3;
	v31 =	vor.u32 s13, v1;
	v33 =	vor.u32 s13, v5;
	[hbm4b:s3+s13] =	stream.linear.scatter [tilespmem:s15], [sflag:$0x5], $0x300, $0x38;
	[tilespmem:$0xF310] =	vst v63  }
0xda: {  	v36 =	vor.u32 s13, v6;
	v43 =	vor.u32 s13, v11;
	v25 =	vand.u32 $0x3F8, v29;
	_ =	swait.ge [sflag:s24], $0x3000  }
0xdb: {  	v38 =	vor.u32 s13, v10;
	v26 =	vand.u32 $0x3F8, v30;
	v25 =	vadd.s32 v18, v25;
	[sflag:s24] =	ssyncset.done $0x0  }
0xdc: {  	v39 =	vor.u32 s13, v4;
	v27 =	vand.u32 $0x3F8, v31;
	v26 =	vadd.s32 v19, v26;
	[sflag:s24] =	ssyncadd.s32 $0xFFFFD000  }
0xdd: {  	v40 =	vor.u32 s13, v7;
	v28 =	vand.u32 $0x3F8, v33;
	v27 =	vadd.s32 v17, v27;
	_ =	swait.ge [sflag:s24], $0x300  }
0xde: {  	v50 =	vor.u32 s13, v8;
	v42 =	vand.u32 $0x3F8, v39;
	v28 =	vadd.s32 v21, v28;
	[sflag:s24] =	ssyncset.done $0x0  }
0xdf: {  	v46 =	vor.u32 s13, v13;
	v55 =	vand.u32 $0x3F8, v50;
	v42 =	vadd.s32 v20, v42;
	[sflag:s24] =	ssyncadd.s32 $0xFFFFFD00  }
0xe0: {  	v48 =	vor.u32 s13, v9;
	v37 =	vand.u32 $0x3F8, v43;
	v55 =	vadd.s32 v23, v55;
	v41 =	vld.idx.msk [tilespmem:v25+s26+$0x0], $0xffff  }
0xe1: {  	v52 =	vor.u32 s13, v16;
	v32 =	vand.u32 $0x3F8, v34;
	v37 =	vadd.s32 v19, v37;
	v45 =	vld.idx.msk [tilespmem:v26+s26+$0x0], $0xffff  }
0xe2: {  	v63 =	vand.u32 $0x3F8, v46;
	v32 =	vadd.s32 v22, v32;
	v25 =	vand.u32 $0x3F8, v38;
	v47 =	vld.idx.msk [tilespmem:v27+s26+$0x0], $0xffff  }
0xe3: {  	v60 =	vand.u32 $0x3F8, v52;
	v28 =	vld.idx.msk [tilespmem:v28+s26+$0x0], $0xffff;
	v26 =	vand.u32 $0x3F8, v48;
	v44 =	vadd.s32 v18, v25  }
0xe4: {  	v61 =	vand.u32 $0x3F8, v36;
	v57 =	vld.idx.msk [tilespmem:v42+s26+$0x0], $0xffff;
	v25 =	vand.u32 $0x3F8, v40;
	v53 =	vadd.s32 v24, v26  }
0xe5: {  	v31 =	vshll.u32 v31, $0x4;
	v42 =	vld.idx.msk [tilespmem:v55+s26+$0x0], $0xffff;
	v49 =	vadd.s32 v17, v25;
	v25 =	vand.u32 $0x3F8, v0  }
0xe6: {  	v62 =	vshll.u32 v29, $0x4;
	v27 =	vand.u32 $0x3F8, v35;
	v26 =	vld.idx.msk [tilespmem:v37+s26+$0x0], $0xffff;
	v51 =	vadd.s32 v20, v25  }
0xe7: {  	v33 =	vshll.u32 v33, $0x4;
	v36 =	vshll.u32 v36, $0x4;
	v54 =	vadd.s32 v23, v27;
	v25 =	vld.idx.msk [tilespmem:v32+s26+$0x0], $0xffff  }
0xe8: {  	v59 =	vshll.u32 v39, $0x4;
	v50 =	vshll.u32 v50, $0x4;
	v58 =	vadd.s32 v21, v63;
	v27 =	vld.idx.msk [tilespmem:v44+s26+$0x0], $0xffff  }
0xe9: {  	v52 =	vshll.u32 v52, $0x4;
	v56 =	vadd.s32 v24, v60;
	v63 =	vshll.u32 v30, $0x4;
	v37 =	vld.idx.msk [tilespmem:v53+s26+$0x0], $0xffff  }
0xea: {  	v39 =	vor.u32 v1, v33;
	v44 =	vadd.s32 v22, v61;
	v32 =	vld.idx.msk [tilespmem:v49+s26+$0x0], $0xffff;
	v49 =	vor.u32 v1, v31  }
0xeb: {  	v60 =	vor.u32 v1, v59;
	v38 =	vshll.u32 v38, $0x4;
	v29 =	vld.idx.msk [tilespmem:v51+s26+$0x0], $0xffff;
	v51 =	vor.u32 v1, v62  }
0xec: {  	v35 =	vshll.u32 v35, $0x4;
	v33 =	vor.u32 v1, v38;
	v30 =	vld.idx.msk [tilespmem:v54+s26+$0x0], $0xffff;
	v53 =	vor.u32 v1, v63  }
0xed: {  	v0 =	vshll.u32 v0, $0x4;
	v54 =	vshll.u32 v40, $0x4;
	v40 =	vor.u32 v1, v36;
	v36 =	vld.idx.msk [tilespmem:v58+s26+$0x0], $0xffff  }
0xee: {  	v61 =	vshll.u32 v34, $0x4;
	v34 =	vor.u32 v1, v35;
	v35 =	vor.u32 v1, v52;
	v31 =	vld.idx.msk [tilespmem:v56+s26+$0x0], $0xffff  }
0xef: {  	v48 =	vshll.u32 v48, $0x4;
	v63 =	vshll.u32 v43, $0x4;
	v43 =	vor.u32 v1, v0;
	v44 =	vld.idx.msk [tilespmem:v44+s26+$0x0], $0xffff;
	[tilespmem:v49+s7+$0x0] =	vst.idx.msk $0xffff, v47  }
0xf0: {  	v38 =	vor.u32 v1, v61;
	v62 =	vshll.u32 v46, $0x4;
	v46 =	vor.u32 v1, v50;
	[tilespmem:v51+s7+$0x0] =	vst.idx.msk $0xffff, v41  }
0xf1: {  	v47 =	vor.u32 v1, v48;
	v48 =	vor.u32 v1, v54;
	[tilespmem:v53+s7+$0x0] =	vst.idx.msk $0xffff, v45  }
0xf2: {  	s3 =	simm.s32 $0x10;
	v41 =	vor.u32 v1, v62;
	v45 =	vor.u32 v1, v63;
	[tilespmem:v60+s7+$0x0] =	vst.idx.msk $0xffff, v57  }
.LBB2_9:
0xf3: {  	v0 =	vor.u32 s3, v12;
	v49 =	vor.u32 s3, v14;
	v50 =	vor.u32 s3, v15;
	p1 =	sne.s32 s3, $0x2F0;
	[tilespmem:v39+s7+$0x0] =	vst.idx.msk $0xffff, v28;
	s13 =	smov.u32 s3;
	s3 =	sadd.s32 $0x10, s3  }
0xf4: {  	v39 =	vor.u32 s13, v3;
	v51 =	vor.u32 s13, v6;
	v52 =	vor.u32 s13, v13;
	[tilespmem:v40+s7+$0x0] =	vst.idx.msk $0xffff, v44  }
0xf5: {  	v40 =	vor.u32 s13, v8;
	v44 =	vor.u32 s13, v7;
	v53 =	vor.u32 s13, v16;
	[tilespmem:v46+s7+$0x0] =	vst.idx.msk $0xffff, v42  }
0xf6: {  	v28 =	vor.u32 s13, v5;
	v42 =	vor.u32 s13, v10;
	v46 =	vor.u32 s13, v11;
	[tilespmem:v47+s7+$0x0] =	vst.idx.msk $0xffff, v37  }
0xf7: {  	v54 =	vand.u32 $0x3F8, v52;
	v37 =	vor.u32 s13, v1;
	v47 =	vor.u32 s13, v9;
	[tilespmem:v48+s7+$0x0] =	vst.idx.msk $0xffff, v32  }
0xf8: {  	v55 =	vand.u32 $0x3F8, v53;
	v32 =	vor.u32 s13, v2;
	v48 =	vand.u32 $0x3F8, v37;
	[tilespmem:v33+s7+$0x0] =	vst.idx.msk $0xffff, v27  }
0xf9: {  	v27 =	vadd.s32 v17, v48;
	v33 =	vand.u32 $0x3F8, v32;
	v48 =	vand.u32 $0x3F8, v49;
	[tilespmem:v45+s7+$0x0] =	vst.idx.msk $0xffff, v26  }
0xfa: {  	v26 =	vadd.s32 v18, v33;
	v33 =	vand.u32 $0x3F8, v39;
	v45 =	vand.u32 $0x3F8, v50;
	[tilespmem:v43+s7+$0x0] =	vst.idx.msk $0xffff, v29  }
0xfb: {  	v29 =	vor.u32 s13, v4;
	v33 =	vadd.s32 v19, v33;
	v43 =	vadd.s32 v22, v48;
	[tilespmem:v41+s7+$0x0] =	vst.idx.msk $0xffff, v36  }
0xfc: {  	v48 =	vand.u32 $0x3F8, v46;
	v36 =	vand.u32 $0x3F8, v29;
	v41 =	vand.u32 $0x3F8, v28;
	[tilespmem:v38+s7+$0x0] =	vst.idx.msk $0xffff, v25  }
0xfd: {  	v25 =	vadd.s32 v21, v41;
	v38 =	vand.u32 $0x3F8, v44;
	v41 =	vadd.s32 v19, v48;
	[tilespmem:v34+s7+$0x0] =	vst.idx.msk $0xffff, v30  }
0xfe: {  	v30 =	vand.u32 $0x3F8, v51;
	v34 =	vadd.s32 v17, v38;
	v38 =	vand.u32 $0x3F8, v0;
	[tilespmem:v35+s7+$0x0] =	vst.idx.msk $0xffff, v31  }
0xff: {  	v31 =	vand.u32 $0x3F8, v47;
	v35 =	vand.u32 $0x3F8, v42;
	v48 =	vld.idx.msk [tilespmem:v26+s26+$0x0], $0xffff;
	v26 =	vand.u32 $0x3F8, v40  }
0x100: {  	v32 =	vshll.u32 v32, $0x4;
	v56 =	vld.idx.msk [tilespmem:v33+s26+$0x0], $0xffff;
	v33 =	vadd.s32 v18, v35;
	v35 =	vshll.u32 v37, $0x4  }
0x101: {  	v36 =	vadd.s32 v20, v36;
	v37 =	vshll.u32 v28, $0x4;
	v57 =	vld.idx.msk [tilespmem:v27+s26+$0x0], $0xffff;
	v35 =	vor.u32 v1, v35  }
0x102: {  	v58 =	vor.u32 v1, v32;
	v51 =	vshll.u32 v51, $0x4;
	v38 =	vadd.s32 v20, v38;
	v28 =	vld.idx.msk [tilespmem:v25+s26+$0x0], $0xffff  }
0x103: {  	v54 =	vadd.s32 v21, v54;
	v59 =	vadd.s32 v22, v30;
	v30 =	vadd.s32 v23, v45;
	v25 =	vld.idx.msk [tilespmem:v43+s26+$0x0], $0xffff  }
0x104: {  	v31 =	vadd.s32 v24, v31;
	v43 =	vadd.s32 v23, v26;
	v26 =	vld.idx.msk [tilespmem:v41+s26+$0x0], $0xffff;
	v41 =	vadd.s32 v24, v55  }
0x105: {  	v45 =	vshll.u32 v39, $0x4;
	v47 =	vshll.u32 v47, $0x4;
	v55 =	vshll.u32 v29, $0x4;
	v27 =	vld.idx.msk [tilespmem:v33+s26+$0x0], $0xffff  }
0x106: {  	v61 =	vshll.u32 v40, $0x4;
	v62 =	vshll.u32 v44, $0x4;
	v29 =	vshll.u32 v42, $0x4;
	v60 =	vld.idx.msk [tilespmem:v36+s26+$0x0], $0xffff  }
0x107: {  	v63 =	vshll.u32 v46, $0x4;
	v39 =	vor.u32 v1, v37;
	v33 =	vor.u32 v1, v29;
	v32 =	vld.idx.msk [tilespmem:v34+s26+$0x0], $0xffff  }
0x108: {  	v0 =	vshll.u32 v0, $0x4;
	v40 =	vor.u32 v1, v51;
	v51 =	vshll.u32 v52, $0x4;
	v29 =	vld.idx.msk [tilespmem:v38+s26+$0x0], $0xffff  }
0x109: {  	v46 =	vshll.u32 v53, $0x4;
	v34 =	vshll.u32 v50, $0x4;
	v38 =	vshll.u32 v49, $0x4;
	v37 =	vld.idx.msk [tilespmem:v31+s26+$0x0], $0xffff  }
0x10a: {  	v30 =	vld.idx.msk [tilespmem:v30+s26+$0x0], $0xffff  }
0x10b: {  	v31 =	vld.idx.msk [tilespmem:v41+s26+$0x0], $0xffff  }
0x10c: {  	v42 =	vld.idx.msk [tilespmem:v43+s26+$0x0], $0xffff;
	v43 =	vor.u32 v1, v45  }
0x10d: {  	v45 =	vor.u32 v1, v55;
	v36 =	vld.idx.msk [tilespmem:v54+s26+$0x0], $0xffff  }
.Ltmp5:
0x10e: {  	v34 =	vor.u32 v1, v34;
	v44 =	vld.idx.msk [tilespmem:v59+s26+$0x0], $0xffff;
	(pc) =	sbr.rel @p1 .LBB2_9-.Ltmp5, $4  }
0x10f: {  	v38 =	vor.u32 v1, v38;
	[tilespmem:v35+s7+$0x0] =	vst.idx.msk $0xffff, v57;
	v35 =	vor.u32 v1, v46  }
0x110: {  	v41 =	vor.u32 v1, v51;
	v46 =	vor.u32 v1, v61;
	[tilespmem:v58+s7+$0x0] =	vst.idx.msk $0xffff, v48  }
0x111: {  	v47 =	vor.u32 v1, v47;
	[tilespmem:v43+s7+$0x0] =	vst.idx.msk $0xffff, v56;
	v43 =	vor.u32 v1, v0  }
0x112: {  	v48 =	vor.u32 v1, v62;
	[tilespmem:v45+s7+$0x0] =	vst.idx.msk $0xffff, v60;
	v45 =	vor.u32 v1, v63  }
0x113: {  	_ =	sdelay $0x3  }
0x114: {  	[tilespmem:v39+s7+$0x0] =	vst.idx.msk $0xffff, v28  }
0x115: {  	[tilespmem:v40+s7+$0x0] =	vst.idx.msk $0xffff, v44  }
0x116: {  	[tilespmem:v46+s7+$0x0] =	vst.idx.msk $0xffff, v42  }
0x117: {  	[tilespmem:v47+s7+$0x0] =	vst.idx.msk $0xffff, v37  }
0x118: {  	[tilespmem:v48+s7+$0x0] =	vst.idx.msk $0xffff, v32  }
0x119: {  	[tilespmem:v33+s7+$0x0] =	vst.idx.msk $0xffff, v27  }
0x11a: {  	[tilespmem:v45+s7+$0x0] =	vst.idx.msk $0xffff, v26  }
0x11b: {  	[tilespmem:v43+s7+$0x0] =	vst.idx.msk $0xffff, v29  }
0x11c: {  	[tilespmem:v41+s7+$0x0] =	vst.idx.msk $0xffff, v36  }
0x11d: {  	[tilespmem:v38+s7+$0x0] =	vst.idx.msk $0xffff, v25  }
0x11e: {  	[tilespmem:v34+s7+$0x0] =	vst.idx.msk $0xffff, v30  }
0x11f: {  	s3 =	simm.s32 $0x0;
	[tilespmem:v35+s7+$0x0] =	vst.idx.msk $0xffff, v31  }
0x120: {  	s13 =	simm.s32 $0x40;
	v25 =	vld [tilespmem:s3+$0x8410]  }
.LBB2_11:
0x121: {  	p1 =	sne.s32 s13, $0xBC0  }
.Ltmp6:
0x122: {  	_ = 	snop;
	(pc) =	sbr.rel @p1 .LBB2_11-.Ltmp6, $3  }
0x123: {  	_ =	sdelay $0x1  }
0x124: {  	[tilespmem:s3+$0xF010] =	vst v25;
	s3 =	sshra.s32 s13, $0x2;
	s13 =	sadd.s32 $0x40, s13  }
0x125: {  	v25 =	vld [tilespmem:s3+$0x8410]  }
0x126: {  	_ =	sdelay $0x3  }
0x127: {  	[tilespmem:s3+$0xF010] =	vst v25  }
0x128: {  	[spmem:s1] =	stream.indirect.scatter.add.f32 [tilespmem:s7], [sflag:$0x4], $0x10, s28, s21, $0xb8;
	[tilespmem:$0xF310] =	vst v63  }
0x129: {  	s13 =	simm.s32 $0xC510;
	s3 =	simm.s32 $0x8A90  }
0x12a: {  	[spmem:s1] =	stream.indirect.scatter.add.f32 [tilespmem:s13], [sflag:$0x4], $0x10, s3, s21, $0xb8;
	[tilespmem:$0xF310] =	vst v63  }
0x12b: {  	s3 =	simm.s32 $0x8B10;
	s13 =	simm.s32 $0xCD10  }
0x12c: {  	[spmem:s1] =	stream.indirect.scatter.add.f32 [tilespmem:s13], [sflag:$0x4], $0x10, s3, s21, $0xb8;
	[tilespmem:$0xF310] =	vst v63  }
0x12d: {  	s3 =	simm.s32 $0x8B90;
	s13 =	simm.s32 $0xD510  }
0x12e: {  	[spmem:s1] =	stream.indirect.scatter.add.f32 [tilespmem:s13], [sflag:$0x4], $0x10, s3, s21, $0xb8;
	[tilespmem:$0xF310] =	vst v63  }
0x12f: {  	s3 =	simm.s32 $0x8C10;
	s13 =	simm.s32 $0xDD10  }
0x130: {  	[spmem:s1] =	stream.indirect.scatter.add.f32 [tilespmem:s13], [sflag:$0x4], $0x10, s3, s21, $0xb8;
	[tilespmem:$0xF310] =	vst v63  }
0x131: {  	s3 =	simm.s32 $0x8C90;
	s13 =	simm.s32 $0xE510  }
0x132: {  	[spmem:s1] =	stream.indirect.scatter.add.f32 [tilespmem:s13], [sflag:$0x4], $0x10, s3, s21, $0xb8;
	[tilespmem:$0xF310] =	vst v63  }
0x133: {  	s3 =	sadd.s32 s0, s31;
	s13 =	simm.s32 $0x0;
	s31 =	simm.s32 $0xF010  }
0x134: {  	[hbm4b:s3+s13] =	stream.linear.scatter [tilespmem:s31], [sflag:$0x6], $0x300, $0x38;
	[tilespmem:$0xF310] =	vst v63  }
0x135: {  	_ =	swait.ge [sflag:s4], $0x800  }
0x136: {  	[sflag:s4] =	ssyncset.done $0x0  }
0x137: {  	[sflag:s4] =	ssyncadd.s32 $0xFFFFF800  }
0x138: {  	_ =	swait.ge [sflag:s4], $0x800  }
0x139: {  	[sflag:s4] =	ssyncset.done $0x0  }
0x13a: {  	[sflag:s4] =	ssyncadd.s32 $0xFFFFF800  }
0x13b: {  	_ =	swait.ge [sflag:s4], $0x800  }
0x13c: {  	[sflag:s4] =	ssyncset.done $0x0  }
0x13d: {  	[sflag:s4] =	ssyncadd.s32 $0xFFFFF800  }
0x13e: {  	_ =	swait.ge [sflag:s4], $0x800  }
0x13f: {  	[sflag:s4] =	ssyncset.done $0x0  }
0x140: {  	[sflag:s4] =	ssyncadd.s32 $0xFFFFF800  }
0x141: {  	_ =	swait.ge [sflag:s4], $0x800  }
0x142: {  	[sflag:s4] =	ssyncset.done $0x0  }
0x143: {  	[sflag:s4] =	ssyncadd.s32 $0xFFFFF800  }
0x144: {  	_ =	swait.ge [sflag:s4], $0x800  }
0x145: {  	s30 =	sadd.s32 $0x1, s30;
	[sflag:s4] =	ssyncset.done $0x0  }
0x146: {  	p1 =	sne.s32 s30, $0x6;
	s31 =	sadd.s32 $0xC, s12;
	[sflag:s4] =	ssyncadd.s32 $0xFFFFF800  }
0x147: {  	s12 =	sshll.u32 s31, $0x4;
	s3 =	sshll.u32 s31, $0x5;
	_ =	swait.ge [sflag:s17], $0x300  }
.Ltmp7:
0x148: {  	s12 =	sand.u32 $0x1FFFFFE0, s12;
	[sflag:s17] =	ssyncset.done $0x0;
	(pc) =	sbr.rel @p1 .LBB2_4-.Ltmp7, $4  }
0x149: {  	s3 =	sand.u32 $0x1FFFFFC0, s3;
	s12 =	sadd.s32 s6, s12;
	[sflag:s17] =	ssyncadd.s32 $0xFFFFFD00  }
0x14a: {  	[tilespmem:s20], [sflag:$0x1] =	stream.strided.gather [hbm4b:s12+s18], $0x3000, s19, s18, $0x38;
	[tilespmem:$0xF310] =	vst v63  }
0x14b: {  	s3 =	sadd.s32 s3, s9  }
0x14c: {  	[tilespmem:s23], [sflag:$0x1] =	stream.strided.gather [hbm4b:s3+s21], $0x300, s22, s21, $0x38;
	[tilespmem:$0xF310] =	vst v63  }
0x14d: {  	_ =	swait.ge [sflag:s25], $0x3000  }
0x14e: {  	[sflag:s25] =	ssyncset.done $0x0  }
0x14f: {  	[sflag:s25] =	ssyncadd.s32 $0xFFFFD000  }
0x150: {  	_ =	swait.ge [sflag:s25], $0x300  }
0x151: {  	[sflag:s25] =	ssyncset.done $0x0  }
0x152: {  	s12 =	simm.s32 $0x4;
	[sflag:s25] =	ssyncadd.s32 $0xFFFFFD00  }
0x153: {  	_ =	swait.ge [sflag:s12], $0x800  }
0x154: {  	[sflag:s12] =	ssyncset.done $0x0  }
0x155: {  	[sflag:s12] =	ssyncadd.s32 $0xFFFFF800  }
0x156: {  	_ =	swait.ge [sflag:s12], $0x800  }
0x157: {  	[sflag:s12] =	ssyncset.done $0x0  }
0x158: {  	[sflag:s12] =	ssyncadd.s32 $0xFFFFF800  }
0x159: {  	_ =	swait.ge [sflag:s12], $0x800  }
0x15a: {  	[sflag:s12] =	ssyncset.done $0x0  }
0x15b: {  	[sflag:s12] =	ssyncadd.s32 $0xFFFFF800  }
0x15c: {  	_ =	swait.ge [sflag:s12], $0x800  }
0x15d: {  	[sflag:s12] =	ssyncset.done $0x0  }
0x15e: {  	s3 =	simm.s32 $0x0;
	[sflag:s12] =	ssyncadd.s32 $0xFFFFF800  }
0x15f: {  	v0 =	vor.u32 s3, v12;
	_ =	swait.ge [sflag:s12], $0x800  }
0x160: {  	v34 =	vor.u32 s3, v14;
	v29 =	vor.u32 s3, v2;
	v35 =	vor.u32 s3, v15;
	[sflag:s12] =	ssyncset.done $0x0  }
0x161: {  	v30 =	vor.u32 s3, v3;
	v31 =	vor.u32 s3, v1;
	v33 =	vor.u32 s3, v5;
	[sflag:s12] =	ssyncadd.s32 $0xFFFFF800  }
0x162: {  	v36 =	vor.u32 s3, v6;
	v43 =	vor.u32 s3, v11;
	v25 =	vand.u32 $0x3F8, v29;
	_ =	swait.ge [sflag:s12], $0x800  }
0x163: {  	v38 =	vor.u32 s3, v10;
	v26 =	vand.u32 $0x3F8, v30;
	v25 =	vadd.s32 v18, v25;
	[sflag:s12] =	ssyncset.done $0x0  }
0x164: {  	s31 =	simm.s32 $0x6;
	v39 =	vor.u32 s3, v4;
	v27 =	vand.u32 $0x3F8, v31;
	v26 =	vadd.s32 v19, v26;
	[sflag:s12] =	ssyncadd.s32 $0xFFFFF800  }
0x165: {  	v40 =	vor.u32 s3, v7;
	v28 =	vand.u32 $0x3F8, v33;
	v27 =	vadd.s32 v17, v27;
	_ =	swait.ge [sflag:s31], $0x300  }
0x166: {  	v50 =	vor.u32 s3, v8;
	v42 =	vand.u32 $0x3F8, v39;
	v28 =	vadd.s32 v21, v28;
	[sflag:s31] =	ssyncset.done $0x0  }
0x167: {  	v46 =	vor.u32 s3, v13;
	v55 =	vand.u32 $0x3F8, v50;
	v42 =	vadd.s32 v20, v42;
	[sflag:s31] =	ssyncadd.s32 $0xFFFFFD00  }
0x168: {  	v48 =	vor.u32 s3, v9;
	v37 =	vand.u32 $0x3F8, v43;
	v55 =	vadd.s32 v23, v55;
	v41 =	vld.idx.msk [tilespmem:v25+s20+$0x0], $0xffff  }
0x169: {  	v52 =	vor.u32 s3, v16;
	v32 =	vand.u32 $0x3F8, v34;
	v37 =	vadd.s32 v19, v37;
	v45 =	vld.idx.msk [tilespmem:v26+s20+$0x0], $0xffff  }
0x16a: {  	v63 =	vand.u32 $0x3F8, v46;
	v32 =	vadd.s32 v22, v32;
	v25 =	vand.u32 $0x3F8, v38;
	v47 =	vld.idx.msk [tilespmem:v27+s20+$0x0], $0xffff  }
0x16b: {  	v60 =	vand.u32 $0x3F8, v52;
	v28 =	vld.idx.msk [tilespmem:v28+s20+$0x0], $0xffff;
	v26 =	vand.u32 $0x3F8, v48;
	v44 =	vadd.s32 v18, v25  }
0x16c: {  	v61 =	vand.u32 $0x3F8, v36;
	v57 =	vld.idx.msk [tilespmem:v42+s20+$0x0], $0xffff;
	v25 =	vand.u32 $0x3F8, v40;
	v53 =	vadd.s32 v24, v26  }
0x16d: {  	v31 =	vshll.u32 v31, $0x4;
	v42 =	vld.idx.msk [tilespmem:v55+s20+$0x0], $0xffff;
	v49 =	vadd.s32 v17, v25;
	v25 =	vand.u32 $0x3F8, v0  }
0x16e: {  	v62 =	vshll.u32 v29, $0x4;
	v27 =	vand.u32 $0x3F8, v35;
	v26 =	vld.idx.msk [tilespmem:v37+s20+$0x0], $0xffff;
	v51 =	vadd.s32 v20, v25  }
0x16f: {  	v33 =	vshll.u32 v33, $0x4;
	v36 =	vshll.u32 v36, $0x4;
	v54 =	vadd.s32 v23, v27;
	v25 =	vld.idx.msk [tilespmem:v32+s20+$0x0], $0xffff  }
0x170: {  	v59 =	vshll.u32 v39, $0x4;
	v50 =	vshll.u32 v50, $0x4;
	v58 =	vadd.s32 v21, v63;
	v27 =	vld.idx.msk [tilespmem:v44+s20+$0x0], $0xffff  }
0x171: {  	v52 =	vshll.u32 v52, $0x4;
	v56 =	vadd.s32 v24, v60;
	v63 =	vshll.u32 v30, $0x4;
	v37 =	vld.idx.msk [tilespmem:v53+s20+$0x0], $0xffff  }
0x172: {  	v39 =	vor.u32 v1, v33;
	v44 =	vadd.s32 v22, v61;
	v32 =	vld.idx.msk [tilespmem:v49+s20+$0x0], $0xffff;
	v49 =	vor.u32 v1, v31  }
0x173: {  	v60 =	vor.u32 v1, v59;
	v38 =	vshll.u32 v38, $0x4;
	v29 =	vld.idx.msk [tilespmem:v51+s20+$0x0], $0xffff;
	v51 =	vor.u32 v1, v62  }
0x174: {  	v35 =	vshll.u32 v35, $0x4;
	v33 =	vor.u32 v1, v38;
	v30 =	vld.idx.msk [tilespmem:v54+s20+$0x0], $0xffff;
	v53 =	vor.u32 v1, v63  }
0x175: {  	v0 =	vshll.u32 v0, $0x4;
	v54 =	vshll.u32 v40, $0x4;
	v40 =	vor.u32 v1, v36;
	v36 =	vld.idx.msk [tilespmem:v58+s20+$0x0], $0xffff  }
0x176: {  	v61 =	vshll.u32 v34, $0x4;
	v34 =	vor.u32 v1, v35;
	v35 =	vor.u32 v1, v52;
	v31 =	vld.idx.msk [tilespmem:v56+s20+$0x0], $0xffff  }
0x177: {  	v48 =	vshll.u32 v48, $0x4;
	v63 =	vshll.u32 v43, $0x4;
	v43 =	vor.u32 v1, v0;
	v44 =	vld.idx.msk [tilespmem:v44+s20+$0x0], $0xffff;
	[tilespmem:v49+s16+$0x0] =	vst.idx.msk $0xffff, v47  }
0x178: {  	v38 =	vor.u32 v1, v61;
	v62 =	vshll.u32 v46, $0x4;
	v46 =	vor.u32 v1, v50;
	[tilespmem:v51+s16+$0x0] =	vst.idx.msk $0xffff, v41  }
0x179: {  	v47 =	vor.u32 v1, v48;
	v48 =	vor.u32 v1, v54;
	[tilespmem:v53+s16+$0x0] =	vst.idx.msk $0xffff, v45  }
0x17a: {  	s3 =	simm.s32 $0x10;
	v41 =	vor.u32 v1, v62;
	v45 =	vor.u32 v1, v63;
	[tilespmem:v60+s16+$0x0] =	vst.idx.msk $0xffff, v57  }
.LBB2_14:
0x17b: {  	v0 =	vor.u32 s3, v12;
	v49 =	vor.u32 s3, v14;
	v50 =	vor.u32 s3, v15;
	p1 =	sne.s32 s3, $0x2F0;
	[tilespmem:v39+s16+$0x0] =	vst.idx.msk $0xffff, v28;
	s12 =	smov.u32 s3;
	s3 =	sadd.s32 $0x10, s3  }
0x17c: {  	v39 =	vor.u32 s12, v3;
	v51 =	vor.u32 s12, v6;
	v52 =	vor.u32 s12, v13;
	[tilespmem:v40+s16+$0x0] =	vst.idx.msk $0xffff, v44  }
0x17d: {  	v40 =	vor.u32 s12, v8;
	v44 =	vor.u32 s12, v7;
	v53 =	vor.u32 s12, v16;
	[tilespmem:v46+s16+$0x0] =	vst.idx.msk $0xffff, v42  }
0x17e: {  	v28 =	vor.u32 s12, v5;
	v42 =	vor.u32 s12, v10;
	v46 =	vor.u32 s12, v11;
	[tilespmem:v47+s16+$0x0] =	vst.idx.msk $0xffff, v37  }
0x17f: {  	v54 =	vand.u32 $0x3F8, v52;
	v37 =	vor.u32 s12, v1;
	v47 =	vor.u32 s12, v9;
	[tilespmem:v48+s16+$0x0] =	vst.idx.msk $0xffff, v32  }
0x180: {  	v55 =	vand.u32 $0x3F8, v53;
	v32 =	vor.u32 s12, v2;
	v48 =	vand.u32 $0x3F8, v37;
	[tilespmem:v33+s16+$0x0] =	vst.idx.msk $0xffff, v27  }
0x181: {  	v27 =	vadd.s32 v17, v48;
	v33 =	vand.u32 $0x3F8, v32;
	v48 =	vand.u32 $0x3F8, v49;
	[tilespmem:v45+s16+$0x0] =	vst.idx.msk $0xffff, v26  }
0x182: {  	v26 =	vadd.s32 v18, v33;
	v33 =	vand.u32 $0x3F8, v39;
	v45 =	vand.u32 $0x3F8, v50;
	[tilespmem:v43+s16+$0x0] =	vst.idx.msk $0xffff, v29  }
0x183: {  	v29 =	vor.u32 s12, v4;
	v33 =	vadd.s32 v19, v33;
	v43 =	vadd.s32 v22, v48;
	[tilespmem:v41+s16+$0x0] =	vst.idx.msk $0xffff, v36  }
0x184: {  	v48 =	vand.u32 $0x3F8, v46;
	v36 =	vand.u32 $0x3F8, v29;
	v41 =	vand.u32 $0x3F8, v28;
	[tilespmem:v38+s16+$0x0] =	vst.idx.msk $0xffff, v25  }
0x185: {  	v25 =	vadd.s32 v21, v41;
	v38 =	vand.u32 $0x3F8, v44;
	v41 =	vadd.s32 v19, v48;
	[tilespmem:v34+s16+$0x0] =	vst.idx.msk $0xffff, v30  }
0x186: {  	v30 =	vand.u32 $0x3F8, v51;
	v34 =	vadd.s32 v17, v38;
	v38 =	vand.u32 $0x3F8, v0;
	[tilespmem:v35+s16+$0x0] =	vst.idx.msk $0xffff, v31  }
0x187: {  	v31 =	vand.u32 $0x3F8, v47;
	v35 =	vand.u32 $0x3F8, v42;
	v48 =	vld.idx.msk [tilespmem:v26+s20+$0x0], $0xffff;
	v26 =	vand.u32 $0x3F8, v40  }
0x188: {  	v32 =	vshll.u32 v32, $0x4;
	v56 =	vld.idx.msk [tilespmem:v33+s20+$0x0], $0xffff;
	v33 =	vadd.s32 v18, v35;
	v35 =	vshll.u32 v37, $0x4  }
0x189: {  	v36 =	vadd.s32 v20, v36;
	v37 =	vshll.u32 v28, $0x4;
	v57 =	vld.idx.msk [tilespmem:v27+s20+$0x0], $0xffff;
	v35 =	vor.u32 v1, v35  }
0x18a: {  	v58 =	vor.u32 v1, v32;
	v51 =	vshll.u32 v51, $0x4;
	v38 =	vadd.s32 v20, v38;
	v28 =	vld.idx.msk [tilespmem:v25+s20+$0x0], $0xffff  }
0x18b: {  	v54 =	vadd.s32 v21, v54;
	v59 =	vadd.s32 v22, v30;
	v30 =	vadd.s32 v23, v45;
	v25 =	vld.idx.msk [tilespmem:v43+s20+$0x0], $0xffff  }
0x18c: {  	v31 =	vadd.s32 v24, v31;
	v43 =	vadd.s32 v23, v26;
	v26 =	vld.idx.msk [tilespmem:v41+s20+$0x0], $0xffff;
	v41 =	vadd.s32 v24, v55  }
0x18d: {  	v45 =	vshll.u32 v39, $0x4;
	v47 =	vshll.u32 v47, $0x4;
	v55 =	vshll.u32 v29, $0x4;
	v27 =	vld.idx.msk [tilespmem:v33+s20+$0x0], $0xffff  }
0x18e: {  	v61 =	vshll.u32 v40, $0x4;
	v62 =	vshll.u32 v44, $0x4;
	v29 =	vshll.u32 v42, $0x4;
	v60 =	vld.idx.msk [tilespmem:v36+s20+$0x0], $0xffff  }
0x18f: {  	v63 =	vshll.u32 v46, $0x4;
	v39 =	vor.u32 v1, v37;
	v33 =	vor.u32 v1, v29;
	v32 =	vld.idx.msk [tilespmem:v34+s20+$0x0], $0xffff  }
0x190: {  	v0 =	vshll.u32 v0, $0x4;
	v40 =	vor.u32 v1, v51;
	v51 =	vshll.u32 v52, $0x4;
	v29 =	vld.idx.msk [tilespmem:v38+s20+$0x0], $0xffff  }
0x191: {  	v46 =	vshll.u32 v53, $0x4;
	v34 =	vshll.u32 v50, $0x4;
	v38 =	vshll.u32 v49, $0x4;
	v37 =	vld.idx.msk [tilespmem:v31+s20+$0x0], $0xffff  }
0x192: {  	v30 =	vld.idx.msk [tilespmem:v30+s20+$0x0], $0xffff  }
0x193: {  	v31 =	vld.idx.msk [tilespmem:v41+s20+$0x0], $0xffff  }
0x194: {  	v42 =	vld.idx.msk [tilespmem:v43+s20+$0x0], $0xffff;
	v43 =	vor.u32 v1, v45  }
0x195: {  	v45 =	vor.u32 v1, v55;
	v36 =	vld.idx.msk [tilespmem:v54+s20+$0x0], $0xffff  }
.Ltmp8:
0x196: {  	v34 =	vor.u32 v1, v34;
	v44 =	vld.idx.msk [tilespmem:v59+s20+$0x0], $0xffff;
	(pc) =	sbr.rel @p1 .LBB2_14-.Ltmp8, $4  }
0x197: {  	v38 =	vor.u32 v1, v38;
	[tilespmem:v35+s16+$0x0] =	vst.idx.msk $0xffff, v57;
	v35 =	vor.u32 v1, v46  }
0x198: {  	v41 =	vor.u32 v1, v51;
	v46 =	vor.u32 v1, v61;
	[tilespmem:v58+s16+$0x0] =	vst.idx.msk $0xffff, v48  }
0x199: {  	v47 =	vor.u32 v1, v47;
	[tilespmem:v43+s16+$0x0] =	vst.idx.msk $0xffff, v56;
	v43 =	vor.u32 v1, v0  }
0x19a: {  	v48 =	vor.u32 v1, v62;
	[tilespmem:v45+s16+$0x0] =	vst.idx.msk $0xffff, v60;
	v45 =	vor.u32 v1, v63  }
0x19b: {  	_ =	sdelay $0x3  }
0x19c: {  	[tilespmem:v39+s16+$0x0] =	vst.idx.msk $0xffff, v28  }
0x19d: {  	[tilespmem:v40+s16+$0x0] =	vst.idx.msk $0xffff, v44  }
0x19e: {  	[tilespmem:v46+s16+$0x0] =	vst.idx.msk $0xffff, v42  }
0x19f: {  	[tilespmem:v47+s16+$0x0] =	vst.idx.msk $0xffff, v37  }
0x1a0: {  	[tilespmem:v48+s16+$0x0] =	vst.idx.msk $0xffff, v32  }
0x1a1: {  	[tilespmem:v33+s16+$0x0] =	vst.idx.msk $0xffff, v27  }
0x1a2: {  	[tilespmem:v45+s16+$0x0] =	vst.idx.msk $0xffff, v26  }
0x1a3: {  	[tilespmem:v43+s16+$0x0] =	vst.idx.msk $0xffff, v29  }
0x1a4: {  	[tilespmem:v41+s16+$0x0] =	vst.idx.msk $0xffff, v36  }
0x1a5: {  	[tilespmem:v38+s16+$0x0] =	vst.idx.msk $0xffff, v25  }
0x1a6: {  	[tilespmem:v34+s16+$0x0] =	vst.idx.msk $0xffff, v30  }
0x1a7: {  	s3 =	simm.s32 $0x0;
	[tilespmem:v35+s16+$0x0] =	vst.idx.msk $0xffff, v31  }
0x1a8: {  	s12 =	simm.s32 $0x40;
	s30 =	simm.s32 $0x7;
	v25 =	vld [tilespmem:s3+$0x5410]  }
.LBB2_16:
0x1a9: {  	p1 =	sne.s32 s12, $0xBC0  }
.Ltmp9:
0x1aa: {  	_ = 	snop;
	(pc) =	sbr.rel @p1 .LBB2_16-.Ltmp9, $3  }
0x1ab: {  	_ =	sdelay $0x1  }
0x1ac: {  	[tilespmem:s3+$0xED10] =	vst v25;
	s3 =	sshra.s32 s12, $0x2;
	s12 =	sadd.s32 $0x40, s12  }
0x1ad: {  	v25 =	vld [tilespmem:s3+$0x5410]  }
0x1ae: {  	_ =	sdelay $0x3  }
0x1af: {  	[tilespmem:s3+$0xED10] =	vst v25  }
0x1b0: {  	[spmem:s1] =	stream.indirect.scatter.add.f32 [tilespmem:s16], [sflag:$0x3], $0x10, s23, s21, $0xb8;
	[tilespmem:$0xF310] =	vst v63  }
0x1b1: {  	s29 =	simm.s32 $0x8790;
	s12 =	simm.s32 $0x9510  }
0x1b2: {  	[spmem:s1] =	stream.indirect.scatter.add.f32 [tilespmem:s12], [sflag:$0x3], $0x10, s29, s21, $0xb8;
	[tilespmem:$0xF310] =	vst v63  }
0x1b3: {  	s13 =	simm.s32 $0x8810;
	s29 =	simm.s32 $0x9D10  }
0x1b4: {  	[spmem:s1] =	stream.indirect.scatter.add.f32 [tilespmem:s29], [sflag:$0x3], $0x10, s13, s21, $0xb8;
	[tilespmem:$0xF310] =	vst v63  }
0x1b5: {  	s12 =	simm.s32 $0x8890  }
0x1b6: {  	[spmem:s1] =	stream.indirect.scatter.add.f32 [tilespmem:s14], [sflag:$0x3], $0x10, s12, s21, $0xb8;
	[tilespmem:$0xF310] =	vst v63  }
0x1b7: {  	_ = 	snop  }
0x1b8: {  	[spmem:s1] =	stream.indirect.scatter.add.f32 [tilespmem:s8], [sflag:$0x3], $0x10, s2, s21, $0xb8;
	[tilespmem:$0xF310] =	vst v63  }
0x1b9: {  	_ = 	snop  }
0x1ba: {  	[spmem:s1] =	stream.indirect.scatter.add.f32 [tilespmem:s11], [sflag:$0x3], $0x10, s10, s21, $0xb8;
	[tilespmem:$0xF310] =	vst v63  }
0x1bb: {  	s13 =	simm.s32 $0x0;
	s29 =	rddreg [dreg:$0x7]  }
0x1bc: {  	[hbm4b:s29+s13] =	stream.linear.scatter [tilespmem:s15], [sflag:$0x5], $0x300, $0x38;
	[tilespmem:$0xF310] =	vst v63  }
0x1bd: {  	_ =	swait.ge [sflag:s4], $0x800  }
0x1be: {  	[sflag:s4] =	ssyncset.done $0x0  }
0x1bf: {  	[sflag:s4] =	ssyncadd.s32 $0xFFFFF800  }
0x1c0: {  	_ =	swait.ge [sflag:s4], $0x800  }
0x1c1: {  	[sflag:s4] =	ssyncset.done $0x0  }
0x1c2: {  	[sflag:s4] =	ssyncadd.s32 $0xFFFFF800  }
0x1c3: {  	_ =	swait.ge [sflag:s4], $0x800  }
0x1c4: {  	[sflag:s4] =	ssyncset.done $0x0  }
0x1c5: {  	[sflag:s4] =	ssyncadd.s32 $0xFFFFF800  }
0x1c6: {  	_ =	swait.ge [sflag:s4], $0x800  }
0x1c7: {  	[sflag:s4] =	ssyncset.done $0x0  }
0x1c8: {  	[sflag:s4] =	ssyncadd.s32 $0xFFFFF800  }
0x1c9: {  	_ =	swait.ge [sflag:s4], $0x800  }
0x1ca: {  	[sflag:s4] =	ssyncset.done $0x0  }
0x1cb: {  	[sflag:s4] =	ssyncadd.s32 $0xFFFFF800  }
0x1cc: {  	_ =	swait.ge [sflag:s4], $0x800  }
.Ltmp10:
0x1cd: {  	[sflag:s4] =	ssyncset.done $0x0;
	(pc) =	sbr.rel @p0 .LBB2_21-.Ltmp10, $4  }
0x1ce: {  	[sflag:s4] =	ssyncadd.s32 $0xFFFFF800  }
0x1cf: {  	_ =	swait.ge [sflag:s17], $0x300  }
0x1d0: {  	[sflag:s17] =	ssyncset.done $0x0;
	s13 =	rddreg [dreg:$0x4]  }
0x1d1: {  	s31 =	rddreg [dreg:$0xd];
	[sflag:s17] =	ssyncadd.s32 $0xFFFFFD00  }
0x1d2: {  	s3 =	simm.s32 $0x0;
	s29 =	rddreg [dreg:$0x8]  }
0x1d3: {  	[tilespmem:s20], [sflag:$0x7] =	stream.linear.gather [hbm4b:s29+s3], $0x80, $0x38;
	[tilespmem:$0xF310] =	vst v63  }
0x1d4: {  	s31 =	simm.s32 $0x2A10;
	s12 =	sadd.s32 $0x9C40, s29  }
0x1d5: {  	[tilespmem:s31], [sflag:$0x7] =	stream.linear.gather [hbm4b:s12+s3], $0x80, $0x38;
	[tilespmem:$0xF310] =	vst v63  }
0x1d6: {  	s12 =	sadd.s32 $0x13880, s29;
	s31 =	simm.s32 $0x2D10  }
0x1d7: {  	[tilespmem:s31], [sflag:$0x7] =	stream.linear.gather [hbm4b:s12+s3], $0x80, $0x38;
	[tilespmem:$0xF310] =	vst v63  }
0x1d8: {  	s12 =	sadd.s32 $0x1D4C0, s29;
	s31 =	simm.s32 $0x3010  }
0x1d9: {  	[tilespmem:s31], [sflag:$0x7] =	stream.linear.gather [hbm4b:s12+s3], $0x80, $0x38;
	[tilespmem:$0xF310] =	vst v63  }
0x1da: {  	s12 =	sadd.s32 $0x27100, s29;
	s31 =	simm.s32 $0x3310  }
0x1db: {  	[tilespmem:s31], [sflag:$0x7] =	stream.linear.gather [hbm4b:s12+s3], $0x80, $0x38;
	[tilespmem:$0xF310] =	vst v63  }
0x1dc: {  	s12 =	sadd.s32 $0x30D40, s29;
	s31 =	simm.s32 $0x3610  }
0x1dd: {  	[tilespmem:s31], [sflag:$0x7] =	stream.linear.gather [hbm4b:s12+s3], $0x80, $0x38;
	[tilespmem:$0xF310] =	vst v63  }
0x1de: {  	s12 =	sadd.s32 $0x3A980, s29;
	s31 =	simm.s32 $0x3910  }
0x1df: {  	[tilespmem:s31], [sflag:$0x7] =	stream.linear.gather [hbm4b:s12+s3], $0x80, $0x38;
	[tilespmem:$0xF310] =	vst v63  }
0x1e0: {  	s12 =	sadd.s32 $0x445C0, s29;
	s31 =	simm.s32 $0x3C10  }
0x1e1: {  	[tilespmem:s31], [sflag:$0x7] =	stream.linear.gather [hbm4b:s12+s3], $0x80, $0x38;
	[tilespmem:$0xF310] =	vst v63  }
0x1e2: {  	s12 =	sadd.s32 $0x4E200, s29;
	s31 =	simm.s32 $0x3F10  }
0x1e3: {  	[tilespmem:s31], [sflag:$0x7] =	stream.linear.gather [hbm4b:s12+s3], $0x80, $0x38;
	[tilespmem:$0xF310] =	vst v63  }
0x1e4: {  	s12 =	sadd.s32 $0x57E40, s29;
	s31 =	simm.s32 $0x4210  }
0x1e5: {  	[tilespmem:s31], [sflag:$0x7] =	stream.linear.gather [hbm4b:s12+s3], $0x80, $0x38;
	[tilespmem:$0xF310] =	vst v63  }
0x1e6: {  	s12 =	sadd.s32 $0x61A80, s29;
	s31 =	simm.s32 $0x4510  }
0x1e7: {  	[tilespmem:s31], [sflag:$0x7] =	stream.linear.gather [hbm4b:s12+s3], $0x80, $0x38;
	[tilespmem:$0xF310] =	vst v63  }
0x1e8: {  	s12 =	sadd.s32 $0x6B6C0, s29;
	s31 =	simm.s32 $0x4810  }
0x1e9: {  	[tilespmem:s31], [sflag:$0x7] =	stream.linear.gather [hbm4b:s12+s3], $0x80, $0x38;
	[tilespmem:$0xF310] =	vst v63  }
0x1ea: {  	s12 =	sadd.s32 $0x75300, s29;
	s31 =	simm.s32 $0x4B10  }
0x1eb: {  	[tilespmem:s31], [sflag:$0x7] =	stream.linear.gather [hbm4b:s12+s3], $0x80, $0x38;
	[tilespmem:$0xF310] =	vst v63  }
0x1ec: {  	s12 =	sadd.s32 $0x7EF40, s29;
	s31 =	simm.s32 $0x4E10  }
0x1ed: {  	[tilespmem:s31], [sflag:$0x7] =	stream.linear.gather [hbm4b:s12+s3], $0x80, $0x38;
	[tilespmem:$0xF310] =	vst v63  }
0x1ee: {  	s12 =	sadd.s32 $0x88B80, s29;
	s31 =	simm.s32 $0x5110  }
0x1ef: {  	[tilespmem:s31], [sflag:$0x7] =	stream.linear.gather [hbm4b:s12+s3], $0x80, $0x38;
	[tilespmem:$0xF310] =	vst v63  }
0x1f0: {  	v0 =	vor.u32 s3, v12;
	s12 =	sadd.s32 $0x927C0, s29;
	s31 =	simm.s32 $0x5410  }
0x1f1: {  	v34 =	vor.u32 s3, v14;
	v29 =	vor.u32 s3, v2;
	v35 =	vor.u32 s3, v15;
	[tilespmem:s31], [sflag:$0x7] =	stream.linear.gather [hbm4b:s12+s3], $0x80, $0x38;
	[tilespmem:$0xF310] =	vst v63  }
0x1f2: {  	v30 =	vor.u32 s3, v3;
	v31 =	vor.u32 s3, v1;
	v33 =	vor.u32 s3, v5;
	_ =	swait.ge [sflag:s30], $0x800  }
0x1f3: {  	v36 =	vor.u32 s3, v6;
	v43 =	vor.u32 s3, v11;
	v25 =	vand.u32 $0x78, v29;
	[sflag:s30] =	ssyncset.done $0x0  }
0x1f4: {  	v38 =	vor.u32 s3, v10;
	v26 =	vand.u32 $0x78, v30;
	v25 =	vor.u32 v18, v25;
	s31 =	rddreg [dreg:$0x9];
	[sflag:s30] =	ssyncadd.s32 $0xFFFFF800  }
0x1f5: {  	v39 =	vor.u32 s3, v4;
	v27 =	vand.u32 $0x78, v31;
	v26 =	vor.u32 v19, v26;
	[tilespmem:s23], [sflag:$0x7] =	stream.linear.gather [hbm4b:s31+s3], $0x80, $0x38;
	[tilespmem:$0xF310] =	vst v63  }
0x1f6: {  	v40 =	vor.u32 s3, v7;
	v28 =	vand.u32 $0x78, v33;
	v27 =	vor.u32 v17, v27;
	_ =	swait.ge [sflag:s30], $0x80  }
0x1f7: {  	v50 =	vor.u32 s3, v8;
	v42 =	vand.u32 $0x78, v39;
	v28 =	vor.u32 v21, v28;
	[sflag:s30] =	ssyncset.done $0x0  }
0x1f8: {  	v46 =	vor.u32 s3, v13;
	v55 =	vand.u32 $0x78, v50;
	v42 =	vor.u32 v20, v42;
	[sflag:s30] =	ssyncadd.s32 $0xFFFFFF80  }
0x1f9: {  	v48 =	vor.u32 s3, v9;
	v37 =	vand.u32 $0x78, v43;
	v55 =	vor.u32 v23, v55;
	v41 =	vld.idx.msk [tilespmem:v25+s20+$0x0], $0xffff  }
0x1fa: {  	v52 =	vor.u32 s3, v16;
	v32 =	vand.u32 $0x78, v34;
	v37 =	vor.u32 v19, v37;
	v45 =	vld.idx.msk [tilespmem:v26+s20+$0x0], $0xffff  }
0x1fb: {  	v63 =	vand.u32 $0x78, v46;
	v32 =	vor.u32 v22, v32;
	v25 =	vand.u32 $0x78, v38;
	v47 =	vld.idx.msk [tilespmem:v27+s20+$0x0], $0xffff  }
0x1fc: {  	v60 =	vand.u32 $0x78, v52;
	v28 =	vld.idx.msk [tilespmem:v28+s20+$0x0], $0xffff;
	v26 =	vand.u32 $0x78, v48;
	v44 =	vor.u32 v18, v25  }
0x1fd: {  	v61 =	vand.u32 $0x78, v36;
	v57 =	vld.idx.msk [tilespmem:v42+s20+$0x0], $0xffff;
	v25 =	vand.u32 $0x78, v40;
	v53 =	vor.u32 v24, v26  }
0x1fe: {  	v31 =	vshll.u32 v31, $0x4;
	v42 =	vld.idx.msk [tilespmem:v55+s20+$0x0], $0xffff;
	v49 =	vor.u32 v17, v25;
	v25 =	vand.u32 $0x78, v0  }
0x1ff: {  	v62 =	vshll.u32 v29, $0x4;
	v27 =	vand.u32 $0x78, v35;
	v26 =	vld.idx.msk [tilespmem:v37+s20+$0x0], $0xffff;
	v51 =	vor.u32 v20, v25  }
0x200: {  	v33 =	vshll.u32 v33, $0x4;
	v36 =	vshll.u32 v36, $0x4;
	v54 =	vor.u32 v23, v27;
	v25 =	vld.idx.msk [tilespmem:v32+s20+$0x0], $0xffff  }
0x201: {  	v59 =	vshll.u32 v39, $0x4;
	v50 =	vshll.u32 v50, $0x4;
	v58 =	vor.u32 v21, v63;
	v27 =	vld.idx.msk [tilespmem:v44+s20+$0x0], $0xffff  }
0x202: {  	v52 =	vshll.u32 v52, $0x4;
	v56 =	vor.u32 v24, v60;
	v63 =	vshll.u32 v30, $0x4;
	v37 =	vld.idx.msk [tilespmem:v53+s20+$0x0], $0xffff  }
0x203: {  	v39 =	vor.u32 v1, v33;
	v44 =	vor.u32 v22, v61;
	v32 =	vld.idx.msk [tilespmem:v49+s20+$0x0], $0xffff;
	v49 =	vor.u32 v1, v31  }
0x204: {  	v60 =	vor.u32 v1, v59;
	v38 =	vshll.u32 v38, $0x4;
	v29 =	vld.idx.msk [tilespmem:v51+s20+$0x0], $0xffff;
	v51 =	vor.u32 v1, v62  }
0x205: {  	v35 =	vshll.u32 v35, $0x4;
	v33 =	vor.u32 v1, v38;
	v30 =	vld.idx.msk [tilespmem:v54+s20+$0x0], $0xffff;
	v53 =	vor.u32 v1, v63  }
0x206: {  	v0 =	vshll.u32 v0, $0x4;
	v54 =	vshll.u32 v40, $0x4;
	v40 =	vor.u32 v1, v36;
	v36 =	vld.idx.msk [tilespmem:v58+s20+$0x0], $0xffff  }
0x207: {  	v61 =	vshll.u32 v34, $0x4;
	v34 =	vor.u32 v1, v35;
	v35 =	vor.u32 v1, v52;
	v31 =	vld.idx.msk [tilespmem:v56+s20+$0x0], $0xffff  }
0x208: {  	v48 =	vshll.u32 v48, $0x4;
	v63 =	vshll.u32 v43, $0x4;
	v43 =	vor.u32 v1, v0;
	v44 =	vld.idx.msk [tilespmem:v44+s20+$0x0], $0xffff;
	[tilespmem:v49+s16+$0x0] =	vst.idx.msk $0xffff, v47  }
0x209: {  	v38 =	vor.u32 v1, v61;
	v62 =	vshll.u32 v46, $0x4;
	v46 =	vor.u32 v1, v50;
	[tilespmem:v51+s16+$0x0] =	vst.idx.msk $0xffff, v41  }
0x20a: {  	v47 =	vor.u32 v1, v48;
	v48 =	vor.u32 v1, v54;
	[tilespmem:v53+s16+$0x0] =	vst.idx.msk $0xffff, v45  }
0x20b: {  	s3 =	simm.s32 $0x10;
	v41 =	vor.u32 v1, v62;
	v45 =	vor.u32 v1, v63;
	[tilespmem:v60+s16+$0x0] =	vst.idx.msk $0xffff, v57  }
.LBB2_19:
0x20c: {  	v0 =	vor.u32 s3, v12;
	v49 =	vor.u32 s3, v14;
	v50 =	vor.u32 s3, v15;
	p1 =	sne.s32 s3, $0x70;
	[tilespmem:v39+s16+$0x0] =	vst.idx.msk $0xffff, v28;
	s12 =	smov.u32 s3;
	s3 =	sadd.s32 $0x10, s3  }
0x20d: {  	v39 =	vor.u32 s12, v3;
	v51 =	vor.u32 s12, v6;
	v52 =	vor.u32 s12, v13;
	[tilespmem:v40+s16+$0x0] =	vst.idx.msk $0xffff, v44  }
0x20e: {  	v40 =	vor.u32 s12, v8;
	v44 =	vor.u32 s12, v7;
	v53 =	vor.u32 s12, v16;
	[tilespmem:v46+s16+$0x0] =	vst.idx.msk $0xffff, v42  }
0x20f: {  	v28 =	vor.u32 s12, v5;
	v42 =	vor.u32 s12, v10;
	v46 =	vor.u32 s12, v11;
	[tilespmem:v47+s16+$0x0] =	vst.idx.msk $0xffff, v37  }
0x210: {  	v54 =	vand.u32 $0x78, v52;
	v37 =	vor.u32 s12, v1;
	v47 =	vor.u32 s12, v9;
	[tilespmem:v48+s16+$0x0] =	vst.idx.msk $0xffff, v32  }
0x211: {  	v55 =	vand.u32 $0x78, v53;
	v32 =	vor.u32 s12, v2;
	v48 =	vand.u32 $0x78, v37;
	[tilespmem:v33+s16+$0x0] =	vst.idx.msk $0xffff, v27  }
0x212: {  	v27 =	vor.u32 v17, v48;
	v33 =	vand.u32 $0x78, v32;
	v48 =	vand.u32 $0x78, v49;
	[tilespmem:v45+s16+$0x0] =	vst.idx.msk $0xffff, v26  }
0x213: {  	v26 =	vor.u32 v18, v33;
	v33 =	vand.u32 $0x78, v39;
	v45 =	vand.u32 $0x78, v50;
	[tilespmem:v43+s16+$0x0] =	vst.idx.msk $0xffff, v29  }
0x214: {  	v29 =	vor.u32 s12, v4;
	v33 =	vor.u32 v19, v33;
	v43 =	vor.u32 v22, v48;
	[tilespmem:v41+s16+$0x0] =	vst.idx.msk $0xffff, v36  }
0x215: {  	v48 =	vand.u32 $0x78, v46;
	v36 =	vand.u32 $0x78, v29;
	v41 =	vand.u32 $0x78, v28;
	[tilespmem:v38+s16+$0x0] =	vst.idx.msk $0xffff, v25  }
0x216: {  	v25 =	vor.u32 v21, v41;
	v38 =	vand.u32 $0x78, v44;
	v41 =	vor.u32 v19, v48;
	[tilespmem:v34+s16+$0x0] =	vst.idx.msk $0xffff, v30  }
0x217: {  	v30 =	vand.u32 $0x78, v51;
	v34 =	vor.u32 v17, v38;
	v38 =	vand.u32 $0x78, v0;
	[tilespmem:v35+s16+$0x0] =	vst.idx.msk $0xffff, v31  }
0x218: {  	v31 =	vand.u32 $0x78, v47;
	v35 =	vand.u32 $0x78, v42;
	v48 =	vld.idx.msk [tilespmem:v26+s20+$0x0], $0xffff;
	v26 =	vand.u32 $0x78, v40  }
0x219: {  	v32 =	vshll.u32 v32, $0x4;
	v56 =	vld.idx.msk [tilespmem:v33+s20+$0x0], $0xffff;
	v33 =	vor.u32 v18, v35;
	v35 =	vshll.u32 v37, $0x4  }
0x21a: {  	v36 =	vor.u32 v20, v36;
	v37 =	vshll.u32 v28, $0x4;
	v57 =	vld.idx.msk [tilespmem:v27+s20+$0x0], $0xffff;
	v35 =	vor.u32 v1, v35  }
0x21b: {  	v58 =	vor.u32 v1, v32;
	v51 =	vshll.u32 v51, $0x4;
	v38 =	vor.u32 v20, v38;
	v28 =	vld.idx.msk [tilespmem:v25+s20+$0x0], $0xffff  }
0x21c: {  	v54 =	vor.u32 v21, v54;
	v59 =	vor.u32 v22, v30;
	v30 =	vor.u32 v23, v45;
	v25 =	vld.idx.msk [tilespmem:v43+s20+$0x0], $0xffff  }
0x21d: {  	v31 =	vor.u32 v24, v31;
	v43 =	vor.u32 v23, v26;
	v26 =	vld.idx.msk [tilespmem:v41+s20+$0x0], $0xffff;
	v41 =	vor.u32 v24, v55  }
0x21e: {  	v45 =	vshll.u32 v39, $0x4;
	v47 =	vshll.u32 v47, $0x4;
	v55 =	vshll.u32 v29, $0x4;
	v27 =	vld.idx.msk [tilespmem:v33+s20+$0x0], $0xffff  }
0x21f: {  	v61 =	vshll.u32 v40, $0x4;
	v62 =	vshll.u32 v44, $0x4;
	v29 =	vshll.u32 v42, $0x4;
	v60 =	vld.idx.msk [tilespmem:v36+s20+$0x0], $0xffff  }
0x220: {  	v63 =	vshll.u32 v46, $0x4;
	v39 =	vor.u32 v1, v37;
	v33 =	vor.u32 v1, v29;
	v32 =	vld.idx.msk [tilespmem:v34+s20+$0x0], $0xffff  }
0x221: {  	v0 =	vshll.u32 v0, $0x4;
	v40 =	vor.u32 v1, v51;
	v51 =	vshll.u32 v52, $0x4;
	v29 =	vld.idx.msk [tilespmem:v38+s20+$0x0], $0xffff  }
0x222: {  	v46 =	vshll.u32 v53, $0x4;
	v34 =	vshll.u32 v50, $0x4;
	v38 =	vshll.u32 v49, $0x4;
	v37 =	vld.idx.msk [tilespmem:v31+s20+$0x0], $0xffff  }
0x223: {  	v30 =	vld.idx.msk [tilespmem:v30+s20+$0x0], $0xffff  }
0x224: {  	v31 =	vld.idx.msk [tilespmem:v41+s20+$0x0], $0xffff  }
0x225: {  	v42 =	vld.idx.msk [tilespmem:v43+s20+$0x0], $0xffff;
	v43 =	vor.u32 v1, v45  }
0x226: {  	v45 =	vor.u32 v1, v55;
	v36 =	vld.idx.msk [tilespmem:v54+s20+$0x0], $0xffff  }
.Ltmp11:
0x227: {  	v34 =	vor.u32 v1, v34;
	v44 =	vld.idx.msk [tilespmem:v59+s20+$0x0], $0xffff;
	(pc) =	sbr.rel @p1 .LBB2_19-.Ltmp11, $4  }
0x228: {  	v38 =	vor.u32 v1, v38;
	[tilespmem:v35+s16+$0x0] =	vst.idx.msk $0xffff, v57;
	v35 =	vor.u32 v1, v46  }
0x229: {  	v41 =	vor.u32 v1, v51;
	v46 =	vor.u32 v1, v61;
	[tilespmem:v58+s16+$0x0] =	vst.idx.msk $0xffff, v48  }
0x22a: {  	v47 =	vor.u32 v1, v47;
	[tilespmem:v43+s16+$0x0] =	vst.idx.msk $0xffff, v56;
	v43 =	vor.u32 v1, v0  }
0x22b: {  	v48 =	vor.u32 v1, v62;
	[tilespmem:v45+s16+$0x0] =	vst.idx.msk $0xffff, v60;
	v45 =	vor.u32 v1, v63  }
0x22c: {  	_ =	sdelay $0x3  }
0x22d: {  	[tilespmem:v39+s16+$0x0] =	vst.idx.msk $0xffff, v28  }
0x22e: {  	[tilespmem:v40+s16+$0x0] =	vst.idx.msk $0xffff, v44  }
0x22f: {  	[tilespmem:v46+s16+$0x0] =	vst.idx.msk $0xffff, v42  }
0x230: {  	[tilespmem:v47+s16+$0x0] =	vst.idx.msk $0xffff, v37  }
0x231: {  	[tilespmem:v48+s16+$0x0] =	vst.idx.msk $0xffff, v32  }
0x232: {  	[tilespmem:v33+s16+$0x0] =	vst.idx.msk $0xffff, v27  }
0x233: {  	[tilespmem:v45+s16+$0x0] =	vst.idx.msk $0xffff, v26  }
0x234: {  	[tilespmem:v43+s16+$0x0] =	vst.idx.msk $0xffff, v29  }
0x235: {  	[tilespmem:v41+s16+$0x0] =	vst.idx.msk $0xffff, v36  }
0x236: {  	[tilespmem:v38+s16+$0x0] =	vst.idx.msk $0xffff, v25  }
0x237: {  	[tilespmem:v34+s16+$0x0] =	vst.idx.msk $0xffff, v30  }
0x238: {  	[tilespmem:v35+s16+$0x0] =	vst.idx.msk $0xffff, v31  }
0x239: {  	v0 =	vld [tilespmem:$0x5410]  }
0x23a: {  	v25 =	vld [tilespmem:$0x5420]  }
0x23b: {  	v26 =	vld [tilespmem:$0x5430]  }
0x23c: {  	v27 =	vld [tilespmem:$0x5440]  }
0x23d: {  	v28 =	vld [tilespmem:$0x5450]  }
0x23e: {  	[tilespmem:$0xED10] =	vst v0;
	v0 =	vld [tilespmem:$0x5460]  }
0x23f: {  	[tilespmem:$0xED20] =	vst v25;
	v25 =	vld [tilespmem:$0x5470]  }
0x240: {  	[tilespmem:$0xED30] =	vst v26;
	v26 =	vld [tilespmem:$0x5480]  }
0x241: {  	[tilespmem:$0xED40] =	vst v27  }
0x242: {  	[tilespmem:$0xED50] =	vst v28  }
0x243: {  	[tilespmem:$0xED60] =	vst v0  }
0x244: {  	[tilespmem:$0xED70] =	vst v25  }
0x245: {  	[tilespmem:$0xED80] =	vst v26  }
0x246: {  	[spmem:s1] =	stream.indirect.scatter.add.f32 [tilespmem:s16], [sflag:$0x7], $0x10, s23, s21, $0xb8;
	[tilespmem:$0xF310] =	vst v63  }
0x247: {  	_ =	swait.ge [sflag:s30], $0x800  }
0x248: {  	s3 =	simm.s32 $0x0;
	[sflag:s30] =	ssyncset.done $0x0  }
.Ltmp12:
0x249: {  	s12 =	rddreg [dreg:$0xa];
	[sflag:s30] =	ssyncadd.s32 $0xFFFFF800;
	(pc) =	sbr.rel .LBB2_21-.Ltmp12, $4  }
0x24a: {  	[hbm4b:s12+s3] =	stream.linear.scatter [tilespmem:s15], [sflag:$0x7], $0x80, $0x38;
	[tilespmem:$0xF310] =	vst v63  }
0x24b: {  	_ =	swait.ge [sflag:s30], $0x80  }
0x24c: {  	[sflag:s30] =	ssyncset.done $0x0  }
0x24d: {  	s31 =	rddreg [dreg:$0xd];
	[sflag:s30] =	ssyncadd.s32 $0xFFFFFF80  }
.LBB2_22:
0x24e: {  	_ =	sfence.sel $0x180000  }
0x24f: {  	[bflag:$0x0] =	sbarrier.arrive $0xFFFF  }
0x250: {  	_ =	strace $0x90000047  }
0x251: {  	s0 =	stileid.u32;
	[bflag:$0x2] =	sbarrier.arrive $0xFFFF  }
0x252: {  	p0 =	sne.s32 s0, $0x0;
	s0 =	rddreg [dreg:$0x3]  }
0x253: {  	s0 =	sadd.s32 @!p0 $0x100000, s0  }
0x254: {  	[sflag:s0] =	ssyncadd.tile.s32 @!p0 $0x1;
	_ =	shalt  }
.Lfunc_end2:
_tile_overlayer_lowered:
.L_overlay_start_2:
0x255: {  	(tag) =	ssettag $0x2  }
0x256: {  	s0 =	rddreg [dreg:$0x0];
	s2 =	stileid.u32  }
0x257: {  	s1 =	rddreg [dreg:$0x1];
	p0 =	sne.s32 s2, $0x0  }
0x258: {  	s3 =	rddreg [dreg:$0x2];
	[bflag:$0x3] =	sbarrier.arrive $0xFFFF;
	s2 =	simm.s32 @!p0 $0x1C07  }
0x259: {  	[timem:s3], [sflag:s2] =	dma.local @!p0 [hbm:s0], s1  }
0x25a: {  	s0 =	simm.s32 @!p0 $0x7  }
0x25b: {  	_ =	swait.ge @!p0 [sflag:s0], s1  }
0x25c: {  	s1 =	ssub.s32 @!p0 $0x0, s1;
	[sflag:s0] =	ssyncset.done @!p0 $0x0  }
0x25d: {  	[sflag:s0] =	ssyncadd.s32 @!p0 s1  }
0x25e: {  	[bflag:$0x3] =	sbarrier.arrive $0xFFFF  }
0x25f: {  	_ =	shalt  }

</sc_bundles>
